<compile_context>
chip_gen: v7x
topology: tpu7x:2x2x1
jax: 0.10.2.dev20260603
libtpu: 0.0.44.dev20260713+nightly
codegen_flags: <defaults>
</compile_context>

<pallas_src>
import functools

import jax
import jax.numpy as jnp
from jax import lax
from jax.experimental import pallas as pl
from jax.experimental.pallas import tpu as pltpu
from jax.experimental.pallas import tpu_sc as plsc

_N, _C, _D, _H, _W = 2, 4, 64, 128, 128
_V = _D * _H * _W
_LANES = 128
_ROWS = _V // _LANES
_EPS = 0.0001

_TC_ROWS = 7168
_BR = 4096

_NC, _NS = 2, 16
_NW = _NC * _NS
_CH = 4096


def _accumulate(x, t, acc_ref, which, n):
    cidx = jax.lax.broadcasted_iota(jnp.int32, (_C, 1, 1), 0)
    mask = t[None] == cidx
    totals = jnp.sum(x, axis=1)
    sel = jnp.sum(jnp.where(mask, x, 0.0), axis=1)
    cnt = jnp.sum(mask.astype(jnp.float32), axis=1)
    acc_ref[0, which, n] += totals
    acc_ref[1, which, n] += sel
    acc_ref[2, which, n] += cnt


def _sums_body(x1_ref, t1_ref, x2_ref, t2_ref, out_ref, acc_ref):
    ti = pl.program_id(0)
    n = pl.program_id(1)
    g = pl.program_id(2)
    ng = pl.num_programs(2)

    @pl.when((ti == 0) & (n == 0) & (g == 0))
    def _():
        acc_ref[...] = jnp.zeros_like(acc_ref)

    @pl.when(ti == 0)
    def _():
        _accumulate(x1_ref[0], t1_ref[0], acc_ref, 0, n)

    @pl.when(ti == 1)
    def _():
        _accumulate(x2_ref[0], t2_ref[0], acc_ref, 1, n)

    @pl.when((ti == 1) & (n == _N - 1) & (g == ng - 1))
    def _():
        out_ref[...] = jnp.sum(acc_ref[...], axis=-1)


_BRS = 1024
_K = 4


def _tc_dice_sums_stream(x1, t1, x2, t2, rows):
    ngc = rows // _BRS
    assert rows % _BRS == 0
    ns = 2 * _N * ngc

    def _body(x1_ref, t1_ref, x2_ref, t2_ref, out_ref, rx, rt, acc, sems):
        s = pl.program_id(0)

        def decomp(step):
            p = step // (_N * ngc)
            rem = lax.rem(step, _N * ngc)
            return p, rem // ngc, lax.rem(rem, ngc)

        def issue(step):
            p, n, g = decomp(step)
            slot = lax.rem(step, _K)

            @pl.when(p == 0)
            def _():
                pltpu.make_async_copy(
                    x1_ref.at[n, :, pl.ds(g * _BRS, _BRS), :],
                    rx.at[slot], sems.at[slot, 0]).start()
                pltpu.make_async_copy(
                    t1_ref.at[n, pl.ds(g * _BRS, _BRS), :],
                    rt.at[slot], sems.at[slot, 1]).start()

            @pl.when(p == 1)
            def _():
                pltpu.make_async_copy(
                    x2_ref.at[n, :, pl.ds(g * _BRS, _BRS), :],
                    rx.at[slot], sems.at[slot, 0]).start()
                pltpu.make_async_copy(
                    t2_ref.at[n, pl.ds(g * _BRS, _BRS), :],
                    rt.at[slot], sems.at[slot, 1]).start()

        @pl.when(s == 0)
        def _():
            acc[...] = jnp.zeros_like(acc)
            for k in range(_K - 1):
                issue(jnp.int32(k))

        @pl.when(s + _K - 1 < ns)
        def _():
            issue(s + _K - 1)

        slot = lax.rem(s, _K)
        pltpu.make_async_copy(
            x1_ref.at[0, :, pl.ds(0, _BRS), :], rx.at[slot],
            sems.at[slot, 0]).wait()
        pltpu.make_async_copy(
            t1_ref.at[0, pl.ds(0, _BRS), :], rt.at[slot],
            sems.at[slot, 1]).wait()

        p, n, g = decomp(s)
        x = rx[slot]
        t = rt[slot]
        cidx = jax.lax.broadcasted_iota(jnp.int32, (_C, 1, 1), 0)
        mask = t[None] == cidx
        acc[0, p, n] += jnp.sum(x, axis=1)
        acc[1, p, n] += jnp.sum(jnp.where(mask, x, 0.0), axis=1)
        acc[2, p, n] += jnp.sum(mask.astype(jnp.float32), axis=1)

        @pl.when(s == ns - 1)
        def _():
            out_ref[...] = jnp.sum(acc[...], axis=-1)

    return pl.pallas_call(
        _body,
        grid=(ns,),
        in_specs=[pl.BlockSpec(memory_space=pl.ANY)] * 4,
        out_specs=pl.BlockSpec((3, 2, _N, _C), lambda s: (0, 0, 0, 0)),
        out_shape=jax.ShapeDtypeStruct((3, 2, _N, _C), jnp.float32),
        scratch_shapes=[
            pltpu.VMEM((_K, _C, _BRS, _LANES), jnp.float32),
            pltpu.VMEM((_K, _BRS, _LANES), jnp.int32),
            pltpu.VMEM((3, 2, _N, _C, _LANES), jnp.float32),
            pltpu.SemaphoreType.DMA((_K, 2)),
        ],
    )(x1, t1, x2, t2)


def _tc_dice_sums(x1, t1, x2, t2, rows):
    br = next(b for b in range(min(_BR, rows), 7, -8) if rows % b == 0)
    ng = rows // br
    last = (_N - 1, 0, ng - 1, 0)

    def x_spec(which):
        def idx(ti, n, g):
            on = ti == which
            pin = last if which == 0 else (0, 0, 0, 0)
            return (jnp.where(on, n, pin[0]), 0, jnp.where(on, g, pin[2]), 0)
        return pl.BlockSpec((1, _C, br, _LANES), idx)

    def t_spec(which):
        def idx(ti, n, g):
            on = ti == which
            pin = last if which == 0 else (0, 0, 0, 0)
            return (jnp.where(on, n, pin[0]), jnp.where(on, g, pin[2]), 0)
        return pl.BlockSpec((1, br, _LANES), idx)

    sums = pl.pallas_call(
        _sums_body,
        grid=(2, _N, ng),
        in_specs=[x_spec(0), t_spec(0), x_spec(1), t_spec(1)],
        out_specs=pl.BlockSpec(
            (3, 2, _N, _C), lambda ti, n, g: (0, 0, 0, 0)),
        out_shape=jax.ShapeDtypeStruct((3, 2, _N, _C), jnp.float32),
        scratch_shapes=[pltpu.VMEM((3, 2, _N, _C, _LANES), jnp.float32)],
    )(x1, t1, x2, t2)
    return sums


def _sc_dice_sums(x1, t1, x2, t2, row_start):
    rows_sc = _ROWS - row_start
    rpw = rows_sc // _NW
    assert rows_sc % _NW == 0
    rr = next(r for r in range(min(128, rpw), 0, -1) if rpw % r == 0)
    nch = rpw // rr

    mesh = plsc.VectorSubcoreMesh(core_axis_name="c", subcore_axis_name="s")

    @functools.partial(
        pl.kernel,
        out_type=jax.ShapeDtypeStruct((_NW, 768), jnp.float32),
        mesh=mesh,
        scratch_types=[
            pltpu.VMEM((rr, _LANES), jnp.int32),
            pltpu.VMEM((rr, _LANES), jnp.float32),
            pltpu.VMEM((rr, _LANES), jnp.float32),
            pltpu.VMEM((rr, _LANES), jnp.float32),
            pltpu.VMEM((rr, _LANES), jnp.float32),
            pltpu.VMEM((768,), jnp.float32),
            pltpu.SemaphoreType.DMA,
        ],
    )
    def sck(x1_hbm, t1_hbm, x2_hbm, t2_hbm, out_hbm,
            gt_v, xb0, xb1, xb2, xb3, res_v, sem):
        wid = lax.axis_index("s") * _NC + lax.axis_index("c")
        xbufs = (xb0, xb1, xb2, xb3)
        for t_i, (xh, th) in enumerate(((x1_hbm, t1_hbm), (x2_hbm, t2_hbm))):
            for n in range(_N):
                accs = tuple(jnp.zeros((16,), jnp.float32) for _ in range(12))
                for k in range(nch):
                    r0 = row_start + wid * rpw + k * rr
                    cps = [
                        pltpu.async_copy(
                            xh.at[n, c, pl.ds(r0, rr), :], xbufs[c], sem)
                        for c in range(_C)
                    ]
                    cpg = pltpu.async_copy(
                        th.at[n, pl.ds(r0, rr), :], gt_v, sem)
                    for cp in cps:
                        cp.wait()
                    cpg.wait()

                    def body(r, a):
                        new = list(a)
                        for w0 in range(0, _LANES, 16):
                            g = gt_v[r, pl.ds(w0, 16)]
                            for c in range(_C):
                                x = xbufs[c][r, pl.ds(w0, 16)]
                                m = g == c
                                new[c] = new[c] + x
                                new[4 + c] = new[4 + c] + jnp.where(m, x, 0.0)
                                new[8 + c] = (
                                    new[8 + c] + jnp.where(m, 1.0, 0.0))
                        return tuple(new)

                    accs = plsc.parallel_loop(0, rr, 1, carry=accs)(body)
                base = (t_i * _N + n) * 12
                for j in range(12):
                    res_v[pl.ds((base + j) * 16, 16)] = accs[j]
        pltpu.sync_copy(res_v, out_hbm.at[wid])

    rows = sck(x1, t1, x2, t2)
    packed = rows.reshape(_NW, 48, 16).sum((0, 2)).reshape(2, _N, 3, _C)
    return packed.transpose(0, 2, 1, 3)


def _dice_loss(sums, weights):
    total, sel, cnt = sums[0], sums[1], sums[2]
    numerator = 2.0 * sel
    denominator = total + cnt + _EPS
    loss_per_channel = weights * (1.0 - numerator / denominator)
    return loss_per_channel.sum() / _N


def kernel(output, gt, shape_output, shape_gt, class_weights):
    out_f = output.reshape(_N, _C, _ROWS, _LANES)
    sout_f = shape_output.reshape(_N, _C, _ROWS, _LANES)
    gt_f = gt.reshape(_N, _ROWS, _LANES).astype(jnp.int32)
    sgt_f = shape_gt.reshape(_N, _ROWS, _LANES).astype(jnp.int32)

    sums_a = jnp.zeros((3, _N, _C), jnp.float32)
    sums_b = jnp.zeros((3, _N, _C), jnp.float32)
    if _TC_ROWS < _ROWS:
        sc = _sc_dice_sums(out_f, gt_f, sout_f, sgt_f, _TC_ROWS)
        sums_a = sums_a + sc[0]
        sums_b = sums_b + sc[1]
    if _TC_ROWS > 0:
        tc = _tc_dice_sums_stream(out_f, gt_f, sout_f, sgt_f, _TC_ROWS)
        sums_a = sums_a + tc[:, 0]
        sums_b = sums_b + tc[:, 1]

    loss_a = _dice_loss(sums_a, class_weights)
    loss_b = _dice_loss(sums_b, class_weights)
    return (loss_a, loss_b)

# --- scband reference (transcript-rebuilt; emitter-appended) ---
"""Pipeline reference for scband-loss-52845277610261 (READ-ONLY COPY).

The authoritative reference and input builder live on the scoring server;
editing this copy changes nothing except your own understanding.
"""

import jax, jax.numpy as jnp
import numpy as np


def setup_inputs(seed: int = 0) -> dict:
    key = jax.random.key(seed)
    k1, k2, k3, k4, k5 = jax.random.split(key, 5)
    N, C, D, H, W = 2, 4, 64, 128, 128
    output = jax.random.normal(k1, (N, C, D, H, W), dtype=jnp.float32)
    gt = jax.random.randint(k2, (N, D, H, W), 0, C, dtype=jnp.int64)
    shape_output = jax.random.normal(k3, (N, C, D, H, W), dtype=jnp.float32)
    shape_gt = jax.random.randint(k4, (N, D, H, W), 0, C, dtype=jnp.int64)
    class_weights = jax.random.uniform(k5, (C,), dtype=jnp.float32)
    return {"output": output, "gt": gt, "shape_output": shape_output, "shape_gt": shape_gt, "class_weights": class_weights}


def _soft_dice(target, out, weights):
    eps = 0.0001
    C = out.shape[1]
    # encoded_target = zeros_like(output).scatter_(1, target.unsqueeze(1), 1) -> one-hot along channel dim
    enc = jax.nn.one_hot(target, C, dtype=out.dtype)  # N, D, H, W, C
    enc = jnp.moveaxis(enc, -1, 1)  # N, C, D, H, W
    intersection = out * enc
    numerator = 2.0 * intersection.sum(axis=(2, 3, 4))  # N, C
    denominator = (out + enc).sum(axis=(2, 3, 4)) + eps  # N, C
    loss_per_channel = weights * (1.0 - numerator / denominator)  # N, C
    return loss_per_channel.sum() / loss_per_channel.shape[0]


def reference(output, gt, shape_output, shape_gt, class_weights):
    output_loss = _soft_dice(gt, output, class_weights)
    shape_loss = _soft_dice(shape_gt, shape_output, class_weights)
    return (output_loss, shape_loss)

if __name__ == "__main__":
    import jax
    _d = setup_inputs()
    print(jax.jit(kernel)(*tuple(_d.values())))

</pallas_src>

<mosaic_0001>
#map = affine_map<(d0, d1) -> (0, 0, 0, 0)>
#map1 = affine_map<(d0, d1) -> (0, 0, 0)>
#map2 = affine_map<(d0, d1) -> (0, 0)>
module attributes {stable_mosaic.version = 14 : i64} {
  func.func @sck(%arg0: i32, %arg1: i32, %arg2: memref<2x4x8192x128xf32, #tpu.memory_space<hbm>>, %arg3: memref<2x8192x128xi32, #tpu.memory_space<hbm>>, %arg4: memref<2x4x8192x128xf32, #tpu.memory_space<hbm>>, %arg5: memref<2x8192x128xi32, #tpu.memory_space<hbm>>, %arg6: memref<32x768xf32, #tpu.memory_space<hbm>>, %arg7: memref<32x128xi32, #tpu.memory_space<vmem>>, %arg8: memref<32x128xf32, #tpu.memory_space<vmem>>, %arg9: memref<32x128xf32, #tpu.memory_space<vmem>>, %arg10: memref<32x128xf32, #tpu.memory_space<vmem>>, %arg11: memref<32x128xf32, #tpu.memory_space<vmem>>, %arg12: memref<768xf32, #tpu.memory_space<vmem>>, %arg13: memref<!tpu.dma_semaphore, #tpu.memory_space<semaphore_mem>>) attributes {dimension_semantics = [#tpu.dimension_semantics<core_parallel>, #tpu.dimension_semantics<subcore_parallel>], iteration_bounds = array<i64: 2, 16>, scalar_prefetch = 0 : i64, scratch_operands = 7 : i64, tpu.core_type = #tpu.core_type<sc_vector_subcore>, window_params = [{transform_indices = #map}, {transform_indices = #map1}, {transform_indices = #map}, {transform_indices = #map1}, {transform_indices = #map2}]} {
    %mul3A = arith.constant 2 : i32
    %mul3A_0 = arith.muli %arg1, %mul3A : i32
    %add3A = arith.addi %mul3A_0, %arg0 : i32
    %broadcast_in_dim3A = arith.constant 0.000000e+00 : f32
    %broadcast_in_dim3A_1 = vector.broadcast %broadcast_in_dim3A : f32 to vector<16xf32>
    %broadcast_in_dim3A_2 = arith.constant 0.000000e+00 : f32
    %broadcast_in_dim3A_3 = vector.broadcast %broadcast_in_dim3A_2 : f32 to vector<16xf32>
    %broadcast_in_dim3A_4 = arith.constant 0.000000e+00 : f32
    %broadcast_in_dim3A_5 = vector.broadcast %broadcast_in_dim3A_4 : f32 to vector<16xf32>
    %broadcast_in_dim3A_6 = arith.constant 0.000000e+00 : f32
    %broadcast_in_dim3A_7 = vector.broadcast %broadcast_in_dim3A_6 : f32 to vector<16xf32>
    %broadcast_in_dim3A_8 = arith.constant 0.000000e+00 : f32
    %broadcast_in_dim3A_9 = vector.broadcast %broadcast_in_dim3A_8 : f32 to vector<16xf32>
    %broadcast_in_dim3A_10 = arith.constant 0.000000e+00 : f32
    %broadcast_in_dim3A_11 = vector.broadcast %broadcast_in_dim3A_10 : f32 to vector<16xf32>
    %broadcast_in_dim3A_12 = arith.constant 0.000000e+00 : f32
    %broadcast_in_dim3A_13 = vector.broadcast %broadcast_in_dim3A_12 : f32 to vector<16xf32>
    %broadcast_in_dim3A_14 = arith.constant 0.000000e+00 : f32
    %broadcast_in_dim3A_15 = vector.broadcast %broadcast_in_dim3A_14 : f32 to vector<16xf32>
    %broadcast_in_dim3A_16 = arith.constant 0.000000e+00 : f32
    %broadcast_in_dim3A_17 = vector.broadcast %broadcast_in_dim3A_16 : f32 to vector<16xf32>
    %broadcast_in_dim3A_18 = arith.constant 0.000000e+00 : f32
    %broadcast_in_dim3A_19 = vector.broadcast %broadcast_in_dim3A_18 : f32 to vector<16xf32>
    %broadcast_in_dim3A_20 = arith.constant 0.000000e+00 : f32
    %broadcast_in_dim3A_21 = vector.broadcast %broadcast_in_dim3A_20 : f32 to vector<16xf32>
    %broadcast_in_dim3A_22 = arith.constant 0.000000e+00 : f32
    %broadcast_in_dim3A_23 = vector.broadcast %broadcast_in_dim3A_22 : f32 to vector<16xf32>
    %mul3A_24 = arith.constant 32 : i32
    %mul3A_25 = arith.muli %add3A, %mul3A_24 : i32
    %add3A_26 = arith.constant 7168 : i32
    %add3A_27 = arith.addi %add3A_26, %mul3A_25 : i32
    %add3A_28 = arith.constant 0 : i32
    %add3A_29 = arith.addi %add3A_27, %add3A_28 : i32
    %dma_start3A = arith.constant 0 : i32
    %dma_start3A_30 = arith.constant 0 : i32
    %dma_start3A_31 = arith.constant 0 : i32
    %dma_start3A_32 = tpu.memref_slice %arg2[%dma_start3A, %dma_start3A_30, %add3A_29, %dma_start3A_31] : memref<2x4x8192x128xf32, #tpu.memory_space<hbm>> -> memref<1x1x32x128xf32, #tpu.memory_space<hbm>>
    %dma_start3A_33 = tpu.memref_squeeze %dma_start3A_32 : memref<1x1x32x128xf32, #tpu.memory_space<hbm>> -> memref<32x128xf32, #tpu.memory_space<hbm>>
    %dma_start3A_34 = arith.constant 0 : i32
    %dma_start3A_35 = tpu.memref_slice %arg2[%dma_start3A, %dma_start3A_30, %add3A_29, %dma_start3A_34] : memref<2x4x8192x128xf32, #tpu.memory_space<hbm>> -> memref<1x1x32x128xf32, #tpu.memory_space<hbm>>
    %dma_start3A_36 = tpu.memref_squeeze %dma_start3A_35 : memref<1x1x32x128xf32, #tpu.memory_space<hbm>> -> memref<32x128xf32, #tpu.memory_space<hbm>>
    tpu.enqueue_dma source(%dma_start3A_36 : memref<32x128xf32, #tpu.memory_space<hbm>>) target(%arg8 : memref<32x128xf32, #tpu.memory_space<vmem>>) target_semaphore(%arg13 : memref<!tpu.dma_semaphore, #tpu.memory_space<semaphore_mem>>)
    %dma_start3A_37 = arith.constant 0 : i32
    %dma_start3A_38 = arith.constant 1 : i32
    %dma_start3A_39 = arith.constant 0 : i32
    %dma_start3A_40 = tpu.memref_slice %arg2[%dma_start3A_37, %dma_start3A_38, %add3A_29, %dma_start3A_39] : memref<2x4x8192x128xf32, #tpu.memory_space<hbm>> -> memref<1x1x32x128xf32, #tpu.memory_space<hbm>>
    %dma_start3A_41 = tpu.memref_squeeze %dma_start3A_40 : memref<1x1x32x128xf32, #tpu.memory_space<hbm>> -> memref<32x128xf32, #tpu.memory_space<hbm>>
    %dma_start3A_42 = arith.constant 0 : i32
    %dma_start3A_43 = tpu.memref_slice %arg2[%dma_start3A_37, %dma_start3A_38, %add3A_29, %dma_start3A_42] : memref<2x4x8192x128xf32, #tpu.memory_space<hbm>> -> memref<1x1x32x128xf32, #tpu.memory_space<hbm>>
    %dma_start3A_44 = tpu.memref_squeeze %dma_start3A_43 : memref<1x1x32x128xf32, #tpu.memory_space<hbm>> -> memref<32x128xf32, #tpu.memory_space<hbm>>
    tpu.enqueue_dma source(%dma_start3A_44 : memref<32x128xf32, #tpu.memory_space<hbm>>) target(%arg9 : memref<32x128xf32, #tpu.memory_space<vmem>>) target_semaphore(%arg13 : memref<!tpu.dma_semaphore, #tpu.memory_space<semaphore_mem>>)
    %dma_start3A_45 = arith.constant 0 : i32
    %dma_start3A_46 = arith.constant 2 : i32
    %dma_start3A_47 = arith.constant 0 : i32
    %dma_start3A_48 = tpu.memref_slice %arg2[%dma_start3A_45, %dma_start3A_46, %add3A_29, %dma_start3A_47] : memref<2x4x8192x128xf32, #tpu.memory_space<hbm>> -> memref<1x1x32x128xf32, #tpu.memory_space<hbm>>
    %dma_start3A_49 = tpu.memref_squeeze %dma_start3A_48 : memref<1x1x32x128xf32, #tpu.memory_space<hbm>> -> memref<32x128xf32, #tpu.memory_space<hbm>>
    %dma_start3A_50 = arith.constant 0 : i32
    %dma_start3A_51 = tpu.memref_slice %arg2[%dma_start3A_45, %dma_start3A_46, %add3A_29, %dma_start3A_50] : memref<2x4x8192x128xf32, #tpu.memory_space<hbm>> -> memref<1x1x32x128xf32, #tpu.memory_space<hbm>>
    %dma_start3A_52 = tpu.memref_squeeze %dma_start3A_51 : memref<1x1x32x128xf32, #tpu.memory_space<hbm>> -> memref<32x128xf32, #tpu.memory_space<hbm>>
    tpu.enqueue_dma source(%dma_start3A_52 : memref<32x128xf32, #tpu.memory_space<hbm>>) target(%arg10 : memref<32x128xf32, #tpu.memory_space<vmem>>) target_semaphore(%arg13 : memref<!tpu.dma_semaphore, #tpu.memory_space<semaphore_mem>>)
    %dma_start3A_53 = arith.constant 0 : i32
    %dma_start3A_54 = arith.constant 3 : i32
    %dma_start3A_55 = arith.constant 0 : i32
    %dma_start3A_56 = tpu.memref_slice %arg2[%dma_start3A_53, %dma_start3A_54, %add3A_29, %dma_start3A_55] : memref<2x4x8192x128xf32, #tpu.memory_space<hbm>> -> memref<1x1x32x128xf32, #tpu.memory_space<hbm>>
    %dma_start3A_57 = tpu.memref_squeeze %dma_start3A_56 : memref<1x1x32x128xf32, #tpu.memory_space<hbm>> -> memref<32x128xf32, #tpu.memory_space<hbm>>
    %dma_start3A_58 = arith.constant 0 : i32
    %dma_start3A_59 = tpu.memref_slice %arg2[%dma_start3A_53, %dma_start3A_54, %add3A_29, %dma_start3A_58] : memref<2x4x8192x128xf32, #tpu.memory_space<hbm>> -> memref<1x1x32x128xf32, #tpu.memory_space<hbm>>
    %dma_start3A_60 = tpu.memref_squeeze %dma_start3A_59 : memref<1x1x32x128xf32, #tpu.memory_space<hbm>> -> memref<32x128xf32, #tpu.memory_space<hbm>>
    tpu.enqueue_dma source(%dma_start3A_60 : memref<32x128xf32, #tpu.memory_space<hbm>>) target(%arg11 : memref<32x128xf32, #tpu.memory_space<vmem>>) target_semaphore(%arg13 : memref<!tpu.dma_semaphore, #tpu.memory_space<semaphore_mem>>)
    %dma_start3A_61 = arith.constant 0 : i32
    %dma_start3A_62 = arith.constant 0 : i32
    %dma_start3A_63 = tpu.memref_slice %arg3[%dma_start3A_61, %add3A_29, %dma_start3A_62] : memref<2x8192x128xi32, #tpu.memory_space<hbm>> -> memref<1x32x128xi32, #tpu.memory_space<hbm>>
    %dma_start3A_64 = tpu.memref_squeeze %dma_start3A_63 : memref<1x32x128xi32, #tpu.memory_space<hbm>> -> memref<32x128xi32, #tpu.memory_space<hbm>>
    %dma_start3A_65 = arith.constant 0 : i32
    %dma_start3A_66 = tpu.memref_slice %arg3[%dma_start3A_61, %add3A_29, %dma_start3A_65] : memref<2x8192x128xi32, #tpu.memory_space<hbm>> -> memref<1x32x128xi32, #tpu.memory_space<hbm>>
    %dma_start3A_67 = tpu.memref_squeeze %dma_start3A_66 : memref<1x32x128xi32, #tpu.memory_space<hbm>> -> memref<32x128xi32, #tpu.memory_space<hbm>>
    tpu.enqueue_dma source(%dma_start3A_67 : memref<32x128xi32, #tpu.memory_space<hbm>>) target(%arg7 : memref<32x128xi32, #tpu.memory_space<vmem>>) target_semaphore(%arg13 : memref<!tpu.dma_semaphore, #tpu.memory_space<semaphore_mem>>)
    %dma_wait3A = arith.constant 0 : i32
    %dma_wait3A_68 = arith.constant 0 : i32
    %dma_wait3A_69 = arith.constant 0 : i32
    %dma_wait3A_70 = tpu.memref_slice %arg2[%dma_wait3A, %dma_wait3A_68, %add3A_29, %dma_wait3A_69] : memref<2x4x8192x128xf32, #tpu.memory_space<hbm>> -> memref<1x1x32x128xf32, #tpu.memory_space<hbm>>
    %dma_wait3A_71 = tpu.memref_squeeze %dma_wait3A_70 : memref<1x1x32x128xf32, #tpu.memory_space<hbm>> -> memref<32x128xf32, #tpu.memory_space<hbm>>
    %dma_wait3A_72 = arith.constant 0 : i32
    %dma_wait3A_73 = tpu.memref_slice %arg2[%dma_wait3A, %dma_wait3A_68, %add3A_29, %dma_wait3A_72] : memref<2x4x8192x128xf32, #tpu.memory_space<hbm>> -> memref<1x1x32x128xf32, #tpu.memory_space<hbm>>
    %dma_wait3A_74 = tpu.memref_squeeze %dma_wait3A_73 : memref<1x1x32x128xf32, #tpu.memory_space<hbm>> -> memref<32x128xf32, #tpu.memory_space<hbm>>
    tpu.wait_dma2 semaphore(%arg13 : memref<!tpu.dma_semaphore, #tpu.memory_space<semaphore_mem>>) src(%dma_wait3A_74 : memref<32x128xf32, #tpu.memory_space<hbm>>) dst(%arg8 : memref<32x128xf32, #tpu.memory_space<vmem>>)
    %dma_wait3A_75 = arith.constant 0 : i32
    %dma_wait3A_76 = arith.constant 1 : i32
    %dma_wait3A_77 = arith.constant 0 : i32
    %dma_wait3A_78 = tpu.memref_slice %arg2[%dma_wait3A_75, %dma_wait3A_76, %add3A_29, %dma_wait3A_77] : memref<2x4x8192x128xf32, #tpu.memory_space<hbm>> -> memref<1x1x32x128xf32, #tpu.memory_space<hbm>>
    %dma_wait3A_79 = tpu.memref_squeeze %dma_wait3A_78 : memref<1x1x32x128xf32, #tpu.memory_space<hbm>> -> memref<32x128xf32, #tpu.memory_space<hbm>>
    %dma_wait3A_80 = arith.constant 0 : i32
    %dma_wait3A_81 = tpu.memref_slice %arg2[%dma_wait3A_75, %dma_wait3A_76, %add3A_29, %dma_wait3A_80] : memref<2x4x8192x128xf32, #tpu.memory_space<hbm>> -> memref<1x1x32x128xf32, #tpu.memory_space<hbm>>
    %dma_wait3A_82 = tpu.memref_squeeze %dma_wait3A_81 : memref<1x1x32x128xf32, #tpu.memory_space<hbm>> -> memref<32x128xf32, #tpu.memory_space<hbm>>
    tpu.wait_dma2 semaphore(%arg13 : memref<!tpu.dma_semaphore, #tpu.memory_space<semaphore_mem>>) src(%dma_wait3A_82 : memref<32x128xf32, #tpu.memory_space<hbm>>) dst(%arg9 : memref<32x128xf32, #tpu.memory_space<vmem>>)
    %dma_wait3A_83 = arith.constant 0 : i32
    %dma_wait3A_84 = arith.constant 2 : i32
    %dma_wait3A_85 = arith.constant 0 : i32
    %dma_wait3A_86 = tpu.memref_slice %arg2[%dma_wait3A_83, %dma_wait3A_84, %add3A_29, %dma_wait3A_85] : memref<2x4x8192x128xf32, #tpu.memory_space<hbm>> -> memref<1x1x32x128xf32, #tpu.memory_space<hbm>>
    %dma_wait3A_87 = tpu.memref_squeeze %dma_wait3A_86 : memref<1x1x32x128xf32, #tpu.memory_space<hbm>> -> memref<32x128xf32, #tpu.memory_space<hbm>>
    %dma_wait3A_88 = arith.constant 0 : i32
    %dma_wait3A_89 = tpu.memref_slice %arg2[%dma_wait3A_83, %dma_wait3A_84, %add3A_29, %dma_wait3A_88] : memref<2x4x8192x128xf32, #tpu.memory_space<hbm>> -> memref<1x1x32x128xf32, #tpu.memory_space<hbm>>
    %dma_wait3A_90 = tpu.memref_squeeze %dma_wait3A_89 : memref<1x1x32x128xf32, #tpu.memory_space<hbm>> -> memref<32x128xf32, #tpu.memory_space<hbm>>
    tpu.wait_dma2 semaphore(%arg13 : memref<!tpu.dma_semaphore, #tpu.memory_space<semaphore_mem>>) src(%dma_wait3A_90 : memref<32x128xf32, #tpu.memory_space<hbm>>) dst(%arg10 : memref<32x128xf32, #tpu.memory_space<vmem>>)
    %dma_wait3A_91 = arith.constant 0 : i32
    %dma_wait3A_92 = arith.constant 3 : i32
    %dma_wait3A_93 = arith.constant 0 : i32
    %dma_wait3A_94 = tpu.memref_slice %arg2[%dma_wait3A_91, %dma_wait3A_92, %add3A_29, %dma_wait3A_93] : memref<2x4x8192x128xf32, #tpu.memory_space<hbm>> -> memref<1x1x32x128xf32, #tpu.memory_space<hbm>>
    %dma_wait3A_95 = tpu.memref_squeeze %dma_wait3A_94 : memref<1x1x32x128xf32, #tpu.memory_space<hbm>> -> memref<32x128xf32, #tpu.memory_space<hbm>>
    %dma_wait3A_96 = arith.constant 0 : i32
    %dma_wait3A_97 = tpu.memref_slice %arg2[%dma_wait3A_91, %dma_wait3A_92, %add3A_29, %dma_wait3A_96] : memref<2x4x8192x128xf32, #tpu.memory_space<hbm>> -> memref<1x1x32x128xf32, #tpu.memory_space<hbm>>
    %dma_wait3A_98 = tpu.memref_squeeze %dma_wait3A_97 : memref<1x1x32x128xf32, #tpu.memory_space<hbm>> -> memref<32x128xf32, #tpu.memory_space<hbm>>
    tpu.wait_dma2 semaphore(%arg13 : memref<!tpu.dma_semaphore, #tpu.memory_space<semaphore_mem>>) src(%dma_wait3A_98 : memref<32x128xf32, #tpu.memory_space<hbm>>) dst(%arg11 : memref<32x128xf32, #tpu.memory_space<vmem>>)
    %dma_wait3A_99 = arith.constant 0 : i32
    %dma_wait3A_100 = arith.constant 0 : i32
    %dma_wait3A_101 = tpu.memref_slice %arg3[%dma_wait3A_99, %add3A_29, %dma_wait3A_100] : memref<2x8192x128xi32, #tpu.memory_space<hbm>> -> memref<1x32x128xi32, #tpu.memory_space<hbm>>
    %dma_wait3A_102 = tpu.memref_squeeze %dma_wait3A_101 : memref<1x32x128xi32, #tpu.memory_space<hbm>> -> memref<32x128xi32, #tpu.memory_space<hbm>>
    %dma_wait3A_103 = arith.constant 0 : i32
    %dma_wait3A_104 = tpu.memref_slice %arg3[%dma_wait3A_99, %add3A_29, %dma_wait3A_103] : memref<2x8192x128xi32, #tpu.memory_space<hbm>> -> memref<1x32x128xi32, #tpu.memory_space<hbm>>
    %dma_wait3A_105 = tpu.memref_squeeze %dma_wait3A_104 : memref<1x32x128xi32, #tpu.memory_space<hbm>> -> memref<32x128xi32, #tpu.memory_space<hbm>>
    tpu.wait_dma2 semaphore(%arg13 : memref<!tpu.dma_semaphore, #tpu.memory_space<semaphore_mem>>) src(%dma_wait3A_105 : memref<32x128xi32, #tpu.memory_space<hbm>>) dst(%arg7 : memref<32x128xi32, #tpu.memory_space<vmem>>)
    %parallel_loop3A = arith.constant 0 : i32
    %parallel_loop3A_106 = arith.constant 32 : i32
    %parallel_loop3A_107 = arith.constant 1 : i32
    %parallel_loop3A_108:12 = scf.for %parallel_loop3A_636 = %parallel_loop3A to %parallel_loop3A_106 step %parallel_loop3A_107 iter_args(%parallel_loop3A_637 = %broadcast_in_dim3A_1, %parallel_loop3A_638 = %broadcast_in_dim3A_3, %parallel_loop3A_639 = %broadcast_in_dim3A_5, %parallel_loop3A_640 = %broadcast_in_dim3A_7, %parallel_loop3A_641 = %broadcast_in_dim3A_9, %parallel_loop3A_642 = %broadcast_in_dim3A_11, %parallel_loop3A_643 = %broadcast_in_dim3A_13, %parallel_loop3A_644 = %broadcast_in_dim3A_15, %parallel_loop3A_645 = %broadcast_in_dim3A_17, %parallel_loop3A_646 = %broadcast_in_dim3A_19, %parallel_loop3A_647 = %broadcast_in_dim3A_21, %parallel_loop3A_648 = %broadcast_in_dim3A_23) -> (vector<16xf32>, vector<16xf32>, vector<16xf32>, vector<16xf32>, vector<16xf32>, vector<16xf32>, vector<16xf32>, vector<16xf32>, vector<16xf32>, vector<16xf32>, vector<16xf32>, vector<16xf32>)  : i32 {
      %parallel_loop3A_649 = arith.index_cast %parallel_loop3A_636 : i32 to index
      %parallel_loop3A_650 = arith.constant 0 : index
      %parallel_loop3A_651 = tpu.vector_load %arg7[%parallel_loop3A_649, %parallel_loop3A_650] {strides = array<i32>} : memref<32x128xi32, #tpu.memory_space<vmem>>, vector<1x16xi32>,
      %parallel_loop3A_652 = vector.shape_cast %parallel_loop3A_651 : vector<1x16xi32> to vector<16xi32>
      %parallel_loop3A_653 = arith.index_cast %parallel_loop3A_636 : i32 to index
      %parallel_loop3A_654 = arith.constant 0 : index
      %parallel_loop3A_655 = tpu.vector_load %arg8[%parallel_loop3A_653, %parallel_loop3A_654] {strides = array<i32>} : memref<32x128xf32, #tpu.memory_space<vmem>>, vector<1x16xf32>,
      %parallel_loop3A_656 = vector.shape_cast %parallel_loop3A_655 : vector<1x16xf32> to vector<16xf32>
      %parallel_loop3A_657 = arith.constant 0 : i32
      %parallel_loop3A_658 = vector.broadcast %parallel_loop3A_657 : i32 to vector<16xi32>
      %parallel_loop3A_659 = arith.cmpi eq, %parallel_loop3A_652, %parallel_loop3A_658 : vector<16xi32>
      %parallel_loop3A_660 = arith.addf %parallel_loop3A_637, %parallel_loop3A_656 : vector<16xf32>
      %parallel_loop3A_661 = arith.constant 0.000000e+00 : f32
      %parallel_loop3A_662 = vector.broadcast %parallel_loop3A_661 : f32 to vector<16xf32>
      %parallel_loop3A_663 = arith.select %parallel_loop3A_659, %parallel_loop3A_656, %parallel_loop3A_662 : vector<16xi1>, vector<16xf32>
      %parallel_loop3A_664 = arith.addf %parallel_loop3A_641, %parallel_loop3A_663 : vector<16xf32>
      %parallel_loop3A_665 = arith.constant 1.000000e+00 : f32
      %parallel_loop3A_666 = arith.constant 0.000000e+00 : f32
      %parallel_loop3A_667 = vector.broadcast %parallel_loop3A_665 : f32 to vector<16xf32>
      %parallel_loop3A_668 = vector.broadcast %parallel_loop3A_666 : f32 to vector<16xf32>
      %parallel_loop3A_669 = arith.select %parallel_loop3A_659, %parallel_loop3A_667, %parallel_loop3A_668 : vector<16xi1>, vector<16xf32>
      %parallel_loop3A_670 = arith.addf %parallel_loop3A_645, %parallel_loop3A_669 : vector<16xf32>
      %parallel_loop3A_671 = arith.index_cast %parallel_loop3A_636 : i32 to index
      %parallel_loop3A_672 = arith.constant 0 : index
      %parallel_loop3A_673 = tpu.vector_load %arg9[%parallel_loop3A_671, %parallel_loop3A_672] {strides = array<i32>} : memref<32x128xf32, #tpu.memory_space<vmem>>, vector<1x16xf32>,
      %parallel_loop3A_674 = vector.shape_cast %parallel_loop3A_673 : vector<1x16xf32> to vector<16xf32>
      %parallel_loop3A_675 = arith.constant 1 : i32
      %parallel_loop3A_676 = vector.broadcast %parallel_loop3A_675 : i32 to vector<16xi32>
      %parallel_loop3A_677 = arith.cmpi eq, %parallel_loop3A_652, %parallel_loop3A_676 : vector<16xi32>
      %parallel_loop3A_678 = arith.addf %parallel_loop3A_638, %parallel_loop3A_674 : vector<16xf32>
      %parallel_loop3A_679 = arith.constant 0.000000e+00 : f32
      %parallel_loop3A_680 = vector.broadcast %parallel_loop3A_679 : f32 to vector<16xf32>
      %parallel_loop3A_681 = arith.select %parallel_loop3A_677, %parallel_loop3A_674, %parallel_loop3A_680 : vector<16xi1>, vector<16xf32>
      %parallel_loop3A_682 = arith.addf %parallel_loop3A_642, %parallel_loop3A_681 : vector<16xf32>
      %parallel_loop3A_683 = arith.constant 1.000000e+00 : f32
      %parallel_loop3A_684 = arith.constant 0.000000e+00 : f32
      %parallel_loop3A_685 = vector.broadcast %parallel_loop3A_683 : f32 to vector<16xf32>
      %parallel_loop3A_686 = vector.broadcast %parallel_loop3A_684 : f32 to vector<16xf32>
      %parallel_loop3A_687 = arith.select %parallel_loop3A_677, %parallel_loop3A_685, %parallel_loop3A_686 : vector<16xi1>, vector<16xf32>
      %parallel_loop3A_688 = arith.addf %parallel_loop3A_646, %parallel_loop3A_687 : vector<16xf32>
      %parallel_loop3A_689 = arith.index_cast %parallel_loop3A_636 : i32 to index
      %parallel_loop3A_690 = arith.constant 0 : index
      %parallel_loop3A_691 = tpu.vector_load %arg10[%parallel_loop3A_689, %parallel_loop3A_690] {strides = array<i32>} : memref<32x128xf32, #tpu.memory_space<vmem>>, vector<1x16xf32>,
      %parallel_loop3A_692 = vector.shape_cast %parallel_loop3A_691 : vector<1x16xf32> to vector<16xf32>
      %parallel_loop3A_693 = arith.constant 2 : i32
      %parallel_loop3A_694 = vector.broadcast %parallel_loop3A_693 : i32 to vector<16xi32>
      %parallel_loop3A_695 = arith.cmpi eq, %parallel_loop3A_652, %parallel_loop3A_694 : vector<16xi32>
      %parallel_loop3A_696 = arith.addf %parallel_loop3A_639, %parallel_loop3A_692 : vector<16xf32>
      %parallel_loop3A_697 = arith.constant 0.000000e+00 : f32
      %parallel_loop3A_698 = vector.broadcast %parallel_loop3A_697 : f32 to vector<16xf32>
      %parallel_loop3A_699 = arith.select %parallel_loop3A_695, %parallel_loop3A_692, %parallel_loop3A_698 : vector<16xi1>, vector<16xf32>
      %parallel_loop3A_700 = arith.addf %parallel_loop3A_643, %parallel_loop3A_699 : vector<16xf32>
      %parallel_loop3A_701 = arith.constant 1.000000e+00 : f32
      %parallel_loop3A_702 = arith.constant 0.000000e+00 : f32
      %parallel_loop3A_703 = vector.broadcast %parallel_loop3A_701 : f32 to vector<16xf32>
      %parallel_loop3A_704 = vector.broadcast %parallel_loop3A_702 : f32 to vector<16xf32>
      %parallel_loop3A_705 = arith.select %parallel_loop3A_695, %parallel_loop3A_703, %parallel_loop3A_704 : vector<16xi1>, vector<16xf32>
      %parallel_loop3A_706 = arith.addf %parallel_loop3A_647, %parallel_loop3A_705 : vector<16xf32>
      %parallel_loop3A_707 = arith.index_cast %parallel_loop3A_636 : i32 to index
      %parallel_loop3A_708 = arith.constant 0 : index
      %parallel_loop3A_709 = tpu.vector_load %arg11[%parallel_loop3A_707, %parallel_loop3A_708] {strides = array<i32>} : memref<32x128xf32, #tpu.memory_space<vmem>>, vector<1x16xf32>,
      %parallel_loop3A_710 = vector.shape_cast %parallel_loop3A_709 : vector<1x16xf32> to vector<16xf32>
      %parallel_loop3A_711 = arith.constant 3 : i32
      %parallel_loop3A_712 = vector.broadcast %parallel_loop3A_711 : i32 to vector<16xi32>
      %parallel_loop3A_713 = arith.cmpi eq, %parallel_loop3A_652, %parallel_loop3A_712 : vector<16xi32>
      %parallel_loop3A_714 = arith.addf %parallel_loop3A_640, %parallel_loop3A_710 : vector<16xf32>
      %parallel_loop3A_715 = arith.constant 0.000000e+00 : f32
      %parallel_loop3A_716 = vector.broadcast %parallel_loop3A_715 : f32 to vector<16xf32>
      %parallel_loop3A_717 = arith.select %parallel_loop3A_713, %parallel_loop3A_710, %parallel_loop3A_716 : vector<16xi1>, vector<16xf32>
      %parallel_loop3A_718 = arith.addf %parallel_loop3A_644, %parallel_loop3A_717 : vector<16xf32>
      %parallel_loop3A_719 = arith.constant 1.000000e+00 : f32
      %parallel_loop3A_720 = arith.constant 0.000000e+00 : f32
      %parallel_loop3A_721 = vector.broadcast %parallel_loop3A_719 : f32 to vector<16xf32>
      %parallel_loop3A_722 = vector.broadcast %parallel_loop3A_720 : f32 to vector<16xf32>
      %parallel_loop3A_723 = arith.select %parallel_loop3A_713, %parallel_loop3A_721, %parallel_loop3A_722 : vector<16xi1>, vector<16xf32>
      %parallel_loop3A_724 = arith.addf %parallel_loop3A_648, %parallel_loop3A_723 : vector<16xf32>
      %parallel_loop3A_725 = arith.index_cast %parallel_loop3A_636 : i32 to index
      %parallel_loop3A_726 = arith.constant 16 : index
      %parallel_loop3A_727 = tpu.vector_load %arg7[%parallel_loop3A_725, %parallel_loop3A_726] {strides = array<i32>} : memref<32x128xi32, #tpu.memory_space<vmem>>, vector<1x16xi32>,
      %parallel_loop3A_728 = vector.shape_cast %parallel_loop3A_727 : vector<1x16xi32> to vector<16xi32>
      %parallel_loop3A_729 = arith.index_cast %parallel_loop3A_636 : i32 to index
      %parallel_loop3A_730 = arith.constant 16 : index
      %parallel_loop3A_731 = tpu.vector_load %arg8[%parallel_loop3A_729, %parallel_loop3A_730] {strides = array<i32>} : memref<32x128xf32, #tpu.memory_space<vmem>>, vector<1x16xf32>,
      %parallel_loop3A_732 = vector.shape_cast %parallel_loop3A_731 : vector<1x16xf32> to vector<16xf32>
      %parallel_loop3A_733 = arith.constant 0 : i32
      %parallel_loop3A_734 = vector.broadcast %parallel_loop3A_733 : i32 to vector<16xi32>
      %parallel_loop3A_735 = arith.cmpi eq, %parallel_loop3A_728, %parallel_loop3A_734 : vector<16xi32>
      %parallel_loop3A_736 = arith.addf %parallel_loop3A_660, %parallel_loop3A_732 : vector<16xf32>
      %parallel_loop3A_737 = arith.constant 0.000000e+00 : f32
      %parallel_loop3A_738 = vector.broadcast %parallel_loop3A_737 : f32 to vector<16xf32>
      %parallel_loop3A_739 = arith.select %parallel_loop3A_735, %parallel_loop3A_732, %parallel_loop3A_738 : vector<16xi1>, vector<16xf32>
      %parallel_loop3A_740 = arith.addf %parallel_loop3A_664, %parallel_loop3A_739 : vector<16xf32>
      %parallel_loop3A_741 = arith.constant 1.000000e+00 : f32
      %parallel_loop3A_742 = arith.constant 0.000000e+00 : f32
      %parallel_loop3A_743 = vector.broadcast %parallel_loop3A_741 : f32 to vector<16xf32>
      %parallel_loop3A_744 = vector.broadcast %parallel_loop3A_742 : f32 to vector<16xf32>
      %parallel_loop3A_745 = arith.select %parallel_loop3A_735, %parallel_loop3A_743, %parallel_loop3A_744 : vector<16xi1>, vector<16xf32>
      %parallel_loop3A_746 = arith.addf %parallel_loop3A_670, %parallel_loop3A_745 : vector<16xf32>
      %parallel_loop3A_747 = arith.index_cast %parallel_loop3A_636 : i32 to index
      %parallel_loop3A_748 = arith.constant 16 : index
      %parallel_loop3A_749 = tpu.vector_load %arg9[%parallel_loop3A_747, %parallel_loop3A_748] {strides = array<i32>} : memref<32x128xf32, #tpu.memory_space<vmem>>, vector<1x16xf32>,
      %parallel_loop3A_750 = vector.shape_cast %parallel_loop3A_749 : vector<1x16xf32> to vector<16xf32>
      %parallel_loop3A_751 = arith.constant 1 : i32
      %parallel_loop3A_752 = vector.broadcast %parallel_loop3A_751 : i32 to vector<16xi32>
      %parallel_loop3A_753 = arith.cmpi eq, %parallel_loop3A_728, %parallel_loop3A_752 : vector<16xi32>
      %parallel_loop3A_754 = arith.addf %parallel_loop3A_678, %parallel_loop3A_750 : vector<16xf32>
      %parallel_loop3A_755 = arith.constant 0.000000e+00 : f32
      %parallel_loop3A_756 = vector.broadcast %parallel_loop3A_755 : f32 to vector<16xf32>
      %parallel_loop3A_757 = arith.select %parallel_loop3A_753, %parallel_loop3A_750, %parallel_loop3A_756 : vector<16xi1>, vector<16xf32>
      %parallel_loop3A_758 = arith.addf %parallel_loop3A_682, %parallel_loop3A_757 : vector<16xf32>
      %parallel_loop3A_759 = arith.constant 1.000000e+00 : f32
      %parallel_loop3A_760 = arith.constant 0.000000e+00 : f32
      %parallel_loop3A_761 = vector.broadcast %parallel_loop3A_759 : f32 to vector<16xf32>
      %parallel_loop3A_762 = vector.broadcast %parallel_loop3A_760 : f32 to vector<16xf32>
      %parallel_loop3A_763 = arith.select %parallel_loop3A_753, %parallel_loop3A_761, %parallel_loop3A_762 : vector<16xi1>, vector<16xf32>
      %parallel_loop3A_764 = arith.addf %parallel_loop3A_688, %parallel_loop3A_763 : vector<16xf32>
      %parallel_loop3A_765 = arith.index_cast %parallel_loop3A_636 : i32 to index
      %parallel_loop3A_766 = arith.constant 16 : index
      %parallel_loop3A_767 = tpu.vector_load %arg10[%parallel_loop3A_765, %parallel_loop3A_766] {strides = array<i32>} : memref<32x128xf32, #tpu.memory_space<vmem>>, vector<1x16xf32>,
      %parallel_loop3A_768 = vector.shape_cast %parallel_loop3A_767 : vector<1x16xf32> to vector<16xf32>
      %parallel_loop3A_769 = arith.constant 2 : i32
      %parallel_loop3A_770 = vector.broadcast %parallel_loop3A_769 : i32 to vector<16xi32>
      %parallel_loop3A_771 = arith.cmpi eq, %parallel_loop3A_728, %parallel_loop3A_770 : vector<16xi32>
      %parallel_loop3A_772 = arith.addf %parallel_loop3A_696, %parallel_loop3A_768 : vector<16xf32>
      %parallel_loop3A_773 = arith.constant 0.000000e+00 : f32
      %parallel_loop3A_774 = vector.broadcast %parallel_loop3A_773 : f32 to vector<16xf32>
      %parallel_loop3A_775 = arith.select %parallel_loop3A_771, %parallel_loop3A_768, %parallel_loop3A_774 : vector<16xi1>, vector<16xf32>
      %parallel_loop3A_776 = arith.addf %parallel_loop3A_700, %parallel_loop3A_775 : vector<16xf32>
      %parallel_loop3A_777 = arith.constant 1.000000e+00 : f32
      %parallel_loop3A_778 = arith.constant 0.000000e+00 : f32
      %parallel_loop3A_779 = vector.broadcast %parallel_loop3A_777 : f32 to vector<16xf32>
      %parallel_loop3A_780 = vector.broadcast %parallel_loop3A_778 : f32 to vector<16xf32>
      %parallel_loop3A_781 = arith.select %parallel_loop3A_771, %parallel_loop3A_779, %parallel_loop3A_780 : vector<16xi1>, vector<16xf32>
      %parallel_loop3A_782 = arith.addf %parallel_loop3A_706, %parallel_loop3A_781 : vector<16xf32>
      %parallel_loop3A_783 = arith.index_cast %parallel_loop3A_636 : i32 to index
      %parallel_loop3A_784 = arith.constant 16 : index
      %parallel_loop3A_785 = tpu.vector_load %arg11[%parallel_loop3A_783, %parallel_loop3A_784] {strides = array<i32>} : memref<32x128xf32, #tpu.memory_space<vmem>>, vector<1x16xf32>,
      %parallel_loop3A_786 = vector.shape_cast %parallel_loop3A_785 : vector<1x16xf32> to vector<16xf32>
      %parallel_loop3A_787 = arith.constant 3 : i32
      %parallel_loop3A_788 = vector.broadcast %parallel_loop3A_787 : i32 to vector<16xi32>
      %parallel_loop3A_789 = arith.cmpi eq, %parallel_loop3A_728, %parallel_loop3A_788 : vector<16xi32>
      %parallel_loop3A_790 = arith.addf %parallel_loop3A_714, %parallel_loop3A_786 : vector<16xf32>
      %parallel_loop3A_791 = arith.constant 0.000000e+00 : f32
      %parallel_loop3A_792 = vector.broadcast %parallel_loop3A_791 : f32 to vector<16xf32>
      %parallel_loop3A_793 = arith.select %parallel_loop3A_789, %parallel_loop3A_786, %parallel_loop3A_792 : vector<16xi1>, vector<16xf32>
      %parallel_loop3A_794 = arith.addf %parallel_loop3A_718, %parallel_loop3A_793 : vector<16xf32>
      %parallel_loop3A_795 = arith.constant 1.000000e+00 : f32
      %parallel_loop3A_796 = arith.constant 0.000000e+00 : f32
      %parallel_loop3A_797 = vector.broadcast %parallel_loop3A_795 : f32 to vector<16xf32>
      %parallel_loop3A_798 = vector.broadcast %parallel_loop3A_796 : f32 to vector<16xf32>
      %parallel_loop3A_799 = arith.select %parallel_loop3A_789, %parallel_loop3A_797, %parallel_loop3A_798 : vector<16xi1>, vector<16xf32>
      %parallel_loop3A_800 = arith.addf %parallel_loop3A_724, %parallel_loop3A_799 : vector<16xf32>
      %parallel_loop3A_801 = arith.index_cast %parallel_loop3A_636 : i32 to index
      %parallel_loop3A_802 = arith.constant 32 : index
      %parallel_loop3A_803 = tpu.vector_load %arg7[%parallel_loop3A_801, %parallel_loop3A_802] {strides = array<i32>} : memref<32x128xi32, #tpu.memory_space<vmem>>, vector<1x16xi32>,
      %parallel_loop3A_804 = vector.shape_cast %parallel_loop3A_803 : vector<1x16xi32> to vector<16xi32>
      %parallel_loop3A_805 = arith.index_cast %parallel_loop3A_636 : i32 to index
      %parallel_loop3A_806 = arith.constant 32 : index
      %parallel_loop3A_807 = tpu.vector_load %arg8[%parallel_loop3A_805, %parallel_loop3A_806] {strides = array<i32>} : memref<32x128xf32, #tpu.memory_space<vmem>>, vector<1x16xf32>,
      %parallel_loop3A_808 = vector.shape_cast %parallel_loop3A_807 : vector<1x16xf32> to vector<16xf32>
      %parallel_loop3A_809 = arith.constant 0 : i32
      %parallel_loop3A_810 = vector.broadcast %parallel_loop3A_809 : i32 to vector<16xi32>
      %parallel_loop3A_811 = arith.cmpi eq, %parallel_loop3A_804, %parallel_loop3A_810 : vector<16xi32>
      %parallel_loop3A_812 = arith.addf %parallel_loop3A_736, %parallel_loop3A_808 : vector<16xf32>
      %parallel_loop3A_813 = arith.constant 0.000000e+00 : f32
      %parallel_loop3A_814 = vector.broadcast %parallel_loop3A_813 : f32 to vector<16xf32>
      %parallel_loop3A_815 = arith.select %parallel_loop3A_811, %parallel_loop3A_808, %parallel_loop3A_814 : vector<16xi1>, vector<16xf32>
      %parallel_loop3A_816 = arith.addf %parallel_loop3A_740, %parallel_loop3A_815 : vector<16xf32>
      %parallel_loop3A_817 = arith.constant 1.000000e+00 : f32
      %parallel_loop3A_818 = arith.constant 0.000000e+00 : f32
      %parallel_loop3A_819 = vector.broadcast %parallel_loop3A_817 : f32 to vector<16xf32>
      %parallel_loop3A_820 = vector.broadcast %parallel_loop3A_818 : f32 to vector<16xf32>
      %parallel_loop3A_821 = arith.select %parallel_loop3A_811, %parallel_loop3A_819, %parallel_loop3A_820 : vector<16xi1>, vector<16xf32>
      %parallel_loop3A_822 = arith.addf %parallel_loop3A_746, %parallel_loop3A_821 : vector<16xf32>
      %parallel_loop3A_823 = arith.index_cast %parallel_loop3A_636 : i32 to index
      %parallel_loop3A_824 = arith.constant 32 : index
      %parallel_loop3A_825 = tpu.vector_load %arg9[%parallel_loop3A_823, %parallel_loop3A_824] {strides = array<i32>} : memref<32x128xf32, #tpu.memory_space<vmem>>, vector<1x16xf32>,
      %parallel_loop3A_826 = vector.shape_cast %parallel_loop3A_825 : vector<1x16xf32> to vector<16xf32>
      %parallel_loop3A_827 = arith.constant 1 : i32
      %parallel_loop3A_828 = vector.broadcast %parallel_loop3A_827 : i32 to vector<16xi32>
      %parallel_loop3A_829 = arith.cmpi eq, %parallel_loop3A_804, %parallel_loop3A_828 : vector<16xi32>
      %parallel_loop3A_830 = arith.addf %parallel_loop3A_754, %parallel_loop3A_826 : vector<16xf32>
      %parallel_loop3A_831 = arith.constant 0.000000e+00 : f32
      %parallel_loop3A_832 = vector.broadcast %parallel_loop3A_831 : f32 to vector<16xf32>
      %parallel_loop3A_833 = arith.select %parallel_loop3A_829, %parallel_loop3A_826, %parallel_loop3A_832 : vector<16xi1>, vector<16xf32>
      %parallel_loop3A_834 = arith.addf %parallel_loop3A_758, %parallel_loop3A_833 : vector<16xf32>
      %parallel_loop3A_835 = arith.constant 1.000000e+00 : f32
      %parallel_loop3A_836 = arith.constant 0.000000e+00 : f32
      %parallel_loop3A_837 = vector.broadcast %parallel_loop3A_835 : f32 to vector<16xf32>
      %parallel_loop3A_838 = vector.broadcast %parallel_loop3A_836 : f32 to vector<16xf32>
      %parallel_loop3A_839 = arith.select %parallel_loop3A_829, %parallel_loop3A_837, %parallel_loop3A_838 : vector<16xi1>, vector<16xf32>
      %parallel_loop3A_840 = arith.addf %parallel_loop3A_764, %parallel_loop3A_839 : vector<16xf32>
      %parallel_loop3A_841 = arith.index_cast %parallel_loop3A_636 : i32 to index
      %parallel_loop3A_842 = arith.constant 32 : index
      %parallel_loop3A_843 = tpu.vector_load %arg10[%parallel_loop3A_841, %parallel_loop3A_842] {strides = array<i32>} : memref<32x128xf32, #tpu.memory_space<vmem>>, vector<1x16xf32>,
      %parallel_loop3A_844 = vector.shape_cast %parallel_loop3A_843 : vector<1x16xf32> to vector<16xf32>
      %parallel_loop3A_845 = arith.constant 2 : i32
      %parallel_loop3A_846 = vector.broadcast %parallel_loop3A_845 : i32 to vector<16xi32>
      %parallel_loop3A_847 = arith.cmpi eq, %parallel_loop3A_804, %parallel_loop3A_846 : vector<16xi32>
      %parallel_loop3A_848 = arith.addf %parallel_loop3A_772, %parallel_loop3A_844 : vector<16xf32>
      %parallel_loop3A_849 = arith.constant 0.000000e+00 : f32
      %parallel_loop3A_850 = vector.broadcast %parallel_loop3A_849 : f32 to vector<16xf32>
      %parallel_loop3A_851 = arith.select %parallel_loop3A_847, %parallel_loop3A_844, %parallel_loop3A_850 : vector<16xi1>, vector<16xf32>
      %parallel_loop3A_852 = arith.addf %parallel_loop3A_776, %parallel_loop3A_851 : vector<16xf32>
      %parallel_loop3A_853 = arith.constant 1.000000e+00 : f32
      %parallel_loop3A_854 = arith.constant 0.000000e+00 : f32
      %parallel_loop3A_855 = vector.broadcast %parallel_loop3A_853 : f32 to vector<16xf32>
      %parallel_loop3A_856 = vector.broadcast %parallel_loop3A_854 : f32 to vector<16xf32>
      %parallel_loop3A_857 = arith.select %parallel_loop3A_847, %parallel_loop3A_855, %parallel_loop3A_856 : vector<16xi1>, vector<16xf32>
      %parallel_loop3A_858 = arith.addf %parallel_loop3A_782, %parallel_loop3A_857 : vector<16xf32>
      %parallel_loop3A_859 = arith.index_cast %parallel_loop3A_636 : i32 to index
      %parallel_loop3A_860 = arith.constant 32 : index
      %parallel_loop3A_861 = tpu.vector_load %arg11[%parallel_loop3A_859, %parallel_loop3A_860] {strides = array<i32>} : memref<32x128xf32, #tpu.memory_space<vmem>>, vector<1x16xf32>,
      %parallel_loop3A_862 = vector.shape_cast %parallel_loop3A_861 : vector<1x16xf32> to vector<16xf32>
      %parallel_loop3A_863 = arith.constant 3 : i32
      %parallel_loop3A_864 = vector.broadcast %parallel_loop3A_863 : i32 to vector<16xi32>
      %parallel_loop3A_865 = arith.cmpi eq, %parallel_loop3A_804, %parallel_loop3A_864 : vector<16xi32>
      %parallel_loop3A_866 = arith.addf %parallel_loop3A_790, %parallel_loop3A_862 : vector<16xf32>
      %parallel_loop3A_867 = arith.constant 0.000000e+00 : f32
      %parallel_loop3A_868 = vector.broadcast %parallel_loop3A_867 : f32 to vector<16xf32>
      %parallel_loop3A_869 = arith.select %parallel_loop3A_865, %parallel_loop3A_862, %parallel_loop3A_868 : vector<16xi1>, vector<16xf32>
      %parallel_loop3A_870 = arith.addf %parallel_loop3A_794, %parallel_loop3A_869 : vector<16xf32>
      %parallel_loop3A_871 = arith.constant 1.000000e+00 : f32
      %parallel_loop3A_872 = arith.constant 0.000000e+00 : f32
      %parallel_loop3A_873 = vector.broadcast %parallel_loop3A_871 : f32 to vector<16xf32>
      %parallel_loop3A_874 = vector.broadcast %parallel_loop3A_872 : f32 to vector<16xf32>
      %parallel_loop3A_875 = arith.select %parallel_loop3A_865, %parallel_loop3A_873, %parallel_loop3A_874 : vector<16xi1>, vector<16xf32>
      %parallel_loop3A_876 = arith.addf %parallel_loop3A_800, %parallel_loop3A_875 : vector<16xf32>
      %parallel_loop3A_877 = arith.index_cast %parallel_loop3A_636 : i32 to index
      %parallel_loop3A_878 = arith.constant 48 : index
      %parallel_loop3A_879 = tpu.vector_load %arg7[%parallel_loop3A_877, %parallel_loop3A_878] {strides = array<i32>} : memref<32x128xi32, #tpu.memory_space<vmem>>, vector<1x16xi32>,
      %parallel_loop3A_880 = vector.shape_cast %parallel_loop3A_879 : vector<1x16xi32> to vector<16xi32>
      %parallel_loop3A_881 = arith.index_cast %parallel_loop3A_636 : i32 to index
      %parallel_loop3A_882 = arith.constant 48 : index
      %parallel_loop3A_883 = tpu.vector_load %arg8[%parallel_loop3A_881, %parallel_loop3A_882] {strides = array<i32>} : memref<32x128xf32, #tpu.memory_space<vmem>>, vector<1x16xf32>,
      %parallel_loop3A_884 = vector.shape_cast %parallel_loop3A_883 : vector<1x16xf32> to vector<16xf32>
      %parallel_loop3A_885 = arith.constant 0 : i32
      %parallel_loop3A_886 = vector.broadcast %parallel_loop3A_885 : i32 to vector<16xi32>
      %parallel_loop3A_887 = arith.cmpi eq, %parallel_loop3A_880, %parallel_loop3A_886 : vector<16xi32>
      %parallel_loop3A_888 = arith.addf %parallel_loop3A_812, %parallel_loop3A_884 : vector<16xf32>
      %parallel_loop3A_889 = arith.constant 0.000000e+00 : f32
      %parallel_loop3A_890 = vector.broadcast %parallel_loop3A_889 : f32 to vector<16xf32>
      %parallel_loop3A_891 = arith.select %parallel_loop3A_887, %parallel_loop3A_884, %parallel_loop3A_890 : vector<16xi1>, vector<16xf32>
      %parallel_loop3A_892 = arith.addf %parallel_loop3A_816, %parallel_loop3A_891 : vector<16xf32>
      %parallel_loop3A_893 = arith.constant 1.000000e+00 : f32
      %parallel_loop3A_894 = arith.constant 0.000000e+00 : f32
      %parallel_loop3A_895 = vector.broadcast %parallel_loop3A_893 : f32 to vector<16xf32>
      %parallel_loop3A_896 = vector.broadcast %parallel_loop3A_894 : f32 to vector<16xf32>
      %parallel_loop3A_897 = arith.select %parallel_loop3A_887, %parallel_loop3A_895, %parallel_loop3A_896 : vector<16xi1>, vector<16xf32>
      %parallel_loop3A_898 = arith.addf %parallel_loop3A_822, %parallel_loop3A_897 : vector<16xf32>
      %parallel_loop3A_899 = arith.index_cast %parallel_loop3A_636 : i32 to index
      %parallel_loop3A_900 = arith.constant 48 : index
      %parallel_loop3A_901 = tpu.vector_load %arg9[%parallel_loop3A_899, %parallel_loop3A_900] {strides = array<i32>} : memref<32x128xf32, #tpu.memory_space<vmem>>, vector<1x16xf32>,
      %parallel_loop3A_902 = vector.shape_cast %parallel_loop3A_901 : vector<1x16xf32> to vector<16xf32>
      %parallel_loop3A_903 = arith.constant 1 : i32
      %parallel_loop3A_904 = vector.broadcast %parallel_loop3A_903 : i32 to vector<16xi32>
      %parallel_loop3A_905 = arith.cmpi eq, %parallel_loop3A_880, %parallel_loop3A_904 : vector<16xi32>
      %parallel_loop3A_906 = arith.addf %parallel_loop3A_830, %parallel_loop3A_902 : vector<16xf32>
      %parallel_loop3A_907 = arith.constant 0.000000e+00 : f32
      %parallel_loop3A_908 = vector.broadcast %parallel_loop3A_907 : f32 to vector<16xf32>
      %parallel_loop3A_909 = arith.select %parallel_loop3A_905, %parallel_loop3A_902, %parallel_loop3A_908 : vector<16xi1>, vector<16xf32>
      %parallel_loop3A_910 = arith.addf %parallel_loop3A_834, %parallel_loop3A_909 : vector<16xf32>
      %parallel_loop3A_911 = arith.constant 1.000000e+00 : f32
      %parallel_loop3A_912 = arith.constant 0.000000e+00 : f32
      %parallel_loop3A_913 = vector.broadcast %parallel_loop3A_911 : f32 to vector<16xf32>
      %parallel_loop3A_914 = vector.broadcast %parallel_loop3A_912 : f32 to vector<16xf32>
      %parallel_loop3A_915 = arith.select %parallel_loop3A_905, %parallel_loop3A_913, %parallel_loop3A_914 : vector<16xi1>, vector<16xf32>
      %parallel_loop3A_916 = arith.addf %parallel_loop3A_840, %parallel_loop3A_915 : vector<16xf32>
      %parallel_loop3A_917 = arith.index_cast %parallel_loop3A_636 : i32 to index
      %parallel_loop3A_918 = arith.constant 48 : index
      %parallel_loop3A_919 = tpu.vector_load %arg10[%parallel_loop3A_917, %parallel_loop3A_918] {strides = array<i32>} : memref<32x128xf32, #tpu.memory_space<vmem>>, vector<1x16xf32>,
      %parallel_loop3A_920 = vector.shape_cast %parallel_loop3A_919 : vector<1x16xf32> to vector<16xf32>
      %parallel_loop3A_921 = arith.constant 2 : i32
      %parallel_loop3A_922 = vector.broadcast %parallel_loop3A_921 : i32 to vector<16xi32>
      %parallel_loop3A_923 = arith.cmpi eq, %parallel_loop3A_880, %parallel_loop3A_922 : vector<16xi32>
      %parallel_loop3A_924 = arith.addf %parallel_loop3A_848, %parallel_loop3A_920 : vector<16xf32>
      %parallel_loop3A_925 = arith.constant 0.000000e+00 : f32
      %parallel_loop3A_926 = vector.broadcast %parallel_loop3A_925 : f32 to vector<16xf32>
      %parallel_loop3A_927 = arith.select %parallel_loop3A_923, %parallel_loop3A_920, %parallel_loop3A_926 : vector<16xi1>, vector<16xf32>
      %parallel_loop3A_928 = arith.addf %parallel_loop3A_852, %parallel_loop3A_927 : vector<16xf32>
      %parallel_loop3A_929 = arith.constant 1.000000e+00 : f32
      %parallel_loop3A_930 = arith.constant 0.000000e+00 : f32
      %parallel_loop3A_931 = vector.broadcast %parallel_loop3A_929 : f32 to vector<16xf32>
      %parallel_loop3A_932 = vector.broadcast %parallel_loop3A_930 : f32 to vector<16xf32>
      %parallel_loop3A_933 = arith.select %parallel_loop3A_923, %parallel_loop3A_931, %parallel_loop3A_932 : vector<16xi1>, vector<16xf32>
      %parallel_loop3A_934 = arith.addf %parallel_loop3A_858, %parallel_loop3A_933 : vector<16xf32>
      %parallel_loop3A_935 = arith.index_cast %parallel_loop3A_636 : i32 to index
      %parallel_loop3A_936 = arith.constant 48 : index
      %parallel_loop3A_937 = tpu.vector_load %arg11[%parallel_loop3A_935, %parallel_loop3A_936] {strides = array<i32>} : memref<32x128xf32, #tpu.memory_space<vmem>>, vector<1x16xf32>,
      %parallel_loop3A_938 = vector.shape_cast %parallel_loop3A_937 : vector<1x16xf32> to vector<16xf32>
      %parallel_loop3A_939 = arith.constant 3 : i32
      %parallel_loop3A_940 = vector.broadcast %parallel_loop3A_939 : i32 to vector<16xi32>
      %parallel_loop3A_941 = arith.cmpi eq, %parallel_loop3A_880, %parallel_loop3A_940 : vector<16xi32>
      %parallel_loop3A_942 = arith.addf %parallel_loop3A_866, %parallel_loop3A_938 : vector<16xf32>
      %parallel_loop3A_943 = arith.constant 0.000000e+00 : f32
      %parallel_loop3A_944 = vector.broadcast %parallel_loop3A_943 : f32 to vector<16xf32>
      %parallel_loop3A_945 = arith.select %parallel_loop3A_941, %parallel_loop3A_938, %parallel_loop3A_944 : vector<16xi1>, vector<16xf32>
      %parallel_loop3A_946 = arith.addf %parallel_loop3A_870, %parallel_loop3A_945 : vector<16xf32>
      %parallel_loop3A_947 = arith.constant 1.000000e+00 : f32
      %parallel_loop3A_948 = arith.constant 0.000000e+00 : f32
      %parallel_loop3A_949 = vector.broadcast %parallel_loop3A_947 : f32 to vector<16xf32>
      %parallel_loop3A_950 = vector.broadcast %parallel_loop3A_948 : f32 to vector<16xf32>
      %parallel_loop3A_951 = arith.select %parallel_loop3A_941, %parallel_loop3A_949, %parallel_loop3A_950 : vector<16xi1>, vector<16xf32>
      %parallel_loop3A_952 = arith.addf %parallel_loop3A_876, %parallel_loop3A_951 : vector<16xf32>
      %parallel_loop3A_953 = arith.index_cast %parallel_loop3A_636 : i32 to index
      %parallel_loop3A_954 = arith.constant 64 : index
      %parallel_loop3A_955 = tpu.vector_load %arg7[%parallel_loop3A_953, %parallel_loop3A_954] {strides = array<i32>} : memref<32x128xi32, #tpu.memory_space<vmem>>, vector<1x16xi32>,
      %parallel_loop3A_956 = vector.shape_cast %parallel_loop3A_955 : vector<1x16xi32> to vector<16xi32>
      %parallel_loop3A_957 = arith.index_cast %parallel_loop3A_636 : i32 to index
      %parallel_loop3A_958 = arith.constant 64 : index
      %parallel_loop3A_959 = tpu.vector_load %arg8[%parallel_loop3A_957, %parallel_loop3A_958] {strides = array<i32>} : memref<32x128xf32, #tpu.memory_space<vmem>>, vector<1x16xf32>,
      %parallel_loop3A_960 = vector.shape_cast %parallel_loop3A_959 : vector<1x16xf32> to vector<16xf32>
      %parallel_loop3A_961 = arith.constant 0 : i32
      %parallel_loop3A_962 = vector.broadcast %parallel_loop3A_961 : i32 to vector<16xi32>
      %parallel_loop3A_963 = arith.cmpi eq, %parallel_loop3A_956, %parallel_loop3A_962 : vector<16xi32>
      %parallel_loop3A_964 = arith.addf %parallel_loop3A_888, %parallel_loop3A_960 : vector<16xf32>
      %parallel_loop3A_965 = arith.constant 0.000000e+00 : f32
      %parallel_loop3A_966 = vector.broadcast %parallel_loop3A_965 : f32 to vector<16xf32>
      %parallel_loop3A_967 = arith.select %parallel_loop3A_963, %parallel_loop3A_960, %parallel_loop3A_966 : vector<16xi1>, vector<16xf32>
      %parallel_loop3A_968 = arith.addf %parallel_loop3A_892, %parallel_loop3A_967 : vector<16xf32>
      %parallel_loop3A_969 = arith.constant 1.000000e+00 : f32
      %parallel_loop3A_970 = arith.constant 0.000000e+00 : f32
      %parallel_loop3A_971 = vector.broadcast %parallel_loop3A_969 : f32 to vector<16xf32>
      %parallel_loop3A_972 = vector.broadcast %parallel_loop3A_970 : f32 to vector<16xf32>
      %parallel_loop3A_973 = arith.select %parallel_loop3A_963, %parallel_loop3A_971, %parallel_loop3A_972 : vector<16xi1>, vector<16xf32>
      %parallel_loop3A_974 = arith.addf %parallel_loop3A_898, %parallel_loop3A_973 : vector<16xf32>
      %parallel_loop3A_975 = arith.index_cast %parallel_loop3A_636 : i32 to index
      %parallel_loop3A_976 = arith.constant 64 : index
      %parallel_loop3A_977 = tpu.vector_load %arg9[%parallel_loop3A_975, %parallel_loop3A_976] {strides = array<i32>} : memref<32x128xf32, #tpu.memory_space<vmem>>, vector<1x16xf32>,
      %parallel_loop3A_978 = vector.shape_cast %parallel_loop3A_977 : vector<1x16xf32> to vector<16xf32>
      %parallel_loop3A_979 = arith.constant 1 : i32
      %parallel_loop3A_980 = vector.broadcast %parallel_loop3A_979 : i32 to vector<16xi32>
      %parallel_loop3A_981 = arith.cmpi eq, %parallel_loop3A_956, %parallel_loop3A_980 : vector<16xi32>
      %parallel_loop3A_982 = arith.addf %parallel_loop3A_906, %parallel_loop3A_978 : vector<16xf32>
      %parallel_loop3A_983 = arith.constant 0.000000e+00 : f32
      %parallel_loop3A_984 = vector.broadcast %parallel_loop3A_983 : f32 to vector<16xf32>
      %parallel_loop3A_985 = arith.select %parallel_loop3A_981, %parallel_loop3A_978, %parallel_loop3A_984 : vector<16xi1>, vector<16xf32>
      %parallel_loop3A_986 = arith.addf %parallel_loop3A_910, %parallel_loop3A_985 : vector<16xf32>
      %parallel_loop3A_987 = arith.constant 1.000000e+00 : f32
      %parallel_loop3A_988 = arith.constant 0.000000e+00 : f32
      %parallel_loop3A_989 = vector.broadcast %parallel_loop3A_987 : f32 to vector<16xf32>
      %parallel_loop3A_990 = vector.broadcast %parallel_loop3A_988 : f32 to vector<16xf32>
      %parallel_loop3A_991 = arith.select %parallel_loop3A_981, %parallel_loop3A_989, %parallel_loop3A_990 : vector<16xi1>, vector<16xf32>
      %parallel_loop3A_992 = arith.addf %parallel_loop3A_916, %parallel_loop3A_991 : vector<16xf32>
      %parallel_loop3A_993 = arith.index_cast %parallel_loop3A_636 : i32 to index
      %parallel_loop3A_994 = arith.constant 64 : index
      %parallel_loop3A_995 = tpu.vector_load %arg10[%parallel_loop3A_993, %parallel_loop3A_994] {strides = array<i32>} : memref<32x128xf32, #tpu.memory_space<vmem>>, vector<1x16xf32>,
      %parallel_loop3A_996 = vector.shape_cast %parallel_loop3A_995 : vector<1x16xf32> to vector<16xf32>
      %parallel_loop3A_997 = arith.constant 2 : i32
      %parallel_loop3A_998 = vector.broadcast %parallel_loop3A_997 : i32 to vector<16xi32>
      %parallel_loop3A_999 = arith.cmpi eq, %parallel_loop3A_956, %parallel_loop3A_998 : vector<16xi32>
      %parallel_loop3A_1000 = arith.addf %parallel_loop3A_924, %parallel_loop3A_996 : vector<16xf32>
      %parallel_loop3A_1001 = arith.constant 0.000000e+00 : f32
      %parallel_loop3A_1002 = vector.broadcast %parallel_loop3A_1001 : f32 to vector<16xf32>
      %parallel_loop3A_1003 = arith.select %parallel_loop3A_999, %parallel_loop3A_996, %parallel_loop3A_1002 : vector<16xi1>, vector<16xf32>
      %parallel_loop3A_1004 = arith.addf %parallel_loop3A_928, %parallel_loop3A_1003 : vector<16xf32>
      %parallel_loop3A_1005 = arith.constant 1.000000e+00 : f32
      %parallel_loop3A_1006 = arith.constant 0.000000e+00 : f32
      %parallel_loop3A_1007 = vector.broadcast %parallel_loop3A_1005 : f32 to vector<16xf32>
      %parallel_loop3A_1008 = vector.broadcast %parallel_loop3A_1006 : f32 to vector<16xf32>
      %parallel_loop3A_1009 = arith.select %parallel_loop3A_999, %parallel_loop3A_1007, %parallel_loop3A_1008 : vector<16xi1>, vector<16xf32>
      %parallel_loop3A_1010 = arith.addf %parallel_loop3A_934, %parallel_loop3A_1009 : vector<16xf32>
      %parallel_loop3A_1011 = arith.index_cast %parallel_loop3A_636 : i32 to index
      %parallel_loop3A_1012 = arith.constant 64 : index
      %parallel_loop3A_1013 = tpu.vector_load %arg11[%parallel_loop3A_1011, %parallel_loop3A_1012] {strides = array<i32>} : memref<32x128xf32, #tpu.memory_space<vmem>>, vector<1x16xf32>,
      %parallel_loop3A_1014 = vector.shape_cast %parallel_loop3A_1013 : vector<1x16xf32> to vector<16xf32>
      %parallel_loop3A_1015 = arith.constant 3 : i32
      %parallel_loop3A_1016 = vector.broadcast %parallel_loop3A_1015 : i32 to vector<16xi32>
      %parallel_loop3A_1017 = arith.cmpi eq, %parallel_loop3A_956, %parallel_loop3A_1016 : vector<16xi32>
      %parallel_loop3A_1018 = arith.addf %parallel_loop3A_942, %parallel_loop3A_1014 : vector<16xf32>
      %parallel_loop3A_1019 = arith.constant 0.000000e+00 : f32
      %parallel_loop3A_1020 = vector.broadcast %parallel_loop3A_1019 : f32 to vector<16xf32>
      %parallel_loop3A_1021 = arith.select %parallel_loop3A_1017, %parallel_loop3A_1014, %parallel_loop3A_1020 : vector<16xi1>, vector<16xf32>
      %parallel_loop3A_1022 = arith.addf %parallel_loop3A_946, %parallel_loop3A_1021 : vector<16xf32>
      %parallel_loop3A_1023 = arith.constant 1.000000e+00 : f32
      %parallel_loop3A_1024 = arith.constant 0.000000e+00 : f32
      %parallel_loop3A_1025 = vector.broadcast %parallel_loop3A_1023 : f32 to vector<16xf32>
      %parallel_loop3A_1026 = vector.broadcast %parallel_loop3A_1024 : f32 to vector<16xf32>
      %parallel_loop3A_1027 = arith.select %parallel_loop3A_1017, %parallel_loop3A_1025, %parallel_loop3A_1026 : vector<16xi1>, vector<16xf32>
      %parallel_loop3A_1028 = arith.addf %parallel_loop3A_952, %parallel_loop3A_1027 : vector<16xf32>
      %parallel_loop3A_1029 = arith.index_cast %parallel_loop3A_636 : i32 to index
      %parallel_loop3A_1030 = arith.constant 80 : index
      %parallel_loop3A_1031 = tpu.vector_load %arg7[%parallel_loop3A_1029, %parallel_loop3A_1030] {strides = array<i32>} : memref<32x128xi32, #tpu.memory_space<vmem>>, vector<1x16xi32>,
      %parallel_loop3A_1032 = vector.shape_cast %parallel_loop3A_1031 : vector<1x16xi32> to vector<16xi32>
      %parallel_loop3A_1033 = arith.index_cast %parallel_loop3A_636 : i32 to index
      %parallel_loop3A_1034 = arith.constant 80 : index
      %parallel_loop3A_1035 = tpu.vector_load %arg8[%parallel_loop3A_1033, %parallel_loop3A_1034] {strides = array<i32>} : memref<32x128xf32, #tpu.memory_space<vmem>>, vector<1x16xf32>,
      %parallel_loop3A_1036 = vector.shape_cast %parallel_loop3A_1035 : vector<1x16xf32> to vector<16xf32>
      %parallel_loop3A_1037 = arith.constant 0 : i32
      %parallel_loop3A_1038 = vector.broadcast %parallel_loop3A_1037 : i32 to vector<16xi32>
      %parallel_loop3A_1039 = arith.cmpi eq, %parallel_loop3A_1032, %parallel_loop3A_1038 : vector<16xi32>
      %parallel_loop3A_1040 = arith.addf %parallel_loop3A_964, %parallel_loop3A_1036 : vector<16xf32>
      %parallel_loop3A_1041 = arith.constant 0.000000e+00 : f32
      %parallel_loop3A_1042 = vector.broadcast %parallel_loop3A_1041 : f32 to vector<16xf32>
      %parallel_loop3A_1043 = arith.select %parallel_loop3A_1039, %parallel_loop3A_1036, %parallel_loop3A_1042 : vector<16xi1>, vector<16xf32>
      %parallel_loop3A_1044 = arith.addf %parallel_loop3A_968, %parallel_loop3A_1043 : vector<16xf32>
      %parallel_loop3A_1045 = arith.constant 1.000000e+00 : f32
      %parallel_loop3A_1046 = arith.constant 0.000000e+00 : f32
      %parallel_loop3A_1047 = vector.broadcast %parallel_loop3A_1045 : f32 to vector<16xf32>
      %parallel_loop3A_1048 = vector.broadcast %parallel_loop3A_1046 : f32 to vector<16xf32>
      %parallel_loop3A_1049 = arith.select %parallel_loop3A_1039, %parallel_loop3A_1047, %parallel_loop3A_1048 : vector<16xi1>, vector<16xf32>
      %parallel_loop3A_1050 = arith.addf %parallel_loop3A_974, %parallel_loop3A_1049 : vector<16xf32>
      %parallel_loop3A_1051 = arith.index_cast %parallel_loop3A_636 : i32 to index
      %parallel_loop3A_1052 = arith.constant 80 : index
      %parallel_loop3A_1053 = tpu.vector_load %arg9[%parallel_loop3A_1051, %parallel_loop3A_1052] {strides = array<i32>} : memref<32x128xf32, #tpu.memory_space<vmem>>, vector<1x16xf32>,
      %parallel_loop3A_1054 = vector.shape_cast %parallel_loop3A_1053 : vector<1x16xf32> to vector<16xf32>
      %parallel_loop3A_1055 = arith.constant 1 : i32
      %parallel_loop3A_1056 = vector.broadcast %parallel_loop3A_1055 : i32 to vector<16xi32>
      %parallel_loop3A_1057 = arith.cmpi eq, %parallel_loop3A_1032, %parallel_loop3A_1056 : vector<16xi32>
      %parallel_loop3A_1058 = arith.addf %parallel_loop3A_982, %parallel_loop3A_1054 : vector<16xf32>
      %parallel_loop3A_1059 = arith.constant 0.000000e+00 : f32
      %parallel_loop3A_1060 = vector.broadcast %parallel_loop3A_1059 : f32 to vector<16xf32>
      %parallel_loop3A_1061 = arith.select %parallel_loop3A_1057, %parallel_loop3A_1054, %parallel_loop3A_1060 : vector<16xi1>, vector<16xf32>
      %parallel_loop3A_1062 = arith.addf %parallel_loop3A_986, %parallel_loop3A_1061 : vector<16xf32>
      %parallel_loop3A_1063 = arith.constant 1.000000e+00 : f32
      %parallel_loop3A_1064 = arith.constant 0.000000e+00 : f32
      %parallel_loop3A_1065 = vector.broadcast %parallel_loop3A_1063 : f32 to vector<16xf32>
      %parallel_loop3A_1066 = vector.broadcast %parallel_loop3A_1064 : f32 to vector<16xf32>
      %parallel_loop3A_1067 = arith.select %parallel_loop3A_1057, %parallel_loop3A_1065, %parallel_loop3A_1066 : vector<16xi1>, vector<16xf32>
      %parallel_loop3A_1068 = arith.addf %parallel_loop3A_992, %parallel_loop3A_1067 : vector<16xf32>
      %parallel_loop3A_1069 = arith.index_cast %parallel_loop3A_636 : i32 to index
      %parallel_loop3A_1070 = arith.constant 80 : index
      %parallel_loop3A_1071 = tpu.vector_load %arg10[%parallel_loop3A_1069, %parallel_loop3A_1070] {strides = array<i32>} : memref<32x128xf32, #tpu.memory_space<vmem>>, vector<1x16xf32>,
      %parallel_loop3A_1072 = vector.shape_cast %parallel_loop3A_1071 : vector<1x16xf32> to vector<16xf32>
      %parallel_loop3A_1073 = arith.constant 2 : i32
      %parallel_loop3A_1074 = vector.broadcast %parallel_loop3A_1073 : i32 to vector<16xi32>
      %parallel_loop3A_1075 = arith.cmpi eq, %parallel_loop3A_1032, %parallel_loop3A_1074 : vector<16xi32>
      %parallel_loop3A_1076 = arith.addf %parallel_loop3A_1000, %parallel_loop3A_1072 : vector<16xf32>
      %parallel_loop3A_1077 = arith.constant 0.000000e+00 : f32
      %parallel_loop3A_1078 = vector.broadcast %parallel_loop3A_1077 : f32 to vector<16xf32>
      %parallel_loop3A_1079 = arith.select %parallel_loop3A_1075, %parallel_loop3A_1072, %parallel_loop3A_1078 : vector<16xi1>, vector<16xf32>
      %parallel_loop3A_1080 = arith.addf %parallel_loop3A_1004, %parallel_loop3A_1079 : vector<16xf32>
      %parallel_loop3A_1081 = arith.constant 1.000000e+00 : f32
      %parallel_loop3A_1082 = arith.constant 0.000000e+00 : f32
      %parallel_loop3A_1083 = vector.broadcast %parallel_loop3A_1081 : f32 to vector<16xf32>
      %parallel_loop3A_1084 = vector.broadcast %parallel_loop3A_1082 : f32 to vector<16xf32>
      %parallel_loop3A_1085 = arith.select %parallel_loop3A_1075, %parallel_loop3A_1083, %parallel_loop3A_1084 : vector<16xi1>, vector<16xf32>
      %parallel_loop3A_1086 = arith.addf %parallel_loop3A_1010, %parallel_loop3A_1085 : vector<16xf32>
      %parallel_loop3A_1087 = arith.index_cast %parallel_loop3A_636 : i32 to index
      %parallel_loop3A_1088 = arith.constant 80 : index
      %parallel_loop3A_1089 = tpu.vector_load %arg11[%parallel_loop3A_1087, %parallel_loop3A_1088] {strides = array<i32>} : memref<32x128xf32, #tpu.memory_space<vmem>>, vector<1x16xf32>,
      %parallel_loop3A_1090 = vector.shape_cast %parallel_loop3A_1089 : vector<1x16xf32> to vector<16xf32>
      %parallel_loop3A_1091 = arith.constant 3 : i32
      %parallel_loop3A_1092 = vector.broadcast %parallel_loop3A_1091 : i32 to vector<16xi32>
      %parallel_loop3A_1093 = arith.cmpi eq, %parallel_loop3A_1032, %parallel_loop3A_1092 : vector<16xi32>
      %parallel_loop3A_1094 = arith.addf %parallel_loop3A_1018, %parallel_loop3A_1090 : vector<16xf32>
      %parallel_loop3A_1095 = arith.constant 0.000000e+00 : f32
      %parallel_loop3A_1096 = vector.broadcast %parallel_loop3A_1095 : f32 to vector<16xf32>
      %parallel_loop3A_1097 = arith.select %parallel_loop3A_1093, %parallel_loop3A_1090, %parallel_loop3A_1096 : vector<16xi1>, vector<16xf32>
      %parallel_loop3A_1098 = arith.addf %parallel_loop3A_1022, %parallel_loop3A_1097 : vector<16xf32>
      %parallel_loop3A_1099 = arith.constant 1.000000e+00 : f32
      %parallel_loop3A_1100 = arith.constant 0.000000e+00 : f32
      %parallel_loop3A_1101 = vector.broadcast %parallel_loop3A_1099 : f32 to vector<16xf32>
      %parallel_loop3A_1102 = vector.broadcast %parallel_loop3A_1100 : f32 to vector<16xf32>
      %parallel_loop3A_1103 = arith.select %parallel_loop3A_1093, %parallel_loop3A_1101, %parallel_loop3A_1102 : vector<16xi1>, vector<16xf32>
      %parallel_loop3A_1104 = arith.addf %parallel_loop3A_1028, %parallel_loop3A_1103 : vector<16xf32>
      %parallel_loop3A_1105 = arith.index_cast %parallel_loop3A_636 : i32 to index
      %parallel_loop3A_1106 = arith.constant 96 : index
      %parallel_loop3A_1107 = tpu.vector_load %arg7[%parallel_loop3A_1105, %parallel_loop3A_1106] {strides = array<i32>} : memref<32x128xi32, #tpu.memory_space<vmem>>, vector<1x16xi32>,
      %parallel_loop3A_1108 = vector.shape_cast %parallel_loop3A_1107 : vector<1x16xi32> to vector<16xi32>
      %parallel_loop3A_1109 = arith.index_cast %parallel_loop3A_636 : i32 to index
      %parallel_loop3A_1110 = arith.constant 96 : index
      %parallel_loop3A_1111 = tpu.vector_load %arg8[%parallel_loop3A_1109, %parallel_loop3A_1110] {strides = array<i32>} : memref<32x128xf32, #tpu.memory_space<vmem>>, vector<1x16xf32>,
      %parallel_loop3A_1112 = vector.shape_cast %parallel_loop3A_1111 : vector<1x16xf32> to vector<16xf32>
      %parallel_loop3A_1113 = arith.constant 0 : i32
      %parallel_loop3A_1114 = vector.broadcast %parallel_loop3A_1113 : i32 to vector<16xi32>
      %parallel_loop3A_1115 = arith.cmpi eq, %parallel_loop3A_1108, %parallel_loop3A_1114 : vector<16xi32>
      %parallel_loop3A_1116 = arith.addf %parallel_loop3A_1040, %parallel_loop3A_1112 : vector<16xf32>
      %parallel_loop3A_1117 = arith.constant 0.000000e+00 : f32
      %parallel_loop3A_1118 = vector.broadcast %parallel_loop3A_1117 : f32 to vector<16xf32>
      %parallel_loop3A_1119 = arith.select %parallel_loop3A_1115, %parallel_loop3A_1112, %parallel_loop3A_1118 : vector<16xi1>, vector<16xf32>
      %parallel_loop3A_1120 = arith.addf %parallel_loop3A_1044, %parallel_loop3A_1119 : vector<16xf32>
      %parallel_loop3A_1121 = arith.constant 1.000000e+00 : f32
      %parallel_loop3A_1122 = arith.constant 0.000000e+00 : f32
      %parallel_loop3A_1123 = vector.broadcast %parallel_loop3A_1121 : f32 to vector<16xf32>
      %parallel_loop3A_1124 = vector.broadcast %parallel_loop3A_1122 : f32 to vector<16xf32>
      %parallel_loop3A_1125 = arith.select %parallel_loop3A_1115, %parallel_loop3A_1123, %parallel_loop3A_1124 : vector<16xi1>, vector<16xf32>
      %parallel_loop3A_1126 = arith.addf %parallel_loop3A_1050, %parallel_loop3A_1125 : vector<16xf32>
      %parallel_loop3A_1127 = arith.index_cast %parallel_loop3A_636 : i32 to index
      %parallel_loop3A_1128 = arith.constant 96 : index
      %parallel_loop3A_1129 = tpu.vector_load %arg9[%parallel_loop3A_1127, %parallel_loop3A_1128] {strides = array<i32>} : memref<32x128xf32, #tpu.memory_space<vmem>>, vector<1x16xf32>,
      %parallel_loop3A_1130 = vector.shape_cast %parallel_loop3A_1129 : vector<1x16xf32> to vector<16xf32>
      %parallel_loop3A_1131 = arith.constant 1 : i32
      %parallel_loop3A_1132 = vector.broadcast %parallel_loop3A_1131 : i32 to vector<16xi32>
      %parallel_loop3A_1133 = arith.cmpi eq, %parallel_loop3A_1108, %parallel_loop3A_1132 : vector<16xi32>
      %parallel_loop3A_1134 = arith.addf %parallel_loop3A_1058, %parallel_loop3A_1130 : vector<16xf32>
      %parallel_loop3A_1135 = arith.constant 0.000000e+00 : f32
      %parallel_loop3A_1136 = vector.broadcast %parallel_loop3A_1135 : f32 to vector<16xf32>
      %parallel_loop3A_1137 = arith.select %parallel_loop3A_1133, %parallel_loop3A_1130, %parallel_loop3A_1136 : vector<16xi1>, vector<16xf32>
      %parallel_loop3A_1138 = arith.addf %parallel_loop3A_1062, %parallel_loop3A_1137 : vector<16xf32>
      %parallel_loop3A_1139 = arith.constant 1.000000e+00 : f32
      %parallel_loop3A_1140 = arith.constant 0.000000e+00 : f32
      %parallel_loop3A_1141 = vector.broadcast %parallel_loop3A_1139 : f32 to vector<16xf32>
      %parallel_loop3A_1142 = vector.broadcast %parallel_loop3A_1140 : f32 to vector<16xf32>
      %parallel_loop3A_1143 = arith.select %parallel_loop3A_1133, %parallel_loop3A_1141, %parallel_loop3A_1142 : vector<16xi1>, vector<16xf32>
      %parallel_loop3A_1144 = arith.addf %parallel_loop3A_1068, %parallel_loop3A_1143 : vector<16xf32>
      %parallel_loop3A_1145 = arith.index_cast %parallel_loop3A_636 : i32 to index
      %parallel_loop3A_1146 = arith.constant 96 : index
      %parallel_loop3A_1147 = tpu.vector_load %arg10[%parallel_loop3A_1145, %parallel_loop3A_1146] {strides = array<i32>} : memref<32x128xf32, #tpu.memory_space<vmem>>, vector<1x16xf32>,
      %parallel_loop3A_1148 = vector.shape_cast %parallel_loop3A_1147 : vector<1x16xf32> to vector<16xf32>
      %parallel_loop3A_1149 = arith.constant 2 : i32
      %parallel_loop3A_1150 = vector.broadcast %parallel_loop3A_1149 : i32 to vector<16xi32>
      %parallel_loop3A_1151 = arith.cmpi eq, %parallel_loop3A_1108, %parallel_loop3A_1150 : vector<16xi32>
      %parallel_loop3A_1152 = arith.addf %parallel_loop3A_1076, %parallel_loop3A_1148 : vector<16xf32>
      %parallel_loop3A_1153 = arith.constant 0.000000e+00 : f32
      %parallel_loop3A_1154 = vector.broadcast %parallel_loop3A_1153 : f32 to vector<16xf32>
      %parallel_loop3A_1155 = arith.select %parallel_loop3A_1151, %parallel_loop3A_1148, %parallel_loop3A_1154 : vector<16xi1>, vector<16xf32>
      %parallel_loop3A_1156 = arith.addf %parallel_loop3A_1080, %parallel_loop3A_1155 : vector<16xf32>
      %parallel_loop3A_1157 = arith.constant 1.000000e+00 : f32
      %parallel_loop3A_1158 = arith.constant 0.000000e+00 : f32
      %parallel_loop3A_1159 = vector.broadcast %parallel_loop3A_1157 : f32 to vector<16xf32>
      %parallel_loop3A_1160 = vector.broadcast %parallel_loop3A_1158 : f32 to vector<16xf32>
      %parallel_loop3A_1161 = arith.select %parallel_loop3A_1151, %parallel_loop3A_1159, %parallel_loop3A_1160 : vector<16xi1>, vector<16xf32>
      %parallel_loop3A_1162 = arith.addf %parallel_loop3A_1086, %parallel_loop3A_1161 : vector<16xf32>
      %parallel_loop3A_1163 = arith.index_cast %parallel_loop3A_636 : i32 to index
      %parallel_loop3A_1164 = arith.constant 96 : index
      %parallel_loop3A_1165 = tpu.vector_load %arg11[%parallel_loop3A_1163, %parallel_loop3A_1164] {strides = array<i32>} : memref<32x128xf32, #tpu.memory_space<vmem>>, vector<1x16xf32>,
      %parallel_loop3A_1166 = vector.shape_cast %parallel_loop3A_1165 : vector<1x16xf32> to vector<16xf32>
      %parallel_loop3A_1167 = arith.constant 3 : i32
      %parallel_loop3A_1168 = vector.broadcast %parallel_loop3A_1167 : i32 to vector<16xi32>
      %parallel_loop3A_1169 = arith.cmpi eq, %parallel_loop3A_1108, %parallel_loop3A_1168 : vector<16xi32>
      %parallel_loop3A_1170 = arith.addf %parallel_loop3A_1094, %parallel_loop3A_1166 : vector<16xf32>
      %parallel_loop3A_1171 = arith.constant 0.000000e+00 : f32
      %parallel_loop3A_1172 = vector.broadcast %parallel_loop3A_1171 : f32 to vector<16xf32>
      %parallel_loop3A_1173 = arith.select %parallel_loop3A_1169, %parallel_loop3A_1166, %parallel_loop3A_1172 : vector<16xi1>, vector<16xf32>
      %parallel_loop3A_1174 = arith.addf %parallel_loop3A_1098, %parallel_loop3A_1173 : vector<16xf32>
      %parallel_loop3A_1175 = arith.constant 1.000000e+00 : f32
      %parallel_loop3A_1176 = arith.constant 0.000000e+00 : f32
      %parallel_loop3A_1177 = vector.broadcast %parallel_loop3A_1175 : f32 to vector<16xf32>
      %parallel_loop3A_1178 = vector.broadcast %parallel_loop3A_1176 : f32 to vector<16xf32>
      %parallel_loop3A_1179 = arith.select %parallel_loop3A_1169, %parallel_loop3A_1177, %parallel_loop3A_1178 : vector<16xi1>, vector<16xf32>
      %parallel_loop3A_1180 = arith.addf %parallel_loop3A_1104, %parallel_loop3A_1179 : vector<16xf32>
      %parallel_loop3A_1181 = arith.index_cast %parallel_loop3A_636 : i32 to index
      %parallel_loop3A_1182 = arith.constant 112 : index
      %parallel_loop3A_1183 = tpu.vector_load %arg7[%parallel_loop3A_1181, %parallel_loop3A_1182] {strides = array<i32>} : memref<32x128xi32, #tpu.memory_space<vmem>>, vector<1x16xi32>,
      %parallel_loop3A_1184 = vector.shape_cast %parallel_loop3A_1183 : vector<1x16xi32> to vector<16xi32>
      %parallel_loop3A_1185 = arith.index_cast %parallel_loop3A_636 : i32 to index
      %parallel_loop3A_1186 = arith.constant 112 : index
      %parallel_loop3A_1187 = tpu.vector_load %arg8[%parallel_loop3A_1185, %parallel_loop3A_1186] {strides = array<i32>} : memref<32x128xf32, #tpu.memory_space<vmem>>, vector<1x16xf32>,
      %parallel_loop3A_1188 = vector.shape_cast %parallel_loop3A_1187 : vector<1x16xf32> to vector<16xf32>
      %parallel_loop3A_1189 = arith.constant 0 : i32
      %parallel_loop3A_1190 = vector.broadcast %parallel_loop3A_1189 : i32 to vector<16xi32>
      %parallel_loop3A_1191 = arith.cmpi eq, %parallel_loop3A_1184, %parallel_loop3A_1190 : vector<16xi32>
      %parallel_loop3A_1192 = arith.addf %parallel_loop3A_1116, %parallel_loop3A_1188 : vector<16xf32>
      %parallel_loop3A_1193 = arith.constant 0.000000e+00 : f32
      %parallel_loop3A_1194 = vector.broadcast %parallel_loop3A_1193 : f32 to vector<16xf32>
      %parallel_loop3A_1195 = arith.select %parallel_loop3A_1191, %parallel_loop3A_1188, %parallel_loop3A_1194 : vector<16xi1>, vector<16xf32>
      %parallel_loop3A_1196 = arith.addf %parallel_loop3A_1120, %parallel_loop3A_1195 : vector<16xf32>
      %parallel_loop3A_1197 = arith.constant 1.000000e+00 : f32
      %parallel_loop3A_1198 = arith.constant 0.000000e+00 : f32
      %parallel_loop3A_1199 = vector.broadcast %parallel_loop3A_1197 : f32 to vector<16xf32>
      %parallel_loop3A_1200 = vector.broadcast %parallel_loop3A_1198 : f32 to vector<16xf32>
      %parallel_loop3A_1201 = arith.select %parallel_loop3A_1191, %parallel_loop3A_1199, %parallel_loop3A_1200 : vector<16xi1>, vector<16xf32>
      %parallel_loop3A_1202 = arith.addf %parallel_loop3A_1126, %parallel_loop3A_1201 : vector<16xf32>
      %parallel_loop3A_1203 = arith.index_cast %parallel_loop3A_636 : i32 to index
      %parallel_loop3A_1204 = arith.constant 112 : index
      %parallel_loop3A_1205 = tpu.vector_load %arg9[%parallel_loop3A_1203, %parallel_loop3A_1204] {strides = array<i32>} : memref<32x128xf32, #tpu.memory_space<vmem>>, vector<1x16xf32>,
      %parallel_loop3A_1206 = vector.shape_cast %parallel_loop3A_1205 : vector<1x16xf32> to vector<16xf32>
      %parallel_loop3A_1207 = arith.constant 1 : i32
      %parallel_loop3A_1208 = vector.broadcast %parallel_loop3A_1207 : i32 to vector<16xi32>
      %parallel_loop3A_1209 = arith.cmpi eq, %parallel_loop3A_1184, %parallel_loop3A_1208 : vector<16xi32>
      %parallel_loop3A_1210 = arith.addf %parallel_loop3A_1134, %parallel_loop3A_1206 : vector<16xf32>
      %parallel_loop3A_1211 = arith.constant 0.000000e+00 : f32
      %parallel_loop3A_1212 = vector.broadcast %parallel_loop3A_1211 : f32 to vector<16xf32>
      %parallel_loop3A_1213 = arith.select %parallel_loop3A_1209, %parallel_loop3A_1206, %parallel_loop3A_1212 : vector<16xi1>, vector<16xf32>
      %parallel_loop3A_1214 = arith.addf %parallel_loop3A_1138, %parallel_loop3A_1213 : vector<16xf32>
      %parallel_loop3A_1215 = arith.constant 1.000000e+00 : f32
      %parallel_loop3A_1216 = arith.constant 0.000000e+00 : f32
      %parallel_loop3A_1217 = vector.broadcast %parallel_loop3A_1215 : f32 to vector<16xf32>
      %parallel_loop3A_1218 = vector.broadcast %parallel_loop3A_1216 : f32 to vector<16xf32>
      %parallel_loop3A_1219 = arith.select %parallel_loop3A_1209, %parallel_loop3A_1217, %parallel_loop3A_1218 : vector<16xi1>, vector<16xf32>
      %parallel_loop3A_1220 = arith.addf %parallel_loop3A_1144, %parallel_loop3A_1219 : vector<16xf32>
      %parallel_loop3A_1221 = arith.index_cast %parallel_loop3A_636 : i32 to index
      %parallel_loop3A_1222 = arith.constant 112 : index
      %parallel_loop3A_1223 = tpu.vector_load %arg10[%parallel_loop3A_1221, %parallel_loop3A_1222] {strides = array<i32>} : memref<32x128xf32, #tpu.memory_space<vmem>>, vector<1x16xf32>,
      %parallel_loop3A_1224 = vector.shape_cast %parallel_loop3A_1223 : vector<1x16xf32> to vector<16xf32>
      %parallel_loop3A_1225 = arith.constant 2 : i32
      %parallel_loop3A_1226 = vector.broadcast %parallel_loop3A_1225 : i32 to vector<16xi32>
      %parallel_loop3A_1227 = arith.cmpi eq, %parallel_loop3A_1184, %parallel_loop3A_1226 : vector<16xi32>
      %parallel_loop3A_1228 = arith.addf %parallel_loop3A_1152, %parallel_loop3A_1224 : vector<16xf32>
      %parallel_loop3A_1229 = arith.constant 0.000000e+00 : f32
      %parallel_loop3A_1230 = vector.broadcast %parallel_loop3A_1229 : f32 to vector<16xf32>
      %parallel_loop3A_1231 = arith.select %parallel_loop3A_1227, %parallel_loop3A_1224, %parallel_loop3A_1230 : vector<16xi1>, vector<16xf32>
      %parallel_loop3A_1232 = arith.addf %parallel_loop3A_1156, %parallel_loop3A_1231 : vector<16xf32>
      %parallel_loop3A_1233 = arith.constant 1.000000e+00 : f32
      %parallel_loop3A_1234 = arith.constant 0.000000e+00 : f32
      %parallel_loop3A_1235 = vector.broadcast %parallel_loop3A_1233 : f32 to vector<16xf32>
      %parallel_loop3A_1236 = vector.broadcast %parallel_loop3A_1234 : f32 to vector<16xf32>
      %parallel_loop3A_1237 = arith.select %parallel_loop3A_1227, %parallel_loop3A_1235, %parallel_loop3A_1236 : vector<16xi1>, vector<16xf32>
      %parallel_loop3A_1238 = arith.addf %parallel_loop3A_1162, %parallel_loop3A_1237 : vector<16xf32>
      %parallel_loop3A_1239 = arith.index_cast %parallel_loop3A_636 : i32 to index
      %parallel_loop3A_1240 = arith.constant 112 : index
      %parallel_loop3A_1241 = tpu.vector_load %arg11[%parallel_loop3A_1239, %parallel_loop3A_1240] {strides = array<i32>} : memref<32x128xf32, #tpu.memory_space<vmem>>, vector<1x16xf32>,
      %parallel_loop3A_1242 = vector.shape_cast %parallel_loop3A_1241 : vector<1x16xf32> to vector<16xf32>
      %parallel_loop3A_1243 = arith.constant 3 : i32
      %parallel_loop3A_1244 = vector.broadcast %parallel_loop3A_1243 : i32 to vector<16xi32>
      %parallel_loop3A_1245 = arith.cmpi eq, %parallel_loop3A_1184, %parallel_loop3A_1244 : vector<16xi32>
      %parallel_loop3A_1246 = arith.addf %parallel_loop3A_1170, %parallel_loop3A_1242 : vector<16xf32>
      %parallel_loop3A_1247 = arith.constant 0.000000e+00 : f32
      %parallel_loop3A_1248 = vector.broadcast %parallel_loop3A_1247 : f32 to vector<16xf32>
      %parallel_loop3A_1249 = arith.select %parallel_loop3A_1245, %parallel_loop3A_1242, %parallel_loop3A_1248 : vector<16xi1>, vector<16xf32>
      %parallel_loop3A_1250 = arith.addf %parallel_loop3A_1174, %parallel_loop3A_1249 : vector<16xf32>
      %parallel_loop3A_1251 = arith.constant 1.000000e+00 : f32
      %parallel_loop3A_1252 = arith.constant 0.000000e+00 : f32
      %parallel_loop3A_1253 = vector.broadcast %parallel_loop3A_1251 : f32 to vector<16xf32>
      %parallel_loop3A_1254 = vector.broadcast %parallel_loop3A_1252 : f32 to vector<16xf32>
      %parallel_loop3A_1255 = arith.select %parallel_loop3A_1245, %parallel_loop3A_1253, %parallel_loop3A_1254 : vector<16xi1>, vector<16xf32>
      %parallel_loop3A_1256 = arith.addf %parallel_loop3A_1180, %parallel_loop3A_1255 : vector<16xf32>
      scf.yield %parallel_loop3A_1192, %parallel_loop3A_1210, %parallel_loop3A_1228, %parallel_loop3A_1246, %parallel_loop3A_1196, %parallel_loop3A_1214, %parallel_loop3A_1232, %parallel_loop3A_1250, %parallel_loop3A_1202, %parallel_loop3A_1220, %parallel_loop3A_1238, %parallel_loop3A_1256 : vector<16xf32>, vector<16xf32>, vector<16xf32>, vector<16xf32>, vector<16xf32>, vector<16xf32>, vector<16xf32>, vector<16xf32>, vector<16xf32>, vector<16xf32>, vector<16xf32>, vector<16xf32>
    } {sc.loop_unroll_factor = 1 : i64, sc.parallel_access}
    %swap3A = arith.constant 0 : index
    %swap3A_109 = tpu.vector_load %arg12[%swap3A] {strides = array<i32>} : memref<768xf32, #tpu.memory_space<vmem>>, vector<16xf32>,
    %swap3A_110 = vector.shape_cast %swap3A_109 : vector<16xf32> to vector<16xf32>
    %swap3A_111 = vector.shape_cast %parallel_loop3A_108#0 : vector<16xf32> to vector<16xf32>
    tpu.vector_store %arg12[%swap3A], %swap3A_111 {strides = array<i32>} : memref<768xf32, #tpu.memory_space<vmem>>, vector<16xf32>,
    %swap3A_112 = arith.constant 16 : index
    %swap3A_113 = tpu.vector_load %arg12[%swap3A_112] {strides = array<i32>} : memref<768xf32, #tpu.memory_space<vmem>>, vector<16xf32>,
    %swap3A_114 = vector.shape_cast %swap3A_113 : vector<16xf32> to vector<16xf32>
    %swap3A_115 = vector.shape_cast %parallel_loop3A_108#1 : vector<16xf32> to vector<16xf32>
    tpu.vector_store %arg12[%swap3A_112], %swap3A_115 {strides = array<i32>} : memref<768xf32, #tpu.memory_space<vmem>>, vector<16xf32>,
    %swap3A_116 = arith.constant 32 : index
    %swap3A_117 = tpu.vector_load %arg12[%swap3A_116] {strides = array<i32>} : memref<768xf32, #tpu.memory_space<vmem>>, vector<16xf32>,
    %swap3A_118 = vector.shape_cast %swap3A_117 : vector<16xf32> to vector<16xf32>
    %swap3A_119 = vector.shape_cast %parallel_loop3A_108#2 : vector<16xf32> to vector<16xf32>
    tpu.vector_store %arg12[%swap3A_116], %swap3A_119 {strides = array<i32>} : memref<768xf32, #tpu.memory_space<vmem>>, vector<16xf32>,
    %swap3A_120 = arith.constant 48 : index
    %swap3A_121 = tpu.vector_load %arg12[%swap3A_120] {strides = array<i32>} : memref<768xf32, #tpu.memory_space<vmem>>, vector<16xf32>,
    %swap3A_122 = vector.shape_cast %swap3A_121 : vector<16xf32> to vector<16xf32>
    %swap3A_123 = vector.shape_cast %parallel_loop3A_108#3 : vector<16xf32> to vector<16xf32>
    tpu.vector_store %arg12[%swap3A_120], %swap3A_123 {strides = array<i32>} : memref<768xf32, #tpu.memory_space<vmem>>, vector<16xf32>,
    %swap3A_124 = arith.constant 64 : index
    %swap3A_125 = tpu.vector_load %arg12[%swap3A_124] {strides = array<i32>} : memref<768xf32, #tpu.memory_space<vmem>>, vector<16xf32>,
    %swap3A_126 = vector.shape_cast %swap3A_125 : vector<16xf32> to vector<16xf32>
    %swap3A_127 = vector.shape_cast %parallel_loop3A_108#4 : vector<16xf32> to vector<16xf32>
    tpu.vector_store %arg12[%swap3A_124], %swap3A_127 {strides = array<i32>} : memref<768xf32, #tpu.memory_space<vmem>>, vector<16xf32>,
    %swap3A_128 = arith.constant 80 : index
    %swap3A_129 = tpu.vector_load %arg12[%swap3A_128] {strides = array<i32>} : memref<768xf32, #tpu.memory_space<vmem>>, vector<16xf32>,
    %swap3A_130 = vector.shape_cast %swap3A_129 : vector<16xf32> to vector<16xf32>
    %swap3A_131 = vector.shape_cast %parallel_loop3A_108#5 : vector<16xf32> to vector<16xf32>
    tpu.vector_store %arg12[%swap3A_128], %swap3A_131 {strides = array<i32>} : memref<768xf32, #tpu.memory_space<vmem>>, vector<16xf32>,
    %swap3A_132 = arith.constant 96 : index
    %swap3A_133 = tpu.vector_load %arg12[%swap3A_132] {strides = array<i32>} : memref<768xf32, #tpu.memory_space<vmem>>, vector<16xf32>,
    %swap3A_134 = vector.shape_cast %swap3A_133 : vector<16xf32> to vector<16xf32>
    %swap3A_135 = vector.shape_cast %parallel_loop3A_108#6 : vector<16xf32> to vector<16xf32>
    tpu.vector_store %arg12[%swap3A_132], %swap3A_135 {strides = array<i32>} : memref<768xf32, #tpu.memory_space<vmem>>, vector<16xf32>,
    %swap3A_136 = arith.constant 112 : index
    %swap3A_137 = tpu.vector_load %arg12[%swap3A_136] {strides = array<i32>} : memref<768xf32, #tpu.memory_space<vmem>>, vector<16xf32>,
    %swap3A_138 = vector.shape_cast %swap3A_137 : vector<16xf32> to vector<16xf32>
    %swap3A_139 = vector.shape_cast %parallel_loop3A_108#7 : vector<16xf32> to vector<16xf32>
    tpu.vector_store %arg12[%swap3A_136], %swap3A_139 {strides = array<i32>} : memref<768xf32, #tpu.memory_space<vmem>>, vector<16xf32>,
    %swap3A_140 = arith.constant 128 : index
    %swap3A_141 = tpu.vector_load %arg12[%swap3A_140] {strides = array<i32>} : memref<768xf32, #tpu.memory_space<vmem>>, vector<16xf32>,
    %swap3A_142 = vector.shape_cast %swap3A_141 : vector<16xf32> to vector<16xf32>
    %swap3A_143 = vector.shape_cast %parallel_loop3A_108#8 : vector<16xf32> to vector<16xf32>
    tpu.vector_store %arg12[%swap3A_140], %swap3A_143 {strides = array<i32>} : memref<768xf32, #tpu.memory_space<vmem>>, vector<16xf32>,
    %swap3A_144 = arith.constant 144 : index
    %swap3A_145 = tpu.vector_load %arg12[%swap3A_144] {strides = array<i32>} : memref<768xf32, #tpu.memory_space<vmem>>, vector<16xf32>,
    %swap3A_146 = vector.shape_cast %swap3A_145 : vector<16xf32> to vector<16xf32>
    %swap3A_147 = vector.shape_cast %parallel_loop3A_108#9 : vector<16xf32> to vector<16xf32>
    tpu.vector_store %arg12[%swap3A_144], %swap3A_147 {strides = array<i32>} : memref<768xf32, #tpu.memory_space<vmem>>, vector<16xf32>,
    %swap3A_148 = arith.constant 160 : index
    %swap3A_149 = tpu.vector_load %arg12[%swap3A_148] {strides = array<i32>} : memref<768xf32, #tpu.memory_space<vmem>>, vector<16xf32>,
    %swap3A_150 = vector.shape_cast %swap3A_149 : vector<16xf32> to vector<16xf32>
    %swap3A_151 = vector.shape_cast %parallel_loop3A_108#10 : vector<16xf32> to vector<16xf32>
    tpu.vector_store %arg12[%swap3A_148], %swap3A_151 {strides = array<i32>} : memref<768xf32, #tpu.memory_space<vmem>>, vector<16xf32>,
    %swap3A_152 = arith.constant 176 : index
    %swap3A_153 = tpu.vector_load %arg12[%swap3A_152] {strides = array<i32>} : memref<768xf32, #tpu.memory_space<vmem>>, vector<16xf32>,
    %swap3A_154 = vector.shape_cast %swap3A_153 : vector<16xf32> to vector<16xf32>
    %swap3A_155 = vector.shape_cast %parallel_loop3A_108#11 : vector<16xf32> to vector<16xf32>
    tpu.vector_store %arg12[%swap3A_152], %swap3A_155 {strides = array<i32>} : memref<768xf32, #tpu.memory_space<vmem>>, vector<16xf32>,
    %broadcast_in_dim3A_156 = arith.constant 0.000000e+00 : f32
    %broadcast_in_dim3A_157 = vector.broadcast %broadcast_in_dim3A_156 : f32 to vector<16xf32>
    %broadcast_in_dim3A_158 = arith.constant 0.000000e+00 : f32
    %broadcast_in_dim3A_159 = vector.broadcast %broadcast_in_dim3A_158 : f32 to vector<16xf32>
    %broadcast_in_dim3A_160 = arith.constant 0.000000e+00 : f32
    %broadcast_in_dim3A_161 = vector.broadcast %broadcast_in_dim3A_160 : f32 to vector<16xf32>
    %broadcast_in_dim3A_162 = arith.constant 0.000000e+00 : f32
    %broadcast_in_dim3A_163 = vector.broadcast %broadcast_in_dim3A_162 : f32 to vector<16xf32>
    %broadcast_in_dim3A_164 = arith.constant 0.000000e+00 : f32
    %broadcast_in_dim3A_165 = vector.broadcast %broadcast_in_dim3A_164 : f32 to vector<16xf32>
    %broadcast_in_dim3A_166 = arith.constant 0.000000e+00 : f32
    %broadcast_in_dim3A_167 = vector.broadcast %broadcast_in_dim3A_166 : f32 to vector<16xf32>
    %broadcast_in_dim3A_168 = arith.constant 0.000000e+00 : f32
    %broadcast_in_dim3A_169 = vector.broadcast %broadcast_in_dim3A_168 : f32 to vector<16xf32>
    %broadcast_in_dim3A_170 = arith.constant 0.000000e+00 : f32
    %broadcast_in_dim3A_171 = vector.broadcast %broadcast_in_dim3A_170 : f32 to vector<16xf32>
    %broadcast_in_dim3A_172 = arith.constant 0.000000e+00 : f32
    %broadcast_in_dim3A_173 = vector.broadcast %broadcast_in_dim3A_172 : f32 to vector<16xf32>
    %broadcast_in_dim3A_174 = arith.constant 0.000000e+00 : f32
    %broadcast_in_dim3A_175 = vector.broadcast %broadcast_in_dim3A_174 : f32 to vector<16xf32>
    %broadcast_in_dim3A_176 = arith.constant 0.000000e+00 : f32
    %broadcast_in_dim3A_177 = vector.broadcast %broadcast_in_dim3A_176 : f32 to vector<16xf32>
    %broadcast_in_dim3A_178 = arith.constant 0.000000e+00 : f32
    %broadcast_in_dim3A_179 = vector.broadcast %broadcast_in_dim3A_178 : f32 to vector<16xf32>
    %mul3A_180 = arith.constant 32 : i32
    %mul3A_181 = arith.muli %add3A, %mul3A_180 : i32
    %add3A_182 = arith.constant 7168 : i32
    %add3A_183 = arith.addi %add3A_182, %mul3A_181 : i32
    %add3A_184 = arith.constant 0 : i32
    %add3A_185 = arith.addi %add3A_183, %add3A_184 : i32
    %dma_start3A_186 = arith.constant 1 : i32
    %dma_start3A_187 = arith.constant 0 : i32
    %dma_start3A_188 = arith.constant 0 : i32
    %dma_start3A_189 = tpu.memref_slice %arg2[%dma_start3A_186, %dma_start3A_187, %add3A_185, %dma_start3A_188] : memref<2x4x8192x128xf32, #tpu.memory_space<hbm>> -> memref<1x1x32x128xf32, #tpu.memory_space<hbm>>
    %dma_start3A_190 = tpu.memref_squeeze %dma_start3A_189 : memref<1x1x32x128xf32, #tpu.memory_space<hbm>> -> memref<32x128xf32, #tpu.memory_space<hbm>>
    %dma_start3A_191 = arith.constant 0 : i32
    %dma_start3A_192 = tpu.memref_slice %arg2[%dma_start3A_186, %dma_start3A_187, %add3A_185, %dma_start3A_191] : memref<2x4x8192x128xf32, #tpu.memory_space<hbm>> -> memref<1x1x32x128xf32, #tpu.memory_space<hbm>>
    %dma_start3A_193 = tpu.memref_squeeze %dma_start3A_192 : memref<1x1x32x128xf32, #tpu.memory_space<hbm>> -> memref<32x128xf32, #tpu.memory_space<hbm>>
    tpu.enqueue_dma source(%dma_start3A_193 : memref<32x128xf32, #tpu.memory_space<hbm>>) target(%arg8 : memref<32x128xf32, #tpu.memory_space<vmem>>) target_semaphore(%arg13 : memref<!tpu.dma_semaphore, #tpu.memory_space<semaphore_mem>>)
    %dma_start3A_194 = arith.constant 1 : i32
    %dma_start3A_195 = arith.constant 1 : i32
    %dma_start3A_196 = arith.constant 0 : i32
    %dma_start3A_197 = tpu.memref_slice %arg2[%dma_start3A_194, %dma_start3A_195, %add3A_185, %dma_start3A_196] : memref<2x4x8192x128xf32, #tpu.memory_space<hbm>> -> memref<1x1x32x128xf32, #tpu.memory_space<hbm>>
    %dma_start3A_198 = tpu.memref_squeeze %dma_start3A_197 : memref<1x1x32x128xf32, #tpu.memory_space<hbm>> -> memref<32x128xf32, #tpu.memory_space<hbm>>
    %dma_start3A_199 = arith.constant 0 : i32
    %dma_start3A_200 = tpu.memref_slice %arg2[%dma_start3A_194, %dma_start3A_195, %add3A_185, %dma_start3A_199] : memref<2x4x8192x128xf32, #tpu.memory_space<hbm>> -> memref<1x1x32x128xf32, #tpu.memory_space<hbm>>
    %dma_start3A_201 = tpu.memref_squeeze %dma_start3A_200 : memref<1x1x32x128xf32, #tpu.memory_space<hbm>> -> memref<32x128xf32, #tpu.memory_space<hbm>>
    tpu.enqueue_dma source(%dma_start3A_201 : memref<32x128xf32, #tpu.memory_space<hbm>>) target(%arg9 : memref<32x128xf32, #tpu.memory_space<vmem>>) target_semaphore(%arg13 : memref<!tpu.dma_semaphore, #tpu.memory_space<semaphore_mem>>)
    %dma_start3A_202 = arith.constant 1 : i32
    %dma_start3A_203 = arith.constant 2 : i32
    %dma_start3A_204 = arith.constant 0 : i32
    %dma_start3A_205 = tpu.memref_slice %arg2[%dma_start3A_202, %dma_start3A_203, %add3A_185, %dma_start3A_204] : memref<2x4x8192x128xf32, #tpu.memory_space<hbm>> -> memref<1x1x32x128xf32, #tpu.memory_space<hbm>>
    %dma_start3A_206 = tpu.memref_squeeze %dma_start3A_205 : memref<1x1x32x128xf32, #tpu.memory_space<hbm>> -> memref<32x128xf32, #tpu.memory_space<hbm>>
    %dma_start3A_207 = arith.constant 0 : i32
    %dma_start3A_208 = tpu.memref_slice %arg2[%dma_start3A_202, %dma_start3A_203, %add3A_185, %dma_start3A_207] : memref<2x4x8192x128xf32, #tpu.memory_space<hbm>> -> memref<1x1x32x128xf32, #tpu.memory_space<hbm>>
    %dma_start3A_209 = tpu.memref_squeeze %dma_start3A_208 : memref<1x1x32x128xf32, #tpu.memory_space<hbm>> -> memref<32x128xf32, #tpu.memory_space<hbm>>
    tpu.enqueue_dma source(%dma_start3A_209 : memref<32x128xf32, #tpu.memory_space<hbm>>) target(%arg10 : memref<32x128xf32, #tpu.memory_space<vmem>>) target_semaphore(%arg13 : memref<!tpu.dma_semaphore, #tpu.memory_space<semaphore_mem>>)
    %dma_start3A_210 = arith.constant 1 : i32
    %dma_start3A_211 = arith.constant 3 : i32
    %dma_start3A_212 = arith.constant 0 : i32
    %dma_start3A_213 = tpu.memref_slice %arg2[%dma_start3A_210, %dma_start3A_211, %add3A_185, %dma_start3A_212] : memref<2x4x8192x128xf32, #tpu.memory_space<hbm>> -> memref<1x1x32x128xf32, #tpu.memory_space<hbm>>
    %dma_start3A_214 = tpu.memref_squeeze %dma_start3A_213 : memref<1x1x32x128xf32, #tpu.memory_space<hbm>> -> memref<32x128xf32, #tpu.memory_space<hbm>>
    %dma_start3A_215 = arith.constant 0 : i32
    %dma_start3A_216 = tpu.memref_slice %arg2[%dma_start3A_210, %dma_start3A_211, %add3A_185, %dma_start3A_215] : memref<2x4x8192x128xf32, #tpu.memory_space<hbm>> -> memref<1x1x32x128xf32, #tpu.memory_space<hbm>>
    %dma_start3A_217 = tpu.memref_squeeze %dma_start3A_216 : memref<1x1x32x128xf32, #tpu.memory_space<hbm>> -> memref<32x128xf32, #tpu.memory_space<hbm>>
    tpu.enqueue_dma source(%dma_start3A_217 : memref<32x128xf32, #tpu.memory_space<hbm>>) target(%arg11 : memref<32x128xf32, #tpu.memory_space<vmem>>) target_semaphore(%arg13 : memref<!tpu.dma_semaphore, #tpu.memory_space<semaphore_mem>>)
    %dma_start3A_218 = arith.constant 1 : i32
    %dma_start3A_219 = arith.constant 0 : i32
    %dma_start3A_220 = tpu.memref_slice %arg3[%dma_start3A_218, %add3A_185, %dma_start3A_219] : memref<2x8192x128xi32, #tpu.memory_space<hbm>> -> memref<1x32x128xi32, #tpu.memory_space<hbm>>
    %dma_start3A_221 = tpu.memref_squeeze %dma_start3A_220 : memref<1x32x128xi32, #tpu.memory_space<hbm>> -> memref<32x128xi32, #tpu.memory_space<hbm>>
    %dma_start3A_222 = arith.constant 0 : i32
    %dma_start3A_223 = tpu.memref_slice %arg3[%dma_start3A_218, %add3A_185, %dma_start3A_222] : memref<2x8192x128xi32, #tpu.memory_space<hbm>> -> memref<1x32x128xi32, #tpu.memory_space<hbm>>
    %dma_start3A_224 = tpu.memref_squeeze %dma_start3A_223 : memref<1x32x128xi32, #tpu.memory_space<hbm>> -> memref<32x128xi32, #tpu.memory_space<hbm>>
    tpu.enqueue_dma source(%dma_start3A_224 : memref<32x128xi32, #tpu.memory_space<hbm>>) target(%arg7 : memref<32x128xi32, #tpu.memory_space<vmem>>) target_semaphore(%arg13 : memref<!tpu.dma_semaphore, #tpu.memory_space<semaphore_mem>>)
    %dma_wait3A_225 = arith.constant 1 : i32
    %dma_wait3A_226 = arith.constant 0 : i32
    %dma_wait3A_227 = arith.constant 0 : i32
    %dma_wait3A_228 = tpu.memref_slice %arg2[%dma_wait3A_225, %dma_wait3A_226, %add3A_185, %dma_wait3A_227] : memref<2x4x8192x128xf32, #tpu.memory_space<hbm>> -> memref<1x1x32x128xf32, #tpu.memory_space<hbm>>
    %dma_wait3A_229 = tpu.memref_squeeze %dma_wait3A_228 : memref<1x1x32x128xf32, #tpu.memory_space<hbm>> -> memref<32x128xf32, #tpu.memory_space<hbm>>
    %dma_wait3A_230 = arith.constant 0 : i32
    %dma_wait3A_231 = tpu.memref_slice %arg2[%dma_wait3A_225, %dma_wait3A_226, %add3A_185, %dma_wait3A_230] : memref<2x4x8192x128xf32, #tpu.memory_space<hbm>> -> memref<1x1x32x128xf32, #tpu.memory_space<hbm>>
    %dma_wait3A_232 = tpu.memref_squeeze %dma_wait3A_231 : memref<1x1x32x128xf32, #tpu.memory_space<hbm>> -> memref<32x128xf32, #tpu.memory_space<hbm>>
    tpu.wait_dma2 semaphore(%arg13 : memref<!tpu.dma_semaphore, #tpu.memory_space<semaphore_mem>>) src(%dma_wait3A_232 : memref<32x128xf32, #tpu.memory_space<hbm>>) dst(%arg8 : memref<32x128xf32, #tpu.memory_space<vmem>>)
    %dma_wait3A_233 = arith.constant 1 : i32
    %dma_wait3A_234 = arith.constant 1 : i32
    %dma_wait3A_235 = arith.constant 0 : i32
    %dma_wait3A_236 = tpu.memref_slice %arg2[%dma_wait3A_233, %dma_wait3A_234, %add3A_185, %dma_wait3A_235] : memref<2x4x8192x128xf32, #tpu.memory_space<hbm>> -> memref<1x1x32x128xf32, #tpu.memory_space<hbm>>
    %dma_wait3A_237 = tpu.memref_squeeze %dma_wait3A_236 : memref<1x1x32x128xf32, #tpu.memory_space<hbm>> -> memref<32x128xf32, #tpu.memory_space<hbm>>
    %dma_wait3A_238 = arith.constant 0 : i32
    %dma_wait3A_239 = tpu.memref_slice %arg2[%dma_wait3A_233, %dma_wait3A_234, %add3A_185, %dma_wait3A_238] : memref<2x4x8192x128xf32, #tpu.memory_space<hbm>> -> memref<1x1x32x128xf32, #tpu.memory_space<hbm>>
    %dma_wait3A_240 = tpu.memref_squeeze %dma_wait3A_239 : memref<1x1x32x128xf32, #tpu.memory_space<hbm>> -> memref<32x128xf32, #tpu.memory_space<hbm>>
    tpu.wait_dma2 semaphore(%arg13 : memref<!tpu.dma_semaphore, #tpu.memory_space<semaphore_mem>>) src(%dma_wait3A_240 : memref<32x128xf32, #tpu.memory_space<hbm>>) dst(%arg9 : memref<32x128xf32, #tpu.memory_space<vmem>>)
    %dma_wait3A_241 = arith.constant 1 : i32
    %dma_wait3A_242 = arith.constant 2 : i32
    %dma_wait3A_243 = arith.constant 0 : i32
    %dma_wait3A_244 = tpu.memref_slice %arg2[%dma_wait3A_241, %dma_wait3A_242, %add3A_185, %dma_wait3A_243] : memref<2x4x8192x128xf32, #tpu.memory_space<hbm>> -> memref<1x1x32x128xf32, #tpu.memory_space<hbm>>
    %dma_wait3A_245 = tpu.memref_squeeze %dma_wait3A_244 : memref<1x1x32x128xf32, #tpu.memory_space<hbm>> -> memref<32x128xf32, #tpu.memory_space<hbm>>
    %dma_wait3A_246 = arith.constant 0 : i32
    %dma_wait3A_247 = tpu.memref_slice %arg2[%dma_wait3A_241, %dma_wait3A_242, %add3A_185, %dma_wait3A_246] : memref<2x4x8192x128xf32, #tpu.memory_space<hbm>> -> memref<1x1x32x128xf32, #tpu.memory_space<hbm>>
    %dma_wait3A_248 = tpu.memref_squeeze %dma_wait3A_247 : memref<1x1x32x128xf32, #tpu.memory_space<hbm>> -> memref<32x128xf32, #tpu.memory_space<hbm>>
    tpu.wait_dma2 semaphore(%arg13 : memref<!tpu.dma_semaphore, #tpu.memory_space<semaphore_mem>>) src(%dma_wait3A_248 : memref<32x128xf32, #tpu.memory_space<hbm>>) dst(%arg10 : memref<32x128xf32, #tpu.memory_space<vmem>>)
    %dma_wait3A_249 = arith.constant 1 : i32
    %dma_wait3A_250 = arith.constant 3 : i32
    %dma_wait3A_251 = arith.constant 0 : i32
    %dma_wait3A_252 = tpu.memref_slice %arg2[%dma_wait3A_249, %dma_wait3A_250, %add3A_185, %dma_wait3A_251] : memref<2x4x8192x128xf32, #tpu.memory_space<hbm>> -> memref<1x1x32x128xf32, #tpu.memory_space<hbm>>
    %dma_wait3A_253 = tpu.memref_squeeze %dma_wait3A_252 : memref<1x1x32x128xf32, #tpu.memory_space<hbm>> -> memref<32x128xf32, #tpu.memory_space<hbm>>
    %dma_wait3A_254 = arith.constant 0 : i32
    %dma_wait3A_255 = tpu.memref_slice %arg2[%dma_wait3A_249, %dma_wait3A_250, %add3A_185, %dma_wait3A_254] : memref<2x4x8192x128xf32, #tpu.memory_space<hbm>> -> memref<1x1x32x128xf32, #tpu.memory_space<hbm>>
    %dma_wait3A_256 = tpu.memref_squeeze %dma_wait3A_255 : memref<1x1x32x128xf32, #tpu.memory_space<hbm>> -> memref<32x128xf32, #tpu.memory_space<hbm>>
    tpu.wait_dma2 semaphore(%arg13 : memref<!tpu.dma_semaphore, #tpu.memory_space<semaphore_mem>>) src(%dma_wait3A_256 : memref<32x128xf32, #tpu.memory_space<hbm>>) dst(%arg11 : memref<32x128xf32, #tpu.memory_space<vmem>>)
    %dma_wait3A_257 = arith.constant 1 : i32
    %dma_wait3A_258 = arith.constant 0 : i32
    %dma_wait3A_259 = tpu.memref_slice %arg3[%dma_wait3A_257, %add3A_185, %dma_wait3A_258] : memref<2x8192x128xi32, #tpu.memory_space<hbm>> -> memref<1x32x128xi32, #tpu.memory_space<hbm>>
    %dma_wait3A_260 = tpu.memref_squeeze %dma_wait3A_259 : memref<1x32x128xi32, #tpu.memory_space<hbm>> -> memref<32x128xi32, #tpu.memory_space<hbm>>
    %dma_wait3A_261 = arith.constant 0 : i32
    %dma_wait3A_262 = tpu.memref_slice %arg3[%dma_wait3A_257, %add3A_185, %dma_wait3A_261] : memref<2x8192x128xi32, #tpu.memory_space<hbm>> -> memref<1x32x128xi32, #tpu.memory_space<hbm>>
    %dma_wait3A_263 = tpu.memref_squeeze %dma_wait3A_262 : memref<1x32x128xi32, #tpu.memory_space<hbm>> -> memref<32x128xi32, #tpu.memory_space<hbm>>
    tpu.wait_dma2 semaphore(%arg13 : memref<!tpu.dma_semaphore, #tpu.memory_space<semaphore_mem>>) src(%dma_wait3A_263 : memref<32x128xi32, #tpu.memory_space<hbm>>) dst(%arg7 : memref<32x128xi32, #tpu.memory_space<vmem>>)
    %parallel_loop3A_264 = arith.constant 0 : i32
    %parallel_loop3A_265 = arith.constant 32 : i32
    %parallel_loop3A_266 = arith.constant 1 : i32
    %parallel_loop3A_267:12 = scf.for %parallel_loop3A_636 = %parallel_loop3A_264 to %parallel_loop3A_265 step %parallel_loop3A_266 iter_args(%parallel_loop3A_637 = %broadcast_in_dim3A_157, %parallel_loop3A_638 = %broadcast_in_dim3A_159, %parallel_loop3A_639 = %broadcast_in_dim3A_161, %parallel_loop3A_640 = %broadcast_in_dim3A_163, %parallel_loop3A_641 = %broadcast_in_dim3A_165, %parallel_loop3A_642 = %broadcast_in_dim3A_167, %parallel_loop3A_643 = %broadcast_in_dim3A_169, %parallel_loop3A_644 = %broadcast_in_dim3A_171, %parallel_loop3A_645 = %broadcast_in_dim3A_173, %parallel_loop3A_646 = %broadcast_in_dim3A_175, %parallel_loop3A_647 = %broadcast_in_dim3A_177, %parallel_loop3A_648 = %broadcast_in_dim3A_179) -> (vector<16xf32>, vector<16xf32>, vector<16xf32>, vector<16xf32>, vector<16xf32>, vector<16xf32>, vector<16xf32>, vector<16xf32>, vector<16xf32>, vector<16xf32>, vector<16xf32>, vector<16xf32>)  : i32 {
      %parallel_loop3A_649 = arith.index_cast %parallel_loop3A_636 : i32 to index
      %parallel_loop3A_650 = arith.constant 0 : index
      %parallel_loop3A_651 = tpu.vector_load %arg7[%parallel_loop3A_649, %parallel_loop3A_650] {strides = array<i32>} : memref<32x128xi32, #tpu.memory_space<vmem>>, vector<1x16xi32>,
      %parallel_loop3A_652 = vector.shape_cast %parallel_loop3A_651 : vector<1x16xi32> to vector<16xi32>
      %parallel_loop3A_653 = arith.index_cast %parallel_loop3A_636 : i32 to index
      %parallel_loop3A_654 = arith.constant 0 : index
      %parallel_loop3A_655 = tpu.vector_load %arg8[%parallel_loop3A_653, %parallel_loop3A_654] {strides = array<i32>} : memref<32x128xf32, #tpu.memory_space<vmem>>, vector<1x16xf32>,
      %parallel_loop3A_656 = vector.shape_cast %parallel_loop3A_655 : vector<1x16xf32> to vector<16xf32>
      %parallel_loop3A_657 = arith.constant 0 : i32
      %parallel_loop3A_658 = vector.broadcast %parallel_loop3A_657 : i32 to vector<16xi32>
      %parallel_loop3A_659 = arith.cmpi eq, %parallel_loop3A_652, %parallel_loop3A_658 : vector<16xi32>
      %parallel_loop3A_660 = arith.addf %parallel_loop3A_637, %parallel_loop3A_656 : vector<16xf32>
      %parallel_loop3A_661 = arith.constant 0.000000e+00 : f32
      %parallel_loop3A_662 = vector.broadcast %parallel_loop3A_661 : f32 to vector<16xf32>
      %parallel_loop3A_663 = arith.select %parallel_loop3A_659, %parallel_loop3A_656, %parallel_loop3A_662 : vector<16xi1>, vector<16xf32>
      %parallel_loop3A_664 = arith.addf %parallel_loop3A_641, %parallel_loop3A_663 : vector<16xf32>
      %parallel_loop3A_665 = arith.constant 1.000000e+00 : f32
      %parallel_loop3A_666 = arith.constant 0.000000e+00 : f32
      %parallel_loop3A_667 = vector.broadcast %parallel_loop3A_665 : f32 to vector<16xf32>
      %parallel_loop3A_668 = vector.broadcast %parallel_loop3A_666 : f32 to vector<16xf32>
      %parallel_loop3A_669 = arith.select %parallel_loop3A_659, %parallel_loop3A_667, %parallel_loop3A_668 : vector<16xi1>, vector<16xf32>
      %parallel_loop3A_670 = arith.addf %parallel_loop3A_645, %parallel_loop3A_669 : vector<16xf32>
      %parallel_loop3A_671 = arith.index_cast %parallel_loop3A_636 : i32 to index
      %parallel_loop3A_672 = arith.constant 0 : index
      %parallel_loop3A_673 = tpu.vector_load %arg9[%parallel_loop3A_671, %parallel_loop3A_672] {strides = array<i32>} : memref<32x128xf32, #tpu.memory_space<vmem>>, vector<1x16xf32>,
      %parallel_loop3A_674 = vector.shape_cast %parallel_loop3A_673 : vector<1x16xf32> to vector<16xf32>
      %parallel_loop3A_675 = arith.constant 1 : i32
      %parallel_loop3A_676 = vector.broadcast %parallel_loop3A_675 : i32 to vector<16xi32>
      %parallel_loop3A_677 = arith.cmpi eq, %parallel_loop3A_652, %parallel_loop3A_676 : vector<16xi32>
      %parallel_loop3A_678 = arith.addf %parallel_loop3A_638, %parallel_loop3A_674 : vector<16xf32>
      %parallel_loop3A_679 = arith.constant 0.000000e+00 : f32
      %parallel_loop3A_680 = vector.broadcast %parallel_loop3A_679 : f32 to vector<16xf32>
      %parallel_loop3A_681 = arith.select %parallel_loop3A_677, %parallel_loop3A_674, %parallel_loop3A_680 : vector<16xi1>, vector<16xf32>
      %parallel_loop3A_682 = arith.addf %parallel_loop3A_642, %parallel_loop3A_681 : vector<16xf32>
      %parallel_loop3A_683 = arith.constant 1.000000e+00 : f32
      %parallel_loop3A_684 = arith.constant 0.000000e+00 : f32
      %parallel_loop3A_685 = vector.broadcast %parallel_loop3A_683 : f32 to vector<16xf32>
      %parallel_loop3A_686 = vector.broadcast %parallel_loop3A_684 : f32 to vector<16xf32>
      %parallel_loop3A_687 = arith.select %parallel_loop3A_677, %parallel_loop3A_685, %parallel_loop3A_686 : vector<16xi1>, vector<16xf32>
      %parallel_loop3A_688 = arith.addf %parallel_loop3A_646, %parallel_loop3A_687 : vector<16xf32>
      %parallel_loop3A_689 = arith.index_cast %parallel_loop3A_636 : i32 to index
      %parallel_loop3A_690 = arith.constant 0 : index
      %parallel_loop3A_691 = tpu.vector_load %arg10[%parallel_loop3A_689, %parallel_loop3A_690] {strides = array<i32>} : memref<32x128xf32, #tpu.memory_space<vmem>>, vector<1x16xf32>,
      %parallel_loop3A_692 = vector.shape_cast %parallel_loop3A_691 : vector<1x16xf32> to vector<16xf32>
      %parallel_loop3A_693 = arith.constant 2 : i32
      %parallel_loop3A_694 = vector.broadcast %parallel_loop3A_693 : i32 to vector<16xi32>
      %parallel_loop3A_695 = arith.cmpi eq, %parallel_loop3A_652, %parallel_loop3A_694 : vector<16xi32>
      %parallel_loop3A_696 = arith.addf %parallel_loop3A_639, %parallel_loop3A_692 : vector<16xf32>
      %parallel_loop3A_697 = arith.constant 0.000000e+00 : f32
      %parallel_loop3A_698 = vector.broadcast %parallel_loop3A_697 : f32 to vector<16xf32>
      %parallel_loop3A_699 = arith.select %parallel_loop3A_695, %parallel_loop3A_692, %parallel_loop3A_698 : vector<16xi1>, vector<16xf32>
      %parallel_loop3A_700 = arith.addf %parallel_loop3A_643, %parallel_loop3A_699 : vector<16xf32>
      %parallel_loop3A_701 = arith.constant 1.000000e+00 : f32
      %parallel_loop3A_702 = arith.constant 0.000000e+00 : f32
      %parallel_loop3A_703 = vector.broadcast %parallel_loop3A_701 : f32 to vector<16xf32>
      %parallel_loop3A_704 = vector.broadcast %parallel_loop3A_702 : f32 to vector<16xf32>
      %parallel_loop3A_705 = arith.select %parallel_loop3A_695, %parallel_loop3A_703, %parallel_loop3A_704 : vector<16xi1>, vector<16xf32>
      %parallel_loop3A_706 = arith.addf %parallel_loop3A_647, %parallel_loop3A_705 : vector<16xf32>
      %parallel_loop3A_707 = arith.index_cast %parallel_loop3A_636 : i32 to index
      %parallel_loop3A_708 = arith.constant 0 : index
      %parallel_loop3A_709 = tpu.vector_load %arg11[%parallel_loop3A_707, %parallel_loop3A_708] {strides = array<i32>} : memref<32x128xf32, #tpu.memory_space<vmem>>, vector<1x16xf32>,
      %parallel_loop3A_710 = vector.shape_cast %parallel_loop3A_709 : vector<1x16xf32> to vector<16xf32>
      %parallel_loop3A_711 = arith.constant 3 : i32
      %parallel_loop3A_712 = vector.broadcast %parallel_loop3A_711 : i32 to vector<16xi32>
      %parallel_loop3A_713 = arith.cmpi eq, %parallel_loop3A_652, %parallel_loop3A_712 : vector<16xi32>
      %parallel_loop3A_714 = arith.addf %parallel_loop3A_640, %parallel_loop3A_710 : vector<16xf32>
      %parallel_loop3A_715 = arith.constant 0.000000e+00 : f32
      %parallel_loop3A_716 = vector.broadcast %parallel_loop3A_715 : f32 to vector<16xf32>
      %parallel_loop3A_717 = arith.select %parallel_loop3A_713, %parallel_loop3A_710, %parallel_loop3A_716 : vector<16xi1>, vector<16xf32>
      %parallel_loop3A_718 = arith.addf %parallel_loop3A_644, %parallel_loop3A_717 : vector<16xf32>
      %parallel_loop3A_719 = arith.constant 1.000000e+00 : f32
      %parallel_loop3A_720 = arith.constant 0.000000e+00 : f32
      %parallel_loop3A_721 = vector.broadcast %parallel_loop3A_719 : f32 to vector<16xf32>
      %parallel_loop3A_722 = vector.broadcast %parallel_loop3A_720 : f32 to vector<16xf32>
      %parallel_loop3A_723 = arith.select %parallel_loop3A_713, %parallel_loop3A_721, %parallel_loop3A_722 : vector<16xi1>, vector<16xf32>
      %parallel_loop3A_724 = arith.addf %parallel_loop3A_648, %parallel_loop3A_723 : vector<16xf32>
      %parallel_loop3A_725 = arith.index_cast %parallel_loop3A_636 : i32 to index
      %parallel_loop3A_726 = arith.constant 16 : index
      %parallel_loop3A_727 = tpu.vector_load %arg7[%parallel_loop3A_725, %parallel_loop3A_726] {strides = array<i32>} : memref<32x128xi32, #tpu.memory_space<vmem>>, vector<1x16xi32>,
      %parallel_loop3A_728 = vector.shape_cast %parallel_loop3A_727 : vector<1x16xi32> to vector<16xi32>
      %parallel_loop3A_729 = arith.index_cast %parallel_loop3A_636 : i32 to index
      %parallel_loop3A_730 = arith.constant 16 : index
      %parallel_loop3A_731 = tpu.vector_load %arg8[%parallel_loop3A_729, %parallel_loop3A_730] {strides = array<i32>} : memref<32x128xf32, #tpu.memory_space<vmem>>, vector<1x16xf32>,
      %parallel_loop3A_732 = vector.shape_cast %parallel_loop3A_731 : vector<1x16xf32> to vector<16xf32>
      %parallel_loop3A_733 = arith.constant 0 : i32
      %parallel_loop3A_734 = vector.broadcast %parallel_loop3A_733 : i32 to vector<16xi32>
      %parallel_loop3A_735 = arith.cmpi eq, %parallel_loop3A_728, %parallel_loop3A_734 : vector<16xi32>
      %parallel_loop3A_736 = arith.addf %parallel_loop3A_660, %parallel_loop3A_732 : vector<16xf32>
      %parallel_loop3A_737 = arith.constant 0.000000e+00 : f32
      %parallel_loop3A_738 = vector.broadcast %parallel_loop3A_737 : f32 to vector<16xf32>
      %parallel_loop3A_739 = arith.select %parallel_loop3A_735, %parallel_loop3A_732, %parallel_loop3A_738 : vector<16xi1>, vector<16xf32>
      %parallel_loop3A_740 = arith.addf %parallel_loop3A_664, %parallel_loop3A_739 : vector<16xf32>
      %parallel_loop3A_741 = arith.constant 1.000000e+00 : f32
      %parallel_loop3A_742 = arith.constant 0.000000e+00 : f32
      %parallel_loop3A_743 = vector.broadcast %parallel_loop3A_741 : f32 to vector<16xf32>
      %parallel_loop3A_744 = vector.broadcast %parallel_loop3A_742 : f32 to vector<16xf32>
      %parallel_loop3A_745 = arith.select %parallel_loop3A_735, %parallel_loop3A_743, %parallel_loop3A_744 : vector<16xi1>, vector<16xf32>
      %parallel_loop3A_746 = arith.addf %parallel_loop3A_670, %parallel_loop3A_745 : vector<16xf32>
      %parallel_loop3A_747 = arith.index_cast %parallel_loop3A_636 : i32 to index
      %parallel_loop3A_748 = arith.constant 16 : index
      %parallel_loop3A_749 = tpu.vector_load %arg9[%parallel_loop3A_747, %parallel_loop3A_748] {strides = array<i32>} : memref<32x128xf32, #tpu.memory_space<vmem>>, vector<1x16xf32>,
      %parallel_loop3A_750 = vector.shape_cast %parallel_loop3A_749 : vector<1x16xf32> to vector<16xf32>
      %parallel_loop3A_751 = arith.constant 1 : i32
      %parallel_loop3A_752 = vector.broadcast %parallel_loop3A_751 : i32 to vector<16xi32>
      %parallel_loop3A_753 = arith.cmpi eq, %parallel_loop3A_728, %parallel_loop3A_752 : vector<16xi32>
      %parallel_loop3A_754 = arith.addf %parallel_loop3A_678, %parallel_loop3A_750 : vector<16xf32>
      %parallel_loop3A_755 = arith.constant 0.000000e+00 : f32
      %parallel_loop3A_756 = vector.broadcast %parallel_loop3A_755 : f32 to vector<16xf32>
      %parallel_loop3A_757 = arith.select %parallel_loop3A_753, %parallel_loop3A_750, %parallel_loop3A_756 : vector<16xi1>, vector<16xf32>
      %parallel_loop3A_758 = arith.addf %parallel_loop3A_682, %parallel_loop3A_757 : vector<16xf32>
      %parallel_loop3A_759 = arith.constant 1.000000e+00 : f32
      %parallel_loop3A_760 = arith.constant 0.000000e+00 : f32
      %parallel_loop3A_761 = vector.broadcast %parallel_loop3A_759 : f32 to vector<16xf32>
      %parallel_loop3A_762 = vector.broadcast %parallel_loop3A_760 : f32 to vector<16xf32>
      %parallel_loop3A_763 = arith.select %parallel_loop3A_753, %parallel_loop3A_761, %parallel_loop3A_762 : vector<16xi1>, vector<16xf32>
      %parallel_loop3A_764 = arith.addf %parallel_loop3A_688, %parallel_loop3A_763 : vector<16xf32>
      %parallel_loop3A_765 = arith.index_cast %parallel_loop3A_636 : i32 to index
      %parallel_loop3A_766 = arith.constant 16 : index
      %parallel_loop3A_767 = tpu.vector_load %arg10[%parallel_loop3A_765, %parallel_loop3A_766] {strides = array<i32>} : memref<32x128xf32, #tpu.memory_space<vmem>>, vector<1x16xf32>,
      %parallel_loop3A_768 = vector.shape_cast %parallel_loop3A_767 : vector<1x16xf32> to vector<16xf32>
      %parallel_loop3A_769 = arith.constant 2 : i32
      %parallel_loop3A_770 = vector.broadcast %parallel_loop3A_769 : i32 to vector<16xi32>
      %parallel_loop3A_771 = arith.cmpi eq, %parallel_loop3A_728, %parallel_loop3A_770 : vector<16xi32>
      %parallel_loop3A_772 = arith.addf %parallel_loop3A_696, %parallel_loop3A_768 : vector<16xf32>
      %parallel_loop3A_773 = arith.constant 0.000000e+00 : f32
      %parallel_loop3A_774 = vector.broadcast %parallel_loop3A_773 : f32 to vector<16xf32>
      %parallel_loop3A_775 = arith.select %parallel_loop3A_771, %parallel_loop3A_768, %parallel_loop3A_774 : vector<16xi1>, vector<16xf32>
      %parallel_loop3A_776 = arith.addf %parallel_loop3A_700, %parallel_loop3A_775 : vector<16xf32>
      %parallel_loop3A_777 = arith.constant 1.000000e+00 : f32
      %parallel_loop3A_778 = arith.constant 0.000000e+00 : f32
      %parallel_loop3A_779 = vector.broadcast %parallel_loop3A_777 : f32 to vector<16xf32>
      %parallel_loop3A_780 = vector.broadcast %parallel_loop3A_778 : f32 to vector<16xf32>
      %parallel_loop3A_781 = arith.select %parallel_loop3A_771, %parallel_loop3A_779, %parallel_loop3A_780 : vector<16xi1>, vector<16xf32>
      %parallel_loop3A_782 = arith.addf %parallel_loop3A_706, %parallel_loop3A_781 : vector<16xf32>
      %parallel_loop3A_783 = arith.index_cast %parallel_loop3A_636 : i32 to index
      %parallel_loop3A_784 = arith.constant 16 : index
      %parallel_loop3A_785 = tpu.vector_load %arg11[%parallel_loop3A_783, %parallel_loop3A_784] {strides = array<i32>} : memref<32x128xf32, #tpu.memory_space<vmem>>, vector<1x16xf32>,
      %parallel_loop3A_786 = vector.shape_cast %parallel_loop3A_785 : vector<1x16xf32> to vector<16xf32>
      %parallel_loop3A_787 = arith.constant 3 : i32
      %parallel_loop3A_788 = vector.broadcast %parallel_loop3A_787 : i32 to vector<16xi32>
      %parallel_loop3A_789 = arith.cmpi eq, %parallel_loop3A_728, %parallel_loop3A_788 : vector<16xi32>
      %parallel_loop3A_790 = arith.addf %parallel_loop3A_714, %parallel_loop3A_786 : vector<16xf32>
      %parallel_loop3A_791 = arith.constant 0.000000e+00 : f32
      %parallel_loop3A_792 = vector.broadcast %parallel_loop3A_791 : f32 to vector<16xf32>
      %parallel_loop3A_793 = arith.select %parallel_loop3A_789, %parallel_loop3A_786, %parallel_loop3A_792 : vector<16xi1>, vector<16xf32>
      %parallel_loop3A_794 = arith.addf %parallel_loop3A_718, %parallel_loop3A_793 : vector<16xf32>
      %parallel_loop3A_795 = arith.constant 1.000000e+00 : f32
      %parallel_loop3A_796 = arith.constant 0.000000e+00 : f32
      %parallel_loop3A_797 = vector.broadcast %parallel_loop3A_795 : f32 to vector<16xf32>
      %parallel_loop3A_798 = vector.broadcast %parallel_loop3A_796 : f32 to vector<16xf32>
      %parallel_loop3A_799 = arith.select %parallel_loop3A_789, %parallel_loop3A_797, %parallel_loop3A_798 : vector<16xi1>, vector<16xf32>
      %parallel_loop3A_800 = arith.addf %parallel_loop3A_724, %parallel_loop3A_799 : vector<16xf32>
      %parallel_loop3A_801 = arith.index_cast %parallel_loop3A_636 : i32 to index
      %parallel_loop3A_802 = arith.constant 32 : index
      %parallel_loop3A_803 = tpu.vector_load %arg7[%parallel_loop3A_801, %parallel_loop3A_802] {strides = array<i32>} : memref<32x128xi32, #tpu.memory_space<vmem>>, vector<1x16xi32>,
      %parallel_loop3A_804 = vector.shape_cast %parallel_loop3A_803 : vector<1x16xi32> to vector<16xi32>
      %parallel_loop3A_805 = arith.index_cast %parallel_loop3A_636 : i32 to index
      %parallel_loop3A_806 = arith.constant 32 : index
      %parallel_loop3A_807 = tpu.vector_load %arg8[%parallel_loop3A_805, %parallel_loop3A_806] {strides = array<i32>} : memref<32x128xf32, #tpu.memory_space<vmem>>, vector<1x16xf32>,
      %parallel_loop3A_808 = vector.shape_cast %parallel_loop3A_807 : vector<1x16xf32> to vector<16xf32>
      %parallel_loop3A_809 = arith.constant 0 : i32
      %parallel_loop3A_810 = vector.broadcast %parallel_loop3A_809 : i32 to vector<16xi32>
      %parallel_loop3A_811 = arith.cmpi eq, %parallel_loop3A_804, %parallel_loop3A_810 : vector<16xi32>
      %parallel_loop3A_812 = arith.addf %parallel_loop3A_736, %parallel_loop3A_808 : vector<16xf32>
      %parallel_loop3A_813 = arith.constant 0.000000e+00 : f32
      %parallel_loop3A_814 = vector.broadcast %parallel_loop3A_813 : f32 to vector<16xf32>
      %parallel_loop3A_815 = arith.select %parallel_loop3A_811, %parallel_loop3A_808, %parallel_loop3A_814 : vector<16xi1>, vector<16xf32>
      %parallel_loop3A_816 = arith.addf %parallel_loop3A_740, %parallel_loop3A_815 : vector<16xf32>
      %parallel_loop3A_817 = arith.constant 1.000000e+00 : f32
      %parallel_loop3A_818 = arith.constant 0.000000e+00 : f32
      %parallel_loop3A_819 = vector.broadcast %parallel_loop3A_817 : f32 to vector<16xf32>
      %parallel_loop3A_820 = vector.broadcast %parallel_loop3A_818 : f32 to vector<16xf32>
      %parallel_loop3A_821 = arith.select %parallel_loop3A_811, %parallel_loop3A_819, %parallel_loop3A_820 : vector<16xi1>, vector<16xf32>
      %parallel_loop3A_822 = arith.addf %parallel_loop3A_746, %parallel_loop3A_821 : vector<16xf32>
      %parallel_loop3A_823 = arith.index_cast %parallel_loop3A_636 : i32 to index
      %parallel_loop3A_824 = arith.constant 32 : index
      %parallel_loop3A_825 = tpu.vector_load %arg9[%parallel_loop3A_823, %parallel_loop3A_824] {strides = array<i32>} : memref<32x128xf32, #tpu.memory_space<vmem>>, vector<1x16xf32>,
      %parallel_loop3A_826 = vector.shape_cast %parallel_loop3A_825 : vector<1x16xf32> to vector<16xf32>
      %parallel_loop3A_827 = arith.constant 1 : i32
      %parallel_loop3A_828 = vector.broadcast %parallel_loop3A_827 : i32 to vector<16xi32>
      %parallel_loop3A_829 = arith.cmpi eq, %parallel_loop3A_804, %parallel_loop3A_828 : vector<16xi32>
      %parallel_loop3A_830 = arith.addf %parallel_loop3A_754, %parallel_loop3A_826 : vector<16xf32>
      %parallel_loop3A_831 = arith.constant 0.000000e+00 : f32
      %parallel_loop3A_832 = vector.broadcast %parallel_loop3A_831 : f32 to vector<16xf32>
      %parallel_loop3A_833 = arith.select %parallel_loop3A_829, %parallel_loop3A_826, %parallel_loop3A_832 : vector<16xi1>, vector<16xf32>
      %parallel_loop3A_834 = arith.addf %parallel_loop3A_758, %parallel_loop3A_833 : vector<16xf32>
      %parallel_loop3A_835 = arith.constant 1.000000e+00 : f32
      %parallel_loop3A_836 = arith.constant 0.000000e+00 : f32
      %parallel_loop3A_837 = vector.broadcast %parallel_loop3A_835 : f32 to vector<16xf32>
      %parallel_loop3A_838 = vector.broadcast %parallel_loop3A_836 : f32 to vector<16xf32>
      %parallel_loop3A_839 = arith.select %parallel_loop3A_829, %parallel_loop3A_837, %parallel_loop3A_838 : vector<16xi1>, vector<16xf32>
      %parallel_loop3A_840 = arith.addf %parallel_loop3A_764, %parallel_loop3A_839 : vector<16xf32>
      %parallel_loop3A_841 = arith.index_cast %parallel_loop3A_636 : i32 to index
      %parallel_loop3A_842 = arith.constant 32 : index
      %parallel_loop3A_843 = tpu.vector_load %arg10[%parallel_loop3A_841, %parallel_loop3A_842] {strides = array<i32>} : memref<32x128xf32, #tpu.memory_space<vmem>>, vector<1x16xf32>,
      %parallel_loop3A_844 = vector.shape_cast %parallel_loop3A_843 : vector<1x16xf32> to vector<16xf32>
      %parallel_loop3A_845 = arith.constant 2 : i32
      %parallel_loop3A_846 = vector.broadcast %parallel_loop3A_845 : i32 to vector<16xi32>
      %parallel_loop3A_847 = arith.cmpi eq, %parallel_loop3A_804, %parallel_loop3A_846 : vector<16xi32>
      %parallel_loop3A_848 = arith.addf %parallel_loop3A_772, %parallel_loop3A_844 : vector<16xf32>
      %parallel_loop3A_849 = arith.constant 0.000000e+00 : f32
      %parallel_loop3A_850 = vector.broadcast %parallel_loop3A_849 : f32 to vector<16xf32>
      %parallel_loop3A_851 = arith.select %parallel_loop3A_847, %parallel_loop3A_844, %parallel_loop3A_850 : vector<16xi1>, vector<16xf32>
      %parallel_loop3A_852 = arith.addf %parallel_loop3A_776, %parallel_loop3A_851 : vector<16xf32>
      %parallel_loop3A_853 = arith.constant 1.000000e+00 : f32
      %parallel_loop3A_854 = arith.constant 0.000000e+00 : f32
      %parallel_loop3A_855 = vector.broadcast %parallel_loop3A_853 : f32 to vector<16xf32>
      %parallel_loop3A_856 = vector.broadcast %parallel_loop3A_854 : f32 to vector<16xf32>
      %parallel_loop3A_857 = arith.select %parallel_loop3A_847, %parallel_loop3A_855, %parallel_loop3A_856 : vector<16xi1>, vector<16xf32>
      %parallel_loop3A_858 = arith.addf %parallel_loop3A_782, %parallel_loop3A_857 : vector<16xf32>
      %parallel_loop3A_859 = arith.index_cast %parallel_loop3A_636 : i32 to index
      %parallel_loop3A_860 = arith.constant 32 : index
      %parallel_loop3A_861 = tpu.vector_load %arg11[%parallel_loop3A_859, %parallel_loop3A_860] {strides = array<i32>} : memref<32x128xf32, #tpu.memory_space<vmem>>, vector<1x16xf32>,
      %parallel_loop3A_862 = vector.shape_cast %parallel_loop3A_861 : vector<1x16xf32> to vector<16xf32>
      %parallel_loop3A_863 = arith.constant 3 : i32
      %parallel_loop3A_864 = vector.broadcast %parallel_loop3A_863 : i32 to vector<16xi32>
      %parallel_loop3A_865 = arith.cmpi eq, %parallel_loop3A_804, %parallel_loop3A_864 : vector<16xi32>
      %parallel_loop3A_866 = arith.addf %parallel_loop3A_790, %parallel_loop3A_862 : vector<16xf32>
      %parallel_loop3A_867 = arith.constant 0.000000e+00 : f32
      %parallel_loop3A_868 = vector.broadcast %parallel_loop3A_867 : f32 to vector<16xf32>
      %parallel_loop3A_869 = arith.select %parallel_loop3A_865, %parallel_loop3A_862, %parallel_loop3A_868 : vector<16xi1>, vector<16xf32>
      %parallel_loop3A_870 = arith.addf %parallel_loop3A_794, %parallel_loop3A_869 : vector<16xf32>
      %parallel_loop3A_871 = arith.constant 1.000000e+00 : f32
      %parallel_loop3A_872 = arith.constant 0.000000e+00 : f32
      %parallel_loop3A_873 = vector.broadcast %parallel_loop3A_871 : f32 to vector<16xf32>
      %parallel_loop3A_874 = vector.broadcast %parallel_loop3A_872 : f32 to vector<16xf32>
      %parallel_loop3A_875 = arith.select %parallel_loop3A_865, %parallel_loop3A_873, %parallel_loop3A_874 : vector<16xi1>, vector<16xf32>
      %parallel_loop3A_876 = arith.addf %parallel_loop3A_800, %parallel_loop3A_875 : vector<16xf32>
      %parallel_loop3A_877 = arith.index_cast %parallel_loop3A_636 : i32 to index
      %parallel_loop3A_878 = arith.constant 48 : index
      %parallel_loop3A_879 = tpu.vector_load %arg7[%parallel_loop3A_877, %parallel_loop3A_878] {strides = array<i32>} : memref<32x128xi32, #tpu.memory_space<vmem>>, vector<1x16xi32>,
      %parallel_loop3A_880 = vector.shape_cast %parallel_loop3A_879 : vector<1x16xi32> to vector<16xi32>
      %parallel_loop3A_881 = arith.index_cast %parallel_loop3A_636 : i32 to index
      %parallel_loop3A_882 = arith.constant 48 : index
      %parallel_loop3A_883 = tpu.vector_load %arg8[%parallel_loop3A_881, %parallel_loop3A_882] {strides = array<i32>} : memref<32x128xf32, #tpu.memory_space<vmem>>, vector<1x16xf32>,
      %parallel_loop3A_884 = vector.shape_cast %parallel_loop3A_883 : vector<1x16xf32> to vector<16xf32>
      %parallel_loop3A_885 = arith.constant 0 : i32
      %parallel_loop3A_886 = vector.broadcast %parallel_loop3A_885 : i32 to vector<16xi32>
      %parallel_loop3A_887 = arith.cmpi eq, %parallel_loop3A_880, %parallel_loop3A_886 : vector<16xi32>
      %parallel_loop3A_888 = arith.addf %parallel_loop3A_812, %parallel_loop3A_884 : vector<16xf32>
      %parallel_loop3A_889 = arith.constant 0.000000e+00 : f32
      %parallel_loop3A_890 = vector.broadcast %parallel_loop3A_889 : f32 to vector<16xf32>
      %parallel_loop3A_891 = arith.select %parallel_loop3A_887, %parallel_loop3A_884, %parallel_loop3A_890 : vector<16xi1>, vector<16xf32>
      %parallel_loop3A_892 = arith.addf %parallel_loop3A_816, %parallel_loop3A_891 : vector<16xf32>
      %parallel_loop3A_893 = arith.constant 1.000000e+00 : f32
      %parallel_loop3A_894 = arith.constant 0.000000e+00 : f32
      %parallel_loop3A_895 = vector.broadcast %parallel_loop3A_893 : f32 to vector<16xf32>
      %parallel_loop3A_896 = vector.broadcast %parallel_loop3A_894 : f32 to vector<16xf32>
      %parallel_loop3A_897 = arith.select %parallel_loop3A_887, %parallel_loop3A_895, %parallel_loop3A_896 : vector<16xi1>, vector<16xf32>
      %parallel_loop3A_898 = arith.addf %parallel_loop3A_822, %parallel_loop3A_897 : vector<16xf32>
      %parallel_loop3A_899 = arith.index_cast %parallel_loop3A_636 : i32 to index
      %parallel_loop3A_900 = arith.constant 48 : index
      %parallel_loop3A_901 = tpu.vector_load %arg9[%parallel_loop3A_899, %parallel_loop3A_900] {strides = array<i32>} : memref<32x128xf32, #tpu.memory_space<vmem>>, vector<1x16xf32>,
      %parallel_loop3A_902 = vector.shape_cast %parallel_loop3A_901 : vector<1x16xf32> to vector<16xf32>
      %parallel_loop3A_903 = arith.constant 1 : i32
      %parallel_loop3A_904 = vector.broadcast %parallel_loop3A_903 : i32 to vector<16xi32>
      %parallel_loop3A_905 = arith.cmpi eq, %parallel_loop3A_880, %parallel_loop3A_904 : vector<16xi32>
      %parallel_loop3A_906 = arith.addf %parallel_loop3A_830, %parallel_loop3A_902 : vector<16xf32>
      %parallel_loop3A_907 = arith.constant 0.000000e+00 : f32
      %parallel_loop3A_908 = vector.broadcast %parallel_loop3A_907 : f32 to vector<16xf32>
      %parallel_loop3A_909 = arith.select %parallel_loop3A_905, %parallel_loop3A_902, %parallel_loop3A_908 : vector<16xi1>, vector<16xf32>
      %parallel_loop3A_910 = arith.addf %parallel_loop3A_834, %parallel_loop3A_909 : vector<16xf32>
      %parallel_loop3A_911 = arith.constant 1.000000e+00 : f32
      %parallel_loop3A_912 = arith.constant 0.000000e+00 : f32
      %parallel_loop3A_913 = vector.broadcast %parallel_loop3A_911 : f32 to vector<16xf32>
      %parallel_loop3A_914 = vector.broadcast %parallel_loop3A_912 : f32 to vector<16xf32>
      %parallel_loop3A_915 = arith.select %parallel_loop3A_905, %parallel_loop3A_913, %parallel_loop3A_914 : vector<16xi1>, vector<16xf32>
      %parallel_loop3A_916 = arith.addf %parallel_loop3A_840, %parallel_loop3A_915 : vector<16xf32>
      %parallel_loop3A_917 = arith.index_cast %parallel_loop3A_636 : i32 to index
      %parallel_loop3A_918 = arith.constant 48 : index
      %parallel_loop3A_919 = tpu.vector_load %arg10[%parallel_loop3A_917, %parallel_loop3A_918] {strides = array<i32>} : memref<32x128xf32, #tpu.memory_space<vmem>>, vector<1x16xf32>,
      %parallel_loop3A_920 = vector.shape_cast %parallel_loop3A_919 : vector<1x16xf32> to vector<16xf32>
      %parallel_loop3A_921 = arith.constant 2 : i32
      %parallel_loop3A_922 = vector.broadcast %parallel_loop3A_921 : i32 to vector<16xi32>
      %parallel_loop3A_923 = arith.cmpi eq, %parallel_loop3A_880, %parallel_loop3A_922 : vector<16xi32>
      %parallel_loop3A_924 = arith.addf %parallel_loop3A_848, %parallel_loop3A_920 : vector<16xf32>
      %parallel_loop3A_925 = arith.constant 0.000000e+00 : f32
      %parallel_loop3A_926 = vector.broadcast %parallel_loop3A_925 : f32 to vector<16xf32>
      %parallel_loop3A_927 = arith.select %parallel_loop3A_923, %parallel_loop3A_920, %parallel_loop3A_926 : vector<16xi1>, vector<16xf32>
      %parallel_loop3A_928 = arith.addf %parallel_loop3A_852, %parallel_loop3A_927 : vector<16xf32>
      %parallel_loop3A_929 = arith.constant 1.000000e+00 : f32
      %parallel_loop3A_930 = arith.constant 0.000000e+00 : f32
      %parallel_loop3A_931 = vector.broadcast %parallel_loop3A_929 : f32 to vector<16xf32>
      %parallel_loop3A_932 = vector.broadcast %parallel_loop3A_930 : f32 to vector<16xf32>
      %parallel_loop3A_933 = arith.select %parallel_loop3A_923, %parallel_loop3A_931, %parallel_loop3A_932 : vector<16xi1>, vector<16xf32>
      %parallel_loop3A_934 = arith.addf %parallel_loop3A_858, %parallel_loop3A_933 : vector<16xf32>
      %parallel_loop3A_935 = arith.index_cast %parallel_loop3A_636 : i32 to index
      %parallel_loop3A_936 = arith.constant 48 : index
      %parallel_loop3A_937 = tpu.vector_load %arg11[%parallel_loop3A_935, %parallel_loop3A_936] {strides = array<i32>} : memref<32x128xf32, #tpu.memory_space<vmem>>, vector<1x16xf32>,
      %parallel_loop3A_938 = vector.shape_cast %parallel_loop3A_937 : vector<1x16xf32> to vector<16xf32>
      %parallel_loop3A_939 = arith.constant 3 : i32
      %parallel_loop3A_940 = vector.broadcast %parallel_loop3A_939 : i32 to vector<16xi32>
      %parallel_loop3A_941 = arith.cmpi eq, %parallel_loop3A_880, %parallel_loop3A_940 : vector<16xi32>
      %parallel_loop3A_942 = arith.addf %parallel_loop3A_866, %parallel_loop3A_938 : vector<16xf32>
      %parallel_loop3A_943 = arith.constant 0.000000e+00 : f32
      %parallel_loop3A_944 = vector.broadcast %parallel_loop3A_943 : f32 to vector<16xf32>
      %parallel_loop3A_945 = arith.select %parallel_loop3A_941, %parallel_loop3A_938, %parallel_loop3A_944 : vector<16xi1>, vector<16xf32>
      %parallel_loop3A_946 = arith.addf %parallel_loop3A_870, %parallel_loop3A_945 : vector<16xf32>
      %parallel_loop3A_947 = arith.constant 1.000000e+00 : f32
      %parallel_loop3A_948 = arith.constant 0.000000e+00 : f32
      %parallel_loop3A_949 = vector.broadcast %parallel_loop3A_947 : f32 to vector<16xf32>
      %parallel_loop3A_950 = vector.broadcast %parallel_loop3A_948 : f32 to vector<16xf32>
      %parallel_loop3A_951 = arith.select %parallel_loop3A_941, %parallel_loop3A_949, %parallel_loop3A_950 : vector<16xi1>, vector<16xf32>
      %parallel_loop3A_952 = arith.addf %parallel_loop3A_876, %parallel_loop3A_951 : vector<16xf32>
      %parallel_loop3A_953 = arith.index_cast %parallel_loop3A_636 : i32 to index
      %parallel_loop3A_954 = arith.constant 64 : index
      %parallel_loop3A_955 = tpu.vector_load %arg7[%parallel_loop3A_953, %parallel_loop3A_954] {strides = array<i32>} : memref<32x128xi32, #tpu.memory_space<vmem>>, vector<1x16xi32>,
      %parallel_loop3A_956 = vector.shape_cast %parallel_loop3A_955 : vector<1x16xi32> to vector<16xi32>
      %parallel_loop3A_957 = arith.index_cast %parallel_loop3A_636 : i32 to index
      %parallel_loop3A_958 = arith.constant 64 : index
      %parallel_loop3A_959 = tpu.vector_load %arg8[%parallel_loop3A_957, %parallel_loop3A_958] {strides = array<i32>} : memref<32x128xf32, #tpu.memory_space<vmem>>, vector<1x16xf32>,
      %parallel_loop3A_960 = vector.shape_cast %parallel_loop3A_959 : vector<1x16xf32> to vector<16xf32>
      %parallel_loop3A_961 = arith.constant 0 : i32
      %parallel_loop3A_962 = vector.broadcast %parallel_loop3A_961 : i32 to vector<16xi32>
      %parallel_loop3A_963 = arith.cmpi eq, %parallel_loop3A_956, %parallel_loop3A_962 : vector<16xi32>
      %parallel_loop3A_964 = arith.addf %parallel_loop3A_888, %parallel_loop3A_960 : vector<16xf32>
      %parallel_loop3A_965 = arith.constant 0.000000e+00 : f32
      %parallel_loop3A_966 = vector.broadcast %parallel_loop3A_965 : f32 to vector<16xf32>
      %parallel_loop3A_967 = arith.select %parallel_loop3A_963, %parallel_loop3A_960, %parallel_loop3A_966 : vector<16xi1>, vector<16xf32>
      %parallel_loop3A_968 = arith.addf %parallel_loop3A_892, %parallel_loop3A_967 : vector<16xf32>
      %parallel_loop3A_969 = arith.constant 1.000000e+00 : f32
      %parallel_loop3A_970 = arith.constant 0.000000e+00 : f32
      %parallel_loop3A_971 = vector.broadcast %parallel_loop3A_969 : f32 to vector<16xf32>
      %parallel_loop3A_972 = vector.broadcast %parallel_loop3A_970 : f32 to vector<16xf32>
      %parallel_loop3A_973 = arith.select %parallel_loop3A_963, %parallel_loop3A_971, %parallel_loop3A_972 : vector<16xi1>, vector<16xf32>
      %parallel_loop3A_974 = arith.addf %parallel_loop3A_898, %parallel_loop3A_973 : vector<16xf32>
      %parallel_loop3A_975 = arith.index_cast %parallel_loop3A_636 : i32 to index
      %parallel_loop3A_976 = arith.constant 64 : index
      %parallel_loop3A_977 = tpu.vector_load %arg9[%parallel_loop3A_975, %parallel_loop3A_976] {strides = array<i32>} : memref<32x128xf32, #tpu.memory_space<vmem>>, vector<1x16xf32>,
      %parallel_loop3A_978 = vector.shape_cast %parallel_loop3A_977 : vector<1x16xf32> to vector<16xf32>
      %parallel_loop3A_979 = arith.constant 1 : i32
      %parallel_loop3A_980 = vector.broadcast %parallel_loop3A_979 : i32 to vector<16xi32>
      %parallel_loop3A_981 = arith.cmpi eq, %parallel_loop3A_956, %parallel_loop3A_980 : vector<16xi32>
      %parallel_loop3A_982 = arith.addf %parallel_loop3A_906, %parallel_loop3A_978 : vector<16xf32>
      %parallel_loop3A_983 = arith.constant 0.000000e+00 : f32
      %parallel_loop3A_984 = vector.broadcast %parallel_loop3A_983 : f32 to vector<16xf32>
      %parallel_loop3A_985 = arith.select %parallel_loop3A_981, %parallel_loop3A_978, %parallel_loop3A_984 : vector<16xi1>, vector<16xf32>
      %parallel_loop3A_986 = arith.addf %parallel_loop3A_910, %parallel_loop3A_985 : vector<16xf32>
      %parallel_loop3A_987 = arith.constant 1.000000e+00 : f32
      %parallel_loop3A_988 = arith.constant 0.000000e+00 : f32
      %parallel_loop3A_989 = vector.broadcast %parallel_loop3A_987 : f32 to vector<16xf32>
      %parallel_loop3A_990 = vector.broadcast %parallel_loop3A_988 : f32 to vector<16xf32>
      %parallel_loop3A_991 = arith.select %parallel_loop3A_981, %parallel_loop3A_989, %parallel_loop3A_990 : vector<16xi1>, vector<16xf32>
      %parallel_loop3A_992 = arith.addf %parallel_loop3A_916, %parallel_loop3A_991 : vector<16xf32>
      %parallel_loop3A_993 = arith.index_cast %parallel_loop3A_636 : i32 to index
      %parallel_loop3A_994 = arith.constant 64 : index
      %parallel_loop3A_995 = tpu.vector_load %arg10[%parallel_loop3A_993, %parallel_loop3A_994] {strides = array<i32>} : memref<32x128xf32, #tpu.memory_space<vmem>>, vector<1x16xf32>,
      %parallel_loop3A_996 = vector.shape_cast %parallel_loop3A_995 : vector<1x16xf32> to vector<16xf32>
      %parallel_loop3A_997 = arith.constant 2 : i32
      %parallel_loop3A_998 = vector.broadcast %parallel_loop3A_997 : i32 to vector<16xi32>
      %parallel_loop3A_999 = arith.cmpi eq, %parallel_loop3A_956, %parallel_loop3A_998 : vector<16xi32>
      %parallel_loop3A_1000 = arith.addf %parallel_loop3A_924, %parallel_loop3A_996 : vector<16xf32>
      %parallel_loop3A_1001 = arith.constant 0.000000e+00 : f32
      %parallel_loop3A_1002 = vector.broadcast %parallel_loop3A_1001 : f32 to vector<16xf32>
      %parallel_loop3A_1003 = arith.select %parallel_loop3A_999, %parallel_loop3A_996, %parallel_loop3A_1002 : vector<16xi1>, vector<16xf32>
      %parallel_loop3A_1004 = arith.addf %parallel_loop3A_928, %parallel_loop3A_1003 : vector<16xf32>
      %parallel_loop3A_1005 = arith.constant 1.000000e+00 : f32
      %parallel_loop3A_1006 = arith.constant 0.000000e+00 : f32
      %parallel_loop3A_1007 = vector.broadcast %parallel_loop3A_1005 : f32 to vector<16xf32>
      %parallel_loop3A_1008 = vector.broadcast %parallel_loop3A_1006 : f32 to vector<16xf32>
      %parallel_loop3A_1009 = arith.select %parallel_loop3A_999, %parallel_loop3A_1007, %parallel_loop3A_1008 : vector<16xi1>, vector<16xf32>
      %parallel_loop3A_1010 = arith.addf %parallel_loop3A_934, %parallel_loop3A_1009 : vector<16xf32>
      %parallel_loop3A_1011 = arith.index_cast %parallel_loop3A_636 : i32 to index
      %parallel_loop3A_1012 = arith.constant 64 : index
      %parallel_loop3A_1013 = tpu.vector_load %arg11[%parallel_loop3A_1011, %parallel_loop3A_1012] {strides = array<i32>} : memref<32x128xf32, #tpu.memory_space<vmem>>, vector<1x16xf32>,
      %parallel_loop3A_1014 = vector.shape_cast %parallel_loop3A_1013 : vector<1x16xf32> to vector<16xf32>
      %parallel_loop3A_1015 = arith.constant 3 : i32
      %parallel_loop3A_1016 = vector.broadcast %parallel_loop3A_1015 : i32 to vector<16xi32>
      %parallel_loop3A_1017 = arith.cmpi eq, %parallel_loop3A_956, %parallel_loop3A_1016 : vector<16xi32>
      %parallel_loop3A_1018 = arith.addf %parallel_loop3A_942, %parallel_loop3A_1014 : vector<16xf32>
      %parallel_loop3A_1019 = arith.constant 0.000000e+00 : f32
      %parallel_loop3A_1020 = vector.broadcast %parallel_loop3A_1019 : f32 to vector<16xf32>
      %parallel_loop3A_1021 = arith.select %parallel_loop3A_1017, %parallel_loop3A_1014, %parallel_loop3A_1020 : vector<16xi1>, vector<16xf32>
      %parallel_loop3A_1022 = arith.addf %parallel_loop3A_946, %parallel_loop3A_1021 : vector<16xf32>
      %parallel_loop3A_1023 = arith.constant 1.000000e+00 : f32
      %parallel_loop3A_1024 = arith.constant 0.000000e+00 : f32
      %parallel_loop3A_1025 = vector.broadcast %parallel_loop3A_1023 : f32 to vector<16xf32>
      %parallel_loop3A_1026 = vector.broadcast %parallel_loop3A_1024 : f32 to vector<16xf32>
      %parallel_loop3A_1027 = arith.select %parallel_loop3A_1017, %parallel_loop3A_1025, %parallel_loop3A_1026 : vector<16xi1>, vector<16xf32>
      %parallel_loop3A_1028 = arith.addf %parallel_loop3A_952, %parallel_loop3A_1027 : vector<16xf32>
      %parallel_loop3A_1029 = arith.index_cast %parallel_loop3A_636 : i32 to index
      %parallel_loop3A_1030 = arith.constant 80 : index
      %parallel_loop3A_1031 = tpu.vector_load %arg7[%parallel_loop3A_1029, %parallel_loop3A_1030] {strides = array<i32>} : memref<32x128xi32, #tpu.memory_space<vmem>>, vector<1x16xi32>,
      %parallel_loop3A_1032 = vector.shape_cast %parallel_loop3A_1031 : vector<1x16xi32> to vector<16xi32>
      %parallel_loop3A_1033 = arith.index_cast %parallel_loop3A_636 : i32 to index
      %parallel_loop3A_1034 = arith.constant 80 : index
      %parallel_loop3A_1035 = tpu.vector_load %arg8[%parallel_loop3A_1033, %parallel_loop3A_1034] {strides = array<i32>} : memref<32x128xf32, #tpu.memory_space<vmem>>, vector<1x16xf32>,
      %parallel_loop3A_1036 = vector.shape_cast %parallel_loop3A_1035 : vector<1x16xf32> to vector<16xf32>
      %parallel_loop3A_1037 = arith.constant 0 : i32
      %parallel_loop3A_1038 = vector.broadcast %parallel_loop3A_1037 : i32 to vector<16xi32>
      %parallel_loop3A_1039 = arith.cmpi eq, %parallel_loop3A_1032, %parallel_loop3A_1038 : vector<16xi32>
      %parallel_loop3A_1040 = arith.addf %parallel_loop3A_964, %parallel_loop3A_1036 : vector<16xf32>
      %parallel_loop3A_1041 = arith.constant 0.000000e+00 : f32
      %parallel_loop3A_1042 = vector.broadcast %parallel_loop3A_1041 : f32 to vector<16xf32>
      %parallel_loop3A_1043 = arith.select %parallel_loop3A_1039, %parallel_loop3A_1036, %parallel_loop3A_1042 : vector<16xi1>, vector<16xf32>
      %parallel_loop3A_1044 = arith.addf %parallel_loop3A_968, %parallel_loop3A_1043 : vector<16xf32>
      %parallel_loop3A_1045 = arith.constant 1.000000e+00 : f32
      %parallel_loop3A_1046 = arith.constant 0.000000e+00 : f32
      %parallel_loop3A_1047 = vector.broadcast %parallel_loop3A_1045 : f32 to vector<16xf32>
      %parallel_loop3A_1048 = vector.broadcast %parallel_loop3A_1046 : f32 to vector<16xf32>
      %parallel_loop3A_1049 = arith.select %parallel_loop3A_1039, %parallel_loop3A_1047, %parallel_loop3A_1048 : vector<16xi1>, vector<16xf32>
      %parallel_loop3A_1050 = arith.addf %parallel_loop3A_974, %parallel_loop3A_1049 : vector<16xf32>
      %parallel_loop3A_1051 = arith.index_cast %parallel_loop3A_636 : i32 to index
      %parallel_loop3A_1052 = arith.constant 80 : index
      %parallel_loop3A_1053 = tpu.vector_load %arg9[%parallel_loop3A_1051, %parallel_loop3A_1052] {strides = array<i32>} : memref<32x128xf32, #tpu.memory_space<vmem>>, vector<1x16xf32>,
      %parallel_loop3A_1054 = vector.shape_cast %parallel_loop3A_1053 : vector<1x16xf32> to vector<16xf32>
      %parallel_loop3A_1055 = arith.constant 1 : i32
      %parallel_loop3A_1056 = vector.broadcast %parallel_loop3A_1055 : i32 to vector<16xi32>
      %parallel_loop3A_1057 = arith.cmpi eq, %parallel_loop3A_1032, %parallel_loop3A_1056 : vector<16xi32>
      %parallel_loop3A_1058 = arith.addf %parallel_loop3A_982, %parallel_loop3A_1054 : vector<16xf32>
      %parallel_loop3A_1059 = arith.constant 0.000000e+00 : f32
      %parallel_loop3A_1060 = vector.broadcast %parallel_loop3A_1059 : f32 to vector<16xf32>
      %parallel_loop3A_1061 = arith.select %parallel_loop3A_1057, %parallel_loop3A_1054, %parallel_loop3A_1060 : vector<16xi1>, vector<16xf32>
      %parallel_loop3A_1062 = arith.addf %parallel_loop3A_986, %parallel_loop3A_1061 : vector<16xf32>
      %parallel_loop3A_1063 = arith.constant 1.000000e+00 : f32
      %parallel_loop3A_1064 = arith.constant 0.000000e+00 : f32
      %parallel_loop3A_1065 = vector.broadcast %parallel_loop3A_1063 : f32 to vector<16xf32>
      %parallel_loop3A_1066 = vector.broadcast %parallel_loop3A_1064 : f32 to vector<16xf32>
      %parallel_loop3A_1067 = arith.select %parallel_loop3A_1057, %parallel_loop3A_1065, %parallel_loop3A_1066 : vector<16xi1>, vector<16xf32>
      %parallel_loop3A_1068 = arith.addf %parallel_loop3A_992, %parallel_loop3A_1067 : vector<16xf32>
      %parallel_loop3A_1069 = arith.index_cast %parallel_loop3A_636 : i32 to index
      %parallel_loop3A_1070 = arith.constant 80 : index
      %parallel_loop3A_1071 = tpu.vector_load %arg10[%parallel_loop3A_1069, %parallel_loop3A_1070] {strides = array<i32>} : memref<32x128xf32, #tpu.memory_space<vmem>>, vector<1x16xf32>,
      %parallel_loop3A_1072 = vector.shape_cast %parallel_loop3A_1071 : vector<1x16xf32> to vector<16xf32>
      %parallel_loop3A_1073 = arith.constant 2 : i32
      %parallel_loop3A_1074 = vector.broadcast %parallel_loop3A_1073 : i32 to vector<16xi32>
      %parallel_loop3A_1075 = arith.cmpi eq, %parallel_loop3A_1032, %parallel_loop3A_1074 : vector<16xi32>
      %parallel_loop3A_1076 = arith.addf %parallel_loop3A_1000, %parallel_loop3A_1072 : vector<16xf32>
      %parallel_loop3A_1077 = arith.constant 0.000000e+00 : f32
      %parallel_loop3A_1078 = vector.broadcast %parallel_loop3A_1077 : f32 to vector<16xf32>
      %parallel_loop3A_1079 = arith.select %parallel_loop3A_1075, %parallel_loop3A_1072, %parallel_loop3A_1078 : vector<16xi1>, vector<16xf32>
      %parallel_loop3A_1080 = arith.addf %parallel_loop3A_1004, %parallel_loop3A_1079 : vector<16xf32>
      %parallel_loop3A_1081 = arith.constant 1.000000e+00 : f32
      %parallel_loop3A_1082 = arith.constant 0.000000e+00 : f32
      %parallel_loop3A_1083 = vector.broadcast %parallel_loop3A_1081 : f32 to vector<16xf32>
      %parallel_loop3A_1084 = vector.broadcast %parallel_loop3A_1082 : f32 to vector<16xf32>
      %parallel_loop3A_1085 = arith.select %parallel_loop3A_1075, %parallel_loop3A_1083, %parallel_loop3A_1084 : vector<16xi1>, vector<16xf32>
      %parallel_loop3A_1086 = arith.addf %parallel_loop3A_1010, %parallel_loop3A_1085 : vector<16xf32>
      %parallel_loop3A_1087 = arith.index_cast %parallel_loop3A_636 : i32 to index
      %parallel_loop3A_1088 = arith.constant 80 : index
      %parallel_loop3A_1089 = tpu.vector_load %arg11[%parallel_loop3A_1087, %parallel_loop3A_1088] {strides = array<i32>} : memref<32x128xf32, #tpu.memory_space<vmem>>, vector<1x16xf32>,
      %parallel_loop3A_1090 = vector.shape_cast %parallel_loop3A_1089 : vector<1x16xf32> to vector<16xf32>
      %parallel_loop3A_1091 = arith.constant 3 : i32
      %parallel_loop3A_1092 = vector.broadcast %parallel_loop3A_1091 : i32 to vector<16xi32>
      %parallel_loop3A_1093 = arith.cmpi eq, %parallel_loop3A_1032, %parallel_loop3A_1092 : vector<16xi32>
      %parallel_loop3A_1094 = arith.addf %parallel_loop3A_1018, %parallel_loop3A_1090 : vector<16xf32>
      %parallel_loop3A_1095 = arith.constant 0.000000e+00 : f32
      %parallel_loop3A_1096 = vector.broadcast %parallel_loop3A_1095 : f32 to vector<16xf32>
      %parallel_loop3A_1097 = arith.select %parallel_loop3A_1093, %parallel_loop3A_1090, %parallel_loop3A_1096 : vector<16xi1>, vector<16xf32>
      %parallel_loop3A_1098 = arith.addf %parallel_loop3A_1022, %parallel_loop3A_1097 : vector<16xf32>
      %parallel_loop3A_1099 = arith.constant 1.000000e+00 : f32
      %parallel_loop3A_1100 = arith.constant 0.000000e+00 : f32
      %parallel_loop3A_1101 = vector.broadcast %parallel_loop3A_1099 : f32 to vector<16xf32>
      %parallel_loop3A_1102 = vector.broadcast %parallel_loop3A_1100 : f32 to vector<16xf32>
      %parallel_loop3A_1103 = arith.select %parallel_loop3A_1093, %parallel_loop3A_1101, %parallel_loop3A_1102 : vector<16xi1>, vector<16xf32>
      %parallel_loop3A_1104 = arith.addf %parallel_loop3A_1028, %parallel_loop3A_1103 : vector<16xf32>
      %parallel_loop3A_1105 = arith.index_cast %parallel_loop3A_636 : i32 to index
      %parallel_loop3A_1106 = arith.constant 96 : index
      %parallel_loop3A_1107 = tpu.vector_load %arg7[%parallel_loop3A_1105, %parallel_loop3A_1106] {strides = array<i32>} : memref<32x128xi32, #tpu.memory_space<vmem>>, vector<1x16xi32>,
      %parallel_loop3A_1108 = vector.shape_cast %parallel_loop3A_1107 : vector<1x16xi32> to vector<16xi32>
      %parallel_loop3A_1109 = arith.index_cast %parallel_loop3A_636 : i32 to index
      %parallel_loop3A_1110 = arith.constant 96 : index
      %parallel_loop3A_1111 = tpu.vector_load %arg8[%parallel_loop3A_1109, %parallel_loop3A_1110] {strides = array<i32>} : memref<32x128xf32, #tpu.memory_space<vmem>>, vector<1x16xf32>,
      %parallel_loop3A_1112 = vector.shape_cast %parallel_loop3A_1111 : vector<1x16xf32> to vector<16xf32>
      %parallel_loop3A_1113 = arith.constant 0 : i32
      %parallel_loop3A_1114 = vector.broadcast %parallel_loop3A_1113 : i32 to vector<16xi32>
      %parallel_loop3A_1115 = arith.cmpi eq, %parallel_loop3A_1108, %parallel_loop3A_1114 : vector<16xi32>
      %parallel_loop3A_1116 = arith.addf %parallel_loop3A_1040, %parallel_loop3A_1112 : vector<16xf32>
      %parallel_loop3A_1117 = arith.constant 0.000000e+00 : f32
      %parallel_loop3A_1118 = vector.broadcast %parallel_loop3A_1117 : f32 to vector<16xf32>
      %parallel_loop3A_1119 = arith.select %parallel_loop3A_1115, %parallel_loop3A_1112, %parallel_loop3A_1118 : vector<16xi1>, vector<16xf32>
      %parallel_loop3A_1120 = arith.addf %parallel_loop3A_1044, %parallel_loop3A_1119 : vector<16xf32>
      %parallel_loop3A_1121 = arith.constant 1.000000e+00 : f32
      %parallel_loop3A_1122 = arith.constant 0.000000e+00 : f32
      %parallel_loop3A_1123 = vector.broadcast %parallel_loop3A_1121 : f32 to vector<16xf32>
      %parallel_loop3A_1124 = vector.broadcast %parallel_loop3A_1122 : f32 to vector<16xf32>
      %parallel_loop3A_1125 = arith.select %parallel_loop3A_1115, %parallel_loop3A_1123, %parallel_loop3A_1124 : vector<16xi1>, vector<16xf32>
      %parallel_loop3A_1126 = arith.addf %parallel_loop3A_1050, %parallel_loop3A_1125 : vector<16xf32>
      %parallel_loop3A_1127 = arith.index_cast %parallel_loop3A_636 : i32 to index
      %parallel_loop3A_1128 = arith.constant 96 : index
      %parallel_loop3A_1129 = tpu.vector_load %arg9[%parallel_loop3A_1127, %parallel_loop3A_1128] {strides = array<i32>} : memref<32x128xf32, #tpu.memory_space<vmem>>, vector<1x16xf32>,
      %parallel_loop3A_1130 = vector.shape_cast %parallel_loop3A_1129 : vector<1x16xf32> to vector<16xf32>
      %parallel_loop3A_1131 = arith.constant 1 : i32
      %parallel_loop3A_1132 = vector.broadcast %parallel_loop3A_1131 : i32 to vector<16xi32>
      %parallel_loop3A_1133 = arith.cmpi eq, %parallel_loop3A_1108, %parallel_loop3A_1132 : vector<16xi32>
      %parallel_loop3A_1134 = arith.addf %parallel_loop3A_1058, %parallel_loop3A_1130 : vector<16xf32>
      %parallel_loop3A_1135 = arith.constant 0.000000e+00 : f32
      %parallel_loop3A_1136 = vector.broadcast %parallel_loop3A_1135 : f32 to vector<16xf32>
      %parallel_loop3A_1137 = arith.select %parallel_loop3A_1133, %parallel_loop3A_1130, %parallel_loop3A_1136 : vector<16xi1>, vector<16xf32>
      %parallel_loop3A_1138 = arith.addf %parallel_loop3A_1062, %parallel_loop3A_1137 : vector<16xf32>
      %parallel_loop3A_1139 = arith.constant 1.000000e+00 : f32
      %parallel_loop3A_1140 = arith.constant 0.000000e+00 : f32
      %parallel_loop3A_1141 = vector.broadcast %parallel_loop3A_1139 : f32 to vector<16xf32>
      %parallel_loop3A_1142 = vector.broadcast %parallel_loop3A_1140 : f32 to vector<16xf32>
      %parallel_loop3A_1143 = arith.select %parallel_loop3A_1133, %parallel_loop3A_1141, %parallel_loop3A_1142 : vector<16xi1>, vector<16xf32>
      %parallel_loop3A_1144 = arith.addf %parallel_loop3A_1068, %parallel_loop3A_1143 : vector<16xf32>
      %parallel_loop3A_1145 = arith.index_cast %parallel_loop3A_636 : i32 to index
      %parallel_loop3A_1146 = arith.constant 96 : index
      %parallel_loop3A_1147 = tpu.vector_load %arg10[%parallel_loop3A_1145, %parallel_loop3A_1146] {strides = array<i32>} : memref<32x128xf32, #tpu.memory_space<vmem>>, vector<1x16xf32>,
      %parallel_loop3A_1148 = vector.shape_cast %parallel_loop3A_1147 : vector<1x16xf32> to vector<16xf32>
      %parallel_loop3A_1149 = arith.constant 2 : i32
      %parallel_loop3A_1150 = vector.broadcast %parallel_loop3A_1149 : i32 to vector<16xi32>
      %parallel_loop3A_1151 = arith.cmpi eq, %parallel_loop3A_1108, %parallel_loop3A_1150 : vector<16xi32>
      %parallel_loop3A_1152 = arith.addf %parallel_loop3A_1076, %parallel_loop3A_1148 : vector<16xf32>
      %parallel_loop3A_1153 = arith.constant 0.000000e+00 : f32
      %parallel_loop3A_1154 = vector.broadcast %parallel_loop3A_1153 : f32 to vector<16xf32>
      %parallel_loop3A_1155 = arith.select %parallel_loop3A_1151, %parallel_loop3A_1148, %parallel_loop3A_1154 : vector<16xi1>, vector<16xf32>
      %parallel_loop3A_1156 = arith.addf %parallel_loop3A_1080, %parallel_loop3A_1155 : vector<16xf32>
      %parallel_loop3A_1157 = arith.constant 1.000000e+00 : f32
      %parallel_loop3A_1158 = arith.constant 0.000000e+00 : f32
      %parallel_loop3A_1159 = vector.broadcast %parallel_loop3A_1157 : f32 to vector<16xf32>
      %parallel_loop3A_1160 = vector.broadcast %parallel_loop3A_1158 : f32 to vector<16xf32>
      %parallel_loop3A_1161 = arith.select %parallel_loop3A_1151, %parallel_loop3A_1159, %parallel_loop3A_1160 : vector<16xi1>, vector<16xf32>
      %parallel_loop3A_1162 = arith.addf %parallel_loop3A_1086, %parallel_loop3A_1161 : vector<16xf32>
      %parallel_loop3A_1163 = arith.index_cast %parallel_loop3A_636 : i32 to index
      %parallel_loop3A_1164 = arith.constant 96 : index
      %parallel_loop3A_1165 = tpu.vector_load %arg11[%parallel_loop3A_1163, %parallel_loop3A_1164] {strides = array<i32>} : memref<32x128xf32, #tpu.memory_space<vmem>>, vector<1x16xf32>,
      %parallel_loop3A_1166 = vector.shape_cast %parallel_loop3A_1165 : vector<1x16xf32> to vector<16xf32>
      %parallel_loop3A_1167 = arith.constant 3 : i32
      %parallel_loop3A_1168 = vector.broadcast %parallel_loop3A_1167 : i32 to vector<16xi32>
      %parallel_loop3A_1169 = arith.cmpi eq, %parallel_loop3A_1108, %parallel_loop3A_1168 : vector<16xi32>
      %parallel_loop3A_1170 = arith.addf %parallel_loop3A_1094, %parallel_loop3A_1166 : vector<16xf32>
      %parallel_loop3A_1171 = arith.constant 0.000000e+00 : f32
      %parallel_loop3A_1172 = vector.broadcast %parallel_loop3A_1171 : f32 to vector<16xf32>
      %parallel_loop3A_1173 = arith.select %parallel_loop3A_1169, %parallel_loop3A_1166, %parallel_loop3A_1172 : vector<16xi1>, vector<16xf32>
      %parallel_loop3A_1174 = arith.addf %parallel_loop3A_1098, %parallel_loop3A_1173 : vector<16xf32>
      %parallel_loop3A_1175 = arith.constant 1.000000e+00 : f32
      %parallel_loop3A_1176 = arith.constant 0.000000e+00 : f32
      %parallel_loop3A_1177 = vector.broadcast %parallel_loop3A_1175 : f32 to vector<16xf32>
      %parallel_loop3A_1178 = vector.broadcast %parallel_loop3A_1176 : f32 to vector<16xf32>
      %parallel_loop3A_1179 = arith.select %parallel_loop3A_1169, %parallel_loop3A_1177, %parallel_loop3A_1178 : vector<16xi1>, vector<16xf32>
      %parallel_loop3A_1180 = arith.addf %parallel_loop3A_1104, %parallel_loop3A_1179 : vector<16xf32>
      %parallel_loop3A_1181 = arith.index_cast %parallel_loop3A_636 : i32 to index
      %parallel_loop3A_1182 = arith.constant 112 : index
      %parallel_loop3A_1183 = tpu.vector_load %arg7[%parallel_loop3A_1181, %parallel_loop3A_1182] {strides = array<i32>} : memref<32x128xi32, #tpu.memory_space<vmem>>, vector<1x16xi32>,
      %parallel_loop3A_1184 = vector.shape_cast %parallel_loop3A_1183 : vector<1x16xi32> to vector<16xi32>
      %parallel_loop3A_1185 = arith.index_cast %parallel_loop3A_636 : i32 to index
      %parallel_loop3A_1186 = arith.constant 112 : index
      %parallel_loop3A_1187 = tpu.vector_load %arg8[%parallel_loop3A_1185, %parallel_loop3A_1186] {strides = array<i32>} : memref<32x128xf32, #tpu.memory_space<vmem>>, vector<1x16xf32>,
      %parallel_loop3A_1188 = vector.shape_cast %parallel_loop3A_1187 : vector<1x16xf32> to vector<16xf32>
      %parallel_loop3A_1189 = arith.constant 0 : i32
      %parallel_loop3A_1190 = vector.broadcast %parallel_loop3A_1189 : i32 to vector<16xi32>
      %parallel_loop3A_1191 = arith.cmpi eq, %parallel_loop3A_1184, %parallel_loop3A_1190 : vector<16xi32>
      %parallel_loop3A_1192 = arith.addf %parallel_loop3A_1116, %parallel_loop3A_1188 : vector<16xf32>
      %parallel_loop3A_1193 = arith.constant 0.000000e+00 : f32
      %parallel_loop3A_1194 = vector.broadcast %parallel_loop3A_1193 : f32 to vector<16xf32>
      %parallel_loop3A_1195 = arith.select %parallel_loop3A_1191, %parallel_loop3A_1188, %parallel_loop3A_1194 : vector<16xi1>, vector<16xf32>
      %parallel_loop3A_1196 = arith.addf %parallel_loop3A_1120, %parallel_loop3A_1195 : vector<16xf32>
      %parallel_loop3A_1197 = arith.constant 1.000000e+00 : f32
      %parallel_loop3A_1198 = arith.constant 0.000000e+00 : f32
      %parallel_loop3A_1199 = vector.broadcast %parallel_loop3A_1197 : f32 to vector<16xf32>
      %parallel_loop3A_1200 = vector.broadcast %parallel_loop3A_1198 : f32 to vector<16xf32>
      %parallel_loop3A_1201 = arith.select %parallel_loop3A_1191, %parallel_loop3A_1199, %parallel_loop3A_1200 : vector<16xi1>, vector<16xf32>
      %parallel_loop3A_1202 = arith.addf %parallel_loop3A_1126, %parallel_loop3A_1201 : vector<16xf32>
      %parallel_loop3A_1203 = arith.index_cast %parallel_loop3A_636 : i32 to index
      %parallel_loop3A_1204 = arith.constant 112 : index
      %parallel_loop3A_1205 = tpu.vector_load %arg9[%parallel_loop3A_1203, %parallel_loop3A_1204] {strides = array<i32>} : memref<32x128xf32, #tpu.memory_space<vmem>>, vector<1x16xf32>,
      %parallel_loop3A_1206 = vector.shape_cast %parallel_loop3A_1205 : vector<1x16xf32> to vector<16xf32>
      %parallel_loop3A_1207 = arith.constant 1 : i32
      %parallel_loop3A_1208 = vector.broadcast %parallel_loop3A_1207 : i32 to vector<16xi32>
      %parallel_loop3A_1209 = arith.cmpi eq, %parallel_loop3A_1184, %parallel_loop3A_1208 : vector<16xi32>
      %parallel_loop3A_1210 = arith.addf %parallel_loop3A_1134, %parallel_loop3A_1206 : vector<16xf32>
      %parallel_loop3A_1211 = arith.constant 0.000000e+00 : f32
      %parallel_loop3A_1212 = vector.broadcast %parallel_loop3A_1211 : f32 to vector<16xf32>
      %parallel_loop3A_1213 = arith.select %parallel_loop3A_1209, %parallel_loop3A_1206, %parallel_loop3A_1212 : vector<16xi1>, vector<16xf32>
      %parallel_loop3A_1214 = arith.addf %parallel_loop3A_1138, %parallel_loop3A_1213 : vector<16xf32>
      %parallel_loop3A_1215 = arith.constant 1.000000e+00 : f32
      %parallel_loop3A_1216 = arith.constant 0.000000e+00 : f32
      %parallel_loop3A_1217 = vector.broadcast %parallel_loop3A_1215 : f32 to vector<16xf32>
      %parallel_loop3A_1218 = vector.broadcast %parallel_loop3A_1216 : f32 to vector<16xf32>
      %parallel_loop3A_1219 = arith.select %parallel_loop3A_1209, %parallel_loop3A_1217, %parallel_loop3A_1218 : vector<16xi1>, vector<16xf32>
      %parallel_loop3A_1220 = arith.addf %parallel_loop3A_1144, %parallel_loop3A_1219 : vector<16xf32>
      %parallel_loop3A_1221 = arith.index_cast %parallel_loop3A_636 : i32 to index
      %parallel_loop3A_1222 = arith.constant 112 : index
      %parallel_loop3A_1223 = tpu.vector_load %arg10[%parallel_loop3A_1221, %parallel_loop3A_1222] {strides = array<i32>} : memref<32x128xf32, #tpu.memory_space<vmem>>, vector<1x16xf32>,
      %parallel_loop3A_1224 = vector.shape_cast %parallel_loop3A_1223 : vector<1x16xf32> to vector<16xf32>
      %parallel_loop3A_1225 = arith.constant 2 : i32
      %parallel_loop3A_1226 = vector.broadcast %parallel_loop3A_1225 : i32 to vector<16xi32>
      %parallel_loop3A_1227 = arith.cmpi eq, %parallel_loop3A_1184, %parallel_loop3A_1226 : vector<16xi32>
      %parallel_loop3A_1228 = arith.addf %parallel_loop3A_1152, %parallel_loop3A_1224 : vector<16xf32>
      %parallel_loop3A_1229 = arith.constant 0.000000e+00 : f32
      %parallel_loop3A_1230 = vector.broadcast %parallel_loop3A_1229 : f32 to vector<16xf32>
      %parallel_loop3A_1231 = arith.select %parallel_loop3A_1227, %parallel_loop3A_1224, %parallel_loop3A_1230 : vector<16xi1>, vector<16xf32>
      %parallel_loop3A_1232 = arith.addf %parallel_loop3A_1156, %parallel_loop3A_1231 : vector<16xf32>
      %parallel_loop3A_1233 = arith.constant 1.000000e+00 : f32
      %parallel_loop3A_1234 = arith.constant 0.000000e+00 : f32
      %parallel_loop3A_1235 = vector.broadcast %parallel_loop3A_1233 : f32 to vector<16xf32>
      %parallel_loop3A_1236 = vector.broadcast %parallel_loop3A_1234 : f32 to vector<16xf32>
      %parallel_loop3A_1237 = arith.select %parallel_loop3A_1227, %parallel_loop3A_1235, %parallel_loop3A_1236 : vector<16xi1>, vector<16xf32>
      %parallel_loop3A_1238 = arith.addf %parallel_loop3A_1162, %parallel_loop3A_1237 : vector<16xf32>
      %parallel_loop3A_1239 = arith.index_cast %parallel_loop3A_636 : i32 to index
      %parallel_loop3A_1240 = arith.constant 112 : index
      %parallel_loop3A_1241 = tpu.vector_load %arg11[%parallel_loop3A_1239, %parallel_loop3A_1240] {strides = array<i32>} : memref<32x128xf32, #tpu.memory_space<vmem>>, vector<1x16xf32>,
      %parallel_loop3A_1242 = vector.shape_cast %parallel_loop3A_1241 : vector<1x16xf32> to vector<16xf32>
      %parallel_loop3A_1243 = arith.constant 3 : i32
      %parallel_loop3A_1244 = vector.broadcast %parallel_loop3A_1243 : i32 to vector<16xi32>
      %parallel_loop3A_1245 = arith.cmpi eq, %parallel_loop3A_1184, %parallel_loop3A_1244 : vector<16xi32>
      %parallel_loop3A_1246 = arith.addf %parallel_loop3A_1170, %parallel_loop3A_1242 : vector<16xf32>
      %parallel_loop3A_1247 = arith.constant 0.000000e+00 : f32
      %parallel_loop3A_1248 = vector.broadcast %parallel_loop3A_1247 : f32 to vector<16xf32>
      %parallel_loop3A_1249 = arith.select %parallel_loop3A_1245, %parallel_loop3A_1242, %parallel_loop3A_1248 : vector<16xi1>, vector<16xf32>
      %parallel_loop3A_1250 = arith.addf %parallel_loop3A_1174, %parallel_loop3A_1249 : vector<16xf32>
      %parallel_loop3A_1251 = arith.constant 1.000000e+00 : f32
      %parallel_loop3A_1252 = arith.constant 0.000000e+00 : f32
      %parallel_loop3A_1253 = vector.broadcast %parallel_loop3A_1251 : f32 to vector<16xf32>
      %parallel_loop3A_1254 = vector.broadcast %parallel_loop3A_1252 : f32 to vector<16xf32>
      %parallel_loop3A_1255 = arith.select %parallel_loop3A_1245, %parallel_loop3A_1253, %parallel_loop3A_1254 : vector<16xi1>, vector<16xf32>
      %parallel_loop3A_1256 = arith.addf %parallel_loop3A_1180, %parallel_loop3A_1255 : vector<16xf32>
      scf.yield %parallel_loop3A_1192, %parallel_loop3A_1210, %parallel_loop3A_1228, %parallel_loop3A_1246, %parallel_loop3A_1196, %parallel_loop3A_1214, %parallel_loop3A_1232, %parallel_loop3A_1250, %parallel_loop3A_1202, %parallel_loop3A_1220, %parallel_loop3A_1238, %parallel_loop3A_1256 : vector<16xf32>, vector<16xf32>, vector<16xf32>, vector<16xf32>, vector<16xf32>, vector<16xf32>, vector<16xf32>, vector<16xf32>, vector<16xf32>, vector<16xf32>, vector<16xf32>, vector<16xf32>
    } {sc.loop_unroll_factor = 1 : i64, sc.parallel_access}
    %swap3A_268 = arith.constant 192 : index
    %swap3A_269 = tpu.vector_load %arg12[%swap3A_268] {strides = array<i32>} : memref<768xf32, #tpu.memory_space<vmem>>, vector<16xf32>,
    %swap3A_270 = vector.shape_cast %swap3A_269 : vector<16xf32> to vector<16xf32>
    %swap3A_271 = vector.shape_cast %parallel_loop3A_267#0 : vector<16xf32> to vector<16xf32>
    tpu.vector_store %arg12[%swap3A_268], %swap3A_271 {strides = array<i32>} : memref<768xf32, #tpu.memory_space<vmem>>, vector<16xf32>,
    %swap3A_272 = arith.constant 208 : index
    %swap3A_273 = tpu.vector_load %arg12[%swap3A_272] {strides = array<i32>} : memref<768xf32, #tpu.memory_space<vmem>>, vector<16xf32>,
    %swap3A_274 = vector.shape_cast %swap3A_273 : vector<16xf32> to vector<16xf32>
    %swap3A_275 = vector.shape_cast %parallel_loop3A_267#1 : vector<16xf32> to vector<16xf32>
    tpu.vector_store %arg12[%swap3A_272], %swap3A_275 {strides = array<i32>} : memref<768xf32, #tpu.memory_space<vmem>>, vector<16xf32>,
    %swap3A_276 = arith.constant 224 : index
    %swap3A_277 = tpu.vector_load %arg12[%swap3A_276] {strides = array<i32>} : memref<768xf32, #tpu.memory_space<vmem>>, vector<16xf32>,
    %swap3A_278 = vector.shape_cast %swap3A_277 : vector<16xf32> to vector<16xf32>
    %swap3A_279 = vector.shape_cast %parallel_loop3A_267#2 : vector<16xf32> to vector<16xf32>
    tpu.vector_store %arg12[%swap3A_276], %swap3A_279 {strides = array<i32>} : memref<768xf32, #tpu.memory_space<vmem>>, vector<16xf32>,
    %swap3A_280 = arith.constant 240 : index
    %swap3A_281 = tpu.vector_load %arg12[%swap3A_280] {strides = array<i32>} : memref<768xf32, #tpu.memory_space<vmem>>, vector<16xf32>,
    %swap3A_282 = vector.shape_cast %swap3A_281 : vector<16xf32> to vector<16xf32>
    %swap3A_283 = vector.shape_cast %parallel_loop3A_267#3 : vector<16xf32> to vector<16xf32>
    tpu.vector_store %arg12[%swap3A_280], %swap3A_283 {strides = array<i32>} : memref<768xf32, #tpu.memory_space<vmem>>, vector<16xf32>,
    %swap3A_284 = arith.constant 256 : index
    %swap3A_285 = tpu.vector_load %arg12[%swap3A_284] {strides = array<i32>} : memref<768xf32, #tpu.memory_space<vmem>>, vector<16xf32>,
    %swap3A_286 = vector.shape_cast %swap3A_285 : vector<16xf32> to vector<16xf32>
    %swap3A_287 = vector.shape_cast %parallel_loop3A_267#4 : vector<16xf32> to vector<16xf32>
    tpu.vector_store %arg12[%swap3A_284], %swap3A_287 {strides = array<i32>} : memref<768xf32, #tpu.memory_space<vmem>>, vector<16xf32>,
    %swap3A_288 = arith.constant 272 : index
    %swap3A_289 = tpu.vector_load %arg12[%swap3A_288] {strides = array<i32>} : memref<768xf32, #tpu.memory_space<vmem>>, vector<16xf32>,
    %swap3A_290 = vector.shape_cast %swap3A_289 : vector<16xf32> to vector<16xf32>
    %swap3A_291 = vector.shape_cast %parallel_loop3A_267#5 : vector<16xf32> to vector<16xf32>
    tpu.vector_store %arg12[%swap3A_288], %swap3A_291 {strides = array<i32>} : memref<768xf32, #tpu.memory_space<vmem>>, vector<16xf32>,
    %swap3A_292 = arith.constant 288 : index
    %swap3A_293 = tpu.vector_load %arg12[%swap3A_292] {strides = array<i32>} : memref<768xf32, #tpu.memory_space<vmem>>, vector<16xf32>,
    %swap3A_294 = vector.shape_cast %swap3A_293 : vector<16xf32> to vector<16xf32>
    %swap3A_295 = vector.shape_cast %parallel_loop3A_267#6 : vector<16xf32> to vector<16xf32>
    tpu.vector_store %arg12[%swap3A_292], %swap3A_295 {strides = array<i32>} : memref<768xf32, #tpu.memory_space<vmem>>, vector<16xf32>,
    %swap3A_296 = arith.constant 304 : index
    %swap3A_297 = tpu.vector_load %arg12[%swap3A_296] {strides = array<i32>} : memref<768xf32, #tpu.memory_space<vmem>>, vector<16xf32>,
    %swap3A_298 = vector.shape_cast %swap3A_297 : vector<16xf32> to vector<16xf32>
    %swap3A_299 = vector.shape_cast %parallel_loop3A_267#7 : vector<16xf32> to vector<16xf32>
    tpu.vector_store %arg12[%swap3A_296], %swap3A_299 {strides = array<i32>} : memref<768xf32, #tpu.memory_space<vmem>>, vector<16xf32>,
    %swap3A_300 = arith.constant 320 : index
    %swap3A_301 = tpu.vector_load %arg12[%swap3A_300] {strides = array<i32>} : memref<768xf32, #tpu.memory_space<vmem>>, vector<16xf32>,
    %swap3A_302 = vector.shape_cast %swap3A_301 : vector<16xf32> to vector<16xf32>
    %swap3A_303 = vector.shape_cast %parallel_loop3A_267#8 : vector<16xf32> to vector<16xf32>
    tpu.vector_store %arg12[%swap3A_300], %swap3A_303 {strides = array<i32>} : memref<768xf32, #tpu.memory_space<vmem>>, vector<16xf32>,
    %swap3A_304 = arith.constant 336 : index
    %swap3A_305 = tpu.vector_load %arg12[%swap3A_304] {strides = array<i32>} : memref<768xf32, #tpu.memory_space<vmem>>, vector<16xf32>,
    %swap3A_306 = vector.shape_cast %swap3A_305 : vector<16xf32> to vector<16xf32>
    %swap3A_307 = vector.shape_cast %parallel_loop3A_267#9 : vector<16xf32> to vector<16xf32>
    tpu.vector_store %arg12[%swap3A_304], %swap3A_307 {strides = array<i32>} : memref<768xf32, #tpu.memory_space<vmem>>, vector<16xf32>,
    %swap3A_308 = arith.constant 352 : index
    %swap3A_309 = tpu.vector_load %arg12[%swap3A_308] {strides = array<i32>} : memref<768xf32, #tpu.memory_space<vmem>>, vector<16xf32>,
    %swap3A_310 = vector.shape_cast %swap3A_309 : vector<16xf32> to vector<16xf32>
    %swap3A_311 = vector.shape_cast %parallel_loop3A_267#10 : vector<16xf32> to vector<16xf32>
    tpu.vector_store %arg12[%swap3A_308], %swap3A_311 {strides = array<i32>} : memref<768xf32, #tpu.memory_space<vmem>>, vector<16xf32>,
    %swap3A_312 = arith.constant 368 : index
    %swap3A_313 = tpu.vector_load %arg12[%swap3A_312] {strides = array<i32>} : memref<768xf32, #tpu.memory_space<vmem>>, vector<16xf32>,
    %swap3A_314 = vector.shape_cast %swap3A_313 : vector<16xf32> to vector<16xf32>
    %swap3A_315 = vector.shape_cast %parallel_loop3A_267#11 : vector<16xf32> to vector<16xf32>
    tpu.vector_store %arg12[%swap3A_312], %swap3A_315 {strides = array<i32>} : memref<768xf32, #tpu.memory_space<vmem>>, vector<16xf32>,
    %broadcast_in_dim3A_316 = arith.constant 0.000000e+00 : f32
    %broadcast_in_dim3A_317 = vector.broadcast %broadcast_in_dim3A_316 : f32 to vector<16xf32>
    %broadcast_in_dim3A_318 = arith.constant 0.000000e+00 : f32
    %broadcast_in_dim3A_319 = vector.broadcast %broadcast_in_dim3A_318 : f32 to vector<16xf32>
    %broadcast_in_dim3A_320 = arith.constant 0.000000e+00 : f32
    %broadcast_in_dim3A_321 = vector.broadcast %broadcast_in_dim3A_320 : f32 to vector<16xf32>
    %broadcast_in_dim3A_322 = arith.constant 0.000000e+00 : f32
    %broadcast_in_dim3A_323 = vector.broadcast %broadcast_in_dim3A_322 : f32 to vector<16xf32>
    %broadcast_in_dim3A_324 = arith.constant 0.000000e+00 : f32
    %broadcast_in_dim3A_325 = vector.broadcast %broadcast_in_dim3A_324 : f32 to vector<16xf32>
    %broadcast_in_dim3A_326 = arith.constant 0.000000e+00 : f32
    %broadcast_in_dim3A_327 = vector.broadcast %broadcast_in_dim3A_326 : f32 to vector<16xf32>
    %broadcast_in_dim3A_328 = arith.constant 0.000000e+00 : f32
    %broadcast_in_dim3A_329 = vector.broadcast %broadcast_in_dim3A_328 : f32 to vector<16xf32>
    %broadcast_in_dim3A_330 = arith.constant 0.000000e+00 : f32
    %broadcast_in_dim3A_331 = vector.broadcast %broadcast_in_dim3A_330 : f32 to vector<16xf32>
    %broadcast_in_dim3A_332 = arith.constant 0.000000e+00 : f32
    %broadcast_in_dim3A_333 = vector.broadcast %broadcast_in_dim3A_332 : f32 to vector<16xf32>
    %broadcast_in_dim3A_334 = arith.constant 0.000000e+00 : f32
    %broadcast_in_dim3A_335 = vector.broadcast %broadcast_in_dim3A_334 : f32 to vector<16xf32>
    %broadcast_in_dim3A_336 = arith.constant 0.000000e+00 : f32
    %broadcast_in_dim3A_337 = vector.broadcast %broadcast_in_dim3A_336 : f32 to vector<16xf32>
    %broadcast_in_dim3A_338 = arith.constant 0.000000e+00 : f32
    %broadcast_in_dim3A_339 = vector.broadcast %broadcast_in_dim3A_338 : f32 to vector<16xf32>
    %mul3A_340 = arith.constant 32 : i32
    %mul3A_341 = arith.muli %add3A, %mul3A_340 : i32
    %add3A_342 = arith.constant 7168 : i32
    %add3A_343 = arith.addi %add3A_342, %mul3A_341 : i32
    %add3A_344 = arith.constant 0 : i32
    %add3A_345 = arith.addi %add3A_343, %add3A_344 : i32
    %dma_start3A_346 = arith.constant 0 : i32
    %dma_start3A_347 = arith.constant 0 : i32
    %dma_start3A_348 = arith.constant 0 : i32
    %dma_start3A_349 = tpu.memref_slice %arg4[%dma_start3A_346, %dma_start3A_347, %add3A_345, %dma_start3A_348] : memref<2x4x8192x128xf32, #tpu.memory_space<hbm>> -> memref<1x1x32x128xf32, #tpu.memory_space<hbm>>
    %dma_start3A_350 = tpu.memref_squeeze %dma_start3A_349 : memref<1x1x32x128xf32, #tpu.memory_space<hbm>> -> memref<32x128xf32, #tpu.memory_space<hbm>>
    %dma_start3A_351 = arith.constant 0 : i32
    %dma_start3A_352 = tpu.memref_slice %arg4[%dma_start3A_346, %dma_start3A_347, %add3A_345, %dma_start3A_351] : memref<2x4x8192x128xf32, #tpu.memory_space<hbm>> -> memref<1x1x32x128xf32, #tpu.memory_space<hbm>>
    %dma_start3A_353 = tpu.memref_squeeze %dma_start3A_352 : memref<1x1x32x128xf32, #tpu.memory_space<hbm>> -> memref<32x128xf32, #tpu.memory_space<hbm>>
    tpu.enqueue_dma source(%dma_start3A_353 : memref<32x128xf32, #tpu.memory_space<hbm>>) target(%arg8 : memref<32x128xf32, #tpu.memory_space<vmem>>) target_semaphore(%arg13 : memref<!tpu.dma_semaphore, #tpu.memory_space<semaphore_mem>>)
    %dma_start3A_354 = arith.constant 0 : i32
    %dma_start3A_355 = arith.constant 1 : i32
    %dma_start3A_356 = arith.constant 0 : i32
    %dma_start3A_357 = tpu.memref_slice %arg4[%dma_start3A_354, %dma_start3A_355, %add3A_345, %dma_start3A_356] : memref<2x4x8192x128xf32, #tpu.memory_space<hbm>> -> memref<1x1x32x128xf32, #tpu.memory_space<hbm>>
    %dma_start3A_358 = tpu.memref_squeeze %dma_start3A_357 : memref<1x1x32x128xf32, #tpu.memory_space<hbm>> -> memref<32x128xf32, #tpu.memory_space<hbm>>
    %dma_start3A_359 = arith.constant 0 : i32
    %dma_start3A_360 = tpu.memref_slice %arg4[%dma_start3A_354, %dma_start3A_355, %add3A_345, %dma_start3A_359] : memref<2x4x8192x128xf32, #tpu.memory_space<hbm>> -> memref<1x1x32x128xf32, #tpu.memory_space<hbm>>
    %dma_start3A_361 = tpu.memref_squeeze %dma_start3A_360 : memref<1x1x32x128xf32, #tpu.memory_space<hbm>> -> memref<32x128xf32, #tpu.memory_space<hbm>>
    tpu.enqueue_dma source(%dma_start3A_361 : memref<32x128xf32, #tpu.memory_space<hbm>>) target(%arg9 : memref<32x128xf32, #tpu.memory_space<vmem>>) target_semaphore(%arg13 : memref<!tpu.dma_semaphore, #tpu.memory_space<semaphore_mem>>)
    %dma_start3A_362 = arith.constant 0 : i32
    %dma_start3A_363 = arith.constant 2 : i32
    %dma_start3A_364 = arith.constant 0 : i32
    %dma_start3A_365 = tpu.memref_slice %arg4[%dma_start3A_362, %dma_start3A_363, %add3A_345, %dma_start3A_364] : memref<2x4x8192x128xf32, #tpu.memory_space<hbm>> -> memref<1x1x32x128xf32, #tpu.memory_space<hbm>>
    %dma_start3A_366 = tpu.memref_squeeze %dma_start3A_365 : memref<1x1x32x128xf32, #tpu.memory_space<hbm>> -> memref<32x128xf32, #tpu.memory_space<hbm>>
    %dma_start3A_367 = arith.constant 0 : i32
    %dma_start3A_368 = tpu.memref_slice %arg4[%dma_start3A_362, %dma_start3A_363, %add3A_345, %dma_start3A_367] : memref<2x4x8192x128xf32, #tpu.memory_space<hbm>> -> memref<1x1x32x128xf32, #tpu.memory_space<hbm>>
    %dma_start3A_369 = tpu.memref_squeeze %dma_start3A_368 : memref<1x1x32x128xf32, #tpu.memory_space<hbm>> -> memref<32x128xf32, #tpu.memory_space<hbm>>
    tpu.enqueue_dma source(%dma_start3A_369 : memref<32x128xf32, #tpu.memory_space<hbm>>) target(%arg10 : memref<32x128xf32, #tpu.memory_space<vmem>>) target_semaphore(%arg13 : memref<!tpu.dma_semaphore, #tpu.memory_space<semaphore_mem>>)
    %dma_start3A_370 = arith.constant 0 : i32
    %dma_start3A_371 = arith.constant 3 : i32
    %dma_start3A_372 = arith.constant 0 : i32
    %dma_start3A_373 = tpu.memref_slice %arg4[%dma_start3A_370, %dma_start3A_371, %add3A_345, %dma_start3A_372] : memref<2x4x8192x128xf32, #tpu.memory_space<hbm>> -> memref<1x1x32x128xf32, #tpu.memory_space<hbm>>
    %dma_start3A_374 = tpu.memref_squeeze %dma_start3A_373 : memref<1x1x32x128xf32, #tpu.memory_space<hbm>> -> memref<32x128xf32, #tpu.memory_space<hbm>>
    %dma_start3A_375 = arith.constant 0 : i32
    %dma_start3A_376 = tpu.memref_slice %arg4[%dma_start3A_370, %dma_start3A_371, %add3A_345, %dma_start3A_375] : memref<2x4x8192x128xf32, #tpu.memory_space<hbm>> -> memref<1x1x32x128xf32, #tpu.memory_space<hbm>>
    %dma_start3A_377 = tpu.memref_squeeze %dma_start3A_376 : memref<1x1x32x128xf32, #tpu.memory_space<hbm>> -> memref<32x128xf32, #tpu.memory_space<hbm>>
    tpu.enqueue_dma source(%dma_start3A_377 : memref<32x128xf32, #tpu.memory_space<hbm>>) target(%arg11 : memref<32x128xf32, #tpu.memory_space<vmem>>) target_semaphore(%arg13 : memref<!tpu.dma_semaphore, #tpu.memory_space<semaphore_mem>>)
    %dma_start3A_378 = arith.constant 0 : i32
    %dma_start3A_379 = arith.constant 0 : i32
    %dma_start3A_380 = tpu.memref_slice %arg5[%dma_start3A_378, %add3A_345, %dma_start3A_379] : memref<2x8192x128xi32, #tpu.memory_space<hbm>> -> memref<1x32x128xi32, #tpu.memory_space<hbm>>
    %dma_start3A_381 = tpu.memref_squeeze %dma_start3A_380 : memref<1x32x128xi32, #tpu.memory_space<hbm>> -> memref<32x128xi32, #tpu.memory_space<hbm>>
    %dma_start3A_382 = arith.constant 0 : i32
    %dma_start3A_383 = tpu.memref_slice %arg5[%dma_start3A_378, %add3A_345, %dma_start3A_382] : memref<2x8192x128xi32, #tpu.memory_space<hbm>> -> memref<1x32x128xi32, #tpu.memory_space<hbm>>
    %dma_start3A_384 = tpu.memref_squeeze %dma_start3A_383 : memref<1x32x128xi32, #tpu.memory_space<hbm>> -> memref<32x128xi32, #tpu.memory_space<hbm>>
    tpu.enqueue_dma source(%dma_start3A_384 : memref<32x128xi32, #tpu.memory_space<hbm>>) target(%arg7 : memref<32x128xi32, #tpu.memory_space<vmem>>) target_semaphore(%arg13 : memref<!tpu.dma_semaphore, #tpu.memory_space<semaphore_mem>>)
    %dma_wait3A_385 = arith.constant 0 : i32
    %dma_wait3A_386 = arith.constant 0 : i32
    %dma_wait3A_387 = arith.constant 0 : i32
    %dma_wait3A_388 = tpu.memref_slice %arg4[%dma_wait3A_385, %dma_wait3A_386, %add3A_345, %dma_wait3A_387] : memref<2x4x8192x128xf32, #tpu.memory_space<hbm>> -> memref<1x1x32x128xf32, #tpu.memory_space<hbm>>
    %dma_wait3A_389 = tpu.memref_squeeze %dma_wait3A_388 : memref<1x1x32x128xf32, #tpu.memory_space<hbm>> -> memref<32x128xf32, #tpu.memory_space<hbm>>
    %dma_wait3A_390 = arith.constant 0 : i32
    %dma_wait3A_391 = tpu.memref_slice %arg4[%dma_wait3A_385, %dma_wait3A_386, %add3A_345, %dma_wait3A_390] : memref<2x4x8192x128xf32, #tpu.memory_space<hbm>> -> memref<1x1x32x128xf32, #tpu.memory_space<hbm>>
    %dma_wait3A_392 = tpu.memref_squeeze %dma_wait3A_391 : memref<1x1x32x128xf32, #tpu.memory_space<hbm>> -> memref<32x128xf32, #tpu.memory_space<hbm>>
    tpu.wait_dma2 semaphore(%arg13 : memref<!tpu.dma_semaphore, #tpu.memory_space<semaphore_mem>>) src(%dma_wait3A_392 : memref<32x128xf32, #tpu.memory_space<hbm>>) dst(%arg8 : memref<32x128xf32, #tpu.memory_space<vmem>>)
    %dma_wait3A_393 = arith.constant 0 : i32
    %dma_wait3A_394 = arith.constant 1 : i32
    %dma_wait3A_395 = arith.constant 0 : i32
    %dma_wait3A_396 = tpu.memref_slice %arg4[%dma_wait3A_393, %dma_wait3A_394, %add3A_345, %dma_wait3A_395] : memref<2x4x8192x128xf32, #tpu.memory_space<hbm>> -> memref<1x1x32x128xf32, #tpu.memory_space<hbm>>
    %dma_wait3A_397 = tpu.memref_squeeze %dma_wait3A_396 : memref<1x1x32x128xf32, #tpu.memory_space<hbm>> -> memref<32x128xf32, #tpu.memory_space<hbm>>
    %dma_wait3A_398 = arith.constant 0 : i32
    %dma_wait3A_399 = tpu.memref_slice %arg4[%dma_wait3A_393, %dma_wait3A_394, %add3A_345, %dma_wait3A_398] : memref<2x4x8192x128xf32, #tpu.memory_space<hbm>> -> memref<1x1x32x128xf32, #tpu.memory_space<hbm>>
    %dma_wait3A_400 = tpu.memref_squeeze %dma_wait3A_399 : memref<1x1x32x128xf32, #tpu.memory_space<hbm>> -> memref<32x128xf32, #tpu.memory_space<hbm>>
    tpu.wait_dma2 semaphore(%arg13 : memref<!tpu.dma_semaphore, #tpu.memory_space<semaphore_mem>>) src(%dma_wait3A_400 : memref<32x128xf32, #tpu.memory_space<hbm>>) dst(%arg9 : memref<32x128xf32, #tpu.memory_space<vmem>>)
    %dma_wait3A_401 = arith.constant 0 : i32
    %dma_wait3A_402 = arith.constant 2 : i32
    %dma_wait3A_403 = arith.constant 0 : i32
    %dma_wait3A_404 = tpu.memref_slice %arg4[%dma_wait3A_401, %dma_wait3A_402, %add3A_345, %dma_wait3A_403] : memref<2x4x8192x128xf32, #tpu.memory_space<hbm>> -> memref<1x1x32x128xf32, #tpu.memory_space<hbm>>
    %dma_wait3A_405 = tpu.memref_squeeze %dma_wait3A_404 : memref<1x1x32x128xf32, #tpu.memory_space<hbm>> -> memref<32x128xf32, #tpu.memory_space<hbm>>
    %dma_wait3A_406 = arith.constant 0 : i32
    %dma_wait3A_407 = tpu.memref_slice %arg4[%dma_wait3A_401, %dma_wait3A_402, %add3A_345, %dma_wait3A_406] : memref<2x4x8192x128xf32, #tpu.memory_space<hbm>> -> memref<1x1x32x128xf32, #tpu.memory_space<hbm>>
    %dma_wait3A_408 = tpu.memref_squeeze %dma_wait3A_407 : memref<1x1x32x128xf32, #tpu.memory_space<hbm>> -> memref<32x128xf32, #tpu.memory_space<hbm>>
    tpu.wait_dma2 semaphore(%arg13 : memref<!tpu.dma_semaphore, #tpu.memory_space<semaphore_mem>>) src(%dma_wait3A_408 : memref<32x128xf32, #tpu.memory_space<hbm>>) dst(%arg10 : memref<32x128xf32, #tpu.memory_space<vmem>>)
    %dma_wait3A_409 = arith.constant 0 : i32
    %dma_wait3A_410 = arith.constant 3 : i32
    %dma_wait3A_411 = arith.constant 0 : i32
    %dma_wait3A_412 = tpu.memref_slice %arg4[%dma_wait3A_409, %dma_wait3A_410, %add3A_345, %dma_wait3A_411] : memref<2x4x8192x128xf32, #tpu.memory_space<hbm>> -> memref<1x1x32x128xf32, #tpu.memory_space<hbm>>
    %dma_wait3A_413 = tpu.memref_squeeze %dma_wait3A_412 : memref<1x1x32x128xf32, #tpu.memory_space<hbm>> -> memref<32x128xf32, #tpu.memory_space<hbm>>
    %dma_wait3A_414 = arith.constant 0 : i32
    %dma_wait3A_415 = tpu.memref_slice %arg4[%dma_wait3A_409, %dma_wait3A_410, %add3A_345, %dma_wait3A_414] : memref<2x4x8192x128xf32, #tpu.memory_space<hbm>> -> memref<1x1x32x128xf32, #tpu.memory_space<hbm>>
    %dma_wait3A_416 = tpu.memref_squeeze %dma_wait3A_415 : memref<1x1x32x128xf32, #tpu.memory_space<hbm>> -> memref<32x128xf32, #tpu.memory_space<hbm>>
    tpu.wait_dma2 semaphore(%arg13 : memref<!tpu.dma_semaphore, #tpu.memory_space<semaphore_mem>>) src(%dma_wait3A_416 : memref<32x128xf32, #tpu.memory_space<hbm>>) dst(%arg11 : memref<32x128xf32, #tpu.memory_space<vmem>>)
    %dma_wait3A_417 = arith.constant 0 : i32
    %dma_wait3A_418 = arith.constant 0 : i32
    %dma_wait3A_419 = tpu.memref_slice %arg5[%dma_wait3A_417, %add3A_345, %dma_wait3A_418] : memref<2x8192x128xi32, #tpu.memory_space<hbm>> -> memref<1x32x128xi32, #tpu.memory_space<hbm>>
    %dma_wait3A_420 = tpu.memref_squeeze %dma_wait3A_419 : memref<1x32x128xi32, #tpu.memory_space<hbm>> -> memref<32x128xi32, #tpu.memory_space<hbm>>
    %dma_wait3A_421 = arith.constant 0 : i32
    %dma_wait3A_422 = tpu.memref_slice %arg5[%dma_wait3A_417, %add3A_345, %dma_wait3A_421] : memref<2x8192x128xi32, #tpu.memory_space<hbm>> -> memref<1x32x128xi32, #tpu.memory_space<hbm>>
    %dma_wait3A_423 = tpu.memref_squeeze %dma_wait3A_422 : memref<1x32x128xi32, #tpu.memory_space<hbm>> -> memref<32x128xi32, #tpu.memory_space<hbm>>
    tpu.wait_dma2 semaphore(%arg13 : memref<!tpu.dma_semaphore, #tpu.memory_space<semaphore_mem>>) src(%dma_wait3A_423 : memref<32x128xi32, #tpu.memory_space<hbm>>) dst(%arg7 : memref<32x128xi32, #tpu.memory_space<vmem>>)
    %parallel_loop3A_424 = arith.constant 0 : i32
    %parallel_loop3A_425 = arith.constant 32 : i32
    %parallel_loop3A_426 = arith.constant 1 : i32
    %parallel_loop3A_427:12 = scf.for %parallel_loop3A_636 = %parallel_loop3A_424 to %parallel_loop3A_425 step %parallel_loop3A_426 iter_args(%parallel_loop3A_637 = %broadcast_in_dim3A_317, %parallel_loop3A_638 = %broadcast_in_dim3A_319, %parallel_loop3A_639 = %broadcast_in_dim3A_321, %parallel_loop3A_640 = %broadcast_in_dim3A_323, %parallel_loop3A_641 = %broadcast_in_dim3A_325, %parallel_loop3A_642 = %broadcast_in_dim3A_327, %parallel_loop3A_643 = %broadcast_in_dim3A_329, %parallel_loop3A_644 = %broadcast_in_dim3A_331, %parallel_loop3A_645 = %broadcast_in_dim3A_333, %parallel_loop3A_646 = %broadcast_in_dim3A_335, %parallel_loop3A_647 = %broadcast_in_dim3A_337, %parallel_loop3A_648 = %broadcast_in_dim3A_339) -> (vector<16xf32>, vector<16xf32>, vector<16xf32>, vector<16xf32>, vector<16xf32>, vector<16xf32>, vector<16xf32>, vector<16xf32>, vector<16xf32>, vector<16xf32>, vector<16xf32>, vector<16xf32>)  : i32 {
      %parallel_loop3A_649 = arith.index_cast %parallel_loop3A_636 : i32 to index
      %parallel_loop3A_650 = arith.constant 0 : index
      %parallel_loop3A_651 = tpu.vector_load %arg7[%parallel_loop3A_649, %parallel_loop3A_650] {strides = array<i32>} : memref<32x128xi32, #tpu.memory_space<vmem>>, vector<1x16xi32>,
      %parallel_loop3A_652 = vector.shape_cast %parallel_loop3A_651 : vector<1x16xi32> to vector<16xi32>
      %parallel_loop3A_653 = arith.index_cast %parallel_loop3A_636 : i32 to index
      %parallel_loop3A_654 = arith.constant 0 : index
      %parallel_loop3A_655 = tpu.vector_load %arg8[%parallel_loop3A_653, %parallel_loop3A_654] {strides = array<i32>} : memref<32x128xf32, #tpu.memory_space<vmem>>, vector<1x16xf32>,
      %parallel_loop3A_656 = vector.shape_cast %parallel_loop3A_655 : vector<1x16xf32> to vector<16xf32>
      %parallel_loop3A_657 = arith.constant 0 : i32
      %parallel_loop3A_658 = vector.broadcast %parallel_loop3A_657 : i32 to vector<16xi32>
      %parallel_loop3A_659 = arith.cmpi eq, %parallel_loop3A_652, %parallel_loop3A_658 : vector<16xi32>
      %parallel_loop3A_660 = arith.addf %parallel_loop3A_637, %parallel_loop3A_656 : vector<16xf32>
      %parallel_loop3A_661 = arith.constant 0.000000e+00 : f32
      %parallel_loop3A_662 = vector.broadcast %parallel_loop3A_661 : f32 to vector<16xf32>
      %parallel_loop3A_663 = arith.select %parallel_loop3A_659, %parallel_loop3A_656, %parallel_loop3A_662 : vector<16xi1>, vector<16xf32>
      %parallel_loop3A_664 = arith.addf %parallel_loop3A_641, %parallel_loop3A_663 : vector<16xf32>
      %parallel_loop3A_665 = arith.constant 1.000000e+00 : f32
      %parallel_loop3A_666 = arith.constant 0.000000e+00 : f32
      %parallel_loop3A_667 = vector.broadcast %parallel_loop3A_665 : f32 to vector<16xf32>
      %parallel_loop3A_668 = vector.broadcast %parallel_loop3A_666 : f32 to vector<16xf32>
      %parallel_loop3A_669 = arith.select %parallel_loop3A_659, %parallel_loop3A_667, %parallel_loop3A_668 : vector<16xi1>, vector<16xf32>
      %parallel_loop3A_670 = arith.addf %parallel_loop3A_645, %parallel_loop3A_669 : vector<16xf32>
      %parallel_loop3A_671 = arith.index_cast %parallel_loop3A_636 : i32 to index
      %parallel_loop3A_672 = arith.constant 0 : index
      %parallel_loop3A_673 = tpu.vector_load %arg9[%parallel_loop3A_671, %parallel_loop3A_672] {strides = array<i32>} : memref<32x128xf32, #tpu.memory_space<vmem>>, vector<1x16xf32>,
      %parallel_loop3A_674 = vector.shape_cast %parallel_loop3A_673 : vector<1x16xf32> to vector<16xf32>
      %parallel_loop3A_675 = arith.constant 1 : i32
      %parallel_loop3A_676 = vector.broadcast %parallel_loop3A_675 : i32 to vector<16xi32>
      %parallel_loop3A_677 = arith.cmpi eq, %parallel_loop3A_652, %parallel_loop3A_676 : vector<16xi32>
      %parallel_loop3A_678 = arith.addf %parallel_loop3A_638, %parallel_loop3A_674 : vector<16xf32>
      %parallel_loop3A_679 = arith.constant 0.000000e+00 : f32
      %parallel_loop3A_680 = vector.broadcast %parallel_loop3A_679 : f32 to vector<16xf32>
      %parallel_loop3A_681 = arith.select %parallel_loop3A_677, %parallel_loop3A_674, %parallel_loop3A_680 : vector<16xi1>, vector<16xf32>
      %parallel_loop3A_682 = arith.addf %parallel_loop3A_642, %parallel_loop3A_681 : vector<16xf32>
      %parallel_loop3A_683 = arith.constant 1.000000e+00 : f32
      %parallel_loop3A_684 = arith.constant 0.000000e+00 : f32
      %parallel_loop3A_685 = vector.broadcast %parallel_loop3A_683 : f32 to vector<16xf32>
      %parallel_loop3A_686 = vector.broadcast %parallel_loop3A_684 : f32 to vector<16xf32>
      %parallel_loop3A_687 = arith.select %parallel_loop3A_677, %parallel_loop3A_685, %parallel_loop3A_686 : vector<16xi1>, vector<16xf32>
      %parallel_loop3A_688 = arith.addf %parallel_loop3A_646, %parallel_loop3A_687 : vector<16xf32>
      %parallel_loop3A_689 = arith.index_cast %parallel_loop3A_636 : i32 to index
      %parallel_loop3A_690 = arith.constant 0 : index
      %parallel_loop3A_691 = tpu.vector_load %arg10[%parallel_loop3A_689, %parallel_loop3A_690] {strides = array<i32>} : memref<32x128xf32, #tpu.memory_space<vmem>>, vector<1x16xf32>,
      %parallel_loop3A_692 = vector.shape_cast %parallel_loop3A_691 : vector<1x16xf32> to vector<16xf32>
      %parallel_loop3A_693 = arith.constant 2 : i32
      %parallel_loop3A_694 = vector.broadcast %parallel_loop3A_693 : i32 to vector<16xi32>
      %parallel_loop3A_695 = arith.cmpi eq, %parallel_loop3A_652, %parallel_loop3A_694 : vector<16xi32>
      %parallel_loop3A_696 = arith.addf %parallel_loop3A_639, %parallel_loop3A_692 : vector<16xf32>
      %parallel_loop3A_697 = arith.constant 0.000000e+00 : f32
      %parallel_loop3A_698 = vector.broadcast %parallel_loop3A_697 : f32 to vector<16xf32>
      %parallel_loop3A_699 = arith.select %parallel_loop3A_695, %parallel_loop3A_692, %parallel_loop3A_698 : vector<16xi1>, vector<16xf32>
      %parallel_loop3A_700 = arith.addf %parallel_loop3A_643, %parallel_loop3A_699 : vector<16xf32>
      %parallel_loop3A_701 = arith.constant 1.000000e+00 : f32
      %parallel_loop3A_702 = arith.constant 0.000000e+00 : f32
      %parallel_loop3A_703 = vector.broadcast %parallel_loop3A_701 : f32 to vector<16xf32>
      %parallel_loop3A_704 = vector.broadcast %parallel_loop3A_702 : f32 to vector<16xf32>
      %parallel_loop3A_705 = arith.select %parallel_loop3A_695, %parallel_loop3A_703, %parallel_loop3A_704 : vector<16xi1>, vector<16xf32>
      %parallel_loop3A_706 = arith.addf %parallel_loop3A_647, %parallel_loop3A_705 : vector<16xf32>
      %parallel_loop3A_707 = arith.index_cast %parallel_loop3A_636 : i32 to index
      %parallel_loop3A_708 = arith.constant 0 : index
      %parallel_loop3A_709 = tpu.vector_load %arg11[%parallel_loop3A_707, %parallel_loop3A_708] {strides = array<i32>} : memref<32x128xf32, #tpu.memory_space<vmem>>, vector<1x16xf32>,
      %parallel_loop3A_710 = vector.shape_cast %parallel_loop3A_709 : vector<1x16xf32> to vector<16xf32>
      %parallel_loop3A_711 = arith.constant 3 : i32
      %parallel_loop3A_712 = vector.broadcast %parallel_loop3A_711 : i32 to vector<16xi32>
      %parallel_loop3A_713 = arith.cmpi eq, %parallel_loop3A_652, %parallel_loop3A_712 : vector<16xi32>
      %parallel_loop3A_714 = arith.addf %parallel_loop3A_640, %parallel_loop3A_710 : vector<16xf32>
      %parallel_loop3A_715 = arith.constant 0.000000e+00 : f32
      %parallel_loop3A_716 = vector.broadcast %parallel_loop3A_715 : f32 to vector<16xf32>
      %parallel_loop3A_717 = arith.select %parallel_loop3A_713, %parallel_loop3A_710, %parallel_loop3A_716 : vector<16xi1>, vector<16xf32>
      %parallel_loop3A_718 = arith.addf %parallel_loop3A_644, %parallel_loop3A_717 : vector<16xf32>
      %parallel_loop3A_719 = arith.constant 1.000000e+00 : f32
      %parallel_loop3A_720 = arith.constant 0.000000e+00 : f32
      %parallel_loop3A_721 = vector.broadcast %parallel_loop3A_719 : f32 to vector<16xf32>
      %parallel_loop3A_722 = vector.broadcast %parallel_loop3A_720 : f32 to vector<16xf32>
      %parallel_loop3A_723 = arith.select %parallel_loop3A_713, %parallel_loop3A_721, %parallel_loop3A_722 : vector<16xi1>, vector<16xf32>
      %parallel_loop3A_724 = arith.addf %parallel_loop3A_648, %parallel_loop3A_723 : vector<16xf32>
      %parallel_loop3A_725 = arith.index_cast %parallel_loop3A_636 : i32 to index
      %parallel_loop3A_726 = arith.constant 16 : index
      %parallel_loop3A_727 = tpu.vector_load %arg7[%parallel_loop3A_725, %parallel_loop3A_726] {strides = array<i32>} : memref<32x128xi32, #tpu.memory_space<vmem>>, vector<1x16xi32>,
      %parallel_loop3A_728 = vector.shape_cast %parallel_loop3A_727 : vector<1x16xi32> to vector<16xi32>
      %parallel_loop3A_729 = arith.index_cast %parallel_loop3A_636 : i32 to index
      %parallel_loop3A_730 = arith.constant 16 : index
      %parallel_loop3A_731 = tpu.vector_load %arg8[%parallel_loop3A_729, %parallel_loop3A_730] {strides = array<i32>} : memref<32x128xf32, #tpu.memory_space<vmem>>, vector<1x16xf32>,
      %parallel_loop3A_732 = vector.shape_cast %parallel_loop3A_731 : vector<1x16xf32> to vector<16xf32>
      %parallel_loop3A_733 = arith.constant 0 : i32
      %parallel_loop3A_734 = vector.broadcast %parallel_loop3A_733 : i32 to vector<16xi32>
      %parallel_loop3A_735 = arith.cmpi eq, %parallel_loop3A_728, %parallel_loop3A_734 : vector<16xi32>
      %parallel_loop3A_736 = arith.addf %parallel_loop3A_660, %parallel_loop3A_732 : vector<16xf32>
      %parallel_loop3A_737 = arith.constant 0.000000e+00 : f32
      %parallel_loop3A_738 = vector.broadcast %parallel_loop3A_737 : f32 to vector<16xf32>
      %parallel_loop3A_739 = arith.select %parallel_loop3A_735, %parallel_loop3A_732, %parallel_loop3A_738 : vector<16xi1>, vector<16xf32>
      %parallel_loop3A_740 = arith.addf %parallel_loop3A_664, %parallel_loop3A_739 : vector<16xf32>
      %parallel_loop3A_741 = arith.constant 1.000000e+00 : f32
      %parallel_loop3A_742 = arith.constant 0.000000e+00 : f32
      %parallel_loop3A_743 = vector.broadcast %parallel_loop3A_741 : f32 to vector<16xf32>
      %parallel_loop3A_744 = vector.broadcast %parallel_loop3A_742 : f32 to vector<16xf32>
      %parallel_loop3A_745 = arith.select %parallel_loop3A_735, %parallel_loop3A_743, %parallel_loop3A_744 : vector<16xi1>, vector<16xf32>
      %parallel_loop3A_746 = arith.addf %parallel_loop3A_670, %parallel_loop3A_745 : vector<16xf32>
      %parallel_loop3A_747 = arith.index_cast %parallel_loop3A_636 : i32 to index
      %parallel_loop3A_748 = arith.constant 16 : index
      %parallel_loop3A_749 = tpu.vector_load %arg9[%parallel_loop3A_747, %parallel_loop3A_748] {strides = array<i32>} : memref<32x128xf32, #tpu.memory_space<vmem>>, vector<1x16xf32>,
      %parallel_loop3A_750 = vector.shape_cast %parallel_loop3A_749 : vector<1x16xf32> to vector<16xf32>
      %parallel_loop3A_751 = arith.constant 1 : i32
      %parallel_loop3A_752 = vector.broadcast %parallel_loop3A_751 : i32 to vector<16xi32>
      %parallel_loop3A_753 = arith.cmpi eq, %parallel_loop3A_728, %parallel_loop3A_752 : vector<16xi32>
      %parallel_loop3A_754 = arith.addf %parallel_loop3A_678, %parallel_loop3A_750 : vector<16xf32>
      %parallel_loop3A_755 = arith.constant 0.000000e+00 : f32
      %parallel_loop3A_756 = vector.broadcast %parallel_loop3A_755 : f32 to vector<16xf32>
      %parallel_loop3A_757 = arith.select %parallel_loop3A_753, %parallel_loop3A_750, %parallel_loop3A_756 : vector<16xi1>, vector<16xf32>
      %parallel_loop3A_758 = arith.addf %parallel_loop3A_682, %parallel_loop3A_757 : vector<16xf32>
      %parallel_loop3A_759 = arith.constant 1.000000e+00 : f32
      %parallel_loop3A_760 = arith.constant 0.000000e+00 : f32
      %parallel_loop3A_761 = vector.broadcast %parallel_loop3A_759 : f32 to vector<16xf32>
      %parallel_loop3A_762 = vector.broadcast %parallel_loop3A_760 : f32 to vector<16xf32>
      %parallel_loop3A_763 = arith.select %parallel_loop3A_753, %parallel_loop3A_761, %parallel_loop3A_762 : vector<16xi1>, vector<16xf32>
      %parallel_loop3A_764 = arith.addf %parallel_loop3A_688, %parallel_loop3A_763 : vector<16xf32>
      %parallel_loop3A_765 = arith.index_cast %parallel_loop3A_636 : i32 to index
      %parallel_loop3A_766 = arith.constant 16 : index
      %parallel_loop3A_767 = tpu.vector_load %arg10[%parallel_loop3A_765, %parallel_loop3A_766] {strides = array<i32>} : memref<32x128xf32, #tpu.memory_space<vmem>>, vector<1x16xf32>,
      %parallel_loop3A_768 = vector.shape_cast %parallel_loop3A_767 : vector<1x16xf32> to vector<16xf32>
      %parallel_loop3A_769 = arith.constant 2 : i32
      %parallel_loop3A_770 = vector.broadcast %parallel_loop3A_769 : i32 to vector<16xi32>
      %parallel_loop3A_771 = arith.cmpi eq, %parallel_loop3A_728, %parallel_loop3A_770 : vector<16xi32>
      %parallel_loop3A_772 = arith.addf %parallel_loop3A_696, %parallel_loop3A_768 : vector<16xf32>
      %parallel_loop3A_773 = arith.constant 0.000000e+00 : f32
      %parallel_loop3A_774 = vector.broadcast %parallel_loop3A_773 : f32 to vector<16xf32>
      %parallel_loop3A_775 = arith.select %parallel_loop3A_771, %parallel_loop3A_768, %parallel_loop3A_774 : vector<16xi1>, vector<16xf32>
      %parallel_loop3A_776 = arith.addf %parallel_loop3A_700, %parallel_loop3A_775 : vector<16xf32>
      %parallel_loop3A_777 = arith.constant 1.000000e+00 : f32
      %parallel_loop3A_778 = arith.constant 0.000000e+00 : f32
      %parallel_loop3A_779 = vector.broadcast %parallel_loop3A_777 : f32 to vector<16xf32>
      %parallel_loop3A_780 = vector.broadcast %parallel_loop3A_778 : f32 to vector<16xf32>
      %parallel_loop3A_781 = arith.select %parallel_loop3A_771, %parallel_loop3A_779, %parallel_loop3A_780 : vector<16xi1>, vector<16xf32>
      %parallel_loop3A_782 = arith.addf %parallel_loop3A_706, %parallel_loop3A_781 : vector<16xf32>
      %parallel_loop3A_783 = arith.index_cast %parallel_loop3A_636 : i32 to index
      %parallel_loop3A_784 = arith.constant 16 : index
      %parallel_loop3A_785 = tpu.vector_load %arg11[%parallel_loop3A_783, %parallel_loop3A_784] {strides = array<i32>} : memref<32x128xf32, #tpu.memory_space<vmem>>, vector<1x16xf32>,
      %parallel_loop3A_786 = vector.shape_cast %parallel_loop3A_785 : vector<1x16xf32> to vector<16xf32>
      %parallel_loop3A_787 = arith.constant 3 : i32
      %parallel_loop3A_788 = vector.broadcast %parallel_loop3A_787 : i32 to vector<16xi32>
      %parallel_loop3A_789 = arith.cmpi eq, %parallel_loop3A_728, %parallel_loop3A_788 : vector<16xi32>
      %parallel_loop3A_790 = arith.addf %parallel_loop3A_714, %parallel_loop3A_786 : vector<16xf32>
      %parallel_loop3A_791 = arith.constant 0.000000e+00 : f32
      %parallel_loop3A_792 = vector.broadcast %parallel_loop3A_791 : f32 to vector<16xf32>
      %parallel_loop3A_793 = arith.select %parallel_loop3A_789, %parallel_loop3A_786, %parallel_loop3A_792 : vector<16xi1>, vector<16xf32>
      %parallel_loop3A_794 = arith.addf %parallel_loop3A_718, %parallel_loop3A_793 : vector<16xf32>
      %parallel_loop3A_795 = arith.constant 1.000000e+00 : f32
      %parallel_loop3A_796 = arith.constant 0.000000e+00 : f32
      %parallel_loop3A_797 = vector.broadcast %parallel_loop3A_795 : f32 to vector<16xf32>
      %parallel_loop3A_798 = vector.broadcast %parallel_loop3A_796 : f32 to vector<16xf32>
      %parallel_loop3A_799 = arith.select %parallel_loop3A_789, %parallel_loop3A_797, %parallel_loop3A_798 : vector<16xi1>, vector<16xf32>
      %parallel_loop3A_800 = arith.addf %parallel_loop3A_724, %parallel_loop3A_799 : vector<16xf32>
      %parallel_loop3A_801 = arith.index_cast %parallel_loop3A_636 : i32 to index
      %parallel_loop3A_802 = arith.constant 32 : index
      %parallel_loop3A_803 = tpu.vector_load %arg7[%parallel_loop3A_801, %parallel_loop3A_802] {strides = array<i32>} : memref<32x128xi32, #tpu.memory_space<vmem>>, vector<1x16xi32>,
      %parallel_loop3A_804 = vector.shape_cast %parallel_loop3A_803 : vector<1x16xi32> to vector<16xi32>
      %parallel_loop3A_805 = arith.index_cast %parallel_loop3A_636 : i32 to index
      %parallel_loop3A_806 = arith.constant 32 : index
      %parallel_loop3A_807 = tpu.vector_load %arg8[%parallel_loop3A_805, %parallel_loop3A_806] {strides = array<i32>} : memref<32x128xf32, #tpu.memory_space<vmem>>, vector<1x16xf32>,
      %parallel_loop3A_808 = vector.shape_cast %parallel_loop3A_807 : vector<1x16xf32> to vector<16xf32>
      %parallel_loop3A_809 = arith.constant 0 : i32
      %parallel_loop3A_810 = vector.broadcast %parallel_loop3A_809 : i32 to vector<16xi32>
      %parallel_loop3A_811 = arith.cmpi eq, %parallel_loop3A_804, %parallel_loop3A_810 : vector<16xi32>
      %parallel_loop3A_812 = arith.addf %parallel_loop3A_736, %parallel_loop3A_808 : vector<16xf32>
      %parallel_loop3A_813 = arith.constant 0.000000e+00 : f32
      %parallel_loop3A_814 = vector.broadcast %parallel_loop3A_813 : f32 to vector<16xf32>
      %parallel_loop3A_815 = arith.select %parallel_loop3A_811, %parallel_loop3A_808, %parallel_loop3A_814 : vector<16xi1>, vector<16xf32>
      %parallel_loop3A_816 = arith.addf %parallel_loop3A_740, %parallel_loop3A_815 : vector<16xf32>
      %parallel_loop3A_817 = arith.constant 1.000000e+00 : f32
      %parallel_loop3A_818 = arith.constant 0.000000e+00 : f32
      %parallel_loop3A_819 = vector.broadcast %parallel_loop3A_817 : f32 to vector<16xf32>
      %parallel_loop3A_820 = vector.broadcast %parallel_loop3A_818 : f32 to vector<16xf32>
      %parallel_loop3A_821 = arith.select %parallel_loop3A_811, %parallel_loop3A_819, %parallel_loop3A_820 : vector<16xi1>, vector<16xf32>
      %parallel_loop3A_822 = arith.addf %parallel_loop3A_746, %parallel_loop3A_821 : vector<16xf32>
      %parallel_loop3A_823 = arith.index_cast %parallel_loop3A_636 : i32 to index
      %parallel_loop3A_824 = arith.constant 32 : index
      %parallel_loop3A_825 = tpu.vector_load %arg9[%parallel_loop3A_823, %parallel_loop3A_824] {strides = array<i32>} : memref<32x128xf32, #tpu.memory_space<vmem>>, vector<1x16xf32>,
      %parallel_loop3A_826 = vector.shape_cast %parallel_loop3A_825 : vector<1x16xf32> to vector<16xf32>
      %parallel_loop3A_827 = arith.constant 1 : i32
      %parallel_loop3A_828 = vector.broadcast %parallel_loop3A_827 : i32 to vector<16xi32>
      %parallel_loop3A_829 = arith.cmpi eq, %parallel_loop3A_804, %parallel_loop3A_828 : vector<16xi32>
      %parallel_loop3A_830 = arith.addf %parallel_loop3A_754, %parallel_loop3A_826 : vector<16xf32>
      %parallel_loop3A_831 = arith.constant 0.000000e+00 : f32
      %parallel_loop3A_832 = vector.broadcast %parallel_loop3A_831 : f32 to vector<16xf32>
      %parallel_loop3A_833 = arith.select %parallel_loop3A_829, %parallel_loop3A_826, %parallel_loop3A_832 : vector<16xi1>, vector<16xf32>
      %parallel_loop3A_834 = arith.addf %parallel_loop3A_758, %parallel_loop3A_833 : vector<16xf32>
      %parallel_loop3A_835 = arith.constant 1.000000e+00 : f32
      %parallel_loop3A_836 = arith.constant 0.000000e+00 : f32
      %parallel_loop3A_837 = vector.broadcast %parallel_loop3A_835 : f32 to vector<16xf32>
      %parallel_loop3A_838 = vector.broadcast %parallel_loop3A_836 : f32 to vector<16xf32>
      %parallel_loop3A_839 = arith.select %parallel_loop3A_829, %parallel_loop3A_837, %parallel_loop3A_838 : vector<16xi1>, vector<16xf32>
      %parallel_loop3A_840 = arith.addf %parallel_loop3A_764, %parallel_loop3A_839 : vector<16xf32>
      %parallel_loop3A_841 = arith.index_cast %parallel_loop3A_636 : i32 to index
      %parallel_loop3A_842 = arith.constant 32 : index
      %parallel_loop3A_843 = tpu.vector_load %arg10[%parallel_loop3A_841, %parallel_loop3A_842] {strides = array<i32>} : memref<32x128xf32, #tpu.memory_space<vmem>>, vector<1x16xf32>,
      %parallel_loop3A_844 = vector.shape_cast %parallel_loop3A_843 : vector<1x16xf32> to vector<16xf32>
      %parallel_loop3A_845 = arith.constant 2 : i32
      %parallel_loop3A_846 = vector.broadcast %parallel_loop3A_845 : i32 to vector<16xi32>
      %parallel_loop3A_847 = arith.cmpi eq, %parallel_loop3A_804, %parallel_loop3A_846 : vector<16xi32>
      %parallel_loop3A_848 = arith.addf %parallel_loop3A_772, %parallel_loop3A_844 : vector<16xf32>
      %parallel_loop3A_849 = arith.constant 0.000000e+00 : f32
      %parallel_loop3A_850 = vector.broadcast %parallel_loop3A_849 : f32 to vector<16xf32>
      %parallel_loop3A_851 = arith.select %parallel_loop3A_847, %parallel_loop3A_844, %parallel_loop3A_850 : vector<16xi1>, vector<16xf32>
      %parallel_loop3A_852 = arith.addf %parallel_loop3A_776, %parallel_loop3A_851 : vector<16xf32>
      %parallel_loop3A_853 = arith.constant 1.000000e+00 : f32
      %parallel_loop3A_854 = arith.constant 0.000000e+00 : f32
      %parallel_loop3A_855 = vector.broadcast %parallel_loop3A_853 : f32 to vector<16xf32>
      %parallel_loop3A_856 = vector.broadcast %parallel_loop3A_854 : f32 to vector<16xf32>
      %parallel_loop3A_857 = arith.select %parallel_loop3A_847, %parallel_loop3A_855, %parallel_loop3A_856 : vector<16xi1>, vector<16xf32>
      %parallel_loop3A_858 = arith.addf %parallel_loop3A_782, %parallel_loop3A_857 : vector<16xf32>
      %parallel_loop3A_859 = arith.index_cast %parallel_loop3A_636 : i32 to index
      %parallel_loop3A_860 = arith.constant 32 : index
      %parallel_loop3A_861 = tpu.vector_load %arg11[%parallel_loop3A_859, %parallel_loop3A_860] {strides = array<i32>} : memref<32x128xf32, #tpu.memory_space<vmem>>, vector<1x16xf32>,
      %parallel_loop3A_862 = vector.shape_cast %parallel_loop3A_861 : vector<1x16xf32> to vector<16xf32>
      %parallel_loop3A_863 = arith.constant 3 : i32
      %parallel_loop3A_864 = vector.broadcast %parallel_loop3A_863 : i32 to vector<16xi32>
      %parallel_loop3A_865 = arith.cmpi eq, %parallel_loop3A_804, %parallel_loop3A_864 : vector<16xi32>
      %parallel_loop3A_866 = arith.addf %parallel_loop3A_790, %parallel_loop3A_862 : vector<16xf32>
      %parallel_loop3A_867 = arith.constant 0.000000e+00 : f32
      %parallel_loop3A_868 = vector.broadcast %parallel_loop3A_867 : f32 to vector<16xf32>
      %parallel_loop3A_869 = arith.select %parallel_loop3A_865, %parallel_loop3A_862, %parallel_loop3A_868 : vector<16xi1>, vector<16xf32>
      %parallel_loop3A_870 = arith.addf %parallel_loop3A_794, %parallel_loop3A_869 : vector<16xf32>
      %parallel_loop3A_871 = arith.constant 1.000000e+00 : f32
      %parallel_loop3A_872 = arith.constant 0.000000e+00 : f32
      %parallel_loop3A_873 = vector.broadcast %parallel_loop3A_871 : f32 to vector<16xf32>
      %parallel_loop3A_874 = vector.broadcast %parallel_loop3A_872 : f32 to vector<16xf32>
      %parallel_loop3A_875 = arith.select %parallel_loop3A_865, %parallel_loop3A_873, %parallel_loop3A_874 : vector<16xi1>, vector<16xf32>
      %parallel_loop3A_876 = arith.addf %parallel_loop3A_800, %parallel_loop3A_875 : vector<16xf32>
      %parallel_loop3A_877 = arith.index_cast %parallel_loop3A_636 : i32 to index
      %parallel_loop3A_878 = arith.constant 48 : index
      %parallel_loop3A_879 = tpu.vector_load %arg7[%parallel_loop3A_877, %parallel_loop3A_878] {strides = array<i32>} : memref<32x128xi32, #tpu.memory_space<vmem>>, vector<1x16xi32>,
      %parallel_loop3A_880 = vector.shape_cast %parallel_loop3A_879 : vector<1x16xi32> to vector<16xi32>
      %parallel_loop3A_881 = arith.index_cast %parallel_loop3A_636 : i32 to index
      %parallel_loop3A_882 = arith.constant 48 : index
      %parallel_loop3A_883 = tpu.vector_load %arg8[%parallel_loop3A_881, %parallel_loop3A_882] {strides = array<i32>} : memref<32x128xf32, #tpu.memory_space<vmem>>, vector<1x16xf32>,
      %parallel_loop3A_884 = vector.shape_cast %parallel_loop3A_883 : vector<1x16xf32> to vector<16xf32>
      %parallel_loop3A_885 = arith.constant 0 : i32
      %parallel_loop3A_886 = vector.broadcast %parallel_loop3A_885 : i32 to vector<16xi32>
      %parallel_loop3A_887 = arith.cmpi eq, %parallel_loop3A_880, %parallel_loop3A_886 : vector<16xi32>
      %parallel_loop3A_888 = arith.addf %parallel_loop3A_812, %parallel_loop3A_884 : vector<16xf32>
      %parallel_loop3A_889 = arith.constant 0.000000e+00 : f32
      %parallel_loop3A_890 = vector.broadcast %parallel_loop3A_889 : f32 to vector<16xf32>
      %parallel_loop3A_891 = arith.select %parallel_loop3A_887, %parallel_loop3A_884, %parallel_loop3A_890 : vector<16xi1>, vector<16xf32>
      %parallel_loop3A_892 = arith.addf %parallel_loop3A_816, %parallel_loop3A_891 : vector<16xf32>
      %parallel_loop3A_893 = arith.constant 1.000000e+00 : f32
      %parallel_loop3A_894 = arith.constant 0.000000e+00 : f32
      %parallel_loop3A_895 = vector.broadcast %parallel_loop3A_893 : f32 to vector<16xf32>
      %parallel_loop3A_896 = vector.broadcast %parallel_loop3A_894 : f32 to vector<16xf32>
      %parallel_loop3A_897 = arith.select %parallel_loop3A_887, %parallel_loop3A_895, %parallel_loop3A_896 : vector<16xi1>, vector<16xf32>
      %parallel_loop3A_898 = arith.addf %parallel_loop3A_822, %parallel_loop3A_897 : vector<16xf32>
      %parallel_loop3A_899 = arith.index_cast %parallel_loop3A_636 : i32 to index
      %parallel_loop3A_900 = arith.constant 48 : index
      %parallel_loop3A_901 = tpu.vector_load %arg9[%parallel_loop3A_899, %parallel_loop3A_900] {strides = array<i32>} : memref<32x128xf32, #tpu.memory_space<vmem>>, vector<1x16xf32>,
      %parallel_loop3A_902 = vector.shape_cast %parallel_loop3A_901 : vector<1x16xf32> to vector<16xf32>
      %parallel_loop3A_903 = arith.constant 1 : i32
      %parallel_loop3A_904 = vector.broadcast %parallel_loop3A_903 : i32 to vector<16xi32>
      %parallel_loop3A_905 = arith.cmpi eq, %parallel_loop3A_880, %parallel_loop3A_904 : vector<16xi32>
      %parallel_loop3A_906 = arith.addf %parallel_loop3A_830, %parallel_loop3A_902 : vector<16xf32>
      %parallel_loop3A_907 = arith.constant 0.000000e+00 : f32
      %parallel_loop3A_908 = vector.broadcast %parallel_loop3A_907 : f32 to vector<16xf32>
      %parallel_loop3A_909 = arith.select %parallel_loop3A_905, %parallel_loop3A_902, %parallel_loop3A_908 : vector<16xi1>, vector<16xf32>
      %parallel_loop3A_910 = arith.addf %parallel_loop3A_834, %parallel_loop3A_909 : vector<16xf32>
      %parallel_loop3A_911 = arith.constant 1.000000e+00 : f32
      %parallel_loop3A_912 = arith.constant 0.000000e+00 : f32
      %parallel_loop3A_913 = vector.broadcast %parallel_loop3A_911 : f32 to vector<16xf32>
      %parallel_loop3A_914 = vector.broadcast %parallel_loop3A_912 : f32 to vector<16xf32>
      %parallel_loop3A_915 = arith.select %parallel_loop3A_905, %parallel_loop3A_913, %parallel_loop3A_914 : vector<16xi1>, vector<16xf32>
      %parallel_loop3A_916 = arith.addf %parallel_loop3A_840, %parallel_loop3A_915 : vector<16xf32>
      %parallel_loop3A_917 = arith.index_cast %parallel_loop3A_636 : i32 to index
      %parallel_loop3A_918 = arith.constant 48 : index
      %parallel_loop3A_919 = tpu.vector_load %arg10[%parallel_loop3A_917, %parallel_loop3A_918] {strides = array<i32>} : memref<32x128xf32, #tpu.memory_space<vmem>>, vector<1x16xf32>,
      %parallel_loop3A_920 = vector.shape_cast %parallel_loop3A_919 : vector<1x16xf32> to vector<16xf32>
      %parallel_loop3A_921 = arith.constant 2 : i32
      %parallel_loop3A_922 = vector.broadcast %parallel_loop3A_921 : i32 to vector<16xi32>
      %parallel_loop3A_923 = arith.cmpi eq, %parallel_loop3A_880, %parallel_loop3A_922 : vector<16xi32>
      %parallel_loop3A_924 = arith.addf %parallel_loop3A_848, %parallel_loop3A_920 : vector<16xf32>
      %parallel_loop3A_925 = arith.constant 0.000000e+00 : f32
      %parallel_loop3A_926 = vector.broadcast %parallel_loop3A_925 : f32 to vector<16xf32>
      %parallel_loop3A_927 = arith.select %parallel_loop3A_923, %parallel_loop3A_920, %parallel_loop3A_926 : vector<16xi1>, vector<16xf32>
      %parallel_loop3A_928 = arith.addf %parallel_loop3A_852, %parallel_loop3A_927 : vector<16xf32>
      %parallel_loop3A_929 = arith.constant 1.000000e+00 : f32
      %parallel_loop3A_930 = arith.constant 0.000000e+00 : f32
      %parallel_loop3A_931 = vector.broadcast %parallel_loop3A_929 : f32 to vector<16xf32>
      %parallel_loop3A_932 = vector.broadcast %parallel_loop3A_930 : f32 to vector<16xf32>
      %parallel_loop3A_933 = arith.select %parallel_loop3A_923, %parallel_loop3A_931, %parallel_loop3A_932 : vector<16xi1>, vector<16xf32>
      %parallel_loop3A_934 = arith.addf %parallel_loop3A_858, %parallel_loop3A_933 : vector<16xf32>
      %parallel_loop3A_935 = arith.index_cast %parallel_loop3A_636 : i32 to index
      %parallel_loop3A_936 = arith.constant 48 : index
      %parallel_loop3A_937 = tpu.vector_load %arg11[%parallel_loop3A_935, %parallel_loop3A_936] {strides = array<i32>} : memref<32x128xf32, #tpu.memory_space<vmem>>, vector<1x16xf32>,
      %parallel_loop3A_938 = vector.shape_cast %parallel_loop3A_937 : vector<1x16xf32> to vector<16xf32>
      %parallel_loop3A_939 = arith.constant 3 : i32
      %parallel_loop3A_940 = vector.broadcast %parallel_loop3A_939 : i32 to vector<16xi32>
      %parallel_loop3A_941 = arith.cmpi eq, %parallel_loop3A_880, %parallel_loop3A_940 : vector<16xi32>
      %parallel_loop3A_942 = arith.addf %parallel_loop3A_866, %parallel_loop3A_938 : vector<16xf32>
      %parallel_loop3A_943 = arith.constant 0.000000e+00 : f32
      %parallel_loop3A_944 = vector.broadcast %parallel_loop3A_943 : f32 to vector<16xf32>
      %parallel_loop3A_945 = arith.select %parallel_loop3A_941, %parallel_loop3A_938, %parallel_loop3A_944 : vector<16xi1>, vector<16xf32>
      %parallel_loop3A_946 = arith.addf %parallel_loop3A_870, %parallel_loop3A_945 : vector<16xf32>
      %parallel_loop3A_947 = arith.constant 1.000000e+00 : f32
      %parallel_loop3A_948 = arith.constant 0.000000e+00 : f32
      %parallel_loop3A_949 = vector.broadcast %parallel_loop3A_947 : f32 to vector<16xf32>
      %parallel_loop3A_950 = vector.broadcast %parallel_loop3A_948 : f32 to vector<16xf32>
      %parallel_loop3A_951 = arith.select %parallel_loop3A_941, %parallel_loop3A_949, %parallel_loop3A_950 : vector<16xi1>, vector<16xf32>
      %parallel_loop3A_952 = arith.addf %parallel_loop3A_876, %parallel_loop3A_951 : vector<16xf32>
      %parallel_loop3A_953 = arith.index_cast %parallel_loop3A_636 : i32 to index
      %parallel_loop3A_954 = arith.constant 64 : index
      %parallel_loop3A_955 = tpu.vector_load %arg7[%parallel_loop3A_953, %parallel_loop3A_954] {strides = array<i32>} : memref<32x128xi32, #tpu.memory_space<vmem>>, vector<1x16xi32>,
      %parallel_loop3A_956 = vector.shape_cast %parallel_loop3A_955 : vector<1x16xi32> to vector<16xi32>
      %parallel_loop3A_957 = arith.index_cast %parallel_loop3A_636 : i32 to index
      %parallel_loop3A_958 = arith.constant 64 : index
      %parallel_loop3A_959 = tpu.vector_load %arg8[%parallel_loop3A_957, %parallel_loop3A_958] {strides = array<i32>} : memref<32x128xf32, #tpu.memory_space<vmem>>, vector<1x16xf32>,
      %parallel_loop3A_960 = vector.shape_cast %parallel_loop3A_959 : vector<1x16xf32> to vector<16xf32>
      %parallel_loop3A_961 = arith.constant 0 : i32
      %parallel_loop3A_962 = vector.broadcast %parallel_loop3A_961 : i32 to vector<16xi32>
      %parallel_loop3A_963 = arith.cmpi eq, %parallel_loop3A_956, %parallel_loop3A_962 : vector<16xi32>
      %parallel_loop3A_964 = arith.addf %parallel_loop3A_888, %parallel_loop3A_960 : vector<16xf32>
      %parallel_loop3A_965 = arith.constant 0.000000e+00 : f32
      %parallel_loop3A_966 = vector.broadcast %parallel_loop3A_965 : f32 to vector<16xf32>
      %parallel_loop3A_967 = arith.select %parallel_loop3A_963, %parallel_loop3A_960, %parallel_loop3A_966 : vector<16xi1>, vector<16xf32>
      %parallel_loop3A_968 = arith.addf %parallel_loop3A_892, %parallel_loop3A_967 : vector<16xf32>
      %parallel_loop3A_969 = arith.constant 1.000000e+00 : f32
      %parallel_loop3A_970 = arith.constant 0.000000e+00 : f32
      %parallel_loop3A_971 = vector.broadcast %parallel_loop3A_969 : f32 to vector<16xf32>
      %parallel_loop3A_972 = vector.broadcast %parallel_loop3A_970 : f32 to vector<16xf32>
      %parallel_loop3A_973 = arith.select %parallel_loop3A_963, %parallel_loop3A_971, %parallel_loop3A_972 : vector<16xi1>, vector<16xf32>
      %parallel_loop3A_974 = arith.addf %parallel_loop3A_898, %parallel_loop3A_973 : vector<16xf32>
      %parallel_loop3A_975 = arith.index_cast %parallel_loop3A_636 : i32 to index
      %parallel_loop3A_976 = arith.constant 64 : index
      %parallel_loop3A_977 = tpu.vector_load %arg9[%parallel_loop3A_975, %parallel_loop3A_976] {strides = array<i32>} : memref<32x128xf32, #tpu.memory_space<vmem>>, vector<1x16xf32>,
      %parallel_loop3A_978 = vector.shape_cast %parallel_loop3A_977 : vector<1x16xf32> to vector<16xf32>
      %parallel_loop3A_979 = arith.constant 1 : i32
      %parallel_loop3A_980 = vector.broadcast %parallel_loop3A_979 : i32 to vector<16xi32>
      %parallel_loop3A_981 = arith.cmpi eq, %parallel_loop3A_956, %parallel_loop3A_980 : vector<16xi32>
      %parallel_loop3A_982 = arith.addf %parallel_loop3A_906, %parallel_loop3A_978 : vector<16xf32>
      %parallel_loop3A_983 = arith.constant 0.000000e+00 : f32
      %parallel_loop3A_984 = vector.broadcast %parallel_loop3A_983 : f32 to vector<16xf32>
      %parallel_loop3A_985 = arith.select %parallel_loop3A_981, %parallel_loop3A_978, %parallel_loop3A_984 : vector<16xi1>, vector<16xf32>
      %parallel_loop3A_986 = arith.addf %parallel_loop3A_910, %parallel_loop3A_985 : vector<16xf32>
      %parallel_loop3A_987 = arith.constant 1.000000e+00 : f32
      %parallel_loop3A_988 = arith.constant 0.000000e+00 : f32
      %parallel_loop3A_989 = vector.broadcast %parallel_loop3A_987 : f32 to vector<16xf32>
      %parallel_loop3A_990 = vector.broadcast %parallel_loop3A_988 : f32 to vector<16xf32>
      %parallel_loop3A_991 = arith.select %parallel_loop3A_981, %parallel_loop3A_989, %parallel_loop3A_990 : vector<16xi1>, vector<16xf32>
      %parallel_loop3A_992 = arith.addf %parallel_loop3A_916, %parallel_loop3A_991 : vector<16xf32>
      %parallel_loop3A_993 = arith.index_cast %parallel_loop3A_636 : i32 to index
      %parallel_loop3A_994 = arith.constant 64 : index
      %parallel_loop3A_995 = tpu.vector_load %arg10[%parallel_loop3A_993, %parallel_loop3A_994] {strides = array<i32>} : memref<32x128xf32, #tpu.memory_space<vmem>>, vector<1x16xf32>,
      %parallel_loop3A_996 = vector.shape_cast %parallel_loop3A_995 : vector<1x16xf32> to vector<16xf32>
      %parallel_loop3A_997 = arith.constant 2 : i32
      %parallel_loop3A_998 = vector.broadcast %parallel_loop3A_997 : i32 to vector<16xi32>
      %parallel_loop3A_999 = arith.cmpi eq, %parallel_loop3A_956, %parallel_loop3A_998 : vector<16xi32>
      %parallel_loop3A_1000 = arith.addf %parallel_loop3A_924, %parallel_loop3A_996 : vector<16xf32>
      %parallel_loop3A_1001 = arith.constant 0.000000e+00 : f32
      %parallel_loop3A_1002 = vector.broadcast %parallel_loop3A_1001 : f32 to vector<16xf32>
      %parallel_loop3A_1003 = arith.select %parallel_loop3A_999, %parallel_loop3A_996, %parallel_loop3A_1002 : vector<16xi1>, vector<16xf32>
      %parallel_loop3A_1004 = arith.addf %parallel_loop3A_928, %parallel_loop3A_1003 : vector<16xf32>
      %parallel_loop3A_1005 = arith.constant 1.000000e+00 : f32
      %parallel_loop3A_1006 = arith.constant 0.000000e+00 : f32
      %parallel_loop3A_1007 = vector.broadcast %parallel_loop3A_1005 : f32 to vector<16xf32>
      %parallel_loop3A_1008 = vector.broadcast %parallel_loop3A_1006 : f32 to vector<16xf32>
      %parallel_loop3A_1009 = arith.select %parallel_loop3A_999, %parallel_loop3A_1007, %parallel_loop3A_1008 : vector<16xi1>, vector<16xf32>
      %parallel_loop3A_1010 = arith.addf %parallel_loop3A_934, %parallel_loop3A_1009 : vector<16xf32>
      %parallel_loop3A_1011 = arith.index_cast %parallel_loop3A_636 : i32 to index
      %parallel_loop3A_1012 = arith.constant 64 : index
      %parallel_loop3A_1013 = tpu.vector_load %arg11[%parallel_loop3A_1011, %parallel_loop3A_1012] {strides = array<i32>} : memref<32x128xf32, #tpu.memory_space<vmem>>, vector<1x16xf32>,
      %parallel_loop3A_1014 = vector.shape_cast %parallel_loop3A_1013 : vector<1x16xf32> to vector<16xf32>
      %parallel_loop3A_1015 = arith.constant 3 : i32
      %parallel_loop3A_1016 = vector.broadcast %parallel_loop3A_1015 : i32 to vector<16xi32>
      %parallel_loop3A_1017 = arith.cmpi eq, %parallel_loop3A_956, %parallel_loop3A_1016 : vector<16xi32>
      %parallel_loop3A_1018 = arith.addf %parallel_loop3A_942, %parallel_loop3A_1014 : vector<16xf32>
      %parallel_loop3A_1019 = arith.constant 0.000000e+00 : f32
      %parallel_loop3A_1020 = vector.broadcast %parallel_loop3A_1019 : f32 to vector<16xf32>
      %parallel_loop3A_1021 = arith.select %parallel_loop3A_1017, %parallel_loop3A_1014, %parallel_loop3A_1020 : vector<16xi1>, vector<16xf32>
      %parallel_loop3A_1022 = arith.addf %parallel_loop3A_946, %parallel_loop3A_1021 : vector<16xf32>
      %parallel_loop3A_1023 = arith.constant 1.000000e+00 : f32
      %parallel_loop3A_1024 = arith.constant 0.000000e+00 : f32
      %parallel_loop3A_1025 = vector.broadcast %parallel_loop3A_1023 : f32 to vector<16xf32>
      %parallel_loop3A_1026 = vector.broadcast %parallel_loop3A_1024 : f32 to vector<16xf32>
      %parallel_loop3A_1027 = arith.select %parallel_loop3A_1017, %parallel_loop3A_1025, %parallel_loop3A_1026 : vector<16xi1>, vector<16xf32>
      %parallel_loop3A_1028 = arith.addf %parallel_loop3A_952, %parallel_loop3A_1027 : vector<16xf32>
      %parallel_loop3A_1029 = arith.index_cast %parallel_loop3A_636 : i32 to index
      %parallel_loop3A_1030 = arith.constant 80 : index
      %parallel_loop3A_1031 = tpu.vector_load %arg7[%parallel_loop3A_1029, %parallel_loop3A_1030] {strides = array<i32>} : memref<32x128xi32, #tpu.memory_space<vmem>>, vector<1x16xi32>,
      %parallel_loop3A_1032 = vector.shape_cast %parallel_loop3A_1031 : vector<1x16xi32> to vector<16xi32>
      %parallel_loop3A_1033 = arith.index_cast %parallel_loop3A_636 : i32 to index
      %parallel_loop3A_1034 = arith.constant 80 : index
      %parallel_loop3A_1035 = tpu.vector_load %arg8[%parallel_loop3A_1033, %parallel_loop3A_1034] {strides = array<i32>} : memref<32x128xf32, #tpu.memory_space<vmem>>, vector<1x16xf32>,
      %parallel_loop3A_1036 = vector.shape_cast %parallel_loop3A_1035 : vector<1x16xf32> to vector<16xf32>
      %parallel_loop3A_1037 = arith.constant 0 : i32
      %parallel_loop3A_1038 = vector.broadcast %parallel_loop3A_1037 : i32 to vector<16xi32>
      %parallel_loop3A_1039 = arith.cmpi eq, %parallel_loop3A_1032, %parallel_loop3A_1038 : vector<16xi32>
      %parallel_loop3A_1040 = arith.addf %parallel_loop3A_964, %parallel_loop3A_1036 : vector<16xf32>
      %parallel_loop3A_1041 = arith.constant 0.000000e+00 : f32
      %parallel_loop3A_1042 = vector.broadcast %parallel_loop3A_1041 : f32 to vector<16xf32>
      %parallel_loop3A_1043 = arith.select %parallel_loop3A_1039, %parallel_loop3A_1036, %parallel_loop3A_1042 : vector<16xi1>, vector<16xf32>
      %parallel_loop3A_1044 = arith.addf %parallel_loop3A_968, %parallel_loop3A_1043 : vector<16xf32>
      %parallel_loop3A_1045 = arith.constant 1.000000e+00 : f32
      %parallel_loop3A_1046 = arith.constant 0.000000e+00 : f32
      %parallel_loop3A_1047 = vector.broadcast %parallel_loop3A_1045 : f32 to vector<16xf32>
      %parallel_loop3A_1048 = vector.broadcast %parallel_loop3A_1046 : f32 to vector<16xf32>
      %parallel_loop3A_1049 = arith.select %parallel_loop3A_1039, %parallel_loop3A_1047, %parallel_loop3A_1048 : vector<16xi1>, vector<16xf32>
      %parallel_loop3A_1050 = arith.addf %parallel_loop3A_974, %parallel_loop3A_1049 : vector<16xf32>
      %parallel_loop3A_1051 = arith.index_cast %parallel_loop3A_636 : i32 to index
      %parallel_loop3A_1052 = arith.constant 80 : index
      %parallel_loop3A_1053 = tpu.vector_load %arg9[%parallel_loop3A_1051, %parallel_loop3A_1052] {strides = array<i32>} : memref<32x128xf32, #tpu.memory_space<vmem>>, vector<1x16xf32>,
      %parallel_loop3A_1054 = vector.shape_cast %parallel_loop3A_1053 : vector<1x16xf32> to vector<16xf32>
      %parallel_loop3A_1055 = arith.constant 1 : i32
      %parallel_loop3A_1056 = vector.broadcast %parallel_loop3A_1055 : i32 to vector<16xi32>
      %parallel_loop3A_1057 = arith.cmpi eq, %parallel_loop3A_1032, %parallel_loop3A_1056 : vector<16xi32>
      %parallel_loop3A_1058 = arith.addf %parallel_loop3A_982, %parallel_loop3A_1054 : vector<16xf32>
      %parallel_loop3A_1059 = arith.constant 0.000000e+00 : f32
      %parallel_loop3A_1060 = vector.broadcast %parallel_loop3A_1059 : f32 to vector<16xf32>
      %parallel_loop3A_1061 = arith.select %parallel_loop3A_1057, %parallel_loop3A_1054, %parallel_loop3A_1060 : vector<16xi1>, vector<16xf32>
      %parallel_loop3A_1062 = arith.addf %parallel_loop3A_986, %parallel_loop3A_1061 : vector<16xf32>
      %parallel_loop3A_1063 = arith.constant 1.000000e+00 : f32
      %parallel_loop3A_1064 = arith.constant 0.000000e+00 : f32
      %parallel_loop3A_1065 = vector.broadcast %parallel_loop3A_1063 : f32 to vector<16xf32>
      %parallel_loop3A_1066 = vector.broadcast %parallel_loop3A_1064 : f32 to vector<16xf32>
      %parallel_loop3A_1067 = arith.select %parallel_loop3A_1057, %parallel_loop3A_1065, %parallel_loop3A_1066 : vector<16xi1>, vector<16xf32>
      %parallel_loop3A_1068 = arith.addf %parallel_loop3A_992, %parallel_loop3A_1067 : vector<16xf32>
      %parallel_loop3A_1069 = arith.index_cast %parallel_loop3A_636 : i32 to index
      %parallel_loop3A_1070 = arith.constant 80 : index
      %parallel_loop3A_1071 = tpu.vector_load %arg10[%parallel_loop3A_1069, %parallel_loop3A_1070] {strides = array<i32>} : memref<32x128xf32, #tpu.memory_space<vmem>>, vector<1x16xf32>,
      %parallel_loop3A_1072 = vector.shape_cast %parallel_loop3A_1071 : vector<1x16xf32> to vector<16xf32>
      %parallel_loop3A_1073 = arith.constant 2 : i32
      %parallel_loop3A_1074 = vector.broadcast %parallel_loop3A_1073 : i32 to vector<16xi32>
      %parallel_loop3A_1075 = arith.cmpi eq, %parallel_loop3A_1032, %parallel_loop3A_1074 : vector<16xi32>
      %parallel_loop3A_1076 = arith.addf %parallel_loop3A_1000, %parallel_loop3A_1072 : vector<16xf32>
      %parallel_loop3A_1077 = arith.constant 0.000000e+00 : f32
      %parallel_loop3A_1078 = vector.broadcast %parallel_loop3A_1077 : f32 to vector<16xf32>
      %parallel_loop3A_1079 = arith.select %parallel_loop3A_1075, %parallel_loop3A_1072, %parallel_loop3A_1078 : vector<16xi1>, vector<16xf32>
      %parallel_loop3A_1080 = arith.addf %parallel_loop3A_1004, %parallel_loop3A_1079 : vector<16xf32>
      %parallel_loop3A_1081 = arith.constant 1.000000e+00 : f32
      %parallel_loop3A_1082 = arith.constant 0.000000e+00 : f32
      %parallel_loop3A_1083 = vector.broadcast %parallel_loop3A_1081 : f32 to vector<16xf32>
      %parallel_loop3A_1084 = vector.broadcast %parallel_loop3A_1082 : f32 to vector<16xf32>
      %parallel_loop3A_1085 = arith.select %parallel_loop3A_1075, %parallel_loop3A_1083, %parallel_loop3A_1084 : vector<16xi1>, vector<16xf32>
      %parallel_loop3A_1086 = arith.addf %parallel_loop3A_1010, %parallel_loop3A_1085 : vector<16xf32>
      %parallel_loop3A_1087 = arith.index_cast %parallel_loop3A_636 : i32 to index
      %parallel_loop3A_1088 = arith.constant 80 : index
      %parallel_loop3A_1089 = tpu.vector_load %arg11[%parallel_loop3A_1087, %parallel_loop3A_1088] {strides = array<i32>} : memref<32x128xf32, #tpu.memory_space<vmem>>, vector<1x16xf32>,
      %parallel_loop3A_1090 = vector.shape_cast %parallel_loop3A_1089 : vector<1x16xf32> to vector<16xf32>
      %parallel_loop3A_1091 = arith.constant 3 : i32
      %parallel_loop3A_1092 = vector.broadcast %parallel_loop3A_1091 : i32 to vector<16xi32>
      %parallel_loop3A_1093 = arith.cmpi eq, %parallel_loop3A_1032, %parallel_loop3A_1092 : vector<16xi32>
      %parallel_loop3A_1094 = arith.addf %parallel_loop3A_1018, %parallel_loop3A_1090 : vector<16xf32>
      %parallel_loop3A_1095 = arith.constant 0.000000e+00 : f32
      %parallel_loop3A_1096 = vector.broadcast %parallel_loop3A_1095 : f32 to vector<16xf32>
      %parallel_loop3A_1097 = arith.select %parallel_loop3A_1093, %parallel_loop3A_1090, %parallel_loop3A_1096 : vector<16xi1>, vector<16xf32>
      %parallel_loop3A_1098 = arith.addf %parallel_loop3A_1022, %parallel_loop3A_1097 : vector<16xf32>
      %parallel_loop3A_1099 = arith.constant 1.000000e+00 : f32
      %parallel_loop3A_1100 = arith.constant 0.000000e+00 : f32
      %parallel_loop3A_1101 = vector.broadcast %parallel_loop3A_1099 : f32 to vector<16xf32>
      %parallel_loop3A_1102 = vector.broadcast %parallel_loop3A_1100 : f32 to vector<16xf32>
      %parallel_loop3A_1103 = arith.select %parallel_loop3A_1093, %parallel_loop3A_1101, %parallel_loop3A_1102 : vector<16xi1>, vector<16xf32>
      %parallel_loop3A_1104 = arith.addf %parallel_loop3A_1028, %parallel_loop3A_1103 : vector<16xf32>
      %parallel_loop3A_1105 = arith.index_cast %parallel_loop3A_636 : i32 to index
      %parallel_loop3A_1106 = arith.constant 96 : index
      %parallel_loop3A_1107 = tpu.vector_load %arg7[%parallel_loop3A_1105, %parallel_loop3A_1106] {strides = array<i32>} : memref<32x128xi32, #tpu.memory_space<vmem>>, vector<1x16xi32>,
      %parallel_loop3A_1108 = vector.shape_cast %parallel_loop3A_1107 : vector<1x16xi32> to vector<16xi32>
      %parallel_loop3A_1109 = arith.index_cast %parallel_loop3A_636 : i32 to index
      %parallel_loop3A_1110 = arith.constant 96 : index
      %parallel_loop3A_1111 = tpu.vector_load %arg8[%parallel_loop3A_1109, %parallel_loop3A_1110] {strides = array<i32>} : memref<32x128xf32, #tpu.memory_space<vmem>>, vector<1x16xf32>,
      %parallel_loop3A_1112 = vector.shape_cast %parallel_loop3A_1111 : vector<1x16xf32> to vector<16xf32>
      %parallel_loop3A_1113 = arith.constant 0 : i32
      %parallel_loop3A_1114 = vector.broadcast %parallel_loop3A_1113 : i32 to vector<16xi32>
      %parallel_loop3A_1115 = arith.cmpi eq, %parallel_loop3A_1108, %parallel_loop3A_1114 : vector<16xi32>
      %parallel_loop3A_1116 = arith.addf %parallel_loop3A_1040, %parallel_loop3A_1112 : vector<16xf32>
      %parallel_loop3A_1117 = arith.constant 0.000000e+00 : f32
      %parallel_loop3A_1118 = vector.broadcast %parallel_loop3A_1117 : f32 to vector<16xf32>
      %parallel_loop3A_1119 = arith.select %parallel_loop3A_1115, %parallel_loop3A_1112, %parallel_loop3A_1118 : vector<16xi1>, vector<16xf32>
      %parallel_loop3A_1120 = arith.addf %parallel_loop3A_1044, %parallel_loop3A_1119 : vector<16xf32>
      %parallel_loop3A_1121 = arith.constant 1.000000e+00 : f32
      %parallel_loop3A_1122 = arith.constant 0.000000e+00 : f32
      %parallel_loop3A_1123 = vector.broadcast %parallel_loop3A_1121 : f32 to vector<16xf32>
      %parallel_loop3A_1124 = vector.broadcast %parallel_loop3A_1122 : f32 to vector<16xf32>
      %parallel_loop3A_1125 = arith.select %parallel_loop3A_1115, %parallel_loop3A_1123, %parallel_loop3A_1124 : vector<16xi1>, vector<16xf32>
      %parallel_loop3A_1126 = arith.addf %parallel_loop3A_1050, %parallel_loop3A_1125 : vector<16xf32>
      %parallel_loop3A_1127 = arith.index_cast %parallel_loop3A_636 : i32 to index
      %parallel_loop3A_1128 = arith.constant 96 : index
      %parallel_loop3A_1129 = tpu.vector_load %arg9[%parallel_loop3A_1127, %parallel_loop3A_1128] {strides = array<i32>} : memref<32x128xf32, #tpu.memory_space<vmem>>, vector<1x16xf32>,
      %parallel_loop3A_1130 = vector.shape_cast %parallel_loop3A_1129 : vector<1x16xf32> to vector<16xf32>
      %parallel_loop3A_1131 = arith.constant 1 : i32
      %parallel_loop3A_1132 = vector.broadcast %parallel_loop3A_1131 : i32 to vector<16xi32>
      %parallel_loop3A_1133 = arith.cmpi eq, %parallel_loop3A_1108, %parallel_loop3A_1132 : vector<16xi32>
      %parallel_loop3A_1134 = arith.addf %parallel_loop3A_1058, %parallel_loop3A_1130 : vector<16xf32>
      %parallel_loop3A_1135 = arith.constant 0.000000e+00 : f32
      %parallel_loop3A_1136 = vector.broadcast %parallel_loop3A_1135 : f32 to vector<16xf32>
      %parallel_loop3A_1137 = arith.select %parallel_loop3A_1133, %parallel_loop3A_1130, %parallel_loop3A_1136 : vector<16xi1>, vector<16xf32>
      %parallel_loop3A_1138 = arith.addf %parallel_loop3A_1062, %parallel_loop3A_1137 : vector<16xf32>
      %parallel_loop3A_1139 = arith.constant 1.000000e+00 : f32
      %parallel_loop3A_1140 = arith.constant 0.000000e+00 : f32
      %parallel_loop3A_1141 = vector.broadcast %parallel_loop3A_1139 : f32 to vector<16xf32>
      %parallel_loop3A_1142 = vector.broadcast %parallel_loop3A_1140 : f32 to vector<16xf32>
      %parallel_loop3A_1143 = arith.select %parallel_loop3A_1133, %parallel_loop3A_1141, %parallel_loop3A_1142 : vector<16xi1>, vector<16xf32>
      %parallel_loop3A_1144 = arith.addf %parallel_loop3A_1068, %parallel_loop3A_1143 : vector<16xf32>
      %parallel_loop3A_1145 = arith.index_cast %parallel_loop3A_636 : i32 to index
      %parallel_loop3A_1146 = arith.constant 96 : index
      %parallel_loop3A_1147 = tpu.vector_load %arg10[%parallel_loop3A_1145, %parallel_loop3A_1146] {strides = array<i32>} : memref<32x128xf32, #tpu.memory_space<vmem>>, vector<1x16xf32>,
      %parallel_loop3A_1148 = vector.shape_cast %parallel_loop3A_1147 : vector<1x16xf32> to vector<16xf32>
      %parallel_loop3A_1149 = arith.constant 2 : i32
      %parallel_loop3A_1150 = vector.broadcast %parallel_loop3A_1149 : i32 to vector<16xi32>
      %parallel_loop3A_1151 = arith.cmpi eq, %parallel_loop3A_1108, %parallel_loop3A_1150 : vector<16xi32>
      %parallel_loop3A_1152 = arith.addf %parallel_loop3A_1076, %parallel_loop3A_1148 : vector<16xf32>
      %parallel_loop3A_1153 = arith.constant 0.000000e+00 : f32
      %parallel_loop3A_1154 = vector.broadcast %parallel_loop3A_1153 : f32 to vector<16xf32>
      %parallel_loop3A_1155 = arith.select %parallel_loop3A_1151, %parallel_loop3A_1148, %parallel_loop3A_1154 : vector<16xi1>, vector<16xf32>
      %parallel_loop3A_1156 = arith.addf %parallel_loop3A_1080, %parallel_loop3A_1155 : vector<16xf32>
      %parallel_loop3A_1157 = arith.constant 1.000000e+00 : f32
      %parallel_loop3A_1158 = arith.constant 0.000000e+00 : f32
      %parallel_loop3A_1159 = vector.broadcast %parallel_loop3A_1157 : f32 to vector<16xf32>
      %parallel_loop3A_1160 = vector.broadcast %parallel_loop3A_1158 : f32 to vector<16xf32>
      %parallel_loop3A_1161 = arith.select %parallel_loop3A_1151, %parallel_loop3A_1159, %parallel_loop3A_1160 : vector<16xi1>, vector<16xf32>
      %parallel_loop3A_1162 = arith.addf %parallel_loop3A_1086, %parallel_loop3A_1161 : vector<16xf32>
      %parallel_loop3A_1163 = arith.index_cast %parallel_loop3A_636 : i32 to index
      %parallel_loop3A_1164 = arith.constant 96 : index
      %parallel_loop3A_1165 = tpu.vector_load %arg11[%parallel_loop3A_1163, %parallel_loop3A_1164] {strides = array<i32>} : memref<32x128xf32, #tpu.memory_space<vmem>>, vector<1x16xf32>,
      %parallel_loop3A_1166 = vector.shape_cast %parallel_loop3A_1165 : vector<1x16xf32> to vector<16xf32>
      %parallel_loop3A_1167 = arith.constant 3 : i32
      %parallel_loop3A_1168 = vector.broadcast %parallel_loop3A_1167 : i32 to vector<16xi32>
      %parallel_loop3A_1169 = arith.cmpi eq, %parallel_loop3A_1108, %parallel_loop3A_1168 : vector<16xi32>
      %parallel_loop3A_1170 = arith.addf %parallel_loop3A_1094, %parallel_loop3A_1166 : vector<16xf32>
      %parallel_loop3A_1171 = arith.constant 0.000000e+00 : f32
      %parallel_loop3A_1172 = vector.broadcast %parallel_loop3A_1171 : f32 to vector<16xf32>
      %parallel_loop3A_1173 = arith.select %parallel_loop3A_1169, %parallel_loop3A_1166, %parallel_loop3A_1172 : vector<16xi1>, vector<16xf32>
      %parallel_loop3A_1174 = arith.addf %parallel_loop3A_1098, %parallel_loop3A_1173 : vector<16xf32>
      %parallel_loop3A_1175 = arith.constant 1.000000e+00 : f32
      %parallel_loop3A_1176 = arith.constant 0.000000e+00 : f32
      %parallel_loop3A_1177 = vector.broadcast %parallel_loop3A_1175 : f32 to vector<16xf32>
      %parallel_loop3A_1178 = vector.broadcast %parallel_loop3A_1176 : f32 to vector<16xf32>
      %parallel_loop3A_1179 = arith.select %parallel_loop3A_1169, %parallel_loop3A_1177, %parallel_loop3A_1178 : vector<16xi1>, vector<16xf32>
      %parallel_loop3A_1180 = arith.addf %parallel_loop3A_1104, %parallel_loop3A_1179 : vector<16xf32>
      %parallel_loop3A_1181 = arith.index_cast %parallel_loop3A_636 : i32 to index
      %parallel_loop3A_1182 = arith.constant 112 : index
      %parallel_loop3A_1183 = tpu.vector_load %arg7[%parallel_loop3A_1181, %parallel_loop3A_1182] {strides = array<i32>} : memref<32x128xi32, #tpu.memory_space<vmem>>, vector<1x16xi32>,
      %parallel_loop3A_1184 = vector.shape_cast %parallel_loop3A_1183 : vector<1x16xi32> to vector<16xi32>
      %parallel_loop3A_1185 = arith.index_cast %parallel_loop3A_636 : i32 to index
      %parallel_loop3A_1186 = arith.constant 112 : index
      %parallel_loop3A_1187 = tpu.vector_load %arg8[%parallel_loop3A_1185, %parallel_loop3A_1186] {strides = array<i32>} : memref<32x128xf32, #tpu.memory_space<vmem>>, vector<1x16xf32>,
      %parallel_loop3A_1188 = vector.shape_cast %parallel_loop3A_1187 : vector<1x16xf32> to vector<16xf32>
      %parallel_loop3A_1189 = arith.constant 0 : i32
      %parallel_loop3A_1190 = vector.broadcast %parallel_loop3A_1189 : i32 to vector<16xi32>
      %parallel_loop3A_1191 = arith.cmpi eq, %parallel_loop3A_1184, %parallel_loop3A_1190 : vector<16xi32>
      %parallel_loop3A_1192 = arith.addf %parallel_loop3A_1116, %parallel_loop3A_1188 : vector<16xf32>
      %parallel_loop3A_1193 = arith.constant 0.000000e+00 : f32
      %parallel_loop3A_1194 = vector.broadcast %parallel_loop3A_1193 : f32 to vector<16xf32>
      %parallel_loop3A_1195 = arith.select %parallel_loop3A_1191, %parallel_loop3A_1188, %parallel_loop3A_1194 : vector<16xi1>, vector<16xf32>
      %parallel_loop3A_1196 = arith.addf %parallel_loop3A_1120, %parallel_loop3A_1195 : vector<16xf32>
      %parallel_loop3A_1197 = arith.constant 1.000000e+00 : f32
      %parallel_loop3A_1198 = arith.constant 0.000000e+00 : f32
      %parallel_loop3A_1199 = vector.broadcast %parallel_loop3A_1197 : f32 to vector<16xf32>
      %parallel_loop3A_1200 = vector.broadcast %parallel_loop3A_1198 : f32 to vector<16xf32>
      %parallel_loop3A_1201 = arith.select %parallel_loop3A_1191, %parallel_loop3A_1199, %parallel_loop3A_1200 : vector<16xi1>, vector<16xf32>
      %parallel_loop3A_1202 = arith.addf %parallel_loop3A_1126, %parallel_loop3A_1201 : vector<16xf32>
      %parallel_loop3A_1203 = arith.index_cast %parallel_loop3A_636 : i32 to index
      %parallel_loop3A_1204 = arith.constant 112 : index
      %parallel_loop3A_1205 = tpu.vector_load %arg9[%parallel_loop3A_1203, %parallel_loop3A_1204] {strides = array<i32>} : memref<32x128xf32, #tpu.memory_space<vmem>>, vector<1x16xf32>,
      %parallel_loop3A_1206 = vector.shape_cast %parallel_loop3A_1205 : vector<1x16xf32> to vector<16xf32>
      %parallel_loop3A_1207 = arith.constant 1 : i32
      %parallel_loop3A_1208 = vector.broadcast %parallel_loop3A_1207 : i32 to vector<16xi32>
      %parallel_loop3A_1209 = arith.cmpi eq, %parallel_loop3A_1184, %parallel_loop3A_1208 : vector<16xi32>
      %parallel_loop3A_1210 = arith.addf %parallel_loop3A_1134, %parallel_loop3A_1206 : vector<16xf32>
      %parallel_loop3A_1211 = arith.constant 0.000000e+00 : f32
      %parallel_loop3A_1212 = vector.broadcast %parallel_loop3A_1211 : f32 to vector<16xf32>
      %parallel_loop3A_1213 = arith.select %parallel_loop3A_1209, %parallel_loop3A_1206, %parallel_loop3A_1212 : vector<16xi1>, vector<16xf32>
      %parallel_loop3A_1214 = arith.addf %parallel_loop3A_1138, %parallel_loop3A_1213 : vector<16xf32>
      %parallel_loop3A_1215 = arith.constant 1.000000e+00 : f32
      %parallel_loop3A_1216 = arith.constant 0.000000e+00 : f32
      %parallel_loop3A_1217 = vector.broadcast %parallel_loop3A_1215 : f32 to vector<16xf32>
      %parallel_loop3A_1218 = vector.broadcast %parallel_loop3A_1216 : f32 to vector<16xf32>
      %parallel_loop3A_1219 = arith.select %parallel_loop3A_1209, %parallel_loop3A_1217, %parallel_loop3A_1218 : vector<16xi1>, vector<16xf32>
      %parallel_loop3A_1220 = arith.addf %parallel_loop3A_1144, %parallel_loop3A_1219 : vector<16xf32>
      %parallel_loop3A_1221 = arith.index_cast %parallel_loop3A_636 : i32 to index
      %parallel_loop3A_1222 = arith.constant 112 : index
      %parallel_loop3A_1223 = tpu.vector_load %arg10[%parallel_loop3A_1221, %parallel_loop3A_1222] {strides = array<i32>} : memref<32x128xf32, #tpu.memory_space<vmem>>, vector<1x16xf32>,
      %parallel_loop3A_1224 = vector.shape_cast %parallel_loop3A_1223 : vector<1x16xf32> to vector<16xf32>
      %parallel_loop3A_1225 = arith.constant 2 : i32
      %parallel_loop3A_1226 = vector.broadcast %parallel_loop3A_1225 : i32 to vector<16xi32>
      %parallel_loop3A_1227 = arith.cmpi eq, %parallel_loop3A_1184, %parallel_loop3A_1226 : vector<16xi32>
      %parallel_loop3A_1228 = arith.addf %parallel_loop3A_1152, %parallel_loop3A_1224 : vector<16xf32>
      %parallel_loop3A_1229 = arith.constant 0.000000e+00 : f32
      %parallel_loop3A_1230 = vector.broadcast %parallel_loop3A_1229 : f32 to vector<16xf32>
      %parallel_loop3A_1231 = arith.select %parallel_loop3A_1227, %parallel_loop3A_1224, %parallel_loop3A_1230 : vector<16xi1>, vector<16xf32>
      %parallel_loop3A_1232 = arith.addf %parallel_loop3A_1156, %parallel_loop3A_1231 : vector<16xf32>
      %parallel_loop3A_1233 = arith.constant 1.000000e+00 : f32
      %parallel_loop3A_1234 = arith.constant 0.000000e+00 : f32
      %parallel_loop3A_1235 = vector.broadcast %parallel_loop3A_1233 : f32 to vector<16xf32>
      %parallel_loop3A_1236 = vector.broadcast %parallel_loop3A_1234 : f32 to vector<16xf32>
      %parallel_loop3A_1237 = arith.select %parallel_loop3A_1227, %parallel_loop3A_1235, %parallel_loop3A_1236 : vector<16xi1>, vector<16xf32>
      %parallel_loop3A_1238 = arith.addf %parallel_loop3A_1162, %parallel_loop3A_1237 : vector<16xf32>
      %parallel_loop3A_1239 = arith.index_cast %parallel_loop3A_636 : i32 to index
      %parallel_loop3A_1240 = arith.constant 112 : index
      %parallel_loop3A_1241 = tpu.vector_load %arg11[%parallel_loop3A_1239, %parallel_loop3A_1240] {strides = array<i32>} : memref<32x128xf32, #tpu.memory_space<vmem>>, vector<1x16xf32>,
      %parallel_loop3A_1242 = vector.shape_cast %parallel_loop3A_1241 : vector<1x16xf32> to vector<16xf32>
      %parallel_loop3A_1243 = arith.constant 3 : i32
      %parallel_loop3A_1244 = vector.broadcast %parallel_loop3A_1243 : i32 to vector<16xi32>
      %parallel_loop3A_1245 = arith.cmpi eq, %parallel_loop3A_1184, %parallel_loop3A_1244 : vector<16xi32>
      %parallel_loop3A_1246 = arith.addf %parallel_loop3A_1170, %parallel_loop3A_1242 : vector<16xf32>
      %parallel_loop3A_1247 = arith.constant 0.000000e+00 : f32
      %parallel_loop3A_1248 = vector.broadcast %parallel_loop3A_1247 : f32 to vector<16xf32>
      %parallel_loop3A_1249 = arith.select %parallel_loop3A_1245, %parallel_loop3A_1242, %parallel_loop3A_1248 : vector<16xi1>, vector<16xf32>
      %parallel_loop3A_1250 = arith.addf %parallel_loop3A_1174, %parallel_loop3A_1249 : vector<16xf32>
      %parallel_loop3A_1251 = arith.constant 1.000000e+00 : f32
      %parallel_loop3A_1252 = arith.constant 0.000000e+00 : f32
      %parallel_loop3A_1253 = vector.broadcast %parallel_loop3A_1251 : f32 to vector<16xf32>
      %parallel_loop3A_1254 = vector.broadcast %parallel_loop3A_1252 : f32 to vector<16xf32>
      %parallel_loop3A_1255 = arith.select %parallel_loop3A_1245, %parallel_loop3A_1253, %parallel_loop3A_1254 : vector<16xi1>, vector<16xf32>
      %parallel_loop3A_1256 = arith.addf %parallel_loop3A_1180, %parallel_loop3A_1255 : vector<16xf32>
      scf.yield %parallel_loop3A_1192, %parallel_loop3A_1210, %parallel_loop3A_1228, %parallel_loop3A_1246, %parallel_loop3A_1196, %parallel_loop3A_1214, %parallel_loop3A_1232, %parallel_loop3A_1250, %parallel_loop3A_1202, %parallel_loop3A_1220, %parallel_loop3A_1238, %parallel_loop3A_1256 : vector<16xf32>, vector<16xf32>, vector<16xf32>, vector<16xf32>, vector<16xf32>, vector<16xf32>, vector<16xf32>, vector<16xf32>, vector<16xf32>, vector<16xf32>, vector<16xf32>, vector<16xf32>
    } {sc.loop_unroll_factor = 1 : i64, sc.parallel_access}
    %swap3A_428 = arith.constant 384 : index
    %swap3A_429 = tpu.vector_load %arg12[%swap3A_428] {strides = array<i32>} : memref<768xf32, #tpu.memory_space<vmem>>, vector<16xf32>,
    %swap3A_430 = vector.shape_cast %swap3A_429 : vector<16xf32> to vector<16xf32>
    %swap3A_431 = vector.shape_cast %parallel_loop3A_427#0 : vector<16xf32> to vector<16xf32>
    tpu.vector_store %arg12[%swap3A_428], %swap3A_431 {strides = array<i32>} : memref<768xf32, #tpu.memory_space<vmem>>, vector<16xf32>,
    %swap3A_432 = arith.constant 400 : index
    %swap3A_433 = tpu.vector_load %arg12[%swap3A_432] {strides = array<i32>} : memref<768xf32, #tpu.memory_space<vmem>>, vector<16xf32>,
    %swap3A_434 = vector.shape_cast %swap3A_433 : vector<16xf32> to vector<16xf32>
    %swap3A_435 = vector.shape_cast %parallel_loop3A_427#1 : vector<16xf32> to vector<16xf32>
    tpu.vector_store %arg12[%swap3A_432], %swap3A_435 {strides = array<i32>} : memref<768xf32, #tpu.memory_space<vmem>>, vector<16xf32>,
    %swap3A_436 = arith.constant 416 : index
    %swap3A_437 = tpu.vector_load %arg12[%swap3A_436] {strides = array<i32>} : memref<768xf32, #tpu.memory_space<vmem>>, vector<16xf32>,
    %swap3A_438 = vector.shape_cast %swap3A_437 : vector<16xf32> to vector<16xf32>
    %swap3A_439 = vector.shape_cast %parallel_loop3A_427#2 : vector<16xf32> to vector<16xf32>
    tpu.vector_store %arg12[%swap3A_436], %swap3A_439 {strides = array<i32>} : memref<768xf32, #tpu.memory_space<vmem>>, vector<16xf32>,
    %swap3A_440 = arith.constant 432 : index
    %swap3A_441 = tpu.vector_load %arg12[%swap3A_440] {strides = array<i32>} : memref<768xf32, #tpu.memory_space<vmem>>, vector<16xf32>,
    %swap3A_442 = vector.shape_cast %swap3A_441 : vector<16xf32> to vector<16xf32>
    %swap3A_443 = vector.shape_cast %parallel_loop3A_427#3 : vector<16xf32> to vector<16xf32>
    tpu.vector_store %arg12[%swap3A_440], %swap3A_443 {strides = array<i32>} : memref<768xf32, #tpu.memory_space<vmem>>, vector<16xf32>,
    %swap3A_444 = arith.constant 448 : index
    %swap3A_445 = tpu.vector_load %arg12[%swap3A_444] {strides = array<i32>} : memref<768xf32, #tpu.memory_space<vmem>>, vector<16xf32>,
    %swap3A_446 = vector.shape_cast %swap3A_445 : vector<16xf32> to vector<16xf32>
    %swap3A_447 = vector.shape_cast %parallel_loop3A_427#4 : vector<16xf32> to vector<16xf32>
    tpu.vector_store %arg12[%swap3A_444], %swap3A_447 {strides = array<i32>} : memref<768xf32, #tpu.memory_space<vmem>>, vector<16xf32>,
    %swap3A_448 = arith.constant 464 : index
    %swap3A_449 = tpu.vector_load %arg12[%swap3A_448] {strides = array<i32>} : memref<768xf32, #tpu.memory_space<vmem>>, vector<16xf32>,
    %swap3A_450 = vector.shape_cast %swap3A_449 : vector<16xf32> to vector<16xf32>
    %swap3A_451 = vector.shape_cast %parallel_loop3A_427#5 : vector<16xf32> to vector<16xf32>
    tpu.vector_store %arg12[%swap3A_448], %swap3A_451 {strides = array<i32>} : memref<768xf32, #tpu.memory_space<vmem>>, vector<16xf32>,
    %swap3A_452 = arith.constant 480 : index
    %swap3A_453 = tpu.vector_load %arg12[%swap3A_452] {strides = array<i32>} : memref<768xf32, #tpu.memory_space<vmem>>, vector<16xf32>,
    %swap3A_454 = vector.shape_cast %swap3A_453 : vector<16xf32> to vector<16xf32>
    %swap3A_455 = vector.shape_cast %parallel_loop3A_427#6 : vector<16xf32> to vector<16xf32>
    tpu.vector_store %arg12[%swap3A_452], %swap3A_455 {strides = array<i32>} : memref<768xf32, #tpu.memory_space<vmem>>, vector<16xf32>,
    %swap3A_456 = arith.constant 496 : index
    %swap3A_457 = tpu.vector_load %arg12[%swap3A_456] {strides = array<i32>} : memref<768xf32, #tpu.memory_space<vmem>>, vector<16xf32>,
    %swap3A_458 = vector.shape_cast %swap3A_457 : vector<16xf32> to vector<16xf32>
    %swap3A_459 = vector.shape_cast %parallel_loop3A_427#7 : vector<16xf32> to vector<16xf32>
    tpu.vector_store %arg12[%swap3A_456], %swap3A_459 {strides = array<i32>} : memref<768xf32, #tpu.memory_space<vmem>>, vector<16xf32>,
    %swap3A_460 = arith.constant 512 : index
    %swap3A_461 = tpu.vector_load %arg12[%swap3A_460] {strides = array<i32>} : memref<768xf32, #tpu.memory_space<vmem>>, vector<16xf32>,
    %swap3A_462 = vector.shape_cast %swap3A_461 : vector<16xf32> to vector<16xf32>
    %swap3A_463 = vector.shape_cast %parallel_loop3A_427#8 : vector<16xf32> to vector<16xf32>
    tpu.vector_store %arg12[%swap3A_460], %swap3A_463 {strides = array<i32>} : memref<768xf32, #tpu.memory_space<vmem>>, vector<16xf32>,
    %swap3A_464 = arith.constant 528 : index
    %swap3A_465 = tpu.vector_load %arg12[%swap3A_464] {strides = array<i32>} : memref<768xf32, #tpu.memory_space<vmem>>, vector<16xf32>,
    %swap3A_466 = vector.shape_cast %swap3A_465 : vector<16xf32> to vector<16xf32>
    %swap3A_467 = vector.shape_cast %parallel_loop3A_427#9 : vector<16xf32> to vector<16xf32>
    tpu.vector_store %arg12[%swap3A_464], %swap3A_467 {strides = array<i32>} : memref<768xf32, #tpu.memory_space<vmem>>, vector<16xf32>,
    %swap3A_468 = arith.constant 544 : index
    %swap3A_469 = tpu.vector_load %arg12[%swap3A_468] {strides = array<i32>} : memref<768xf32, #tpu.memory_space<vmem>>, vector<16xf32>,
    %swap3A_470 = vector.shape_cast %swap3A_469 : vector<16xf32> to vector<16xf32>
    %swap3A_471 = vector.shape_cast %parallel_loop3A_427#10 : vector<16xf32> to vector<16xf32>
    tpu.vector_store %arg12[%swap3A_468], %swap3A_471 {strides = array<i32>} : memref<768xf32, #tpu.memory_space<vmem>>, vector<16xf32>,
    %swap3A_472 = arith.constant 560 : index
    %swap3A_473 = tpu.vector_load %arg12[%swap3A_472] {strides = array<i32>} : memref<768xf32, #tpu.memory_space<vmem>>, vector<16xf32>,
    %swap3A_474 = vector.shape_cast %swap3A_473 : vector<16xf32> to vector<16xf32>
    %swap3A_475 = vector.shape_cast %parallel_loop3A_427#11 : vector<16xf32> to vector<16xf32>
    tpu.vector_store %arg12[%swap3A_472], %swap3A_475 {strides = array<i32>} : memref<768xf32, #tpu.memory_space<vmem>>, vector<16xf32>,
    %broadcast_in_dim3A_476 = arith.constant 0.000000e+00 : f32
    %broadcast_in_dim3A_477 = vector.broadcast %broadcast_in_dim3A_476 : f32 to vector<16xf32>
    %broadcast_in_dim3A_478 = arith.constant 0.000000e+00 : f32
    %broadcast_in_dim3A_479 = vector.broadcast %broadcast_in_dim3A_478 : f32 to vector<16xf32>
    %broadcast_in_dim3A_480 = arith.constant 0.000000e+00 : f32
    %broadcast_in_dim3A_481 = vector.broadcast %broadcast_in_dim3A_480 : f32 to vector<16xf32>
    %broadcast_in_dim3A_482 = arith.constant 0.000000e+00 : f32
    %broadcast_in_dim3A_483 = vector.broadcast %broadcast_in_dim3A_482 : f32 to vector<16xf32>
    %broadcast_in_dim3A_484 = arith.constant 0.000000e+00 : f32
    %broadcast_in_dim3A_485 = vector.broadcast %broadcast_in_dim3A_484 : f32 to vector<16xf32>
    %broadcast_in_dim3A_486 = arith.constant 0.000000e+00 : f32
    %broadcast_in_dim3A_487 = vector.broadcast %broadcast_in_dim3A_486 : f32 to vector<16xf32>
    %broadcast_in_dim3A_488 = arith.constant 0.000000e+00 : f32
    %broadcast_in_dim3A_489 = vector.broadcast %broadcast_in_dim3A_488 : f32 to vector<16xf32>
    %broadcast_in_dim3A_490 = arith.constant 0.000000e+00 : f32
    %broadcast_in_dim3A_491 = vector.broadcast %broadcast_in_dim3A_490 : f32 to vector<16xf32>
    %broadcast_in_dim3A_492 = arith.constant 0.000000e+00 : f32
    %broadcast_in_dim3A_493 = vector.broadcast %broadcast_in_dim3A_492 : f32 to vector<16xf32>
    %broadcast_in_dim3A_494 = arith.constant 0.000000e+00 : f32
    %broadcast_in_dim3A_495 = vector.broadcast %broadcast_in_dim3A_494 : f32 to vector<16xf32>
    %broadcast_in_dim3A_496 = arith.constant 0.000000e+00 : f32
    %broadcast_in_dim3A_497 = vector.broadcast %broadcast_in_dim3A_496 : f32 to vector<16xf32>
    %broadcast_in_dim3A_498 = arith.constant 0.000000e+00 : f32
    %broadcast_in_dim3A_499 = vector.broadcast %broadcast_in_dim3A_498 : f32 to vector<16xf32>
    %mul3A_500 = arith.constant 32 : i32
    %mul3A_501 = arith.muli %add3A, %mul3A_500 : i32
    %add3A_502 = arith.constant 7168 : i32
    %add3A_503 = arith.addi %add3A_502, %mul3A_501 : i32
    %add3A_504 = arith.constant 0 : i32
    %add3A_505 = arith.addi %add3A_503, %add3A_504 : i32
    %dma_start3A_506 = arith.constant 1 : i32
    %dma_start3A_507 = arith.constant 0 : i32
    %dma_start3A_508 = arith.constant 0 : i32
    %dma_start3A_509 = tpu.memref_slice %arg4[%dma_start3A_506, %dma_start3A_507, %add3A_505, %dma_start3A_508] : memref<2x4x8192x128xf32, #tpu.memory_space<hbm>> -> memref<1x1x32x128xf32, #tpu.memory_space<hbm>>
    %dma_start3A_510 = tpu.memref_squeeze %dma_start3A_509 : memref<1x1x32x128xf32, #tpu.memory_space<hbm>> -> memref<32x128xf32, #tpu.memory_space<hbm>>
    %dma_start3A_511 = arith.constant 0 : i32
    %dma_start3A_512 = tpu.memref_slice %arg4[%dma_start3A_506, %dma_start3A_507, %add3A_505, %dma_start3A_511] : memref<2x4x8192x128xf32, #tpu.memory_space<hbm>> -> memref<1x1x32x128xf32, #tpu.memory_space<hbm>>
    %dma_start3A_513 = tpu.memref_squeeze %dma_start3A_512 : memref<1x1x32x128xf32, #tpu.memory_space<hbm>> -> memref<32x128xf32, #tpu.memory_space<hbm>>
    tpu.enqueue_dma source(%dma_start3A_513 : memref<32x128xf32, #tpu.memory_space<hbm>>) target(%arg8 : memref<32x128xf32, #tpu.memory_space<vmem>>) target_semaphore(%arg13 : memref<!tpu.dma_semaphore, #tpu.memory_space<semaphore_mem>>)
    %dma_start3A_514 = arith.constant 1 : i32
    %dma_start3A_515 = arith.constant 1 : i32
    %dma_start3A_516 = arith.constant 0 : i32
    %dma_start3A_517 = tpu.memref_slice %arg4[%dma_start3A_514, %dma_start3A_515, %add3A_505, %dma_start3A_516] : memref<2x4x8192x128xf32, #tpu.memory_space<hbm>> -> memref<1x1x32x128xf32, #tpu.memory_space<hbm>>
    %dma_start3A_518 = tpu.memref_squeeze %dma_start3A_517 : memref<1x1x32x128xf32, #tpu.memory_space<hbm>> -> memref<32x128xf32, #tpu.memory_space<hbm>>
    %dma_start3A_519 = arith.constant 0 : i32
    %dma_start3A_520 = tpu.memref_slice %arg4[%dma_start3A_514, %dma_start3A_515, %add3A_505, %dma_start3A_519] : memref<2x4x8192x128xf32, #tpu.memory_space<hbm>> -> memref<1x1x32x128xf32, #tpu.memory_space<hbm>>
    %dma_start3A_521 = tpu.memref_squeeze %dma_start3A_520 : memref<1x1x32x128xf32, #tpu.memory_space<hbm>> -> memref<32x128xf32, #tpu.memory_space<hbm>>
    tpu.enqueue_dma source(%dma_start3A_521 : memref<32x128xf32, #tpu.memory_space<hbm>>) target(%arg9 : memref<32x128xf32, #tpu.memory_space<vmem>>) target_semaphore(%arg13 : memref<!tpu.dma_semaphore, #tpu.memory_space<semaphore_mem>>)
    %dma_start3A_522 = arith.constant 1 : i32
    %dma_start3A_523 = arith.constant 2 : i32
    %dma_start3A_524 = arith.constant 0 : i32
    %dma_start3A_525 = tpu.memref_slice %arg4[%dma_start3A_522, %dma_start3A_523, %add3A_505, %dma_start3A_524] : memref<2x4x8192x128xf32, #tpu.memory_space<hbm>> -> memref<1x1x32x128xf32, #tpu.memory_space<hbm>>
    %dma_start3A_526 = tpu.memref_squeeze %dma_start3A_525 : memref<1x1x32x128xf32, #tpu.memory_space<hbm>> -> memref<32x128xf32, #tpu.memory_space<hbm>>
    %dma_start3A_527 = arith.constant 0 : i32
    %dma_start3A_528 = tpu.memref_slice %arg4[%dma_start3A_522, %dma_start3A_523, %add3A_505, %dma_start3A_527] : memref<2x4x8192x128xf32, #tpu.memory_space<hbm>> -> memref<1x1x32x128xf32, #tpu.memory_space<hbm>>
    %dma_start3A_529 = tpu.memref_squeeze %dma_start3A_528 : memref<1x1x32x128xf32, #tpu.memory_space<hbm>> -> memref<32x128xf32, #tpu.memory_space<hbm>>
    tpu.enqueue_dma source(%dma_start3A_529 : memref<32x128xf32, #tpu.memory_space<hbm>>) target(%arg10 : memref<32x128xf32, #tpu.memory_space<vmem>>) target_semaphore(%arg13 : memref<!tpu.dma_semaphore, #tpu.memory_space<semaphore_mem>>)
    %dma_start3A_530 = arith.constant 1 : i32
    %dma_start3A_531 = arith.constant 3 : i32
    %dma_start3A_532 = arith.constant 0 : i32
    %dma_start3A_533 = tpu.memref_slice %arg4[%dma_start3A_530, %dma_start3A_531, %add3A_505, %dma_start3A_532] : memref<2x4x8192x128xf32, #tpu.memory_space<hbm>> -> memref<1x1x32x128xf32, #tpu.memory_space<hbm>>
    %dma_start3A_534 = tpu.memref_squeeze %dma_start3A_533 : memref<1x1x32x128xf32, #tpu.memory_space<hbm>> -> memref<32x128xf32, #tpu.memory_space<hbm>>
    %dma_start3A_535 = arith.constant 0 : i32
    %dma_start3A_536 = tpu.memref_slice %arg4[%dma_start3A_530, %dma_start3A_531, %add3A_505, %dma_start3A_535] : memref<2x4x8192x128xf32, #tpu.memory_space<hbm>> -> memref<1x1x32x128xf32, #tpu.memory_space<hbm>>
    %dma_start3A_537 = tpu.memref_squeeze %dma_start3A_536 : memref<1x1x32x128xf32, #tpu.memory_space<hbm>> -> memref<32x128xf32, #tpu.memory_space<hbm>>
    tpu.enqueue_dma source(%dma_start3A_537 : memref<32x128xf32, #tpu.memory_space<hbm>>) target(%arg11 : memref<32x128xf32, #tpu.memory_space<vmem>>) target_semaphore(%arg13 : memref<!tpu.dma_semaphore, #tpu.memory_space<semaphore_mem>>)
    %dma_start3A_538 = arith.constant 1 : i32
    %dma_start3A_539 = arith.constant 0 : i32
    %dma_start3A_540 = tpu.memref_slice %arg5[%dma_start3A_538, %add3A_505, %dma_start3A_539] : memref<2x8192x128xi32, #tpu.memory_space<hbm>> -> memref<1x32x128xi32, #tpu.memory_space<hbm>>
    %dma_start3A_541 = tpu.memref_squeeze %dma_start3A_540 : memref<1x32x128xi32, #tpu.memory_space<hbm>> -> memref<32x128xi32, #tpu.memory_space<hbm>>
    %dma_start3A_542 = arith.constant 0 : i32
    %dma_start3A_543 = tpu.memref_slice %arg5[%dma_start3A_538, %add3A_505, %dma_start3A_542] : memref<2x8192x128xi32, #tpu.memory_space<hbm>> -> memref<1x32x128xi32, #tpu.memory_space<hbm>>
    %dma_start3A_544 = tpu.memref_squeeze %dma_start3A_543 : memref<1x32x128xi32, #tpu.memory_space<hbm>> -> memref<32x128xi32, #tpu.memory_space<hbm>>
    tpu.enqueue_dma source(%dma_start3A_544 : memref<32x128xi32, #tpu.memory_space<hbm>>) target(%arg7 : memref<32x128xi32, #tpu.memory_space<vmem>>) target_semaphore(%arg13 : memref<!tpu.dma_semaphore, #tpu.memory_space<semaphore_mem>>)
    %dma_wait3A_545 = arith.constant 1 : i32
    %dma_wait3A_546 = arith.constant 0 : i32
    %dma_wait3A_547 = arith.constant 0 : i32
    %dma_wait3A_548 = tpu.memref_slice %arg4[%dma_wait3A_545, %dma_wait3A_546, %add3A_505, %dma_wait3A_547] : memref<2x4x8192x128xf32, #tpu.memory_space<hbm>> -> memref<1x1x32x128xf32, #tpu.memory_space<hbm>>
    %dma_wait3A_549 = tpu.memref_squeeze %dma_wait3A_548 : memref<1x1x32x128xf32, #tpu.memory_space<hbm>> -> memref<32x128xf32, #tpu.memory_space<hbm>>
    %dma_wait3A_550 = arith.constant 0 : i32
    %dma_wait3A_551 = tpu.memref_slice %arg4[%dma_wait3A_545, %dma_wait3A_546, %add3A_505, %dma_wait3A_550] : memref<2x4x8192x128xf32, #tpu.memory_space<hbm>> -> memref<1x1x32x128xf32, #tpu.memory_space<hbm>>
    %dma_wait3A_552 = tpu.memref_squeeze %dma_wait3A_551 : memref<1x1x32x128xf32, #tpu.memory_space<hbm>> -> memref<32x128xf32, #tpu.memory_space<hbm>>
    tpu.wait_dma2 semaphore(%arg13 : memref<!tpu.dma_semaphore, #tpu.memory_space<semaphore_mem>>) src(%dma_wait3A_552 : memref<32x128xf32, #tpu.memory_space<hbm>>) dst(%arg8 : memref<32x128xf32, #tpu.memory_space<vmem>>)
    %dma_wait3A_553 = arith.constant 1 : i32
    %dma_wait3A_554 = arith.constant 1 : i32
    %dma_wait3A_555 = arith.constant 0 : i32
    %dma_wait3A_556 = tpu.memref_slice %arg4[%dma_wait3A_553, %dma_wait3A_554, %add3A_505, %dma_wait3A_555] : memref<2x4x8192x128xf32, #tpu.memory_space<hbm>> -> memref<1x1x32x128xf32, #tpu.memory_space<hbm>>
    %dma_wait3A_557 = tpu.memref_squeeze %dma_wait3A_556 : memref<1x1x32x128xf32, #tpu.memory_space<hbm>> -> memref<32x128xf32, #tpu.memory_space<hbm>>
    %dma_wait3A_558 = arith.constant 0 : i32
    %dma_wait3A_559 = tpu.memref_slice %arg4[%dma_wait3A_553, %dma_wait3A_554, %add3A_505, %dma_wait3A_558] : memref<2x4x8192x128xf32, #tpu.memory_space<hbm>> -> memref<1x1x32x128xf32, #tpu.memory_space<hbm>>
    %dma_wait3A_560 = tpu.memref_squeeze %dma_wait3A_559 : memref<1x1x32x128xf32, #tpu.memory_space<hbm>> -> memref<32x128xf32, #tpu.memory_space<hbm>>
    tpu.wait_dma2 semaphore(%arg13 : memref<!tpu.dma_semaphore, #tpu.memory_space<semaphore_mem>>) src(%dma_wait3A_560 : memref<32x128xf32, #tpu.memory_space<hbm>>) dst(%arg9 : memref<32x128xf32, #tpu.memory_space<vmem>>)
    %dma_wait3A_561 = arith.constant 1 : i32
    %dma_wait3A_562 = arith.constant 2 : i32
    %dma_wait3A_563 = arith.constant 0 : i32
    %dma_wait3A_564 = tpu.memref_slice %arg4[%dma_wait3A_561, %dma_wait3A_562, %add3A_505, %dma_wait3A_563] : memref<2x4x8192x128xf32, #tpu.memory_space<hbm>> -> memref<1x1x32x128xf32, #tpu.memory_space<hbm>>
    %dma_wait3A_565 = tpu.memref_squeeze %dma_wait3A_564 : memref<1x1x32x128xf32, #tpu.memory_space<hbm>> -> memref<32x128xf32, #tpu.memory_space<hbm>>
    %dma_wait3A_566 = arith.constant 0 : i32
    %dma_wait3A_567 = tpu.memref_slice %arg4[%dma_wait3A_561, %dma_wait3A_562, %add3A_505, %dma_wait3A_566] : memref<2x4x8192x128xf32, #tpu.memory_space<hbm>> -> memref<1x1x32x128xf32, #tpu.memory_space<hbm>>
    %dma_wait3A_568 = tpu.memref_squeeze %dma_wait3A_567 : memref<1x1x32x128xf32, #tpu.memory_space<hbm>> -> memref<32x128xf32, #tpu.memory_space<hbm>>
    tpu.wait_dma2 semaphore(%arg13 : memref<!tpu.dma_semaphore, #tpu.memory_space<semaphore_mem>>) src(%dma_wait3A_568 : memref<32x128xf32, #tpu.memory_space<hbm>>) dst(%arg10 : memref<32x128xf32, #tpu.memory_space<vmem>>)
    %dma_wait3A_569 = arith.constant 1 : i32
    %dma_wait3A_570 = arith.constant 3 : i32
    %dma_wait3A_571 = arith.constant 0 : i32
    %dma_wait3A_572 = tpu.memref_slice %arg4[%dma_wait3A_569, %dma_wait3A_570, %add3A_505, %dma_wait3A_571] : memref<2x4x8192x128xf32, #tpu.memory_space<hbm>> -> memref<1x1x32x128xf32, #tpu.memory_space<hbm>>
    %dma_wait3A_573 = tpu.memref_squeeze %dma_wait3A_572 : memref<1x1x32x128xf32, #tpu.memory_space<hbm>> -> memref<32x128xf32, #tpu.memory_space<hbm>>
    %dma_wait3A_574 = arith.constant 0 : i32
    %dma_wait3A_575 = tpu.memref_slice %arg4[%dma_wait3A_569, %dma_wait3A_570, %add3A_505, %dma_wait3A_574] : memref<2x4x8192x128xf32, #tpu.memory_space<hbm>> -> memref<1x1x32x128xf32, #tpu.memory_space<hbm>>
    %dma_wait3A_576 = tpu.memref_squeeze %dma_wait3A_575 : memref<1x1x32x128xf32, #tpu.memory_space<hbm>> -> memref<32x128xf32, #tpu.memory_space<hbm>>
    tpu.wait_dma2 semaphore(%arg13 : memref<!tpu.dma_semaphore, #tpu.memory_space<semaphore_mem>>) src(%dma_wait3A_576 : memref<32x128xf32, #tpu.memory_space<hbm>>) dst(%arg11 : memref<32x128xf32, #tpu.memory_space<vmem>>)
    %dma_wait3A_577 = arith.constant 1 : i32
    %dma_wait3A_578 = arith.constant 0 : i32
    %dma_wait3A_579 = tpu.memref_slice %arg5[%dma_wait3A_577, %add3A_505, %dma_wait3A_578] : memref<2x8192x128xi32, #tpu.memory_space<hbm>> -> memref<1x32x128xi32, #tpu.memory_space<hbm>>
    %dma_wait3A_580 = tpu.memref_squeeze %dma_wait3A_579 : memref<1x32x128xi32, #tpu.memory_space<hbm>> -> memref<32x128xi32, #tpu.memory_space<hbm>>
    %dma_wait3A_581 = arith.constant 0 : i32
    %dma_wait3A_582 = tpu.memref_slice %arg5[%dma_wait3A_577, %add3A_505, %dma_wait3A_581] : memref<2x8192x128xi32, #tpu.memory_space<hbm>> -> memref<1x32x128xi32, #tpu.memory_space<hbm>>
    %dma_wait3A_583 = tpu.memref_squeeze %dma_wait3A_582 : memref<1x32x128xi32, #tpu.memory_space<hbm>> -> memref<32x128xi32, #tpu.memory_space<hbm>>
    tpu.wait_dma2 semaphore(%arg13 : memref<!tpu.dma_semaphore, #tpu.memory_space<semaphore_mem>>) src(%dma_wait3A_583 : memref<32x128xi32, #tpu.memory_space<hbm>>) dst(%arg7 : memref<32x128xi32, #tpu.memory_space<vmem>>)
    %parallel_loop3A_584 = arith.constant 0 : i32
    %parallel_loop3A_585 = arith.constant 32 : i32
    %parallel_loop3A_586 = arith.constant 1 : i32
    %parallel_loop3A_587:12 = scf.for %parallel_loop3A_636 = %parallel_loop3A_584 to %parallel_loop3A_585 step %parallel_loop3A_586 iter_args(%parallel_loop3A_637 = %broadcast_in_dim3A_477, %parallel_loop3A_638 = %broadcast_in_dim3A_479, %parallel_loop3A_639 = %broadcast_in_dim3A_481, %parallel_loop3A_640 = %broadcast_in_dim3A_483, %parallel_loop3A_641 = %broadcast_in_dim3A_485, %parallel_loop3A_642 = %broadcast_in_dim3A_487, %parallel_loop3A_643 = %broadcast_in_dim3A_489, %parallel_loop3A_644 = %broadcast_in_dim3A_491, %parallel_loop3A_645 = %broadcast_in_dim3A_493, %parallel_loop3A_646 = %broadcast_in_dim3A_495, %parallel_loop3A_647 = %broadcast_in_dim3A_497, %parallel_loop3A_648 = %broadcast_in_dim3A_499) -> (vector<16xf32>, vector<16xf32>, vector<16xf32>, vector<16xf32>, vector<16xf32>, vector<16xf32>, vector<16xf32>, vector<16xf32>, vector<16xf32>, vector<16xf32>, vector<16xf32>, vector<16xf32>)  : i32 {
      %parallel_loop3A_649 = arith.index_cast %parallel_loop3A_636 : i32 to index
      %parallel_loop3A_650 = arith.constant 0 : index
      %parallel_loop3A_651 = tpu.vector_load %arg7[%parallel_loop3A_649, %parallel_loop3A_650] {strides = array<i32>} : memref<32x128xi32, #tpu.memory_space<vmem>>, vector<1x16xi32>,
      %parallel_loop3A_652 = vector.shape_cast %parallel_loop3A_651 : vector<1x16xi32> to vector<16xi32>
      %parallel_loop3A_653 = arith.index_cast %parallel_loop3A_636 : i32 to index
      %parallel_loop3A_654 = arith.constant 0 : index
      %parallel_loop3A_655 = tpu.vector_load %arg8[%parallel_loop3A_653, %parallel_loop3A_654] {strides = array<i32>} : memref<32x128xf32, #tpu.memory_space<vmem>>, vector<1x16xf32>,
      %parallel_loop3A_656 = vector.shape_cast %parallel_loop3A_655 : vector<1x16xf32> to vector<16xf32>
      %parallel_loop3A_657 = arith.constant 0 : i32
      %parallel_loop3A_658 = vector.broadcast %parallel_loop3A_657 : i32 to vector<16xi32>
      %parallel_loop3A_659 = arith.cmpi eq, %parallel_loop3A_652, %parallel_loop3A_658 : vector<16xi32>
      %parallel_loop3A_660 = arith.addf %parallel_loop3A_637, %parallel_loop3A_656 : vector<16xf32>
      %parallel_loop3A_661 = arith.constant 0.000000e+00 : f32
      %parallel_loop3A_662 = vector.broadcast %parallel_loop3A_661 : f32 to vector<16xf32>
      %parallel_loop3A_663 = arith.select %parallel_loop3A_659, %parallel_loop3A_656, %parallel_loop3A_662 : vector<16xi1>, vector<16xf32>
      %parallel_loop3A_664 = arith.addf %parallel_loop3A_641, %parallel_loop3A_663 : vector<16xf32>
      %parallel_loop3A_665 = arith.constant 1.000000e+00 : f32
      %parallel_loop3A_666 = arith.constant 0.000000e+00 : f32
      %parallel_loop3A_667 = vector.broadcast %parallel_loop3A_665 : f32 to vector<16xf32>
      %parallel_loop3A_668 = vector.broadcast %parallel_loop3A_666 : f32 to vector<16xf32>
      %parallel_loop3A_669 = arith.select %parallel_loop3A_659, %parallel_loop3A_667, %parallel_loop3A_668 : vector<16xi1>, vector<16xf32>
      %parallel_loop3A_670 = arith.addf %parallel_loop3A_645, %parallel_loop3A_669 : vector<16xf32>
      %parallel_loop3A_671 = arith.index_cast %parallel_loop3A_636 : i32 to index
      %parallel_loop3A_672 = arith.constant 0 : index
      %parallel_loop3A_673 = tpu.vector_load %arg9[%parallel_loop3A_671, %parallel_loop3A_672] {strides = array<i32>} : memref<32x128xf32, #tpu.memory_space<vmem>>, vector<1x16xf32>,
      %parallel_loop3A_674 = vector.shape_cast %parallel_loop3A_673 : vector<1x16xf32> to vector<16xf32>
      %parallel_loop3A_675 = arith.constant 1 : i32
      %parallel_loop3A_676 = vector.broadcast %parallel_loop3A_675 : i32 to vector<16xi32>
      %parallel_loop3A_677 = arith.cmpi eq, %parallel_loop3A_652, %parallel_loop3A_676 : vector<16xi32>
      %parallel_loop3A_678 = arith.addf %parallel_loop3A_638, %parallel_loop3A_674 : vector<16xf32>
      %parallel_loop3A_679 = arith.constant 0.000000e+00 : f32
      %parallel_loop3A_680 = vector.broadcast %parallel_loop3A_679 : f32 to vector<16xf32>
      %parallel_loop3A_681 = arith.select %parallel_loop3A_677, %parallel_loop3A_674, %parallel_loop3A_680 : vector<16xi1>, vector<16xf32>
      %parallel_loop3A_682 = arith.addf %parallel_loop3A_642, %parallel_loop3A_681 : vector<16xf32>
      %parallel_loop3A_683 = arith.constant 1.000000e+00 : f32
      %parallel_loop3A_684 = arith.constant 0.000000e+00 : f32
      %parallel_loop3A_685 = vector.broadcast %parallel_loop3A_683 : f32 to vector<16xf32>
      %parallel_loop3A_686 = vector.broadcast %parallel_loop3A_684 : f32 to vector<16xf32>
      %parallel_loop3A_687 = arith.select %parallel_loop3A_677, %parallel_loop3A_685, %parallel_loop3A_686 : vector<16xi1>, vector<16xf32>
      %parallel_loop3A_688 = arith.addf %parallel_loop3A_646, %parallel_loop3A_687 : vector<16xf32>
      %parallel_loop3A_689 = arith.index_cast %parallel_loop3A_636 : i32 to index
      %parallel_loop3A_690 = arith.constant 0 : index
      %parallel_loop3A_691 = tpu.vector_load %arg10[%parallel_loop3A_689, %parallel_loop3A_690] {strides = array<i32>} : memref<32x128xf32, #tpu.memory_space<vmem>>, vector<1x16xf32>,
      %parallel_loop3A_692 = vector.shape_cast %parallel_loop3A_691 : vector<1x16xf32> to vector<16xf32>
      %parallel_loop3A_693 = arith.constant 2 : i32
      %parallel_loop3A_694 = vector.broadcast %parallel_loop3A_693 : i32 to vector<16xi32>
      %parallel_loop3A_695 = arith.cmpi eq, %parallel_loop3A_652, %parallel_loop3A_694 : vector<16xi32>
      %parallel_loop3A_696 = arith.addf %parallel_loop3A_639, %parallel_loop3A_692 : vector<16xf32>
      %parallel_loop3A_697 = arith.constant 0.000000e+00 : f32
      %parallel_loop3A_698 = vector.broadcast %parallel_loop3A_697 : f32 to vector<16xf32>
      %parallel_loop3A_699 = arith.select %parallel_loop3A_695, %parallel_loop3A_692, %parallel_loop3A_698 : vector<16xi1>, vector<16xf32>
      %parallel_loop3A_700 = arith.addf %parallel_loop3A_643, %parallel_loop3A_699 : vector<16xf32>
      %parallel_loop3A_701 = arith.constant 1.000000e+00 : f32
      %parallel_loop3A_702 = arith.constant 0.000000e+00 : f32
      %parallel_loop3A_703 = vector.broadcast %parallel_loop3A_701 : f32 to vector<16xf32>
      %parallel_loop3A_704 = vector.broadcast %parallel_loop3A_702 : f32 to vector<16xf32>
      %parallel_loop3A_705 = arith.select %parallel_loop3A_695, %parallel_loop3A_703, %parallel_loop3A_704 : vector<16xi1>, vector<16xf32>
      %parallel_loop3A_706 = arith.addf %parallel_loop3A_647, %parallel_loop3A_705 : vector<16xf32>
      %parallel_loop3A_707 = arith.index_cast %parallel_loop3A_636 : i32 to index
      %parallel_loop3A_708 = arith.constant 0 : index
      %parallel_loop3A_709 = tpu.vector_load %arg11[%parallel_loop3A_707, %parallel_loop3A_708] {strides = array<i32>} : memref<32x128xf32, #tpu.memory_space<vmem>>, vector<1x16xf32>,
      %parallel_loop3A_710 = vector.shape_cast %parallel_loop3A_709 : vector<1x16xf32> to vector<16xf32>
      %parallel_loop3A_711 = arith.constant 3 : i32
      %parallel_loop3A_712 = vector.broadcast %parallel_loop3A_711 : i32 to vector<16xi32>
      %parallel_loop3A_713 = arith.cmpi eq, %parallel_loop3A_652, %parallel_loop3A_712 : vector<16xi32>
      %parallel_loop3A_714 = arith.addf %parallel_loop3A_640, %parallel_loop3A_710 : vector<16xf32>
      %parallel_loop3A_715 = arith.constant 0.000000e+00 : f32
      %parallel_loop3A_716 = vector.broadcast %parallel_loop3A_715 : f32 to vector<16xf32>
      %parallel_loop3A_717 = arith.select %parallel_loop3A_713, %parallel_loop3A_710, %parallel_loop3A_716 : vector<16xi1>, vector<16xf32>
      %parallel_loop3A_718 = arith.addf %parallel_loop3A_644, %parallel_loop3A_717 : vector<16xf32>
      %parallel_loop3A_719 = arith.constant 1.000000e+00 : f32
      %parallel_loop3A_720 = arith.constant 0.000000e+00 : f32
      %parallel_loop3A_721 = vector.broadcast %parallel_loop3A_719 : f32 to vector<16xf32>
      %parallel_loop3A_722 = vector.broadcast %parallel_loop3A_720 : f32 to vector<16xf32>
      %parallel_loop3A_723 = arith.select %parallel_loop3A_713, %parallel_loop3A_721, %parallel_loop3A_722 : vector<16xi1>, vector<16xf32>
      %parallel_loop3A_724 = arith.addf %parallel_loop3A_648, %parallel_loop3A_723 : vector<16xf32>
      %parallel_loop3A_725 = arith.index_cast %parallel_loop3A_636 : i32 to index
      %parallel_loop3A_726 = arith.constant 16 : index
      %parallel_loop3A_727 = tpu.vector_load %arg7[%parallel_loop3A_725, %parallel_loop3A_726] {strides = array<i32>} : memref<32x128xi32, #tpu.memory_space<vmem>>, vector<1x16xi32>,
      %parallel_loop3A_728 = vector.shape_cast %parallel_loop3A_727 : vector<1x16xi32> to vector<16xi32>
      %parallel_loop3A_729 = arith.index_cast %parallel_loop3A_636 : i32 to index
      %parallel_loop3A_730 = arith.constant 16 : index
      %parallel_loop3A_731 = tpu.vector_load %arg8[%parallel_loop3A_729, %parallel_loop3A_730] {strides = array<i32>} : memref<32x128xf32, #tpu.memory_space<vmem>>, vector<1x16xf32>,
      %parallel_loop3A_732 = vector.shape_cast %parallel_loop3A_731 : vector<1x16xf32> to vector<16xf32>
      %parallel_loop3A_733 = arith.constant 0 : i32
      %parallel_loop3A_734 = vector.broadcast %parallel_loop3A_733 : i32 to vector<16xi32>
      %parallel_loop3A_735 = arith.cmpi eq, %parallel_loop3A_728, %parallel_loop3A_734 : vector<16xi32>
      %parallel_loop3A_736 = arith.addf %parallel_loop3A_660, %parallel_loop3A_732 : vector<16xf32>
      %parallel_loop3A_737 = arith.constant 0.000000e+00 : f32
      %parallel_loop3A_738 = vector.broadcast %parallel_loop3A_737 : f32 to vector<16xf32>
      %parallel_loop3A_739 = arith.select %parallel_loop3A_735, %parallel_loop3A_732, %parallel_loop3A_738 : vector<16xi1>, vector<16xf32>
      %parallel_loop3A_740 = arith.addf %parallel_loop3A_664, %parallel_loop3A_739 : vector<16xf32>
      %parallel_loop3A_741 = arith.constant 1.000000e+00 : f32
      %parallel_loop3A_742 = arith.constant 0.000000e+00 : f32
      %parallel_loop3A_743 = vector.broadcast %parallel_loop3A_741 : f32 to vector<16xf32>
      %parallel_loop3A_744 = vector.broadcast %parallel_loop3A_742 : f32 to vector<16xf32>
      %parallel_loop3A_745 = arith.select %parallel_loop3A_735, %parallel_loop3A_743, %parallel_loop3A_744 : vector<16xi1>, vector<16xf32>
      %parallel_loop3A_746 = arith.addf %parallel_loop3A_670, %parallel_loop3A_745 : vector<16xf32>
      %parallel_loop3A_747 = arith.index_cast %parallel_loop3A_636 : i32 to index
      %parallel_loop3A_748 = arith.constant 16 : index
      %parallel_loop3A_749 = tpu.vector_load %arg9[%parallel_loop3A_747, %parallel_loop3A_748] {strides = array<i32>} : memref<32x128xf32, #tpu.memory_space<vmem>>, vector<1x16xf32>,
      %parallel_loop3A_750 = vector.shape_cast %parallel_loop3A_749 : vector<1x16xf32> to vector<16xf32>
      %parallel_loop3A_751 = arith.constant 1 : i32
      %parallel_loop3A_752 = vector.broadcast %parallel_loop3A_751 : i32 to vector<16xi32>
      %parallel_loop3A_753 = arith.cmpi eq, %parallel_loop3A_728, %parallel_loop3A_752 : vector<16xi32>
      %parallel_loop3A_754 = arith.addf %parallel_loop3A_678, %parallel_loop3A_750 : vector<16xf32>
      %parallel_loop3A_755 = arith.constant 0.000000e+00 : f32
      %parallel_loop3A_756 = vector.broadcast %parallel_loop3A_755 : f32 to vector<16xf32>
      %parallel_loop3A_757 = arith.select %parallel_loop3A_753, %parallel_loop3A_750, %parallel_loop3A_756 : vector<16xi1>, vector<16xf32>
      %parallel_loop3A_758 = arith.addf %parallel_loop3A_682, %parallel_loop3A_757 : vector<16xf32>
      %parallel_loop3A_759 = arith.constant 1.000000e+00 : f32
      %parallel_loop3A_760 = arith.constant 0.000000e+00 : f32
      %parallel_loop3A_761 = vector.broadcast %parallel_loop3A_759 : f32 to vector<16xf32>
      %parallel_loop3A_762 = vector.broadcast %parallel_loop3A_760 : f32 to vector<16xf32>
      %parallel_loop3A_763 = arith.select %parallel_loop3A_753, %parallel_loop3A_761, %parallel_loop3A_762 : vector<16xi1>, vector<16xf32>
      %parallel_loop3A_764 = arith.addf %parallel_loop3A_688, %parallel_loop3A_763 : vector<16xf32>
      %parallel_loop3A_765 = arith.index_cast %parallel_loop3A_636 : i32 to index
      %parallel_loop3A_766 = arith.constant 16 : index
      %parallel_loop3A_767 = tpu.vector_load %arg10[%parallel_loop3A_765, %parallel_loop3A_766] {strides = array<i32>} : memref<32x128xf32, #tpu.memory_space<vmem>>, vector<1x16xf32>,
      %parallel_loop3A_768 = vector.shape_cast %parallel_loop3A_767 : vector<1x16xf32> to vector<16xf32>
      %parallel_loop3A_769 = arith.constant 2 : i32
      %parallel_loop3A_770 = vector.broadcast %parallel_loop3A_769 : i32 to vector<16xi32>
      %parallel_loop3A_771 = arith.cmpi eq, %parallel_loop3A_728, %parallel_loop3A_770 : vector<16xi32>
      %parallel_loop3A_772 = arith.addf %parallel_loop3A_696, %parallel_loop3A_768 : vector<16xf32>
      %parallel_loop3A_773 = arith.constant 0.000000e+00 : f32
      %parallel_loop3A_774 = vector.broadcast %parallel_loop3A_773 : f32 to vector<16xf32>
      %parallel_loop3A_775 = arith.select %parallel_loop3A_771, %parallel_loop3A_768, %parallel_loop3A_774 : vector<16xi1>, vector<16xf32>
      %parallel_loop3A_776 = arith.addf %parallel_loop3A_700, %parallel_loop3A_775 : vector<16xf32>
      %parallel_loop3A_777 = arith.constant 1.000000e+00 : f32
      %parallel_loop3A_778 = arith.constant 0.000000e+00 : f32
      %parallel_loop3A_779 = vector.broadcast %parallel_loop3A_777 : f32 to vector<16xf32>
      %parallel_loop3A_780 = vector.broadcast %parallel_loop3A_778 : f32 to vector<16xf32>
      %parallel_loop3A_781 = arith.select %parallel_loop3A_771, %parallel_loop3A_779, %parallel_loop3A_780 : vector<16xi1>, vector<16xf32>
      %parallel_loop3A_782 = arith.addf %parallel_loop3A_706, %parallel_loop3A_781 : vector<16xf32>
      %parallel_loop3A_783 = arith.index_cast %parallel_loop3A_636 : i32 to index
      %parallel_loop3A_784 = arith.constant 16 : index
      %parallel_loop3A_785 = tpu.vector_load %arg11[%parallel_loop3A_783, %parallel_loop3A_784] {strides = array<i32>} : memref<32x128xf32, #tpu.memory_space<vmem>>, vector<1x16xf32>,
      %parallel_loop3A_786 = vector.shape_cast %parallel_loop3A_785 : vector<1x16xf32> to vector<16xf32>
      %parallel_loop3A_787 = arith.constant 3 : i32
      %parallel_loop3A_788 = vector.broadcast %parallel_loop3A_787 : i32 to vector<16xi32>
      %parallel_loop3A_789 = arith.cmpi eq, %parallel_loop3A_728, %parallel_loop3A_788 : vector<16xi32>
      %parallel_loop3A_790 = arith.addf %parallel_loop3A_714, %parallel_loop3A_786 : vector<16xf32>
      %parallel_loop3A_791 = arith.constant 0.000000e+00 : f32
      %parallel_loop3A_792 = vector.broadcast %parallel_loop3A_791 : f32 to vector<16xf32>
      %parallel_loop3A_793 = arith.select %parallel_loop3A_789, %parallel_loop3A_786, %parallel_loop3A_792 : vector<16xi1>, vector<16xf32>
      %parallel_loop3A_794 = arith.addf %parallel_loop3A_718, %parallel_loop3A_793 : vector<16xf32>
      %parallel_loop3A_795 = arith.constant 1.000000e+00 : f32
      %parallel_loop3A_796 = arith.constant 0.000000e+00 : f32
      %parallel_loop3A_797 = vector.broadcast %parallel_loop3A_795 : f32 to vector<16xf32>
      %parallel_loop3A_798 = vector.broadcast %parallel_loop3A_796 : f32 to vector<16xf32>
      %parallel_loop3A_799 = arith.select %parallel_loop3A_789, %parallel_loop3A_797, %parallel_loop3A_798 : vector<16xi1>, vector<16xf32>
      %parallel_loop3A_800 = arith.addf %parallel_loop3A_724, %parallel_loop3A_799 : vector<16xf32>
      %parallel_loop3A_801 = arith.index_cast %parallel_loop3A_636 : i32 to index
      %parallel_loop3A_802 = arith.constant 32 : index
      %parallel_loop3A_803 = tpu.vector_load %arg7[%parallel_loop3A_801, %parallel_loop3A_802] {strides = array<i32>} : memref<32x128xi32, #tpu.memory_space<vmem>>, vector<1x16xi32>,
      %parallel_loop3A_804 = vector.shape_cast %parallel_loop3A_803 : vector<1x16xi32> to vector<16xi32>
      %parallel_loop3A_805 = arith.index_cast %parallel_loop3A_636 : i32 to index
      %parallel_loop3A_806 = arith.constant 32 : index
      %parallel_loop3A_807 = tpu.vector_load %arg8[%parallel_loop3A_805, %parallel_loop3A_806] {strides = array<i32>} : memref<32x128xf32, #tpu.memory_space<vmem>>, vector<1x16xf32>,
      %parallel_loop3A_808 = vector.shape_cast %parallel_loop3A_807 : vector<1x16xf32> to vector<16xf32>
      %parallel_loop3A_809 = arith.constant 0 : i32
      %parallel_loop3A_810 = vector.broadcast %parallel_loop3A_809 : i32 to vector<16xi32>
      %parallel_loop3A_811 = arith.cmpi eq, %parallel_loop3A_804, %parallel_loop3A_810 : vector<16xi32>
      %parallel_loop3A_812 = arith.addf %parallel_loop3A_736, %parallel_loop3A_808 : vector<16xf32>
      %parallel_loop3A_813 = arith.constant 0.000000e+00 : f32
      %parallel_loop3A_814 = vector.broadcast %parallel_loop3A_813 : f32 to vector<16xf32>
      %parallel_loop3A_815 = arith.select %parallel_loop3A_811, %parallel_loop3A_808, %parallel_loop3A_814 : vector<16xi1>, vector<16xf32>
      %parallel_loop3A_816 = arith.addf %parallel_loop3A_740, %parallel_loop3A_815 : vector<16xf32>
      %parallel_loop3A_817 = arith.constant 1.000000e+00 : f32
      %parallel_loop3A_818 = arith.constant 0.000000e+00 : f32
      %parallel_loop3A_819 = vector.broadcast %parallel_loop3A_817 : f32 to vector<16xf32>
      %parallel_loop3A_820 = vector.broadcast %parallel_loop3A_818 : f32 to vector<16xf32>
      %parallel_loop3A_821 = arith.select %parallel_loop3A_811, %parallel_loop3A_819, %parallel_loop3A_820 : vector<16xi1>, vector<16xf32>
      %parallel_loop3A_822 = arith.addf %parallel_loop3A_746, %parallel_loop3A_821 : vector<16xf32>
      %parallel_loop3A_823 = arith.index_cast %parallel_loop3A_636 : i32 to index
      %parallel_loop3A_824 = arith.constant 32 : index
      %parallel_loop3A_825 = tpu.vector_load %arg9[%parallel_loop3A_823, %parallel_loop3A_824] {strides = array<i32>} : memref<32x128xf32, #tpu.memory_space<vmem>>, vector<1x16xf32>,
      %parallel_loop3A_826 = vector.shape_cast %parallel_loop3A_825 : vector<1x16xf32> to vector<16xf32>
      %parallel_loop3A_827 = arith.constant 1 : i32
      %parallel_loop3A_828 = vector.broadcast %parallel_loop3A_827 : i32 to vector<16xi32>
      %parallel_loop3A_829 = arith.cmpi eq, %parallel_loop3A_804, %parallel_loop3A_828 : vector<16xi32>
      %parallel_loop3A_830 = arith.addf %parallel_loop3A_754, %parallel_loop3A_826 : vector<16xf32>
      %parallel_loop3A_831 = arith.constant 0.000000e+00 : f32
      %parallel_loop3A_832 = vector.broadcast %parallel_loop3A_831 : f32 to vector<16xf32>
      %parallel_loop3A_833 = arith.select %parallel_loop3A_829, %parallel_loop3A_826, %parallel_loop3A_832 : vector<16xi1>, vector<16xf32>
      %parallel_loop3A_834 = arith.addf %parallel_loop3A_758, %parallel_loop3A_833 : vector<16xf32>
      %parallel_loop3A_835 = arith.constant 1.000000e+00 : f32
      %parallel_loop3A_836 = arith.constant 0.000000e+00 : f32
      %parallel_loop3A_837 = vector.broadcast %parallel_loop3A_835 : f32 to vector<16xf32>
      %parallel_loop3A_838 = vector.broadcast %parallel_loop3A_836 : f32 to vector<16xf32>
      %parallel_loop3A_839 = arith.select %parallel_loop3A_829, %parallel_loop3A_837, %parallel_loop3A_838 : vector<16xi1>, vector<16xf32>
      %parallel_loop3A_840 = arith.addf %parallel_loop3A_764, %parallel_loop3A_839 : vector<16xf32>
      %parallel_loop3A_841 = arith.index_cast %parallel_loop3A_636 : i32 to index
      %parallel_loop3A_842 = arith.constant 32 : index
      %parallel_loop3A_843 = tpu.vector_load %arg10[%parallel_loop3A_841, %parallel_loop3A_842] {strides = array<i32>} : memref<32x128xf32, #tpu.memory_space<vmem>>, vector<1x16xf32>,
      %parallel_loop3A_844 = vector.shape_cast %parallel_loop3A_843 : vector<1x16xf32> to vector<16xf32>
      %parallel_loop3A_845 = arith.constant 2 : i32
      %parallel_loop3A_846 = vector.broadcast %parallel_loop3A_845 : i32 to vector<16xi32>
      %parallel_loop3A_847 = arith.cmpi eq, %parallel_loop3A_804, %parallel_loop3A_846 : vector<16xi32>
      %parallel_loop3A_848 = arith.addf %parallel_loop3A_772, %parallel_loop3A_844 : vector<16xf32>
      %parallel_loop3A_849 = arith.constant 0.000000e+00 : f32
      %parallel_loop3A_850 = vector.broadcast %parallel_loop3A_849 : f32 to vector<16xf32>
      %parallel_loop3A_851 = arith.select %parallel_loop3A_847, %parallel_loop3A_844, %parallel_loop3A_850 : vector<16xi1>, vector<16xf32>
      %parallel_loop3A_852 = arith.addf %parallel_loop3A_776, %parallel_loop3A_851 : vector<16xf32>
      %parallel_loop3A_853 = arith.constant 1.000000e+00 : f32
      %parallel_loop3A_854 = arith.constant 0.000000e+00 : f32
      %parallel_loop3A_855 = vector.broadcast %parallel_loop3A_853 : f32 to vector<16xf32>
      %parallel_loop3A_856 = vector.broadcast %parallel_loop3A_854 : f32 to vector<16xf32>
      %parallel_loop3A_857 = arith.select %parallel_loop3A_847, %parallel_loop3A_855, %parallel_loop3A_856 : vector<16xi1>, vector<16xf32>
      %parallel_loop3A_858 = arith.addf %parallel_loop3A_782, %parallel_loop3A_857 : vector<16xf32>
      %parallel_loop3A_859 = arith.index_cast %parallel_loop3A_636 : i32 to index
      %parallel_loop3A_860 = arith.constant 32 : index
      %parallel_loop3A_861 = tpu.vector_load %arg11[%parallel_loop3A_859, %parallel_loop3A_860] {strides = array<i32>} : memref<32x128xf32, #tpu.memory_space<vmem>>, vector<1x16xf32>,
      %parallel_loop3A_862 = vector.shape_cast %parallel_loop3A_861 : vector<1x16xf32> to vector<16xf32>
      %parallel_loop3A_863 = arith.constant 3 : i32
      %parallel_loop3A_864 = vector.broadcast %parallel_loop3A_863 : i32 to vector<16xi32>
      %parallel_loop3A_865 = arith.cmpi eq, %parallel_loop3A_804, %parallel_loop3A_864 : vector<16xi32>
      %parallel_loop3A_866 = arith.addf %parallel_loop3A_790, %parallel_loop3A_862 : vector<16xf32>
      %parallel_loop3A_867 = arith.constant 0.000000e+00 : f32
      %parallel_loop3A_868 = vector.broadcast %parallel_loop3A_867 : f32 to vector<16xf32>
      %parallel_loop3A_869 = arith.select %parallel_loop3A_865, %parallel_loop3A_862, %parallel_loop3A_868 : vector<16xi1>, vector<16xf32>
      %parallel_loop3A_870 = arith.addf %parallel_loop3A_794, %parallel_loop3A_869 : vector<16xf32>
      %parallel_loop3A_871 = arith.constant 1.000000e+00 : f32
      %parallel_loop3A_872 = arith.constant 0.000000e+00 : f32
      %parallel_loop3A_873 = vector.broadcast %parallel_loop3A_871 : f32 to vector<16xf32>
      %parallel_loop3A_874 = vector.broadcast %parallel_loop3A_872 : f32 to vector<16xf32>
      %parallel_loop3A_875 = arith.select %parallel_loop3A_865, %parallel_loop3A_873, %parallel_loop3A_874 : vector<16xi1>, vector<16xf32>
      %parallel_loop3A_876 = arith.addf %parallel_loop3A_800, %parallel_loop3A_875 : vector<16xf32>
      %parallel_loop3A_877 = arith.index_cast %parallel_loop3A_636 : i32 to index
      %parallel_loop3A_878 = arith.constant 48 : index
      %parallel_loop3A_879 = tpu.vector_load %arg7[%parallel_loop3A_877, %parallel_loop3A_878] {strides = array<i32>} : memref<32x128xi32, #tpu.memory_space<vmem>>, vector<1x16xi32>,
      %parallel_loop3A_880 = vector.shape_cast %parallel_loop3A_879 : vector<1x16xi32> to vector<16xi32>
      %parallel_loop3A_881 = arith.index_cast %parallel_loop3A_636 : i32 to index
      %parallel_loop3A_882 = arith.constant 48 : index
      %parallel_loop3A_883 = tpu.vector_load %arg8[%parallel_loop3A_881, %parallel_loop3A_882] {strides = array<i32>} : memref<32x128xf32, #tpu.memory_space<vmem>>, vector<1x16xf32>,
      %parallel_loop3A_884 = vector.shape_cast %parallel_loop3A_883 : vector<1x16xf32> to vector<16xf32>
      %parallel_loop3A_885 = arith.constant 0 : i32
      %parallel_loop3A_886 = vector.broadcast %parallel_loop3A_885 : i32 to vector<16xi32>
      %parallel_loop3A_887 = arith.cmpi eq, %parallel_loop3A_880, %parallel_loop3A_886 : vector<16xi32>
      %parallel_loop3A_888 = arith.addf %parallel_loop3A_812, %parallel_loop3A_884 : vector<16xf32>
      %parallel_loop3A_889 = arith.constant 0.000000e+00 : f32
      %parallel_loop3A_890 = vector.broadcast %parallel_loop3A_889 : f32 to vector<16xf32>
      %parallel_loop3A_891 = arith.select %parallel_loop3A_887, %parallel_loop3A_884, %parallel_loop3A_890 : vector<16xi1>, vector<16xf32>
      %parallel_loop3A_892 = arith.addf %parallel_loop3A_816, %parallel_loop3A_891 : vector<16xf32>
      %parallel_loop3A_893 = arith.constant 1.000000e+00 : f32
      %parallel_loop3A_894 = arith.constant 0.000000e+00 : f32
      %parallel_loop3A_895 = vector.broadcast %parallel_loop3A_893 : f32 to vector<16xf32>
      %parallel_loop3A_896 = vector.broadcast %parallel_loop3A_894 : f32 to vector<16xf32>
      %parallel_loop3A_897 = arith.select %parallel_loop3A_887, %parallel_loop3A_895, %parallel_loop3A_896 : vector<16xi1>, vector<16xf32>
      %parallel_loop3A_898 = arith.addf %parallel_loop3A_822, %parallel_loop3A_897 : vector<16xf32>
      %parallel_loop3A_899 = arith.index_cast %parallel_loop3A_636 : i32 to index
      %parallel_loop3A_900 = arith.constant 48 : index
      %parallel_loop3A_901 = tpu.vector_load %arg9[%parallel_loop3A_899, %parallel_loop3A_900] {strides = array<i32>} : memref<32x128xf32, #tpu.memory_space<vmem>>, vector<1x16xf32>,
      %parallel_loop3A_902 = vector.shape_cast %parallel_loop3A_901 : vector<1x16xf32> to vector<16xf32>
      %parallel_loop3A_903 = arith.constant 1 : i32
      %parallel_loop3A_904 = vector.broadcast %parallel_loop3A_903 : i32 to vector<16xi32>
      %parallel_loop3A_905 = arith.cmpi eq, %parallel_loop3A_880, %parallel_loop3A_904 : vector<16xi32>
      %parallel_loop3A_906 = arith.addf %parallel_loop3A_830, %parallel_loop3A_902 : vector<16xf32>
      %parallel_loop3A_907 = arith.constant 0.000000e+00 : f32
      %parallel_loop3A_908 = vector.broadcast %parallel_loop3A_907 : f32 to vector<16xf32>
      %parallel_loop3A_909 = arith.select %parallel_loop3A_905, %parallel_loop3A_902, %parallel_loop3A_908 : vector<16xi1>, vector<16xf32>
      %parallel_loop3A_910 = arith.addf %parallel_loop3A_834, %parallel_loop3A_909 : vector<16xf32>
      %parallel_loop3A_911 = arith.constant 1.000000e+00 : f32
      %parallel_loop3A_912 = arith.constant 0.000000e+00 : f32
      %parallel_loop3A_913 = vector.broadcast %parallel_loop3A_911 : f32 to vector<16xf32>
      %parallel_loop3A_914 = vector.broadcast %parallel_loop3A_912 : f32 to vector<16xf32>
      %parallel_loop3A_915 = arith.select %parallel_loop3A_905, %parallel_loop3A_913, %parallel_loop3A_914 : vector<16xi1>, vector<16xf32>
      %parallel_loop3A_916 = arith.addf %parallel_loop3A_840, %parallel_loop3A_915 : vector<16xf32>
      %parallel_loop3A_917 = arith.index_cast %parallel_loop3A_636 : i32 to index
      %parallel_loop3A_918 = arith.constant 48 : index
      %parallel_loop3A_919 = tpu.vector_load %arg10[%parallel_loop3A_917, %parallel_loop3A_918] {strides = array<i32>} : memref<32x128xf32, #tpu.memory_space<vmem>>, vector<1x16xf32>,
      %parallel_loop3A_920 = vector.shape_cast %parallel_loop3A_919 : vector<1x16xf32> to vector<16xf32>
      %parallel_loop3A_921 = arith.constant 2 : i32
      %parallel_loop3A_922 = vector.broadcast %parallel_loop3A_921 : i32 to vector<16xi32>
      %parallel_loop3A_923 = arith.cmpi eq, %parallel_loop3A_880, %parallel_loop3A_922 : vector<16xi32>
      %parallel_loop3A_924 = arith.addf %parallel_loop3A_848, %parallel_loop3A_920 : vector<16xf32>
      %parallel_loop3A_925 = arith.constant 0.000000e+00 : f32
      %parallel_loop3A_926 = vector.broadcast %parallel_loop3A_925 : f32 to vector<16xf32>
      %parallel_loop3A_927 = arith.select %parallel_loop3A_923, %parallel_loop3A_920, %parallel_loop3A_926 : vector<16xi1>, vector<16xf32>
      %parallel_loop3A_928 = arith.addf %parallel_loop3A_852, %parallel_loop3A_927 : vector<16xf32>
      %parallel_loop3A_929 = arith.constant 1.000000e+00 : f32
      %parallel_loop3A_930 = arith.constant 0.000000e+00 : f32
      %parallel_loop3A_931 = vector.broadcast %parallel_loop3A_929 : f32 to vector<16xf32>
      %parallel_loop3A_932 = vector.broadcast %parallel_loop3A_930 : f32 to vector<16xf32>
      %parallel_loop3A_933 = arith.select %parallel_loop3A_923, %parallel_loop3A_931, %parallel_loop3A_932 : vector<16xi1>, vector<16xf32>
      %parallel_loop3A_934 = arith.addf %parallel_loop3A_858, %parallel_loop3A_933 : vector<16xf32>
      %parallel_loop3A_935 = arith.index_cast %parallel_loop3A_636 : i32 to index
      %parallel_loop3A_936 = arith.constant 48 : index
      %parallel_loop3A_937 = tpu.vector_load %arg11[%parallel_loop3A_935, %parallel_loop3A_936] {strides = array<i32>} : memref<32x128xf32, #tpu.memory_space<vmem>>, vector<1x16xf32>,
      %parallel_loop3A_938 = vector.shape_cast %parallel_loop3A_937 : vector<1x16xf32> to vector<16xf32>
      %parallel_loop3A_939 = arith.constant 3 : i32
      %parallel_loop3A_940 = vector.broadcast %parallel_loop3A_939 : i32 to vector<16xi32>
      %parallel_loop3A_941 = arith.cmpi eq, %parallel_loop3A_880, %parallel_loop3A_940 : vector<16xi32>
      %parallel_loop3A_942 = arith.addf %parallel_loop3A_866, %parallel_loop3A_938 : vector<16xf32>
      %parallel_loop3A_943 = arith.constant 0.000000e+00 : f32
      %parallel_loop3A_944 = vector.broadcast %parallel_loop3A_943 : f32 to vector<16xf32>
      %parallel_loop3A_945 = arith.select %parallel_loop3A_941, %parallel_loop3A_938, %parallel_loop3A_944 : vector<16xi1>, vector<16xf32>
      %parallel_loop3A_946 = arith.addf %parallel_loop3A_870, %parallel_loop3A_945 : vector<16xf32>
      %parallel_loop3A_947 = arith.constant 1.000000e+00 : f32
      %parallel_loop3A_948 = arith.constant 0.000000e+00 : f32
      %parallel_loop3A_949 = vector.broadcast %parallel_loop3A_947 : f32 to vector<16xf32>
      %parallel_loop3A_950 = vector.broadcast %parallel_loop3A_948 : f32 to vector<16xf32>
      %parallel_loop3A_951 = arith.select %parallel_loop3A_941, %parallel_loop3A_949, %parallel_loop3A_950 : vector<16xi1>, vector<16xf32>
      %parallel_loop3A_952 = arith.addf %parallel_loop3A_876, %parallel_loop3A_951 : vector<16xf32>
      %parallel_loop3A_953 = arith.index_cast %parallel_loop3A_636 : i32 to index
      %parallel_loop3A_954 = arith.constant 64 : index
      %parallel_loop3A_955 = tpu.vector_load %arg7[%parallel_loop3A_953, %parallel_loop3A_954] {strides = array<i32>} : memref<32x128xi32, #tpu.memory_space<vmem>>, vector<1x16xi32>,
      %parallel_loop3A_956 = vector.shape_cast %parallel_loop3A_955 : vector<1x16xi32> to vector<16xi32>
      %parallel_loop3A_957 = arith.index_cast %parallel_loop3A_636 : i32 to index
      %parallel_loop3A_958 = arith.constant 64 : index
      %parallel_loop3A_959 = tpu.vector_load %arg8[%parallel_loop3A_957, %parallel_loop3A_958] {strides = array<i32>} : memref<32x128xf32, #tpu.memory_space<vmem>>, vector<1x16xf32>,
      %parallel_loop3A_960 = vector.shape_cast %parallel_loop3A_959 : vector<1x16xf32> to vector<16xf32>
      %parallel_loop3A_961 = arith.constant 0 : i32
      %parallel_loop3A_962 = vector.broadcast %parallel_loop3A_961 : i32 to vector<16xi32>
      %parallel_loop3A_963 = arith.cmpi eq, %parallel_loop3A_956, %parallel_loop3A_962 : vector<16xi32>
      %parallel_loop3A_964 = arith.addf %parallel_loop3A_888, %parallel_loop3A_960 : vector<16xf32>
      %parallel_loop3A_965 = arith.constant 0.000000e+00 : f32
      %parallel_loop3A_966 = vector.broadcast %parallel_loop3A_965 : f32 to vector<16xf32>
      %parallel_loop3A_967 = arith.select %parallel_loop3A_963, %parallel_loop3A_960, %parallel_loop3A_966 : vector<16xi1>, vector<16xf32>
      %parallel_loop3A_968 = arith.addf %parallel_loop3A_892, %parallel_loop3A_967 : vector<16xf32>
      %parallel_loop3A_969 = arith.constant 1.000000e+00 : f32
      %parallel_loop3A_970 = arith.constant 0.000000e+00 : f32
      %parallel_loop3A_971 = vector.broadcast %parallel_loop3A_969 : f32 to vector<16xf32>
      %parallel_loop3A_972 = vector.broadcast %parallel_loop3A_970 : f32 to vector<16xf32>
      %parallel_loop3A_973 = arith.select %parallel_loop3A_963, %parallel_loop3A_971, %parallel_loop3A_972 : vector<16xi1>, vector<16xf32>
      %parallel_loop3A_974 = arith.addf %parallel_loop3A_898, %parallel_loop3A_973 : vector<16xf32>
      %parallel_loop3A_975 = arith.index_cast %parallel_loop3A_636 : i32 to index
      %parallel_loop3A_976 = arith.constant 64 : index
      %parallel_loop3A_977 = tpu.vector_load %arg9[%parallel_loop3A_975, %parallel_loop3A_976] {strides = array<i32>} : memref<32x128xf32, #tpu.memory_space<vmem>>, vector<1x16xf32>,
      %parallel_loop3A_978 = vector.shape_cast %parallel_loop3A_977 : vector<1x16xf32> to vector<16xf32>
      %parallel_loop3A_979 = arith.constant 1 : i32
      %parallel_loop3A_980 = vector.broadcast %parallel_loop3A_979 : i32 to vector<16xi32>
      %parallel_loop3A_981 = arith.cmpi eq, %parallel_loop3A_956, %parallel_loop3A_980 : vector<16xi32>
      %parallel_loop3A_982 = arith.addf %parallel_loop3A_906, %parallel_loop3A_978 : vector<16xf32>
      %parallel_loop3A_983 = arith.constant 0.000000e+00 : f32
      %parallel_loop3A_984 = vector.broadcast %parallel_loop3A_983 : f32 to vector<16xf32>
      %parallel_loop3A_985 = arith.select %parallel_loop3A_981, %parallel_loop3A_978, %parallel_loop3A_984 : vector<16xi1>, vector<16xf32>
      %parallel_loop3A_986 = arith.addf %parallel_loop3A_910, %parallel_loop3A_985 : vector<16xf32>
      %parallel_loop3A_987 = arith.constant 1.000000e+00 : f32
      %parallel_loop3A_988 = arith.constant 0.000000e+00 : f32
      %parallel_loop3A_989 = vector.broadcast %parallel_loop3A_987 : f32 to vector<16xf32>
      %parallel_loop3A_990 = vector.broadcast %parallel_loop3A_988 : f32 to vector<16xf32>
      %parallel_loop3A_991 = arith.select %parallel_loop3A_981, %parallel_loop3A_989, %parallel_loop3A_990 : vector<16xi1>, vector<16xf32>
      %parallel_loop3A_992 = arith.addf %parallel_loop3A_916, %parallel_loop3A_991 : vector<16xf32>
      %parallel_loop3A_993 = arith.index_cast %parallel_loop3A_636 : i32 to index
      %parallel_loop3A_994 = arith.constant 64 : index
      %parallel_loop3A_995 = tpu.vector_load %arg10[%parallel_loop3A_993, %parallel_loop3A_994] {strides = array<i32>} : memref<32x128xf32, #tpu.memory_space<vmem>>, vector<1x16xf32>,
      %parallel_loop3A_996 = vector.shape_cast %parallel_loop3A_995 : vector<1x16xf32> to vector<16xf32>
      %parallel_loop3A_997 = arith.constant 2 : i32
      %parallel_loop3A_998 = vector.broadcast %parallel_loop3A_997 : i32 to vector<16xi32>
      %parallel_loop3A_999 = arith.cmpi eq, %parallel_loop3A_956, %parallel_loop3A_998 : vector<16xi32>
      %parallel_loop3A_1000 = arith.addf %parallel_loop3A_924, %parallel_loop3A_996 : vector<16xf32>
      %parallel_loop3A_1001 = arith.constant 0.000000e+00 : f32
      %parallel_loop3A_1002 = vector.broadcast %parallel_loop3A_1001 : f32 to vector<16xf32>
      %parallel_loop3A_1003 = arith.select %parallel_loop3A_999, %parallel_loop3A_996, %parallel_loop3A_1002 : vector<16xi1>, vector<16xf32>
      %parallel_loop3A_1004 = arith.addf %parallel_loop3A_928, %parallel_loop3A_1003 : vector<16xf32>
      %parallel_loop3A_1005 = arith.constant 1.000000e+00 : f32
      %parallel_loop3A_1006 = arith.constant 0.000000e+00 : f32
      %parallel_loop3A_1007 = vector.broadcast %parallel_loop3A_1005 : f32 to vector<16xf32>
      %parallel_loop3A_1008 = vector.broadcast %parallel_loop3A_1006 : f32 to vector<16xf32>
      %parallel_loop3A_1009 = arith.select %parallel_loop3A_999, %parallel_loop3A_1007, %parallel_loop3A_1008 : vector<16xi1>, vector<16xf32>
      %parallel_loop3A_1010 = arith.addf %parallel_loop3A_934, %parallel_loop3A_1009 : vector<16xf32>
      %parallel_loop3A_1011 = arith.index_cast %parallel_loop3A_636 : i32 to index
      %parallel_loop3A_1012 = arith.constant 64 : index
      %parallel_loop3A_1013 = tpu.vector_load %arg11[%parallel_loop3A_1011, %parallel_loop3A_1012] {strides = array<i32>} : memref<32x128xf32, #tpu.memory_space<vmem>>, vector<1x16xf32>,
      %parallel_loop3A_1014 = vector.shape_cast %parallel_loop3A_1013 : vector<1x16xf32> to vector<16xf32>
      %parallel_loop3A_1015 = arith.constant 3 : i32
      %parallel_loop3A_1016 = vector.broadcast %parallel_loop3A_1015 : i32 to vector<16xi32>
      %parallel_loop3A_1017 = arith.cmpi eq, %parallel_loop3A_956, %parallel_loop3A_1016 : vector<16xi32>
      %parallel_loop3A_1018 = arith.addf %parallel_loop3A_942, %parallel_loop3A_1014 : vector<16xf32>
      %parallel_loop3A_1019 = arith.constant 0.000000e+00 : f32
      %parallel_loop3A_1020 = vector.broadcast %parallel_loop3A_1019 : f32 to vector<16xf32>
      %parallel_loop3A_1021 = arith.select %parallel_loop3A_1017, %parallel_loop3A_1014, %parallel_loop3A_1020 : vector<16xi1>, vector<16xf32>
      %parallel_loop3A_1022 = arith.addf %parallel_loop3A_946, %parallel_loop3A_1021 : vector<16xf32>
      %parallel_loop3A_1023 = arith.constant 1.000000e+00 : f32
      %parallel_loop3A_1024 = arith.constant 0.000000e+00 : f32
      %parallel_loop3A_1025 = vector.broadcast %parallel_loop3A_1023 : f32 to vector<16xf32>
      %parallel_loop3A_1026 = vector.broadcast %parallel_loop3A_1024 : f32 to vector<16xf32>
      %parallel_loop3A_1027 = arith.select %parallel_loop3A_1017, %parallel_loop3A_1025, %parallel_loop3A_1026 : vector<16xi1>, vector<16xf32>
      %parallel_loop3A_1028 = arith.addf %parallel_loop3A_952, %parallel_loop3A_1027 : vector<16xf32>
      %parallel_loop3A_1029 = arith.index_cast %parallel_loop3A_636 : i32 to index
      %parallel_loop3A_1030 = arith.constant 80 : index
      %parallel_loop3A_1031 = tpu.vector_load %arg7[%parallel_loop3A_1029, %parallel_loop3A_1030] {strides = array<i32>} : memref<32x128xi32, #tpu.memory_space<vmem>>, vector<1x16xi32>,
      %parallel_loop3A_1032 = vector.shape_cast %parallel_loop3A_1031 : vector<1x16xi32> to vector<16xi32>
      %parallel_loop3A_1033 = arith.index_cast %parallel_loop3A_636 : i32 to index
      %parallel_loop3A_1034 = arith.constant 80 : index
      %parallel_loop3A_1035 = tpu.vector_load %arg8[%parallel_loop3A_1033, %parallel_loop3A_1034] {strides = array<i32>} : memref<32x128xf32, #tpu.memory_space<vmem>>, vector<1x16xf32>,
      %parallel_loop3A_1036 = vector.shape_cast %parallel_loop3A_1035 : vector<1x16xf32> to vector<16xf32>
      %parallel_loop3A_1037 = arith.constant 0 : i32
      %parallel_loop3A_1038 = vector.broadcast %parallel_loop3A_1037 : i32 to vector<16xi32>
      %parallel_loop3A_1039 = arith.cmpi eq, %parallel_loop3A_1032, %parallel_loop3A_1038 : vector<16xi32>
      %parallel_loop3A_1040 = arith.addf %parallel_loop3A_964, %parallel_loop3A_1036 : vector<16xf32>
      %parallel_loop3A_1041 = arith.constant 0.000000e+00 : f32
      %parallel_loop3A_1042 = vector.broadcast %parallel_loop3A_1041 : f32 to vector<16xf32>
      %parallel_loop3A_1043 = arith.select %parallel_loop3A_1039, %parallel_loop3A_1036, %parallel_loop3A_1042 : vector<16xi1>, vector<16xf32>
      %parallel_loop3A_1044 = arith.addf %parallel_loop3A_968, %parallel_loop3A_1043 : vector<16xf32>
      %parallel_loop3A_1045 = arith.constant 1.000000e+00 : f32
      %parallel_loop3A_1046 = arith.constant 0.000000e+00 : f32
      %parallel_loop3A_1047 = vector.broadcast %parallel_loop3A_1045 : f32 to vector<16xf32>
      %parallel_loop3A_1048 = vector.broadcast %parallel_loop3A_1046 : f32 to vector<16xf32>
      %parallel_loop3A_1049 = arith.select %parallel_loop3A_1039, %parallel_loop3A_1047, %parallel_loop3A_1048 : vector<16xi1>, vector<16xf32>
      %parallel_loop3A_1050 = arith.addf %parallel_loop3A_974, %parallel_loop3A_1049 : vector<16xf32>
      %parallel_loop3A_1051 = arith.index_cast %parallel_loop3A_636 : i32 to index
      %parallel_loop3A_1052 = arith.constant 80 : index
      %parallel_loop3A_1053 = tpu.vector_load %arg9[%parallel_loop3A_1051, %parallel_loop3A_1052] {strides = array<i32>} : memref<32x128xf32, #tpu.memory_space<vmem>>, vector<1x16xf32>,
      %parallel_loop3A_1054 = vector.shape_cast %parallel_loop3A_1053 : vector<1x16xf32> to vector<16xf32>
      %parallel_loop3A_1055 = arith.constant 1 : i32
      %parallel_loop3A_1056 = vector.broadcast %parallel_loop3A_1055 : i32 to vector<16xi32>
      %parallel_loop3A_1057 = arith.cmpi eq, %parallel_loop3A_1032, %parallel_loop3A_1056 : vector<16xi32>
      %parallel_loop3A_1058 = arith.addf %parallel_loop3A_982, %parallel_loop3A_1054 : vector<16xf32>
      %parallel_loop3A_1059 = arith.constant 0.000000e+00 : f32
      %parallel_loop3A_1060 = vector.broadcast %parallel_loop3A_1059 : f32 to vector<16xf32>
      %parallel_loop3A_1061 = arith.select %parallel_loop3A_1057, %parallel_loop3A_1054, %parallel_loop3A_1060 : vector<16xi1>, vector<16xf32>
      %parallel_loop3A_1062 = arith.addf %parallel_loop3A_986, %parallel_loop3A_1061 : vector<16xf32>
      %parallel_loop3A_1063 = arith.constant 1.000000e+00 : f32
      %parallel_loop3A_1064 = arith.constant 0.000000e+00 : f32
      %parallel_loop3A_1065 = vector.broadcast %parallel_loop3A_1063 : f32 to vector<16xf32>
      %parallel_loop3A_1066 = vector.broadcast %parallel_loop3A_1064 : f32 to vector<16xf32>
      %parallel_loop3A_1067 = arith.select %parallel_loop3A_1057, %parallel_loop3A_1065, %parallel_loop3A_1066 : vector<16xi1>, vector<16xf32>
      %parallel_loop3A_1068 = arith.addf %parallel_loop3A_992, %parallel_loop3A_1067 : vector<16xf32>
      %parallel_loop3A_1069 = arith.index_cast %parallel_loop3A_636 : i32 to index
      %parallel_loop3A_1070 = arith.constant 80 : index
      %parallel_loop3A_1071 = tpu.vector_load %arg10[%parallel_loop3A_1069, %parallel_loop3A_1070] {strides = array<i32>} : memref<32x128xf32, #tpu.memory_space<vmem>>, vector<1x16xf32>,
      %parallel_loop3A_1072 = vector.shape_cast %parallel_loop3A_1071 : vector<1x16xf32> to vector<16xf32>
      %parallel_loop3A_1073 = arith.constant 2 : i32
      %parallel_loop3A_1074 = vector.broadcast %parallel_loop3A_1073 : i32 to vector<16xi32>
      %parallel_loop3A_1075 = arith.cmpi eq, %parallel_loop3A_1032, %parallel_loop3A_1074 : vector<16xi32>
      %parallel_loop3A_1076 = arith.addf %parallel_loop3A_1000, %parallel_loop3A_1072 : vector<16xf32>
      %parallel_loop3A_1077 = arith.constant 0.000000e+00 : f32
      %parallel_loop3A_1078 = vector.broadcast %parallel_loop3A_1077 : f32 to vector<16xf32>
      %parallel_loop3A_1079 = arith.select %parallel_loop3A_1075, %parallel_loop3A_1072, %parallel_loop3A_1078 : vector<16xi1>, vector<16xf32>
      %parallel_loop3A_1080 = arith.addf %parallel_loop3A_1004, %parallel_loop3A_1079 : vector<16xf32>
      %parallel_loop3A_1081 = arith.constant 1.000000e+00 : f32
      %parallel_loop3A_1082 = arith.constant 0.000000e+00 : f32
      %parallel_loop3A_1083 = vector.broadcast %parallel_loop3A_1081 : f32 to vector<16xf32>
      %parallel_loop3A_1084 = vector.broadcast %parallel_loop3A_1082 : f32 to vector<16xf32>
      %parallel_loop3A_1085 = arith.select %parallel_loop3A_1075, %parallel_loop3A_1083, %parallel_loop3A_1084 : vector<16xi1>, vector<16xf32>
      %parallel_loop3A_1086 = arith.addf %parallel_loop3A_1010, %parallel_loop3A_1085 : vector<16xf32>
      %parallel_loop3A_1087 = arith.index_cast %parallel_loop3A_636 : i32 to index
      %parallel_loop3A_1088 = arith.constant 80 : index
      %parallel_loop3A_1089 = tpu.vector_load %arg11[%parallel_loop3A_1087, %parallel_loop3A_1088] {strides = array<i32>} : memref<32x128xf32, #tpu.memory_space<vmem>>, vector<1x16xf32>,
      %parallel_loop3A_1090 = vector.shape_cast %parallel_loop3A_1089 : vector<1x16xf32> to vector<16xf32>
      %parallel_loop3A_1091 = arith.constant 3 : i32
      %parallel_loop3A_1092 = vector.broadcast %parallel_loop3A_1091 : i32 to vector<16xi32>
      %parallel_loop3A_1093 = arith.cmpi eq, %parallel_loop3A_1032, %parallel_loop3A_1092 : vector<16xi32>
      %parallel_loop3A_1094 = arith.addf %parallel_loop3A_1018, %parallel_loop3A_1090 : vector<16xf32>
      %parallel_loop3A_1095 = arith.constant 0.000000e+00 : f32
      %parallel_loop3A_1096 = vector.broadcast %parallel_loop3A_1095 : f32 to vector<16xf32>
      %parallel_loop3A_1097 = arith.select %parallel_loop3A_1093, %parallel_loop3A_1090, %parallel_loop3A_1096 : vector<16xi1>, vector<16xf32>
      %parallel_loop3A_1098 = arith.addf %parallel_loop3A_1022, %parallel_loop3A_1097 : vector<16xf32>
      %parallel_loop3A_1099 = arith.constant 1.000000e+00 : f32
      %parallel_loop3A_1100 = arith.constant 0.000000e+00 : f32
      %parallel_loop3A_1101 = vector.broadcast %parallel_loop3A_1099 : f32 to vector<16xf32>
      %parallel_loop3A_1102 = vector.broadcast %parallel_loop3A_1100 : f32 to vector<16xf32>
      %parallel_loop3A_1103 = arith.select %parallel_loop3A_1093, %parallel_loop3A_1101, %parallel_loop3A_1102 : vector<16xi1>, vector<16xf32>
      %parallel_loop3A_1104 = arith.addf %parallel_loop3A_1028, %parallel_loop3A_1103 : vector<16xf32>
      %parallel_loop3A_1105 = arith.index_cast %parallel_loop3A_636 : i32 to index
      %parallel_loop3A_1106 = arith.constant 96 : index
      %parallel_loop3A_1107 = tpu.vector_load %arg7[%parallel_loop3A_1105, %parallel_loop3A_1106] {strides = array<i32>} : memref<32x128xi32, #tpu.memory_space<vmem>>, vector<1x16xi32>,
      %parallel_loop3A_1108 = vector.shape_cast %parallel_loop3A_1107 : vector<1x16xi32> to vector<16xi32>
      %parallel_loop3A_1109 = arith.index_cast %parallel_loop3A_636 : i32 to index
      %parallel_loop3A_1110 = arith.constant 96 : index
      %parallel_loop3A_1111 = tpu.vector_load %arg8[%parallel_loop3A_1109, %parallel_loop3A_1110] {strides = array<i32>} : memref<32x128xf32, #tpu.memory_space<vmem>>, vector<1x16xf32>,
      %parallel_loop3A_1112 = vector.shape_cast %parallel_loop3A_1111 : vector<1x16xf32> to vector<16xf32>
      %parallel_loop3A_1113 = arith.constant 0 : i32
      %parallel_loop3A_1114 = vector.broadcast %parallel_loop3A_1113 : i32 to vector<16xi32>
      %parallel_loop3A_1115 = arith.cmpi eq, %parallel_loop3A_1108, %parallel_loop3A_1114 : vector<16xi32>
      %parallel_loop3A_1116 = arith.addf %parallel_loop3A_1040, %parallel_loop3A_1112 : vector<16xf32>
      %parallel_loop3A_1117 = arith.constant 0.000000e+00 : f32
      %parallel_loop3A_1118 = vector.broadcast %parallel_loop3A_1117 : f32 to vector<16xf32>
      %parallel_loop3A_1119 = arith.select %parallel_loop3A_1115, %parallel_loop3A_1112, %parallel_loop3A_1118 : vector<16xi1>, vector<16xf32>
      %parallel_loop3A_1120 = arith.addf %parallel_loop3A_1044, %parallel_loop3A_1119 : vector<16xf32>
      %parallel_loop3A_1121 = arith.constant 1.000000e+00 : f32
      %parallel_loop3A_1122 = arith.constant 0.000000e+00 : f32
      %parallel_loop3A_1123 = vector.broadcast %parallel_loop3A_1121 : f32 to vector<16xf32>
      %parallel_loop3A_1124 = vector.broadcast %parallel_loop3A_1122 : f32 to vector<16xf32>
      %parallel_loop3A_1125 = arith.select %parallel_loop3A_1115, %parallel_loop3A_1123, %parallel_loop3A_1124 : vector<16xi1>, vector<16xf32>
      %parallel_loop3A_1126 = arith.addf %parallel_loop3A_1050, %parallel_loop3A_1125 : vector<16xf32>
      %parallel_loop3A_1127 = arith.index_cast %parallel_loop3A_636 : i32 to index
      %parallel_loop3A_1128 = arith.constant 96 : index
      %parallel_loop3A_1129 = tpu.vector_load %arg9[%parallel_loop3A_1127, %parallel_loop3A_1128] {strides = array<i32>} : memref<32x128xf32, #tpu.memory_space<vmem>>, vector<1x16xf32>,
      %parallel_loop3A_1130 = vector.shape_cast %parallel_loop3A_1129 : vector<1x16xf32> to vector<16xf32>
      %parallel_loop3A_1131 = arith.constant 1 : i32
      %parallel_loop3A_1132 = vector.broadcast %parallel_loop3A_1131 : i32 to vector<16xi32>
      %parallel_loop3A_1133 = arith.cmpi eq, %parallel_loop3A_1108, %parallel_loop3A_1132 : vector<16xi32>
      %parallel_loop3A_1134 = arith.addf %parallel_loop3A_1058, %parallel_loop3A_1130 : vector<16xf32>
      %parallel_loop3A_1135 = arith.constant 0.000000e+00 : f32
      %parallel_loop3A_1136 = vector.broadcast %parallel_loop3A_1135 : f32 to vector<16xf32>
      %parallel_loop3A_1137 = arith.select %parallel_loop3A_1133, %parallel_loop3A_1130, %parallel_loop3A_1136 : vector<16xi1>, vector<16xf32>
      %parallel_loop3A_1138 = arith.addf %parallel_loop3A_1062, %parallel_loop3A_1137 : vector<16xf32>
      %parallel_loop3A_1139 = arith.constant 1.000000e+00 : f32
      %parallel_loop3A_1140 = arith.constant 0.000000e+00 : f32
      %parallel_loop3A_1141 = vector.broadcast %parallel_loop3A_1139 : f32 to vector<16xf32>
      %parallel_loop3A_1142 = vector.broadcast %parallel_loop3A_1140 : f32 to vector<16xf32>
      %parallel_loop3A_1143 = arith.select %parallel_loop3A_1133, %parallel_loop3A_1141, %parallel_loop3A_1142 : vector<16xi1>, vector<16xf32>
      %parallel_loop3A_1144 = arith.addf %parallel_loop3A_1068, %parallel_loop3A_1143 : vector<16xf32>
      %parallel_loop3A_1145 = arith.index_cast %parallel_loop3A_636 : i32 to index
      %parallel_loop3A_1146 = arith.constant 96 : index
      %parallel_loop3A_1147 = tpu.vector_load %arg10[%parallel_loop3A_1145, %parallel_loop3A_1146] {strides = array<i32>} : memref<32x128xf32, #tpu.memory_space<vmem>>, vector<1x16xf32>,
      %parallel_loop3A_1148 = vector.shape_cast %parallel_loop3A_1147 : vector<1x16xf32> to vector<16xf32>
      %parallel_loop3A_1149 = arith.constant 2 : i32
      %parallel_loop3A_1150 = vector.broadcast %parallel_loop3A_1149 : i32 to vector<16xi32>
      %parallel_loop3A_1151 = arith.cmpi eq, %parallel_loop3A_1108, %parallel_loop3A_1150 : vector<16xi32>
      %parallel_loop3A_1152 = arith.addf %parallel_loop3A_1076, %parallel_loop3A_1148 : vector<16xf32>
      %parallel_loop3A_1153 = arith.constant 0.000000e+00 : f32
      %parallel_loop3A_1154 = vector.broadcast %parallel_loop3A_1153 : f32 to vector<16xf32>
      %parallel_loop3A_1155 = arith.select %parallel_loop3A_1151, %parallel_loop3A_1148, %parallel_loop3A_1154 : vector<16xi1>, vector<16xf32>
      %parallel_loop3A_1156 = arith.addf %parallel_loop3A_1080, %parallel_loop3A_1155 : vector<16xf32>
      %parallel_loop3A_1157 = arith.constant 1.000000e+00 : f32
      %parallel_loop3A_1158 = arith.constant 0.000000e+00 : f32
      %parallel_loop3A_1159 = vector.broadcast %parallel_loop3A_1157 : f32 to vector<16xf32>
      %parallel_loop3A_1160 = vector.broadcast %parallel_loop3A_1158 : f32 to vector<16xf32>
      %parallel_loop3A_1161 = arith.select %parallel_loop3A_1151, %parallel_loop3A_1159, %parallel_loop3A_1160 : vector<16xi1>, vector<16xf32>
      %parallel_loop3A_1162 = arith.addf %parallel_loop3A_1086, %parallel_loop3A_1161 : vector<16xf32>
      %parallel_loop3A_1163 = arith.index_cast %parallel_loop3A_636 : i32 to index
      %parallel_loop3A_1164 = arith.constant 96 : index
      %parallel_loop3A_1165 = tpu.vector_load %arg11[%parallel_loop3A_1163, %parallel_loop3A_1164] {strides = array<i32>} : memref<32x128xf32, #tpu.memory_space<vmem>>, vector<1x16xf32>,
      %parallel_loop3A_1166 = vector.shape_cast %parallel_loop3A_1165 : vector<1x16xf32> to vector<16xf32>
      %parallel_loop3A_1167 = arith.constant 3 : i32
      %parallel_loop3A_1168 = vector.broadcast %parallel_loop3A_1167 : i32 to vector<16xi32>
      %parallel_loop3A_1169 = arith.cmpi eq, %parallel_loop3A_1108, %parallel_loop3A_1168 : vector<16xi32>
      %parallel_loop3A_1170 = arith.addf %parallel_loop3A_1094, %parallel_loop3A_1166 : vector<16xf32>
      %parallel_loop3A_1171 = arith.constant 0.000000e+00 : f32
      %parallel_loop3A_1172 = vector.broadcast %parallel_loop3A_1171 : f32 to vector<16xf32>
      %parallel_loop3A_1173 = arith.select %parallel_loop3A_1169, %parallel_loop3A_1166, %parallel_loop3A_1172 : vector<16xi1>, vector<16xf32>
      %parallel_loop3A_1174 = arith.addf %parallel_loop3A_1098, %parallel_loop3A_1173 : vector<16xf32>
      %parallel_loop3A_1175 = arith.constant 1.000000e+00 : f32
      %parallel_loop3A_1176 = arith.constant 0.000000e+00 : f32
      %parallel_loop3A_1177 = vector.broadcast %parallel_loop3A_1175 : f32 to vector<16xf32>
      %parallel_loop3A_1178 = vector.broadcast %parallel_loop3A_1176 : f32 to vector<16xf32>
      %parallel_loop3A_1179 = arith.select %parallel_loop3A_1169, %parallel_loop3A_1177, %parallel_loop3A_1178 : vector<16xi1>, vector<16xf32>
      %parallel_loop3A_1180 = arith.addf %parallel_loop3A_1104, %parallel_loop3A_1179 : vector<16xf32>
      %parallel_loop3A_1181 = arith.index_cast %parallel_loop3A_636 : i32 to index
      %parallel_loop3A_1182 = arith.constant 112 : index
      %parallel_loop3A_1183 = tpu.vector_load %arg7[%parallel_loop3A_1181, %parallel_loop3A_1182] {strides = array<i32>} : memref<32x128xi32, #tpu.memory_space<vmem>>, vector<1x16xi32>,
      %parallel_loop3A_1184 = vector.shape_cast %parallel_loop3A_1183 : vector<1x16xi32> to vector<16xi32>
      %parallel_loop3A_1185 = arith.index_cast %parallel_loop3A_636 : i32 to index
      %parallel_loop3A_1186 = arith.constant 112 : index
      %parallel_loop3A_1187 = tpu.vector_load %arg8[%parallel_loop3A_1185, %parallel_loop3A_1186] {strides = array<i32>} : memref<32x128xf32, #tpu.memory_space<vmem>>, vector<1x16xf32>,
      %parallel_loop3A_1188 = vector.shape_cast %parallel_loop3A_1187 : vector<1x16xf32> to vector<16xf32>
      %parallel_loop3A_1189 = arith.constant 0 : i32
      %parallel_loop3A_1190 = vector.broadcast %parallel_loop3A_1189 : i32 to vector<16xi32>
      %parallel_loop3A_1191 = arith.cmpi eq, %parallel_loop3A_1184, %parallel_loop3A_1190 : vector<16xi32>
      %parallel_loop3A_1192 = arith.addf %parallel_loop3A_1116, %parallel_loop3A_1188 : vector<16xf32>
      %parallel_loop3A_1193 = arith.constant 0.000000e+00 : f32
      %parallel_loop3A_1194 = vector.broadcast %parallel_loop3A_1193 : f32 to vector<16xf32>
      %parallel_loop3A_1195 = arith.select %parallel_loop3A_1191, %parallel_loop3A_1188, %parallel_loop3A_1194 : vector<16xi1>, vector<16xf32>
      %parallel_loop3A_1196 = arith.addf %parallel_loop3A_1120, %parallel_loop3A_1195 : vector<16xf32>
      %parallel_loop3A_1197 = arith.constant 1.000000e+00 : f32
      %parallel_loop3A_1198 = arith.constant 0.000000e+00 : f32
      %parallel_loop3A_1199 = vector.broadcast %parallel_loop3A_1197 : f32 to vector<16xf32>
      %parallel_loop3A_1200 = vector.broadcast %parallel_loop3A_1198 : f32 to vector<16xf32>
      %parallel_loop3A_1201 = arith.select %parallel_loop3A_1191, %parallel_loop3A_1199, %parallel_loop3A_1200 : vector<16xi1>, vector<16xf32>
      %parallel_loop3A_1202 = arith.addf %parallel_loop3A_1126, %parallel_loop3A_1201 : vector<16xf32>
      %parallel_loop3A_1203 = arith.index_cast %parallel_loop3A_636 : i32 to index
      %parallel_loop3A_1204 = arith.constant 112 : index
      %parallel_loop3A_1205 = tpu.vector_load %arg9[%parallel_loop3A_1203, %parallel_loop3A_1204] {strides = array<i32>} : memref<32x128xf32, #tpu.memory_space<vmem>>, vector<1x16xf32>,
      %parallel_loop3A_1206 = vector.shape_cast %parallel_loop3A_1205 : vector<1x16xf32> to vector<16xf32>
      %parallel_loop3A_1207 = arith.constant 1 : i32
      %parallel_loop3A_1208 = vector.broadcast %parallel_loop3A_1207 : i32 to vector<16xi32>
      %parallel_loop3A_1209 = arith.cmpi eq, %parallel_loop3A_1184, %parallel_loop3A_1208 : vector<16xi32>
      %parallel_loop3A_1210 = arith.addf %parallel_loop3A_1134, %parallel_loop3A_1206 : vector<16xf32>
      %parallel_loop3A_1211 = arith.constant 0.000000e+00 : f32
      %parallel_loop3A_1212 = vector.broadcast %parallel_loop3A_1211 : f32 to vector<16xf32>
      %parallel_loop3A_1213 = arith.select %parallel_loop3A_1209, %parallel_loop3A_1206, %parallel_loop3A_1212 : vector<16xi1>, vector<16xf32>
      %parallel_loop3A_1214 = arith.addf %parallel_loop3A_1138, %parallel_loop3A_1213 : vector<16xf32>
      %parallel_loop3A_1215 = arith.constant 1.000000e+00 : f32
      %parallel_loop3A_1216 = arith.constant 0.000000e+00 : f32
      %parallel_loop3A_1217 = vector.broadcast %parallel_loop3A_1215 : f32 to vector<16xf32>
      %parallel_loop3A_1218 = vector.broadcast %parallel_loop3A_1216 : f32 to vector<16xf32>
      %parallel_loop3A_1219 = arith.select %parallel_loop3A_1209, %parallel_loop3A_1217, %parallel_loop3A_1218 : vector<16xi1>, vector<16xf32>
      %parallel_loop3A_1220 = arith.addf %parallel_loop3A_1144, %parallel_loop3A_1219 : vector<16xf32>
      %parallel_loop3A_1221 = arith.index_cast %parallel_loop3A_636 : i32 to index
      %parallel_loop3A_1222 = arith.constant 112 : index
      %parallel_loop3A_1223 = tpu.vector_load %arg10[%parallel_loop3A_1221, %parallel_loop3A_1222] {strides = array<i32>} : memref<32x128xf32, #tpu.memory_space<vmem>>, vector<1x16xf32>,
      %parallel_loop3A_1224 = vector.shape_cast %parallel_loop3A_1223 : vector<1x16xf32> to vector<16xf32>
      %parallel_loop3A_1225 = arith.constant 2 : i32
      %parallel_loop3A_1226 = vector.broadcast %parallel_loop3A_1225 : i32 to vector<16xi32>
      %parallel_loop3A_1227 = arith.cmpi eq, %parallel_loop3A_1184, %parallel_loop3A_1226 : vector<16xi32>
      %parallel_loop3A_1228 = arith.addf %parallel_loop3A_1152, %parallel_loop3A_1224 : vector<16xf32>
      %parallel_loop3A_1229 = arith.constant 0.000000e+00 : f32
      %parallel_loop3A_1230 = vector.broadcast %parallel_loop3A_1229 : f32 to vector<16xf32>
      %parallel_loop3A_1231 = arith.select %parallel_loop3A_1227, %parallel_loop3A_1224, %parallel_loop3A_1230 : vector<16xi1>, vector<16xf32>
      %parallel_loop3A_1232 = arith.addf %parallel_loop3A_1156, %parallel_loop3A_1231 : vector<16xf32>
      %parallel_loop3A_1233 = arith.constant 1.000000e+00 : f32
      %parallel_loop3A_1234 = arith.constant 0.000000e+00 : f32
      %parallel_loop3A_1235 = vector.broadcast %parallel_loop3A_1233 : f32 to vector<16xf32>
      %parallel_loop3A_1236 = vector.broadcast %parallel_loop3A_1234 : f32 to vector<16xf32>
      %parallel_loop3A_1237 = arith.select %parallel_loop3A_1227, %parallel_loop3A_1235, %parallel_loop3A_1236 : vector<16xi1>, vector<16xf32>
      %parallel_loop3A_1238 = arith.addf %parallel_loop3A_1162, %parallel_loop3A_1237 : vector<16xf32>
      %parallel_loop3A_1239 = arith.index_cast %parallel_loop3A_636 : i32 to index
      %parallel_loop3A_1240 = arith.constant 112 : index
      %parallel_loop3A_1241 = tpu.vector_load %arg11[%parallel_loop3A_1239, %parallel_loop3A_1240] {strides = array<i32>} : memref<32x128xf32, #tpu.memory_space<vmem>>, vector<1x16xf32>,
      %parallel_loop3A_1242 = vector.shape_cast %parallel_loop3A_1241 : vector<1x16xf32> to vector<16xf32>
      %parallel_loop3A_1243 = arith.constant 3 : i32
      %parallel_loop3A_1244 = vector.broadcast %parallel_loop3A_1243 : i32 to vector<16xi32>
      %parallel_loop3A_1245 = arith.cmpi eq, %parallel_loop3A_1184, %parallel_loop3A_1244 : vector<16xi32>
      %parallel_loop3A_1246 = arith.addf %parallel_loop3A_1170, %parallel_loop3A_1242 : vector<16xf32>
      %parallel_loop3A_1247 = arith.constant 0.000000e+00 : f32
      %parallel_loop3A_1248 = vector.broadcast %parallel_loop3A_1247 : f32 to vector<16xf32>
      %parallel_loop3A_1249 = arith.select %parallel_loop3A_1245, %parallel_loop3A_1242, %parallel_loop3A_1248 : vector<16xi1>, vector<16xf32>
      %parallel_loop3A_1250 = arith.addf %parallel_loop3A_1174, %parallel_loop3A_1249 : vector<16xf32>
      %parallel_loop3A_1251 = arith.constant 1.000000e+00 : f32
      %parallel_loop3A_1252 = arith.constant 0.000000e+00 : f32
      %parallel_loop3A_1253 = vector.broadcast %parallel_loop3A_1251 : f32 to vector<16xf32>
      %parallel_loop3A_1254 = vector.broadcast %parallel_loop3A_1252 : f32 to vector<16xf32>
      %parallel_loop3A_1255 = arith.select %parallel_loop3A_1245, %parallel_loop3A_1253, %parallel_loop3A_1254 : vector<16xi1>, vector<16xf32>
      %parallel_loop3A_1256 = arith.addf %parallel_loop3A_1180, %parallel_loop3A_1255 : vector<16xf32>
      scf.yield %parallel_loop3A_1192, %parallel_loop3A_1210, %parallel_loop3A_1228, %parallel_loop3A_1246, %parallel_loop3A_1196, %parallel_loop3A_1214, %parallel_loop3A_1232, %parallel_loop3A_1250, %parallel_loop3A_1202, %parallel_loop3A_1220, %parallel_loop3A_1238, %parallel_loop3A_1256 : vector<16xf32>, vector<16xf32>, vector<16xf32>, vector<16xf32>, vector<16xf32>, vector<16xf32>, vector<16xf32>, vector<16xf32>, vector<16xf32>, vector<16xf32>, vector<16xf32>, vector<16xf32>
    } {sc.loop_unroll_factor = 1 : i64, sc.parallel_access}
    %swap3A_588 = arith.constant 576 : index
    %swap3A_589 = tpu.vector_load %arg12[%swap3A_588] {strides = array<i32>} : memref<768xf32, #tpu.memory_space<vmem>>, vector<16xf32>,
    %swap3A_590 = vector.shape_cast %swap3A_589 : vector<16xf32> to vector<16xf32>
    %swap3A_591 = vector.shape_cast %parallel_loop3A_587#0 : vector<16xf32> to vector<16xf32>
    tpu.vector_store %arg12[%swap3A_588], %swap3A_591 {strides = array<i32>} : memref<768xf32, #tpu.memory_space<vmem>>, vector<16xf32>,
    %swap3A_592 = arith.constant 592 : index
    %swap3A_593 = tpu.vector_load %arg12[%swap3A_592] {strides = array<i32>} : memref<768xf32, #tpu.memory_space<vmem>>, vector<16xf32>,
    %swap3A_594 = vector.shape_cast %swap3A_593 : vector<16xf32> to vector<16xf32>
    %swap3A_595 = vector.shape_cast %parallel_loop3A_587#1 : vector<16xf32> to vector<16xf32>
    tpu.vector_store %arg12[%swap3A_592], %swap3A_595 {strides = array<i32>} : memref<768xf32, #tpu.memory_space<vmem>>, vector<16xf32>,
    %swap3A_596 = arith.constant 608 : index
    %swap3A_597 = tpu.vector_load %arg12[%swap3A_596] {strides = array<i32>} : memref<768xf32, #tpu.memory_space<vmem>>, vector<16xf32>,
    %swap3A_598 = vector.shape_cast %swap3A_597 : vector<16xf32> to vector<16xf32>
    %swap3A_599 = vector.shape_cast %parallel_loop3A_587#2 : vector<16xf32> to vector<16xf32>
    tpu.vector_store %arg12[%swap3A_596], %swap3A_599 {strides = array<i32>} : memref<768xf32, #tpu.memory_space<vmem>>, vector<16xf32>,
    %swap3A_600 = arith.constant 624 : index
    %swap3A_601 = tpu.vector_load %arg12[%swap3A_600] {strides = array<i32>} : memref<768xf32, #tpu.memory_space<vmem>>, vector<16xf32>,
    %swap3A_602 = vector.shape_cast %swap3A_601 : vector<16xf32> to vector<16xf32>
    %swap3A_603 = vector.shape_cast %parallel_loop3A_587#3 : vector<16xf32> to vector<16xf32>
    tpu.vector_store %arg12[%swap3A_600], %swap3A_603 {strides = array<i32>} : memref<768xf32, #tpu.memory_space<vmem>>, vector<16xf32>,
    %swap3A_604 = arith.constant 640 : index
    %swap3A_605 = tpu.vector_load %arg12[%swap3A_604] {strides = array<i32>} : memref<768xf32, #tpu.memory_space<vmem>>, vector<16xf32>,
    %swap3A_606 = vector.shape_cast %swap3A_605 : vector<16xf32> to vector<16xf32>
    %swap3A_607 = vector.shape_cast %parallel_loop3A_587#4 : vector<16xf32> to vector<16xf32>
    tpu.vector_store %arg12[%swap3A_604], %swap3A_607 {strides = array<i32>} : memref<768xf32, #tpu.memory_space<vmem>>, vector<16xf32>,
    %swap3A_608 = arith.constant 656 : index
    %swap3A_609 = tpu.vector_load %arg12[%swap3A_608] {strides = array<i32>} : memref<768xf32, #tpu.memory_space<vmem>>, vector<16xf32>,
    %swap3A_610 = vector.shape_cast %swap3A_609 : vector<16xf32> to vector<16xf32>
    %swap3A_611 = vector.shape_cast %parallel_loop3A_587#5 : vector<16xf32> to vector<16xf32>
    tpu.vector_store %arg12[%swap3A_608], %swap3A_611 {strides = array<i32>} : memref<768xf32, #tpu.memory_space<vmem>>, vector<16xf32>,
    %swap3A_612 = arith.constant 672 : index
    %swap3A_613 = tpu.vector_load %arg12[%swap3A_612] {strides = array<i32>} : memref<768xf32, #tpu.memory_space<vmem>>, vector<16xf32>,
    %swap3A_614 = vector.shape_cast %swap3A_613 : vector<16xf32> to vector<16xf32>
    %swap3A_615 = vector.shape_cast %parallel_loop3A_587#6 : vector<16xf32> to vector<16xf32>
    tpu.vector_store %arg12[%swap3A_612], %swap3A_615 {strides = array<i32>} : memref<768xf32, #tpu.memory_space<vmem>>, vector<16xf32>,
    %swap3A_616 = arith.constant 688 : index
    %swap3A_617 = tpu.vector_load %arg12[%swap3A_616] {strides = array<i32>} : memref<768xf32, #tpu.memory_space<vmem>>, vector<16xf32>,
    %swap3A_618 = vector.shape_cast %swap3A_617 : vector<16xf32> to vector<16xf32>
    %swap3A_619 = vector.shape_cast %parallel_loop3A_587#7 : vector<16xf32> to vector<16xf32>
    tpu.vector_store %arg12[%swap3A_616], %swap3A_619 {strides = array<i32>} : memref<768xf32, #tpu.memory_space<vmem>>, vector<16xf32>,
    %swap3A_620 = arith.constant 704 : index
    %swap3A_621 = tpu.vector_load %arg12[%swap3A_620] {strides = array<i32>} : memref<768xf32, #tpu.memory_space<vmem>>, vector<16xf32>,
    %swap3A_622 = vector.shape_cast %swap3A_621 : vector<16xf32> to vector<16xf32>
    %swap3A_623 = vector.shape_cast %parallel_loop3A_587#8 : vector<16xf32> to vector<16xf32>
    tpu.vector_store %arg12[%swap3A_620], %swap3A_623 {strides = array<i32>} : memref<768xf32, #tpu.memory_space<vmem>>, vector<16xf32>,
    %swap3A_624 = arith.constant 720 : index
    %swap3A_625 = tpu.vector_load %arg12[%swap3A_624] {strides = array<i32>} : memref<768xf32, #tpu.memory_space<vmem>>, vector<16xf32>,
    %swap3A_626 = vector.shape_cast %swap3A_625 : vector<16xf32> to vector<16xf32>
    %swap3A_627 = vector.shape_cast %parallel_loop3A_587#9 : vector<16xf32> to vector<16xf32>
    tpu.vector_store %arg12[%swap3A_624], %swap3A_627 {strides = array<i32>} : memref<768xf32, #tpu.memory_space<vmem>>, vector<16xf32>,
    %swap3A_628 = arith.constant 736 : index
    %swap3A_629 = tpu.vector_load %arg12[%swap3A_628] {strides = array<i32>} : memref<768xf32, #tpu.memory_space<vmem>>, vector<16xf32>,
    %swap3A_630 = vector.shape_cast %swap3A_629 : vector<16xf32> to vector<16xf32>
    %swap3A_631 = vector.shape_cast %parallel_loop3A_587#10 : vector<16xf32> to vector<16xf32>
    tpu.vector_store %arg12[%swap3A_628], %swap3A_631 {strides = array<i32>} : memref<768xf32, #tpu.memory_space<vmem>>, vector<16xf32>,
    %swap3A_632 = arith.constant 752 : index
    %swap3A_633 = tpu.vector_load %arg12[%swap3A_632] {strides = array<i32>} : memref<768xf32, #tpu.memory_space<vmem>>, vector<16xf32>,
    %swap3A_634 = vector.shape_cast %swap3A_633 : vector<16xf32> to vector<16xf32>
    %swap3A_635 = vector.shape_cast %parallel_loop3A_587#11 : vector<16xf32> to vector<16xf32>
    tpu.vector_store %arg12[%swap3A_632], %swap3A_635 {strides = array<i32>} : memref<768xf32, #tpu.memory_space<vmem>>, vector<16xf32>,
    "tpu.region"() ({
      %run_scoped3A = tpu.sem_alloc : memref<!tpu.dma_semaphore, #tpu.memory_space<semaphore_mem>>
      %dma_start3A_636 = arith.constant 0 : i32
      %dma_start3A_637 = tpu.memref_slice %arg6[%add3A, %dma_start3A_636] : memref<32x768xf32, #tpu.memory_space<hbm>> -> memref<1x768xf32, #tpu.memory_space<hbm>>
      %dma_start3A_638 = tpu.memref_squeeze %dma_start3A_637 : memref<1x768xf32, #tpu.memory_space<hbm>> -> memref<768xf32, #tpu.memory_space<hbm>>
      %dma_start3A_639 = arith.constant 0 : i32
      %dma_start3A_640 = tpu.memref_slice %arg6[%add3A, %dma_start3A_639] : memref<32x768xf32, #tpu.memory_space<hbm>> -> memref<1x768xf32, #tpu.memory_space<hbm>>
      %dma_start3A_641 = tpu.memref_squeeze %dma_start3A_640 : memref<1x768xf32, #tpu.memory_space<hbm>> -> memref<768xf32, #tpu.memory_space<hbm>>
      tpu.enqueue_dma source(%arg12 : memref<768xf32, #tpu.memory_space<vmem>>) target(%dma_start3A_641 : memref<768xf32, #tpu.memory_space<hbm>>) target_semaphore(%run_scoped3A : memref<!tpu.dma_semaphore, #tpu.memory_space<semaphore_mem>>)
      %dma_wait3A_642 = arith.constant 0 : i32
      %dma_wait3A_643 = tpu.memref_slice %arg6[%add3A, %dma_wait3A_642] : memref<32x768xf32, #tpu.memory_space<hbm>> -> memref<1x768xf32, #tpu.memory_space<hbm>>
      %dma_wait3A_644 = tpu.memref_squeeze %dma_wait3A_643 : memref<1x768xf32, #tpu.memory_space<hbm>> -> memref<768xf32, #tpu.memory_space<hbm>>
      %dma_wait3A_645 = arith.constant 0 : i32
      %dma_wait3A_646 = tpu.memref_slice %arg6[%add3A, %dma_wait3A_645] : memref<32x768xf32, #tpu.memory_space<hbm>> -> memref<1x768xf32, #tpu.memory_space<hbm>>
      %dma_wait3A_647 = tpu.memref_squeeze %dma_wait3A_646 : memref<1x768xf32, #tpu.memory_space<hbm>> -> memref<768xf32, #tpu.memory_space<hbm>>
      tpu.wait_dma2 semaphore(%run_scoped3A : memref<!tpu.dma_semaphore, #tpu.memory_space<semaphore_mem>>) src(%arg12 : memref<768xf32, #tpu.memory_space<vmem>>) dst(%dma_wait3A_647 : memref<768xf32, #tpu.memory_space<hbm>>)
      tpu.yield
    }) : () -> ()
    return
  }
}

module attributes {stable_mosaic.version = 14 : i64} {
  func.func @_body(%arg0: i32, %arg1: memref<2x4x8192x128xf32, #tpu.memory_space<any>>, %arg2: memref<2x8192x128xi32, #tpu.memory_space<any>>, %arg3: memref<2x4x8192x128xf32, #tpu.memory_space<any>>, %arg4: memref<2x8192x128xi32, #tpu.memory_space<any>>, %arg5: memref<3x2x2x4xf32, #tpu.memory_space<vmem>>, %arg6: memref<4x4x1024x128xf32, #tpu.memory_space<vmem>>, %arg7: memref<4x1024x128xi32, #tpu.memory_space<vmem>>, %arg8: memref<3x2x2x4x128xf32, #tpu.memory_space<vmem>>, %arg9: memref<4x2x!tpu.dma_semaphore, #tpu.memory_space<semaphore_mem>>) attributes {dimension_semantics = [#tpu.dimension_semantics<arbitrary>], iteration_bounds = array<i64: 28>, scalar_prefetch = 0 : i64, scratch_operands = 4 : i64, tpu.core_type = #tpu.core_type<tc>, window_params = [{}, {}, {}, {}, {pipeline_mode = #tpu.pipeline_mode<synchronous>, transform_indices = @transform_4, window_bounds = array<i64: 3, 2, 2, 4>}]} {
    %eq3A = arith.constant 0 : i32
    %eq3A_0 = arith.cmpi eq, %arg0, %eq3A : i32
    %convert_element_type3A = arith.extui %eq3A_0 : i1 to i32
    %cond3A = arith.constant 0 : i32
    %cond3A_1 = arith.cmpi ne, %convert_element_type3A, %cond3A : i32
    scf.if %cond3A_1 {
      %broadcast_in_dim3A_153 = arith.constant 0.000000e+00 : f32
      %broadcast_in_dim3A_154 = vector.broadcast %broadcast_in_dim3A_153 : f32 to vector<3x2x2x4x128xf32>
      %swap3A_155 = arith.constant 0 : index
      %swap3A_156 = arith.constant 0 : index
      %swap3A_157 = arith.constant 0 : index
      %swap3A_158 = arith.constant 0 : index
      %swap3A_159 = arith.constant 0 : index
      %swap3A_160 = vector.load %arg8[%swap3A_155, %swap3A_156, %swap3A_157, %swap3A_158, %swap3A_159] : memref<3x2x2x4x128xf32, #tpu.memory_space<vmem>>, vector<3x2x2x4x128xf32>
      tpu.vector_store %arg8[%swap3A_155, %swap3A_156, %swap3A_157, %swap3A_158, %swap3A_159], %broadcast_in_dim3A_154 {strides = array<i32>} : memref<3x2x2x4x128xf32, #tpu.memory_space<vmem>>, vector<3x2x2x4x128xf32>,
      %jit3A_161 = arith.constant 0 : i32
      %jit3A_162 = arith.constant 14 : i32
      %div3A_163 = arith.divsi %jit3A_161, %jit3A_162 : i32
      %sign3A_164 = arith.constant 0 : i32
      %sign3A_165 = arith.cmpi sgt, %jit3A_161, %sign3A_164 : i32
      %sign3A_166 = arith.extui %sign3A_165 : i1 to i32
      %sign3A_167 = arith.constant 0 : i32
      %sign3A_168 = arith.cmpi slt, %jit3A_161, %sign3A_167 : i32
      %sign3A_169 = arith.extui %sign3A_168 : i1 to i32
      %sign3A_170 = arith.subi %sign3A_166, %sign3A_169 : i32
      %sign3A_171 = arith.constant 0 : i32
      %sign3A_172 = arith.cmpi sgt, %jit3A_162, %sign3A_171 : i32
      %sign3A_173 = arith.extui %sign3A_172 : i1 to i32
      %sign3A_174 = arith.constant 0 : i32
      %sign3A_175 = arith.cmpi slt, %jit3A_162, %sign3A_174 : i32
      %sign3A_176 = arith.extui %sign3A_175 : i1 to i32
      %sign3A_177 = arith.subi %sign3A_173, %sign3A_176 : i32
      %ne3A_178 = arith.cmpi ne, %sign3A_170, %sign3A_177 : i32
      %rem3A_179 = arith.remsi %jit3A_161, %jit3A_162 : i32
      %ne3A_180 = arith.constant 0 : i32
      %ne3A_181 = arith.cmpi ne, %rem3A_179, %ne3A_180 : i32
      %and3A_182 = arith.andi %ne3A_178, %ne3A_181 : i1
      %sub3A_183 = arith.constant 1 : i32
      %sub3A_184 = arith.subi %div3A_163, %sub3A_183 : i32
      %select_n3A_185 = arith.select %and3A_182, %sub3A_184, %div3A_163 : i32
      %rem3A_186 = arith.constant 0 : i32
      %rem3A_187 = arith.constant 14 : i32
      %rem3A_188 = arith.remsi %rem3A_186, %rem3A_187 : i32
      %jit3A_189 = arith.constant 7 : i32
      %div3A_190 = arith.divsi %rem3A_188, %jit3A_189 : i32
      %sign3A_191 = arith.constant 0 : i32
      %sign3A_192 = arith.cmpi sgt, %rem3A_188, %sign3A_191 : i32
      %sign3A_193 = arith.extui %sign3A_192 : i1 to i32
      %sign3A_194 = arith.constant 0 : i32
      %sign3A_195 = arith.cmpi slt, %rem3A_188, %sign3A_194 : i32
      %sign3A_196 = arith.extui %sign3A_195 : i1 to i32
      %sign3A_197 = arith.subi %sign3A_193, %sign3A_196 : i32
      %sign3A_198 = arith.constant 0 : i32
      %sign3A_199 = arith.cmpi sgt, %jit3A_189, %sign3A_198 : i32
      %sign3A_200 = arith.extui %sign3A_199 : i1 to i32
      %sign3A_201 = arith.constant 0 : i32
      %sign3A_202 = arith.cmpi slt, %jit3A_189, %sign3A_201 : i32
      %sign3A_203 = arith.extui %sign3A_202 : i1 to i32
      %sign3A_204 = arith.subi %sign3A_200, %sign3A_203 : i32
      %ne3A_205 = arith.cmpi ne, %sign3A_197, %sign3A_204 : i32
      %rem3A_206 = arith.remsi %rem3A_188, %jit3A_189 : i32
      %ne3A_207 = arith.constant 0 : i32
      %ne3A_208 = arith.cmpi ne, %rem3A_206, %ne3A_207 : i32
      %and3A_209 = arith.andi %ne3A_205, %ne3A_208 : i1
      %sub3A_210 = arith.constant 1 : i32
      %sub3A_211 = arith.subi %div3A_190, %sub3A_210 : i32
      %select_n3A_212 = arith.select %and3A_209, %sub3A_211, %div3A_190 : i32
      %rem3A_213 = arith.constant 7 : i32
      %rem3A_214 = arith.remsi %rem3A_188, %rem3A_213 : i32
      %rem3A_215 = arith.constant 0 : i32
      %rem3A_216 = arith.constant 4 : i32
      %rem3A_217 = arith.remsi %rem3A_215, %rem3A_216 : i32
      %eq3A_218 = arith.constant 0 : i32
      %eq3A_219 = arith.cmpi eq, %select_n3A_185, %eq3A_218 : i32
      %convert_element_type3A_220 = arith.extui %eq3A_219 : i1 to i32
      %cond3A_221 = arith.constant 0 : i32
      %cond3A_222 = arith.cmpi ne, %convert_element_type3A_220, %cond3A_221 : i32
      scf.if %cond3A_222 {
        %mul3A = arith.constant 1024 : i32
        %mul3A_362 = arith.muli %rem3A_214, %mul3A : i32
        %dma_start3A = arith.constant 0 : i32
        %dma_start3A_363 = tpu.memref_slice %arg9[%rem3A_217, %dma_start3A] : memref<4x2x!tpu.dma_semaphore, #tpu.memory_space<semaphore_mem>> -> memref<1x1x!tpu.dma_semaphore, #tpu.memory_space<semaphore_mem>>
        %dma_start3A_364 = tpu.memref_squeeze %dma_start3A_363 : memref<1x1x!tpu.dma_semaphore, #tpu.memory_space<semaphore_mem>> -> memref<!tpu.dma_semaphore, #tpu.memory_space<semaphore_mem>>
        %dma_start3A_365 = arith.constant 0 : i32
        %dma_start3A_366 = arith.constant 0 : i32
        %dma_start3A_367 = arith.constant 0 : i32
        %dma_start3A_368 = tpu.memref_slice %arg6[%rem3A_217, %dma_start3A_365, %dma_start3A_366, %dma_start3A_367] : memref<4x4x1024x128xf32, #tpu.memory_space<vmem>> -> memref<1x4x1024x128xf32, #tpu.memory_space<vmem>>
        %dma_start3A_369 = tpu.memref_squeeze %dma_start3A_368 : memref<1x4x1024x128xf32, #tpu.memory_space<vmem>> -> memref<4x1024x128xf32, #tpu.memory_space<vmem>>
        %dma_start3A_370 = arith.constant 0 : i32
        %dma_start3A_371 = arith.constant 0 : i32
        %dma_start3A_372 = tpu.memref_slice %arg1[%select_n3A_212, %dma_start3A_370, %mul3A_362, %dma_start3A_371] : memref<2x4x8192x128xf32, #tpu.memory_space<any>> -> memref<1x4x1024x128xf32, #tpu.memory_space<any>>
        %dma_start3A_373 = tpu.memref_squeeze %dma_start3A_372 : memref<1x4x1024x128xf32, #tpu.memory_space<any>> -> memref<4x1024x128xf32, #tpu.memory_space<any>>
        tpu.enqueue_dma source(%dma_start3A_373 : memref<4x1024x128xf32, #tpu.memory_space<any>>) target(%dma_start3A_369 : memref<4x1024x128xf32, #tpu.memory_space<vmem>>) target_semaphore(%dma_start3A_364 : memref<!tpu.dma_semaphore, #tpu.memory_space<semaphore_mem>>)
        %mul3A_374 = arith.constant 1024 : i32
        %mul3A_375 = arith.muli %rem3A_214, %mul3A_374 : i32
        %dma_start3A_376 = arith.constant 1 : i32
        %dma_start3A_377 = tpu.memref_slice %arg9[%rem3A_217, %dma_start3A_376] : memref<4x2x!tpu.dma_semaphore, #tpu.memory_space<semaphore_mem>> -> memref<1x1x!tpu.dma_semaphore, #tpu.memory_space<semaphore_mem>>
        %dma_start3A_378 = tpu.memref_squeeze %dma_start3A_377 : memref<1x1x!tpu.dma_semaphore, #tpu.memory_space<semaphore_mem>> -> memref<!tpu.dma_semaphore, #tpu.memory_space<semaphore_mem>>
        %dma_start3A_379 = arith.constant 0 : i32
        %dma_start3A_380 = arith.constant 0 : i32
        %dma_start3A_381 = tpu.memref_slice %arg7[%rem3A_217, %dma_start3A_379, %dma_start3A_380] : memref<4x1024x128xi32, #tpu.memory_space<vmem>> -> memref<1x1024x128xi32, #tpu.memory_space<vmem>>
        %dma_start3A_382 = tpu.memref_squeeze %dma_start3A_381 : memref<1x1024x128xi32, #tpu.memory_space<vmem>> -> memref<1024x128xi32, #tpu.memory_space<vmem>>
        %dma_start3A_383 = arith.constant 0 : i32
        %dma_start3A_384 = tpu.memref_slice %arg2[%select_n3A_212, %mul3A_375, %dma_start3A_383] : memref<2x8192x128xi32, #tpu.memory_space<any>> -> memref<1x1024x128xi32, #tpu.memory_space<any>>
        %dma_start3A_385 = tpu.memref_squeeze %dma_start3A_384 : memref<1x1024x128xi32, #tpu.memory_space<any>> -> memref<1024x128xi32, #tpu.memory_space<any>>
        tpu.enqueue_dma source(%dma_start3A_385 : memref<1024x128xi32, #tpu.memory_space<any>>) target(%dma_start3A_382 : memref<1024x128xi32, #tpu.memory_space<vmem>>) target_semaphore(%dma_start3A_378 : memref<!tpu.dma_semaphore, #tpu.memory_space<semaphore_mem>>)
      } else {
      }
      %eq3A_223 = arith.constant 1 : i32
      %eq3A_224 = arith.cmpi eq, %select_n3A_185, %eq3A_223 : i32
      %convert_element_type3A_225 = arith.extui %eq3A_224 : i1 to i32
      %cond3A_226 = arith.constant 0 : i32
      %cond3A_227 = arith.cmpi ne, %convert_element_type3A_225, %cond3A_226 : i32
      scf.if %cond3A_227 {
        %mul3A = arith.constant 1024 : i32
        %mul3A_362 = arith.muli %rem3A_214, %mul3A : i32
        %dma_start3A = arith.constant 0 : i32
        %dma_start3A_363 = tpu.memref_slice %arg9[%rem3A_217, %dma_start3A] : memref<4x2x!tpu.dma_semaphore, #tpu.memory_space<semaphore_mem>> -> memref<1x1x!tpu.dma_semaphore, #tpu.memory_space<semaphore_mem>>
        %dma_start3A_364 = tpu.memref_squeeze %dma_start3A_363 : memref<1x1x!tpu.dma_semaphore, #tpu.memory_space<semaphore_mem>> -> memref<!tpu.dma_semaphore, #tpu.memory_space<semaphore_mem>>
        %dma_start3A_365 = arith.constant 0 : i32
        %dma_start3A_366 = arith.constant 0 : i32
        %dma_start3A_367 = arith.constant 0 : i32
        %dma_start3A_368 = tpu.memref_slice %arg6[%rem3A_217, %dma_start3A_365, %dma_start3A_366, %dma_start3A_367] : memref<4x4x1024x128xf32, #tpu.memory_space<vmem>> -> memref<1x4x1024x128xf32, #tpu.memory_space<vmem>>
        %dma_start3A_369 = tpu.memref_squeeze %dma_start3A_368 : memref<1x4x1024x128xf32, #tpu.memory_space<vmem>> -> memref<4x1024x128xf32, #tpu.memory_space<vmem>>
        %dma_start3A_370 = arith.constant 0 : i32
        %dma_start3A_371 = arith.constant 0 : i32
        %dma_start3A_372 = tpu.memref_slice %arg3[%select_n3A_212, %dma_start3A_370, %mul3A_362, %dma_start3A_371] : memref<2x4x8192x128xf32, #tpu.memory_space<any>> -> memref<1x4x1024x128xf32, #tpu.memory_space<any>>
        %dma_start3A_373 = tpu.memref_squeeze %dma_start3A_372 : memref<1x4x1024x128xf32, #tpu.memory_space<any>> -> memref<4x1024x128xf32, #tpu.memory_space<any>>
        tpu.enqueue_dma source(%dma_start3A_373 : memref<4x1024x128xf32, #tpu.memory_space<any>>) target(%dma_start3A_369 : memref<4x1024x128xf32, #tpu.memory_space<vmem>>) target_semaphore(%dma_start3A_364 : memref<!tpu.dma_semaphore, #tpu.memory_space<semaphore_mem>>)
        %mul3A_374 = arith.constant 1024 : i32
        %mul3A_375 = arith.muli %rem3A_214, %mul3A_374 : i32
        %dma_start3A_376 = arith.constant 1 : i32
        %dma_start3A_377 = tpu.memref_slice %arg9[%rem3A_217, %dma_start3A_376] : memref<4x2x!tpu.dma_semaphore, #tpu.memory_space<semaphore_mem>> -> memref<1x1x!tpu.dma_semaphore, #tpu.memory_space<semaphore_mem>>
        %dma_start3A_378 = tpu.memref_squeeze %dma_start3A_377 : memref<1x1x!tpu.dma_semaphore, #tpu.memory_space<semaphore_mem>> -> memref<!tpu.dma_semaphore, #tpu.memory_space<semaphore_mem>>
        %dma_start3A_379 = arith.constant 0 : i32
        %dma_start3A_380 = arith.constant 0 : i32
        %dma_start3A_381 = tpu.memref_slice %arg7[%rem3A_217, %dma_start3A_379, %dma_start3A_380] : memref<4x1024x128xi32, #tpu.memory_space<vmem>> -> memref<1x1024x128xi32, #tpu.memory_space<vmem>>
        %dma_start3A_382 = tpu.memref_squeeze %dma_start3A_381 : memref<1x1024x128xi32, #tpu.memory_space<vmem>> -> memref<1024x128xi32, #tpu.memory_space<vmem>>
        %dma_start3A_383 = arith.constant 0 : i32
        %dma_start3A_384 = tpu.memref_slice %arg4[%select_n3A_212, %mul3A_375, %dma_start3A_383] : memref<2x8192x128xi32, #tpu.memory_space<any>> -> memref<1x1024x128xi32, #tpu.memory_space<any>>
        %dma_start3A_385 = tpu.memref_squeeze %dma_start3A_384 : memref<1x1024x128xi32, #tpu.memory_space<any>> -> memref<1024x128xi32, #tpu.memory_space<any>>
        tpu.enqueue_dma source(%dma_start3A_385 : memref<1024x128xi32, #tpu.memory_space<any>>) target(%dma_start3A_382 : memref<1024x128xi32, #tpu.memory_space<vmem>>) target_semaphore(%dma_start3A_378 : memref<!tpu.dma_semaphore, #tpu.memory_space<semaphore_mem>>)
      } else {
      }
      %jit3A_228 = arith.constant 1 : i32
      %jit3A_229 = arith.constant 14 : i32
      %div3A_230 = arith.divsi %jit3A_228, %jit3A_229 : i32
      %sign3A_231 = arith.constant 0 : i32
      %sign3A_232 = arith.cmpi sgt, %jit3A_228, %sign3A_231 : i32
      %sign3A_233 = arith.extui %sign3A_232 : i1 to i32
      %sign3A_234 = arith.constant 0 : i32
      %sign3A_235 = arith.cmpi slt, %jit3A_228, %sign3A_234 : i32
      %sign3A_236 = arith.extui %sign3A_235 : i1 to i32
      %sign3A_237 = arith.subi %sign3A_233, %sign3A_236 : i32
      %sign3A_238 = arith.constant 0 : i32
      %sign3A_239 = arith.cmpi sgt, %jit3A_229, %sign3A_238 : i32
      %sign3A_240 = arith.extui %sign3A_239 : i1 to i32
      %sign3A_241 = arith.constant 0 : i32
      %sign3A_242 = arith.cmpi slt, %jit3A_229, %sign3A_241 : i32
      %sign3A_243 = arith.extui %sign3A_242 : i1 to i32
      %sign3A_244 = arith.subi %sign3A_240, %sign3A_243 : i32
      %ne3A_245 = arith.cmpi ne, %sign3A_237, %sign3A_244 : i32
      %rem3A_246 = arith.remsi %jit3A_228, %jit3A_229 : i32
      %ne3A_247 = arith.constant 0 : i32
      %ne3A_248 = arith.cmpi ne, %rem3A_246, %ne3A_247 : i32
      %and3A_249 = arith.andi %ne3A_245, %ne3A_248 : i1
      %sub3A_250 = arith.constant 1 : i32
      %sub3A_251 = arith.subi %div3A_230, %sub3A_250 : i32
      %select_n3A_252 = arith.select %and3A_249, %sub3A_251, %div3A_230 : i32
      %rem3A_253 = arith.constant 1 : i32
      %rem3A_254 = arith.constant 14 : i32
      %rem3A_255 = arith.remsi %rem3A_253, %rem3A_254 : i32
      %jit3A_256 = arith.constant 7 : i32
      %div3A_257 = arith.divsi %rem3A_255, %jit3A_256 : i32
      %sign3A_258 = arith.constant 0 : i32
      %sign3A_259 = arith.cmpi sgt, %rem3A_255, %sign3A_258 : i32
      %sign3A_260 = arith.extui %sign3A_259 : i1 to i32
      %sign3A_261 = arith.constant 0 : i32
      %sign3A_262 = arith.cmpi slt, %rem3A_255, %sign3A_261 : i32
      %sign3A_263 = arith.extui %sign3A_262 : i1 to i32
      %sign3A_264 = arith.subi %sign3A_260, %sign3A_263 : i32
      %sign3A_265 = arith.constant 0 : i32
      %sign3A_266 = arith.cmpi sgt, %jit3A_256, %sign3A_265 : i32
      %sign3A_267 = arith.extui %sign3A_266 : i1 to i32
      %sign3A_268 = arith.constant 0 : i32
      %sign3A_269 = arith.cmpi slt, %jit3A_256, %sign3A_268 : i32
      %sign3A_270 = arith.extui %sign3A_269 : i1 to i32
      %sign3A_271 = arith.subi %sign3A_267, %sign3A_270 : i32
      %ne3A_272 = arith.cmpi ne, %sign3A_264, %sign3A_271 : i32
      %rem3A_273 = arith.remsi %rem3A_255, %jit3A_256 : i32
      %ne3A_274 = arith.constant 0 : i32
      %ne3A_275 = arith.cmpi ne, %rem3A_273, %ne3A_274 : i32
      %and3A_276 = arith.andi %ne3A_272, %ne3A_275 : i1
      %sub3A_277 = arith.constant 1 : i32
      %sub3A_278 = arith.subi %div3A_257, %sub3A_277 : i32
      %select_n3A_279 = arith.select %and3A_276, %sub3A_278, %div3A_257 : i32
      %rem3A_280 = arith.constant 7 : i32
      %rem3A_281 = arith.remsi %rem3A_255, %rem3A_280 : i32
      %rem3A_282 = arith.constant 1 : i32
      %rem3A_283 = arith.constant 4 : i32
      %rem3A_284 = arith.remsi %rem3A_282, %rem3A_283 : i32
      %eq3A_285 = arith.constant 0 : i32
      %eq3A_286 = arith.cmpi eq, %select_n3A_252, %eq3A_285 : i32
      %convert_element_type3A_287 = arith.extui %eq3A_286 : i1 to i32
      %cond3A_288 = arith.constant 0 : i32
      %cond3A_289 = arith.cmpi ne, %convert_element_type3A_287, %cond3A_288 : i32
      scf.if %cond3A_289 {
        %mul3A = arith.constant 1024 : i32
        %mul3A_362 = arith.muli %rem3A_281, %mul3A : i32
        %dma_start3A = arith.constant 0 : i32
        %dma_start3A_363 = tpu.memref_slice %arg9[%rem3A_284, %dma_start3A] : memref<4x2x!tpu.dma_semaphore, #tpu.memory_space<semaphore_mem>> -> memref<1x1x!tpu.dma_semaphore, #tpu.memory_space<semaphore_mem>>
        %dma_start3A_364 = tpu.memref_squeeze %dma_start3A_363 : memref<1x1x!tpu.dma_semaphore, #tpu.memory_space<semaphore_mem>> -> memref<!tpu.dma_semaphore, #tpu.memory_space<semaphore_mem>>
        %dma_start3A_365 = arith.constant 0 : i32
        %dma_start3A_366 = arith.constant 0 : i32
        %dma_start3A_367 = arith.constant 0 : i32
        %dma_start3A_368 = tpu.memref_slice %arg6[%rem3A_284, %dma_start3A_365, %dma_start3A_366, %dma_start3A_367] : memref<4x4x1024x128xf32, #tpu.memory_space<vmem>> -> memref<1x4x1024x128xf32, #tpu.memory_space<vmem>>
        %dma_start3A_369 = tpu.memref_squeeze %dma_start3A_368 : memref<1x4x1024x128xf32, #tpu.memory_space<vmem>> -> memref<4x1024x128xf32, #tpu.memory_space<vmem>>
        %dma_start3A_370 = arith.constant 0 : i32
        %dma_start3A_371 = arith.constant 0 : i32
        %dma_start3A_372 = tpu.memref_slice %arg1[%select_n3A_279, %dma_start3A_370, %mul3A_362, %dma_start3A_371] : memref<2x4x8192x128xf32, #tpu.memory_space<any>> -> memref<1x4x1024x128xf32, #tpu.memory_space<any>>
        %dma_start3A_373 = tpu.memref_squeeze %dma_start3A_372 : memref<1x4x1024x128xf32, #tpu.memory_space<any>> -> memref<4x1024x128xf32, #tpu.memory_space<any>>
        tpu.enqueue_dma source(%dma_start3A_373 : memref<4x1024x128xf32, #tpu.memory_space<any>>) target(%dma_start3A_369 : memref<4x1024x128xf32, #tpu.memory_space<vmem>>) target_semaphore(%dma_start3A_364 : memref<!tpu.dma_semaphore, #tpu.memory_space<semaphore_mem>>)
        %mul3A_374 = arith.constant 1024 : i32
        %mul3A_375 = arith.muli %rem3A_281, %mul3A_374 : i32
        %dma_start3A_376 = arith.constant 1 : i32
        %dma_start3A_377 = tpu.memref_slice %arg9[%rem3A_284, %dma_start3A_376] : memref<4x2x!tpu.dma_semaphore, #tpu.memory_space<semaphore_mem>> -> memref<1x1x!tpu.dma_semaphore, #tpu.memory_space<semaphore_mem>>
        %dma_start3A_378 = tpu.memref_squeeze %dma_start3A_377 : memref<1x1x!tpu.dma_semaphore, #tpu.memory_space<semaphore_mem>> -> memref<!tpu.dma_semaphore, #tpu.memory_space<semaphore_mem>>
        %dma_start3A_379 = arith.constant 0 : i32
        %dma_start3A_380 = arith.constant 0 : i32
        %dma_start3A_381 = tpu.memref_slice %arg7[%rem3A_284, %dma_start3A_379, %dma_start3A_380] : memref<4x1024x128xi32, #tpu.memory_space<vmem>> -> memref<1x1024x128xi32, #tpu.memory_space<vmem>>
        %dma_start3A_382 = tpu.memref_squeeze %dma_start3A_381 : memref<1x1024x128xi32, #tpu.memory_space<vmem>> -> memref<1024x128xi32, #tpu.memory_space<vmem>>
        %dma_start3A_383 = arith.constant 0 : i32
        %dma_start3A_384 = tpu.memref_slice %arg2[%select_n3A_279, %mul3A_375, %dma_start3A_383] : memref<2x8192x128xi32, #tpu.memory_space<any>> -> memref<1x1024x128xi32, #tpu.memory_space<any>>
        %dma_start3A_385 = tpu.memref_squeeze %dma_start3A_384 : memref<1x1024x128xi32, #tpu.memory_space<any>> -> memref<1024x128xi32, #tpu.memory_space<any>>
        tpu.enqueue_dma source(%dma_start3A_385 : memref<1024x128xi32, #tpu.memory_space<any>>) target(%dma_start3A_382 : memref<1024x128xi32, #tpu.memory_space<vmem>>) target_semaphore(%dma_start3A_378 : memref<!tpu.dma_semaphore, #tpu.memory_space<semaphore_mem>>)
      } else {
      }
      %eq3A_290 = arith.constant 1 : i32
      %eq3A_291 = arith.cmpi eq, %select_n3A_252, %eq3A_290 : i32
      %convert_element_type3A_292 = arith.extui %eq3A_291 : i1 to i32
      %cond3A_293 = arith.constant 0 : i32
      %cond3A_294 = arith.cmpi ne, %convert_element_type3A_292, %cond3A_293 : i32
      scf.if %cond3A_294 {
        %mul3A = arith.constant 1024 : i32
        %mul3A_362 = arith.muli %rem3A_281, %mul3A : i32
        %dma_start3A = arith.constant 0 : i32
        %dma_start3A_363 = tpu.memref_slice %arg9[%rem3A_284, %dma_start3A] : memref<4x2x!tpu.dma_semaphore, #tpu.memory_space<semaphore_mem>> -> memref<1x1x!tpu.dma_semaphore, #tpu.memory_space<semaphore_mem>>
        %dma_start3A_364 = tpu.memref_squeeze %dma_start3A_363 : memref<1x1x!tpu.dma_semaphore, #tpu.memory_space<semaphore_mem>> -> memref<!tpu.dma_semaphore, #tpu.memory_space<semaphore_mem>>
        %dma_start3A_365 = arith.constant 0 : i32
        %dma_start3A_366 = arith.constant 0 : i32
        %dma_start3A_367 = arith.constant 0 : i32
        %dma_start3A_368 = tpu.memref_slice %arg6[%rem3A_284, %dma_start3A_365, %dma_start3A_366, %dma_start3A_367] : memref<4x4x1024x128xf32, #tpu.memory_space<vmem>> -> memref<1x4x1024x128xf32, #tpu.memory_space<vmem>>
        %dma_start3A_369 = tpu.memref_squeeze %dma_start3A_368 : memref<1x4x1024x128xf32, #tpu.memory_space<vmem>> -> memref<4x1024x128xf32, #tpu.memory_space<vmem>>
        %dma_start3A_370 = arith.constant 0 : i32
        %dma_start3A_371 = arith.constant 0 : i32
        %dma_start3A_372 = tpu.memref_slice %arg3[%select_n3A_279, %dma_start3A_370, %mul3A_362, %dma_start3A_371] : memref<2x4x8192x128xf32, #tpu.memory_space<any>> -> memref<1x4x1024x128xf32, #tpu.memory_space<any>>
        %dma_start3A_373 = tpu.memref_squeeze %dma_start3A_372 : memref<1x4x1024x128xf32, #tpu.memory_space<any>> -> memref<4x1024x128xf32, #tpu.memory_space<any>>
        tpu.enqueue_dma source(%dma_start3A_373 : memref<4x1024x128xf32, #tpu.memory_space<any>>) target(%dma_start3A_369 : memref<4x1024x128xf32, #tpu.memory_space<vmem>>) target_semaphore(%dma_start3A_364 : memref<!tpu.dma_semaphore, #tpu.memory_space<semaphore_mem>>)
        %mul3A_374 = arith.constant 1024 : i32
        %mul3A_375 = arith.muli %rem3A_281, %mul3A_374 : i32
        %dma_start3A_376 = arith.constant 1 : i32
        %dma_start3A_377 = tpu.memref_slice %arg9[%rem3A_284, %dma_start3A_376] : memref<4x2x!tpu.dma_semaphore, #tpu.memory_space<semaphore_mem>> -> memref<1x1x!tpu.dma_semaphore, #tpu.memory_space<semaphore_mem>>
        %dma_start3A_378 = tpu.memref_squeeze %dma_start3A_377 : memref<1x1x!tpu.dma_semaphore, #tpu.memory_space<semaphore_mem>> -> memref<!tpu.dma_semaphore, #tpu.memory_space<semaphore_mem>>
        %dma_start3A_379 = arith.constant 0 : i32
        %dma_start3A_380 = arith.constant 0 : i32
        %dma_start3A_381 = tpu.memref_slice %arg7[%rem3A_284, %dma_start3A_379, %dma_start3A_380] : memref<4x1024x128xi32, #tpu.memory_space<vmem>> -> memref<1x1024x128xi32, #tpu.memory_space<vmem>>
        %dma_start3A_382 = tpu.memref_squeeze %dma_start3A_381 : memref<1x1024x128xi32, #tpu.memory_space<vmem>> -> memref<1024x128xi32, #tpu.memory_space<vmem>>
        %dma_start3A_383 = arith.constant 0 : i32
        %dma_start3A_384 = tpu.memref_slice %arg4[%select_n3A_279, %mul3A_375, %dma_start3A_383] : memref<2x8192x128xi32, #tpu.memory_space<any>> -> memref<1x1024x128xi32, #tpu.memory_space<any>>
        %dma_start3A_385 = tpu.memref_squeeze %dma_start3A_384 : memref<1x1024x128xi32, #tpu.memory_space<any>> -> memref<1024x128xi32, #tpu.memory_space<any>>
        tpu.enqueue_dma source(%dma_start3A_385 : memref<1024x128xi32, #tpu.memory_space<any>>) target(%dma_start3A_382 : memref<1024x128xi32, #tpu.memory_space<vmem>>) target_semaphore(%dma_start3A_378 : memref<!tpu.dma_semaphore, #tpu.memory_space<semaphore_mem>>)
      } else {
      }
      %jit3A_295 = arith.constant 2 : i32
      %jit3A_296 = arith.constant 14 : i32
      %div3A_297 = arith.divsi %jit3A_295, %jit3A_296 : i32
      %sign3A_298 = arith.constant 0 : i32
      %sign3A_299 = arith.cmpi sgt, %jit3A_295, %sign3A_298 : i32
      %sign3A_300 = arith.extui %sign3A_299 : i1 to i32
      %sign3A_301 = arith.constant 0 : i32
      %sign3A_302 = arith.cmpi slt, %jit3A_295, %sign3A_301 : i32
      %sign3A_303 = arith.extui %sign3A_302 : i1 to i32
      %sign3A_304 = arith.subi %sign3A_300, %sign3A_303 : i32
      %sign3A_305 = arith.constant 0 : i32
      %sign3A_306 = arith.cmpi sgt, %jit3A_296, %sign3A_305 : i32
      %sign3A_307 = arith.extui %sign3A_306 : i1 to i32
      %sign3A_308 = arith.constant 0 : i32
      %sign3A_309 = arith.cmpi slt, %jit3A_296, %sign3A_308 : i32
      %sign3A_310 = arith.extui %sign3A_309 : i1 to i32
      %sign3A_311 = arith.subi %sign3A_307, %sign3A_310 : i32
      %ne3A_312 = arith.cmpi ne, %sign3A_304, %sign3A_311 : i32
      %rem3A_313 = arith.remsi %jit3A_295, %jit3A_296 : i32
      %ne3A_314 = arith.constant 0 : i32
      %ne3A_315 = arith.cmpi ne, %rem3A_313, %ne3A_314 : i32
      %and3A_316 = arith.andi %ne3A_312, %ne3A_315 : i1
      %sub3A_317 = arith.constant 1 : i32
      %sub3A_318 = arith.subi %div3A_297, %sub3A_317 : i32
      %select_n3A_319 = arith.select %and3A_316, %sub3A_318, %div3A_297 : i32
      %rem3A_320 = arith.constant 2 : i32
      %rem3A_321 = arith.constant 14 : i32
      %rem3A_322 = arith.remsi %rem3A_320, %rem3A_321 : i32
      %jit3A_323 = arith.constant 7 : i32
      %div3A_324 = arith.divsi %rem3A_322, %jit3A_323 : i32
      %sign3A_325 = arith.constant 0 : i32
      %sign3A_326 = arith.cmpi sgt, %rem3A_322, %sign3A_325 : i32
      %sign3A_327 = arith.extui %sign3A_326 : i1 to i32
      %sign3A_328 = arith.constant 0 : i32
      %sign3A_329 = arith.cmpi slt, %rem3A_322, %sign3A_328 : i32
      %sign3A_330 = arith.extui %sign3A_329 : i1 to i32
      %sign3A_331 = arith.subi %sign3A_327, %sign3A_330 : i32
      %sign3A_332 = arith.constant 0 : i32
      %sign3A_333 = arith.cmpi sgt, %jit3A_323, %sign3A_332 : i32
      %sign3A_334 = arith.extui %sign3A_333 : i1 to i32
      %sign3A_335 = arith.constant 0 : i32
      %sign3A_336 = arith.cmpi slt, %jit3A_323, %sign3A_335 : i32
      %sign3A_337 = arith.extui %sign3A_336 : i1 to i32
      %sign3A_338 = arith.subi %sign3A_334, %sign3A_337 : i32
      %ne3A_339 = arith.cmpi ne, %sign3A_331, %sign3A_338 : i32
      %rem3A_340 = arith.remsi %rem3A_322, %jit3A_323 : i32
      %ne3A_341 = arith.constant 0 : i32
      %ne3A_342 = arith.cmpi ne, %rem3A_340, %ne3A_341 : i32
      %and3A_343 = arith.andi %ne3A_339, %ne3A_342 : i1
      %sub3A_344 = arith.constant 1 : i32
      %sub3A_345 = arith.subi %div3A_324, %sub3A_344 : i32
      %select_n3A_346 = arith.select %and3A_343, %sub3A_345, %div3A_324 : i32
      %rem3A_347 = arith.constant 7 : i32
      %rem3A_348 = arith.remsi %rem3A_322, %rem3A_347 : i32
      %rem3A_349 = arith.constant 2 : i32
      %rem3A_350 = arith.constant 4 : i32
      %rem3A_351 = arith.remsi %rem3A_349, %rem3A_350 : i32
      %eq3A_352 = arith.constant 0 : i32
      %eq3A_353 = arith.cmpi eq, %select_n3A_319, %eq3A_352 : i32
      %convert_element_type3A_354 = arith.extui %eq3A_353 : i1 to i32
      %cond3A_355 = arith.constant 0 : i32
      %cond3A_356 = arith.cmpi ne, %convert_element_type3A_354, %cond3A_355 : i32
      scf.if %cond3A_356 {
        %mul3A = arith.constant 1024 : i32
        %mul3A_362 = arith.muli %rem3A_348, %mul3A : i32
        %dma_start3A = arith.constant 0 : i32
        %dma_start3A_363 = tpu.memref_slice %arg9[%rem3A_351, %dma_start3A] : memref<4x2x!tpu.dma_semaphore, #tpu.memory_space<semaphore_mem>> -> memref<1x1x!tpu.dma_semaphore, #tpu.memory_space<semaphore_mem>>
        %dma_start3A_364 = tpu.memref_squeeze %dma_start3A_363 : memref<1x1x!tpu.dma_semaphore, #tpu.memory_space<semaphore_mem>> -> memref<!tpu.dma_semaphore, #tpu.memory_space<semaphore_mem>>
        %dma_start3A_365 = arith.constant 0 : i32
        %dma_start3A_366 = arith.constant 0 : i32
        %dma_start3A_367 = arith.constant 0 : i32
        %dma_start3A_368 = tpu.memref_slice %arg6[%rem3A_351, %dma_start3A_365, %dma_start3A_366, %dma_start3A_367] : memref<4x4x1024x128xf32, #tpu.memory_space<vmem>> -> memref<1x4x1024x128xf32, #tpu.memory_space<vmem>>
        %dma_start3A_369 = tpu.memref_squeeze %dma_start3A_368 : memref<1x4x1024x128xf32, #tpu.memory_space<vmem>> -> memref<4x1024x128xf32, #tpu.memory_space<vmem>>
        %dma_start3A_370 = arith.constant 0 : i32
        %dma_start3A_371 = arith.constant 0 : i32
        %dma_start3A_372 = tpu.memref_slice %arg1[%select_n3A_346, %dma_start3A_370, %mul3A_362, %dma_start3A_371] : memref<2x4x8192x128xf32, #tpu.memory_space<any>> -> memref<1x4x1024x128xf32, #tpu.memory_space<any>>
        %dma_start3A_373 = tpu.memref_squeeze %dma_start3A_372 : memref<1x4x1024x128xf32, #tpu.memory_space<any>> -> memref<4x1024x128xf32, #tpu.memory_space<any>>
        tpu.enqueue_dma source(%dma_start3A_373 : memref<4x1024x128xf32, #tpu.memory_space<any>>) target(%dma_start3A_369 : memref<4x1024x128xf32, #tpu.memory_space<vmem>>) target_semaphore(%dma_start3A_364 : memref<!tpu.dma_semaphore, #tpu.memory_space<semaphore_mem>>)
        %mul3A_374 = arith.constant 1024 : i32
        %mul3A_375 = arith.muli %rem3A_348, %mul3A_374 : i32
        %dma_start3A_376 = arith.constant 1 : i32
        %dma_start3A_377 = tpu.memref_slice %arg9[%rem3A_351, %dma_start3A_376] : memref<4x2x!tpu.dma_semaphore, #tpu.memory_space<semaphore_mem>> -> memref<1x1x!tpu.dma_semaphore, #tpu.memory_space<semaphore_mem>>
        %dma_start3A_378 = tpu.memref_squeeze %dma_start3A_377 : memref<1x1x!tpu.dma_semaphore, #tpu.memory_space<semaphore_mem>> -> memref<!tpu.dma_semaphore, #tpu.memory_space<semaphore_mem>>
        %dma_start3A_379 = arith.constant 0 : i32
        %dma_start3A_380 = arith.constant 0 : i32
        %dma_start3A_381 = tpu.memref_slice %arg7[%rem3A_351, %dma_start3A_379, %dma_start3A_380] : memref<4x1024x128xi32, #tpu.memory_space<vmem>> -> memref<1x1024x128xi32, #tpu.memory_space<vmem>>
        %dma_start3A_382 = tpu.memref_squeeze %dma_start3A_381 : memref<1x1024x128xi32, #tpu.memory_space<vmem>> -> memref<1024x128xi32, #tpu.memory_space<vmem>>
        %dma_start3A_383 = arith.constant 0 : i32
        %dma_start3A_384 = tpu.memref_slice %arg2[%select_n3A_346, %mul3A_375, %dma_start3A_383] : memref<2x8192x128xi32, #tpu.memory_space<any>> -> memref<1x1024x128xi32, #tpu.memory_space<any>>
        %dma_start3A_385 = tpu.memref_squeeze %dma_start3A_384 : memref<1x1024x128xi32, #tpu.memory_space<any>> -> memref<1024x128xi32, #tpu.memory_space<any>>
        tpu.enqueue_dma source(%dma_start3A_385 : memref<1024x128xi32, #tpu.memory_space<any>>) target(%dma_start3A_382 : memref<1024x128xi32, #tpu.memory_space<vmem>>) target_semaphore(%dma_start3A_378 : memref<!tpu.dma_semaphore, #tpu.memory_space<semaphore_mem>>)
      } else {
      }
      %eq3A_357 = arith.constant 1 : i32
      %eq3A_358 = arith.cmpi eq, %select_n3A_319, %eq3A_357 : i32
      %convert_element_type3A_359 = arith.extui %eq3A_358 : i1 to i32
      %cond3A_360 = arith.constant 0 : i32
      %cond3A_361 = arith.cmpi ne, %convert_element_type3A_359, %cond3A_360 : i32
      scf.if %cond3A_361 {
        %mul3A = arith.constant 1024 : i32
        %mul3A_362 = arith.muli %rem3A_348, %mul3A : i32
        %dma_start3A = arith.constant 0 : i32
        %dma_start3A_363 = tpu.memref_slice %arg9[%rem3A_351, %dma_start3A] : memref<4x2x!tpu.dma_semaphore, #tpu.memory_space<semaphore_mem>> -> memref<1x1x!tpu.dma_semaphore, #tpu.memory_space<semaphore_mem>>
        %dma_start3A_364 = tpu.memref_squeeze %dma_start3A_363 : memref<1x1x!tpu.dma_semaphore, #tpu.memory_space<semaphore_mem>> -> memref<!tpu.dma_semaphore, #tpu.memory_space<semaphore_mem>>
        %dma_start3A_365 = arith.constant 0 : i32
        %dma_start3A_366 = arith.constant 0 : i32
        %dma_start3A_367 = arith.constant 0 : i32
        %dma_start3A_368 = tpu.memref_slice %arg6[%rem3A_351, %dma_start3A_365, %dma_start3A_366, %dma_start3A_367] : memref<4x4x1024x128xf32, #tpu.memory_space<vmem>> -> memref<1x4x1024x128xf32, #tpu.memory_space<vmem>>
        %dma_start3A_369 = tpu.memref_squeeze %dma_start3A_368 : memref<1x4x1024x128xf32, #tpu.memory_space<vmem>> -> memref<4x1024x128xf32, #tpu.memory_space<vmem>>
        %dma_start3A_370 = arith.constant 0 : i32
        %dma_start3A_371 = arith.constant 0 : i32
        %dma_start3A_372 = tpu.memref_slice %arg3[%select_n3A_346, %dma_start3A_370, %mul3A_362, %dma_start3A_371] : memref<2x4x8192x128xf32, #tpu.memory_space<any>> -> memref<1x4x1024x128xf32, #tpu.memory_space<any>>
        %dma_start3A_373 = tpu.memref_squeeze %dma_start3A_372 : memref<1x4x1024x128xf32, #tpu.memory_space<any>> -> memref<4x1024x128xf32, #tpu.memory_space<any>>
        tpu.enqueue_dma source(%dma_start3A_373 : memref<4x1024x128xf32, #tpu.memory_space<any>>) target(%dma_start3A_369 : memref<4x1024x128xf32, #tpu.memory_space<vmem>>) target_semaphore(%dma_start3A_364 : memref<!tpu.dma_semaphore, #tpu.memory_space<semaphore_mem>>)
        %mul3A_374 = arith.constant 1024 : i32
        %mul3A_375 = arith.muli %rem3A_348, %mul3A_374 : i32
        %dma_start3A_376 = arith.constant 1 : i32
        %dma_start3A_377 = tpu.memref_slice %arg9[%rem3A_351, %dma_start3A_376] : memref<4x2x!tpu.dma_semaphore, #tpu.memory_space<semaphore_mem>> -> memref<1x1x!tpu.dma_semaphore, #tpu.memory_space<semaphore_mem>>
        %dma_start3A_378 = tpu.memref_squeeze %dma_start3A_377 : memref<1x1x!tpu.dma_semaphore, #tpu.memory_space<semaphore_mem>> -> memref<!tpu.dma_semaphore, #tpu.memory_space<semaphore_mem>>
        %dma_start3A_379 = arith.constant 0 : i32
        %dma_start3A_380 = arith.constant 0 : i32
        %dma_start3A_381 = tpu.memref_slice %arg7[%rem3A_351, %dma_start3A_379, %dma_start3A_380] : memref<4x1024x128xi32, #tpu.memory_space<vmem>> -> memref<1x1024x128xi32, #tpu.memory_space<vmem>>
        %dma_start3A_382 = tpu.memref_squeeze %dma_start3A_381 : memref<1x1024x128xi32, #tpu.memory_space<vmem>> -> memref<1024x128xi32, #tpu.memory_space<vmem>>
        %dma_start3A_383 = arith.constant 0 : i32
        %dma_start3A_384 = tpu.memref_slice %arg4[%select_n3A_346, %mul3A_375, %dma_start3A_383] : memref<2x8192x128xi32, #tpu.memory_space<any>> -> memref<1x1024x128xi32, #tpu.memory_space<any>>
        %dma_start3A_385 = tpu.memref_squeeze %dma_start3A_384 : memref<1x1024x128xi32, #tpu.memory_space<any>> -> memref<1024x128xi32, #tpu.memory_space<any>>
        tpu.enqueue_dma source(%dma_start3A_385 : memref<1024x128xi32, #tpu.memory_space<any>>) target(%dma_start3A_382 : memref<1024x128xi32, #tpu.memory_space<vmem>>) target_semaphore(%dma_start3A_378 : memref<!tpu.dma_semaphore, #tpu.memory_space<semaphore_mem>>)
      } else {
      }
    } else {
    }
    %add3A = arith.constant 4 : i32
    %add3A_2 = arith.addi %arg0, %add3A : i32
    %sub3A = arith.constant 1 : i32
    %sub3A_3 = arith.subi %add3A_2, %sub3A : i32
    %lt3A = arith.constant 28 : i32
    %lt3A_4 = arith.cmpi slt, %sub3A_3, %lt3A : i32
    %convert_element_type3A_5 = arith.extui %lt3A_4 : i1 to i32
    %cond3A_6 = arith.constant 0 : i32
    %cond3A_7 = arith.cmpi ne, %convert_element_type3A_5, %cond3A_6 : i32
    scf.if %cond3A_7 {
      %add3A_153 = arith.constant 4 : i32
      %add3A_154 = arith.addi %arg0, %add3A_153 : i32
      %sub3A_155 = arith.constant 1 : i32
      %sub3A_156 = arith.subi %add3A_154, %sub3A_155 : i32
      %jit3A_157 = arith.constant 14 : i32
      %div3A_158 = arith.divsi %sub3A_156, %jit3A_157 : i32
      %sign3A_159 = arith.constant 0 : i32
      %sign3A_160 = arith.cmpi sgt, %sub3A_156, %sign3A_159 : i32
      %sign3A_161 = arith.extui %sign3A_160 : i1 to i32
      %sign3A_162 = arith.constant 0 : i32
      %sign3A_163 = arith.cmpi slt, %sub3A_156, %sign3A_162 : i32
      %sign3A_164 = arith.extui %sign3A_163 : i1 to i32
      %sign3A_165 = arith.subi %sign3A_161, %sign3A_164 : i32
      %sign3A_166 = arith.constant 0 : i32
      %sign3A_167 = arith.cmpi sgt, %jit3A_157, %sign3A_166 : i32
      %sign3A_168 = arith.extui %sign3A_167 : i1 to i32
      %sign3A_169 = arith.constant 0 : i32
      %sign3A_170 = arith.cmpi slt, %jit3A_157, %sign3A_169 : i32
      %sign3A_171 = arith.extui %sign3A_170 : i1 to i32
      %sign3A_172 = arith.subi %sign3A_168, %sign3A_171 : i32
      %ne3A_173 = arith.cmpi ne, %sign3A_165, %sign3A_172 : i32
      %rem3A_174 = arith.remsi %sub3A_156, %jit3A_157 : i32
      %ne3A_175 = arith.constant 0 : i32
      %ne3A_176 = arith.cmpi ne, %rem3A_174, %ne3A_175 : i32
      %and3A_177 = arith.andi %ne3A_173, %ne3A_176 : i1
      %sub3A_178 = arith.constant 1 : i32
      %sub3A_179 = arith.subi %div3A_158, %sub3A_178 : i32
      %select_n3A_180 = arith.select %and3A_177, %sub3A_179, %div3A_158 : i32
      %rem3A_181 = arith.constant 14 : i32
      %rem3A_182 = arith.remsi %sub3A_156, %rem3A_181 : i32
      %jit3A_183 = arith.constant 7 : i32
      %div3A_184 = arith.divsi %rem3A_182, %jit3A_183 : i32
      %sign3A_185 = arith.constant 0 : i32
      %sign3A_186 = arith.cmpi sgt, %rem3A_182, %sign3A_185 : i32
      %sign3A_187 = arith.extui %sign3A_186 : i1 to i32
      %sign3A_188 = arith.constant 0 : i32
      %sign3A_189 = arith.cmpi slt, %rem3A_182, %sign3A_188 : i32
      %sign3A_190 = arith.extui %sign3A_189 : i1 to i32
      %sign3A_191 = arith.subi %sign3A_187, %sign3A_190 : i32
      %sign3A_192 = arith.constant 0 : i32
      %sign3A_193 = arith.cmpi sgt, %jit3A_183, %sign3A_192 : i32
      %sign3A_194 = arith.extui %sign3A_193 : i1 to i32
      %sign3A_195 = arith.constant 0 : i32
      %sign3A_196 = arith.cmpi slt, %jit3A_183, %sign3A_195 : i32
      %sign3A_197 = arith.extui %sign3A_196 : i1 to i32
      %sign3A_198 = arith.subi %sign3A_194, %sign3A_197 : i32
      %ne3A_199 = arith.cmpi ne, %sign3A_191, %sign3A_198 : i32
      %rem3A_200 = arith.remsi %rem3A_182, %jit3A_183 : i32
      %ne3A_201 = arith.constant 0 : i32
      %ne3A_202 = arith.cmpi ne, %rem3A_200, %ne3A_201 : i32
      %and3A_203 = arith.andi %ne3A_199, %ne3A_202 : i1
      %sub3A_204 = arith.constant 1 : i32
      %sub3A_205 = arith.subi %div3A_184, %sub3A_204 : i32
      %select_n3A_206 = arith.select %and3A_203, %sub3A_205, %div3A_184 : i32
      %rem3A_207 = arith.constant 7 : i32
      %rem3A_208 = arith.remsi %rem3A_182, %rem3A_207 : i32
      %rem3A_209 = arith.constant 4 : i32
      %rem3A_210 = arith.remsi %sub3A_156, %rem3A_209 : i32
      %eq3A_211 = arith.constant 0 : i32
      %eq3A_212 = arith.cmpi eq, %select_n3A_180, %eq3A_211 : i32
      %convert_element_type3A_213 = arith.extui %eq3A_212 : i1 to i32
      %cond3A_214 = arith.constant 0 : i32
      %cond3A_215 = arith.cmpi ne, %convert_element_type3A_213, %cond3A_214 : i32
      scf.if %cond3A_215 {
        %mul3A = arith.constant 1024 : i32
        %mul3A_221 = arith.muli %rem3A_208, %mul3A : i32
        %dma_start3A = arith.constant 0 : i32
        %dma_start3A_222 = tpu.memref_slice %arg9[%rem3A_210, %dma_start3A] : memref<4x2x!tpu.dma_semaphore, #tpu.memory_space<semaphore_mem>> -> memref<1x1x!tpu.dma_semaphore, #tpu.memory_space<semaphore_mem>>
        %dma_start3A_223 = tpu.memref_squeeze %dma_start3A_222 : memref<1x1x!tpu.dma_semaphore, #tpu.memory_space<semaphore_mem>> -> memref<!tpu.dma_semaphore, #tpu.memory_space<semaphore_mem>>
        %dma_start3A_224 = arith.constant 0 : i32
        %dma_start3A_225 = arith.constant 0 : i32
        %dma_start3A_226 = arith.constant 0 : i32
        %dma_start3A_227 = tpu.memref_slice %arg6[%rem3A_210, %dma_start3A_224, %dma_start3A_225, %dma_start3A_226] : memref<4x4x1024x128xf32, #tpu.memory_space<vmem>> -> memref<1x4x1024x128xf32, #tpu.memory_space<vmem>>
        %dma_start3A_228 = tpu.memref_squeeze %dma_start3A_227 : memref<1x4x1024x128xf32, #tpu.memory_space<vmem>> -> memref<4x1024x128xf32, #tpu.memory_space<vmem>>
        %dma_start3A_229 = arith.constant 0 : i32
        %dma_start3A_230 = arith.constant 0 : i32
        %dma_start3A_231 = tpu.memref_slice %arg1[%select_n3A_206, %dma_start3A_229, %mul3A_221, %dma_start3A_230] : memref<2x4x8192x128xf32, #tpu.memory_space<any>> -> memref<1x4x1024x128xf32, #tpu.memory_space<any>>
        %dma_start3A_232 = tpu.memref_squeeze %dma_start3A_231 : memref<1x4x1024x128xf32, #tpu.memory_space<any>> -> memref<4x1024x128xf32, #tpu.memory_space<any>>
        tpu.enqueue_dma source(%dma_start3A_232 : memref<4x1024x128xf32, #tpu.memory_space<any>>) target(%dma_start3A_228 : memref<4x1024x128xf32, #tpu.memory_space<vmem>>) target_semaphore(%dma_start3A_223 : memref<!tpu.dma_semaphore, #tpu.memory_space<semaphore_mem>>)
        %mul3A_233 = arith.constant 1024 : i32
        %mul3A_234 = arith.muli %rem3A_208, %mul3A_233 : i32
        %dma_start3A_235 = arith.constant 1 : i32
        %dma_start3A_236 = tpu.memref_slice %arg9[%rem3A_210, %dma_start3A_235] : memref<4x2x!tpu.dma_semaphore, #tpu.memory_space<semaphore_mem>> -> memref<1x1x!tpu.dma_semaphore, #tpu.memory_space<semaphore_mem>>
        %dma_start3A_237 = tpu.memref_squeeze %dma_start3A_236 : memref<1x1x!tpu.dma_semaphore, #tpu.memory_space<semaphore_mem>> -> memref<!tpu.dma_semaphore, #tpu.memory_space<semaphore_mem>>
        %dma_start3A_238 = arith.constant 0 : i32
        %dma_start3A_239 = arith.constant 0 : i32
        %dma_start3A_240 = tpu.memref_slice %arg7[%rem3A_210, %dma_start3A_238, %dma_start3A_239] : memref<4x1024x128xi32, #tpu.memory_space<vmem>> -> memref<1x1024x128xi32, #tpu.memory_space<vmem>>
        %dma_start3A_241 = tpu.memref_squeeze %dma_start3A_240 : memref<1x1024x128xi32, #tpu.memory_space<vmem>> -> memref<1024x128xi32, #tpu.memory_space<vmem>>
        %dma_start3A_242 = arith.constant 0 : i32
        %dma_start3A_243 = tpu.memref_slice %arg2[%select_n3A_206, %mul3A_234, %dma_start3A_242] : memref<2x8192x128xi32, #tpu.memory_space<any>> -> memref<1x1024x128xi32, #tpu.memory_space<any>>
        %dma_start3A_244 = tpu.memref_squeeze %dma_start3A_243 : memref<1x1024x128xi32, #tpu.memory_space<any>> -> memref<1024x128xi32, #tpu.memory_space<any>>
        tpu.enqueue_dma source(%dma_start3A_244 : memref<1024x128xi32, #tpu.memory_space<any>>) target(%dma_start3A_241 : memref<1024x128xi32, #tpu.memory_space<vmem>>) target_semaphore(%dma_start3A_237 : memref<!tpu.dma_semaphore, #tpu.memory_space<semaphore_mem>>)
      } else {
      }
      %eq3A_216 = arith.constant 1 : i32
      %eq3A_217 = arith.cmpi eq, %select_n3A_180, %eq3A_216 : i32
      %convert_element_type3A_218 = arith.extui %eq3A_217 : i1 to i32
      %cond3A_219 = arith.constant 0 : i32
      %cond3A_220 = arith.cmpi ne, %convert_element_type3A_218, %cond3A_219 : i32
      scf.if %cond3A_220 {
        %mul3A = arith.constant 1024 : i32
        %mul3A_221 = arith.muli %rem3A_208, %mul3A : i32
        %dma_start3A = arith.constant 0 : i32
        %dma_start3A_222 = tpu.memref_slice %arg9[%rem3A_210, %dma_start3A] : memref<4x2x!tpu.dma_semaphore, #tpu.memory_space<semaphore_mem>> -> memref<1x1x!tpu.dma_semaphore, #tpu.memory_space<semaphore_mem>>
        %dma_start3A_223 = tpu.memref_squeeze %dma_start3A_222 : memref<1x1x!tpu.dma_semaphore, #tpu.memory_space<semaphore_mem>> -> memref<!tpu.dma_semaphore, #tpu.memory_space<semaphore_mem>>
        %dma_start3A_224 = arith.constant 0 : i32
        %dma_start3A_225 = arith.constant 0 : i32
        %dma_start3A_226 = arith.constant 0 : i32
        %dma_start3A_227 = tpu.memref_slice %arg6[%rem3A_210, %dma_start3A_224, %dma_start3A_225, %dma_start3A_226] : memref<4x4x1024x128xf32, #tpu.memory_space<vmem>> -> memref<1x4x1024x128xf32, #tpu.memory_space<vmem>>
        %dma_start3A_228 = tpu.memref_squeeze %dma_start3A_227 : memref<1x4x1024x128xf32, #tpu.memory_space<vmem>> -> memref<4x1024x128xf32, #tpu.memory_space<vmem>>
        %dma_start3A_229 = arith.constant 0 : i32
        %dma_start3A_230 = arith.constant 0 : i32
        %dma_start3A_231 = tpu.memref_slice %arg3[%select_n3A_206, %dma_start3A_229, %mul3A_221, %dma_start3A_230] : memref<2x4x8192x128xf32, #tpu.memory_space<any>> -> memref<1x4x1024x128xf32, #tpu.memory_space<any>>
        %dma_start3A_232 = tpu.memref_squeeze %dma_start3A_231 : memref<1x4x1024x128xf32, #tpu.memory_space<any>> -> memref<4x1024x128xf32, #tpu.memory_space<any>>
        tpu.enqueue_dma source(%dma_start3A_232 : memref<4x1024x128xf32, #tpu.memory_space<any>>) target(%dma_start3A_228 : memref<4x1024x128xf32, #tpu.memory_space<vmem>>) target_semaphore(%dma_start3A_223 : memref<!tpu.dma_semaphore, #tpu.memory_space<semaphore_mem>>)
        %mul3A_233 = arith.constant 1024 : i32
        %mul3A_234 = arith.muli %rem3A_208, %mul3A_233 : i32
        %dma_start3A_235 = arith.constant 1 : i32
        %dma_start3A_236 = tpu.memref_slice %arg9[%rem3A_210, %dma_start3A_235] : memref<4x2x!tpu.dma_semaphore, #tpu.memory_space<semaphore_mem>> -> memref<1x1x!tpu.dma_semaphore, #tpu.memory_space<semaphore_mem>>
        %dma_start3A_237 = tpu.memref_squeeze %dma_start3A_236 : memref<1x1x!tpu.dma_semaphore, #tpu.memory_space<semaphore_mem>> -> memref<!tpu.dma_semaphore, #tpu.memory_space<semaphore_mem>>
        %dma_start3A_238 = arith.constant 0 : i32
        %dma_start3A_239 = arith.constant 0 : i32
        %dma_start3A_240 = tpu.memref_slice %arg7[%rem3A_210, %dma_start3A_238, %dma_start3A_239] : memref<4x1024x128xi32, #tpu.memory_space<vmem>> -> memref<1x1024x128xi32, #tpu.memory_space<vmem>>
        %dma_start3A_241 = tpu.memref_squeeze %dma_start3A_240 : memref<1x1024x128xi32, #tpu.memory_space<vmem>> -> memref<1024x128xi32, #tpu.memory_space<vmem>>
        %dma_start3A_242 = arith.constant 0 : i32
        %dma_start3A_243 = tpu.memref_slice %arg4[%select_n3A_206, %mul3A_234, %dma_start3A_242] : memref<2x8192x128xi32, #tpu.memory_space<any>> -> memref<1x1024x128xi32, #tpu.memory_space<any>>
        %dma_start3A_244 = tpu.memref_squeeze %dma_start3A_243 : memref<1x1024x128xi32, #tpu.memory_space<any>> -> memref<1024x128xi32, #tpu.memory_space<any>>
        tpu.enqueue_dma source(%dma_start3A_244 : memref<1024x128xi32, #tpu.memory_space<any>>) target(%dma_start3A_241 : memref<1024x128xi32, #tpu.memory_space<vmem>>) target_semaphore(%dma_start3A_237 : memref<!tpu.dma_semaphore, #tpu.memory_space<semaphore_mem>>)
      } else {
      }
    } else {
    }
    %rem3A = arith.constant 4 : i32
    %rem3A_8 = arith.remsi %arg0, %rem3A : i32
    %dma_wait3A = arith.constant 0 : i32
    %dma_wait3A_9 = arith.constant 0 : i32
    %dma_wait3A_10 = tpu.memref_slice %arg9[%rem3A_8, %dma_wait3A_9] : memref<4x2x!tpu.dma_semaphore, #tpu.memory_space<semaphore_mem>> -> memref<1x1x!tpu.dma_semaphore, #tpu.memory_space<semaphore_mem>>
    %dma_wait3A_11 = tpu.memref_squeeze %dma_wait3A_10 : memref<1x1x!tpu.dma_semaphore, #tpu.memory_space<semaphore_mem>> -> memref<!tpu.dma_semaphore, #tpu.memory_space<semaphore_mem>>
    %dma_wait3A_12 = arith.constant 0 : i32
    %dma_wait3A_13 = arith.constant 0 : i32
    %dma_wait3A_14 = arith.constant 0 : i32
    %dma_wait3A_15 = tpu.memref_slice %arg6[%rem3A_8, %dma_wait3A_12, %dma_wait3A_13, %dma_wait3A_14] : memref<4x4x1024x128xf32, #tpu.memory_space<vmem>> -> memref<1x4x1024x128xf32, #tpu.memory_space<vmem>>
    %dma_wait3A_16 = tpu.memref_squeeze %dma_wait3A_15 : memref<1x4x1024x128xf32, #tpu.memory_space<vmem>> -> memref<4x1024x128xf32, #tpu.memory_space<vmem>>
    %dma_wait3A_17 = arith.constant 0 : i32
    %dma_wait3A_18 = arith.constant 0 : i32
    %dma_wait3A_19 = arith.constant 0 : i32
    %dma_wait3A_20 = tpu.memref_slice %arg1[%dma_wait3A, %dma_wait3A_17, %dma_wait3A_18, %dma_wait3A_19] : memref<2x4x8192x128xf32, #tpu.memory_space<any>> -> memref<1x4x1024x128xf32, #tpu.memory_space<any>>
    %dma_wait3A_21 = tpu.memref_squeeze %dma_wait3A_20 : memref<1x4x1024x128xf32, #tpu.memory_space<any>> -> memref<4x1024x128xf32, #tpu.memory_space<any>>
    tpu.wait_dma2 semaphore(%dma_wait3A_11 : memref<!tpu.dma_semaphore, #tpu.memory_space<semaphore_mem>>) src(%dma_wait3A_21 : memref<4x1024x128xf32, #tpu.memory_space<any>>) dst(%dma_wait3A_16 : memref<4x1024x128xf32, #tpu.memory_space<vmem>>)
    %dma_wait3A_22 = arith.constant 0 : i32
    %dma_wait3A_23 = arith.constant 1 : i32
    %dma_wait3A_24 = tpu.memref_slice %arg9[%rem3A_8, %dma_wait3A_23] : memref<4x2x!tpu.dma_semaphore, #tpu.memory_space<semaphore_mem>> -> memref<1x1x!tpu.dma_semaphore, #tpu.memory_space<semaphore_mem>>
    %dma_wait3A_25 = tpu.memref_squeeze %dma_wait3A_24 : memref<1x1x!tpu.dma_semaphore, #tpu.memory_space<semaphore_mem>> -> memref<!tpu.dma_semaphore, #tpu.memory_space<semaphore_mem>>
    %dma_wait3A_26 = arith.constant 0 : i32
    %dma_wait3A_27 = arith.constant 0 : i32
    %dma_wait3A_28 = tpu.memref_slice %arg7[%rem3A_8, %dma_wait3A_26, %dma_wait3A_27] : memref<4x1024x128xi32, #tpu.memory_space<vmem>> -> memref<1x1024x128xi32, #tpu.memory_space<vmem>>
    %dma_wait3A_29 = tpu.memref_squeeze %dma_wait3A_28 : memref<1x1024x128xi32, #tpu.memory_space<vmem>> -> memref<1024x128xi32, #tpu.memory_space<vmem>>
    %dma_wait3A_30 = arith.constant 0 : i32
    %dma_wait3A_31 = arith.constant 0 : i32
    %dma_wait3A_32 = tpu.memref_slice %arg2[%dma_wait3A_22, %dma_wait3A_30, %dma_wait3A_31] : memref<2x8192x128xi32, #tpu.memory_space<any>> -> memref<1x1024x128xi32, #tpu.memory_space<any>>
    %dma_wait3A_33 = tpu.memref_squeeze %dma_wait3A_32 : memref<1x1024x128xi32, #tpu.memory_space<any>> -> memref<1024x128xi32, #tpu.memory_space<any>>
    tpu.wait_dma2 semaphore(%dma_wait3A_25 : memref<!tpu.dma_semaphore, #tpu.memory_space<semaphore_mem>>) src(%dma_wait3A_33 : memref<1024x128xi32, #tpu.memory_space<any>>) dst(%dma_wait3A_29 : memref<1024x128xi32, #tpu.memory_space<vmem>>)
    %jit3A = arith.constant 14 : i32
    %div3A = arith.divsi %arg0, %jit3A : i32
    %sign3A = arith.constant 0 : i32
    %sign3A_34 = arith.cmpi sgt, %arg0, %sign3A : i32
    %sign3A_35 = arith.extui %sign3A_34 : i1 to i32
    %sign3A_36 = arith.constant 0 : i32
    %sign3A_37 = arith.cmpi slt, %arg0, %sign3A_36 : i32
    %sign3A_38 = arith.extui %sign3A_37 : i1 to i32
    %sign3A_39 = arith.subi %sign3A_35, %sign3A_38 : i32
    %sign3A_40 = arith.constant 0 : i32
    %sign3A_41 = arith.cmpi sgt, %jit3A, %sign3A_40 : i32
    %sign3A_42 = arith.extui %sign3A_41 : i1 to i32
    %sign3A_43 = arith.constant 0 : i32
    %sign3A_44 = arith.cmpi slt, %jit3A, %sign3A_43 : i32
    %sign3A_45 = arith.extui %sign3A_44 : i1 to i32
    %sign3A_46 = arith.subi %sign3A_42, %sign3A_45 : i32
    %ne3A = arith.cmpi ne, %sign3A_39, %sign3A_46 : i32
    %rem3A_47 = arith.remsi %arg0, %jit3A : i32
    %ne3A_48 = arith.constant 0 : i32
    %ne3A_49 = arith.cmpi ne, %rem3A_47, %ne3A_48 : i32
    %and3A = arith.andi %ne3A, %ne3A_49 : i1
    %sub3A_50 = arith.constant 1 : i32
    %sub3A_51 = arith.subi %div3A, %sub3A_50 : i32
    %select_n3A = arith.select %and3A, %sub3A_51, %div3A : i32
    %rem3A_52 = arith.constant 14 : i32
    %rem3A_53 = arith.remsi %arg0, %rem3A_52 : i32
    %jit3A_54 = arith.constant 7 : i32
    %div3A_55 = arith.divsi %rem3A_53, %jit3A_54 : i32
    %sign3A_56 = arith.constant 0 : i32
    %sign3A_57 = arith.cmpi sgt, %rem3A_53, %sign3A_56 : i32
    %sign3A_58 = arith.extui %sign3A_57 : i1 to i32
    %sign3A_59 = arith.constant 0 : i32
    %sign3A_60 = arith.cmpi slt, %rem3A_53, %sign3A_59 : i32
    %sign3A_61 = arith.extui %sign3A_60 : i1 to i32
    %sign3A_62 = arith.subi %sign3A_58, %sign3A_61 : i32
    %sign3A_63 = arith.constant 0 : i32
    %sign3A_64 = arith.cmpi sgt, %jit3A_54, %sign3A_63 : i32
    %sign3A_65 = arith.extui %sign3A_64 : i1 to i32
    %sign3A_66 = arith.constant 0 : i32
    %sign3A_67 = arith.cmpi slt, %jit3A_54, %sign3A_66 : i32
    %sign3A_68 = arith.extui %sign3A_67 : i1 to i32
    %sign3A_69 = arith.subi %sign3A_65, %sign3A_68 : i32
    %ne3A_70 = arith.cmpi ne, %sign3A_62, %sign3A_69 : i32
    %rem3A_71 = arith.remsi %rem3A_53, %jit3A_54 : i32
    %ne3A_72 = arith.constant 0 : i32
    %ne3A_73 = arith.cmpi ne, %rem3A_71, %ne3A_72 : i32
    %and3A_74 = arith.andi %ne3A_70, %ne3A_73 : i1
    %sub3A_75 = arith.constant 1 : i32
    %sub3A_76 = arith.subi %div3A_55, %sub3A_75 : i32
    %select_n3A_77 = arith.select %and3A_74, %sub3A_76, %div3A_55 : i32
    %get3A = arith.index_cast %rem3A_8 : i32 to index
    %get3A_78 = arith.constant 0 : index
    %get3A_79 = arith.constant 0 : index
    %get3A_80 = arith.constant 0 : index
    %get3A_81 = vector.load %arg6[%get3A, %get3A_78, %get3A_79, %get3A_80] : memref<4x4x1024x128xf32, #tpu.memory_space<vmem>>, vector<1x4x1024x128xf32>
    %get3A_82 = vector.shape_cast %get3A_81 : vector<1x4x1024x128xf32> to vector<4x1024x128xf32>
    %get3A_83 = arith.index_cast %rem3A_8 : i32 to index
    %get3A_84 = arith.constant 0 : index
    %get3A_85 = arith.constant 0 : index
    %get3A_86 = vector.load %arg7[%get3A_83, %get3A_84, %get3A_85] : memref<4x1024x128xi32, #tpu.memory_space<vmem>>, vector<1x1024x128xi32>
    %get3A_87 = vector.shape_cast %get3A_86 : vector<1x1024x128xi32> to vector<1024x128xi32>
    %iota3A = tpu.iota {dimensions = array<i32: 0>} : vector<4x1x1xi32>
    %broadcast_in_dim3A = vector.shape_cast %get3A_87 : vector<1024x128xi32> to vector<1x1024x128xi32>
    %eq3A_88 = vector.broadcast %broadcast_in_dim3A : vector<1x1024x128xi32> to vector<4x1024x128xi32>
    %eq3A_89 = vector.broadcast %iota3A : vector<4x1x1xi32> to vector<4x1024x128xi32>
    %eq3A_90 = arith.cmpi eq, %eq3A_88, %eq3A_89 : vector<4x1024x128xi32>
    %get3A_91 = arith.constant 0 : index
    %get3A_92 = arith.index_cast %select_n3A : i32 to index
    %get3A_93 = arith.index_cast %select_n3A_77 : i32 to index
    %get3A_94 = arith.constant 0 : index
    %get3A_95 = arith.constant 0 : index
    %get3A_96 = vector.load %arg8[%get3A_91, %get3A_92, %get3A_93, %get3A_94, %get3A_95] : memref<3x2x2x4x128xf32, #tpu.memory_space<vmem>>, vector<1x1x1x4x128xf32>
    %get3A_97 = vector.shape_cast %get3A_96 : vector<1x1x1x4x128xf32> to vector<4x128xf32>
    %reduce_sum3A = arith.constant dense<0.000000e+00> : vector<4x128xf32>
    %reduce_sum3A_98 = vector.multi_reduction <add>, %get3A_82, %reduce_sum3A [1] : vector<4x1024x128xf32> to vector<4x128xf32>
    %add3A_99 = arith.addf %get3A_97, %reduce_sum3A_98 : vector<4x128xf32>
    %swap3A = arith.constant 0 : index
    %swap3A_100 = arith.index_cast %select_n3A : i32 to index
    %swap3A_101 = arith.index_cast %select_n3A_77 : i32 to index
    %swap3A_102 = arith.constant 0 : index
    %swap3A_103 = arith.constant 0 : index
    %swap3A_104 = vector.load %arg8[%swap3A, %swap3A_100, %swap3A_101, %swap3A_102, %swap3A_103] : memref<3x2x2x4x128xf32, #tpu.memory_space<vmem>>, vector<1x1x1x4x128xf32>
    %swap3A_105 = vector.shape_cast %swap3A_104 : vector<1x1x1x4x128xf32> to vector<4x128xf32>
    %swap3A_106 = vector.shape_cast %add3A_99 : vector<4x128xf32> to vector<1x1x1x4x128xf32>
    tpu.vector_store %arg8[%swap3A, %swap3A_100, %swap3A_101, %swap3A_102, %swap3A_103], %swap3A_106 {strides = array<i32>} : memref<3x2x2x4x128xf32, #tpu.memory_space<vmem>>, vector<1x1x1x4x128xf32>,
    %get3A_107 = arith.constant 1 : index
    %get3A_108 = arith.index_cast %select_n3A : i32 to index
    %get3A_109 = arith.index_cast %select_n3A_77 : i32 to index
    %get3A_110 = arith.constant 0 : index
    %get3A_111 = arith.constant 0 : index
    %get3A_112 = vector.load %arg8[%get3A_107, %get3A_108, %get3A_109, %get3A_110, %get3A_111] : memref<3x2x2x4x128xf32, #tpu.memory_space<vmem>>, vector<1x1x1x4x128xf32>
    %get3A_113 = vector.shape_cast %get3A_112 : vector<1x1x1x4x128xf32> to vector<4x128xf32>
    %jit3A_114 = arith.constant 0.000000e+00 : f32
    %broadcast_in_dim3A_115 = vector.broadcast %jit3A_114 : f32 to vector<4x1024x128xf32>
    %select_n3A_116 = arith.select %eq3A_90, %get3A_82, %broadcast_in_dim3A_115 : vector<4x1024x128xi1>, vector<4x1024x128xf32>
    %reduce_sum3A_117 = arith.constant dense<0.000000e+00> : vector<4x128xf32>
    %reduce_sum3A_118 = vector.multi_reduction <add>, %select_n3A_116, %reduce_sum3A_117 [1] : vector<4x1024x128xf32> to vector<4x128xf32>
    %add3A_119 = arith.addf %get3A_113, %reduce_sum3A_118 : vector<4x128xf32>
    %swap3A_120 = arith.constant 1 : index
    %swap3A_121 = arith.index_cast %select_n3A : i32 to index
    %swap3A_122 = arith.index_cast %select_n3A_77 : i32 to index
    %swap3A_123 = arith.constant 0 : index
    %swap3A_124 = arith.constant 0 : index
    %swap3A_125 = vector.load %arg8[%swap3A_120, %swap3A_121, %swap3A_122, %swap3A_123, %swap3A_124] : memref<3x2x2x4x128xf32, #tpu.memory_space<vmem>>, vector<1x1x1x4x128xf32>
    %swap3A_126 = vector.shape_cast %swap3A_125 : vector<1x1x1x4x128xf32> to vector<4x128xf32>
    %swap3A_127 = vector.shape_cast %add3A_119 : vector<4x128xf32> to vector<1x1x1x4x128xf32>
    tpu.vector_store %arg8[%swap3A_120, %swap3A_121, %swap3A_122, %swap3A_123, %swap3A_124], %swap3A_127 {strides = array<i32>} : memref<3x2x2x4x128xf32, #tpu.memory_space<vmem>>, vector<1x1x1x4x128xf32>,
    %get3A_128 = arith.constant 2 : index
    %get3A_129 = arith.index_cast %select_n3A : i32 to index
    %get3A_130 = arith.index_cast %select_n3A_77 : i32 to index
    %get3A_131 = arith.constant 0 : index
    %get3A_132 = arith.constant 0 : index
    %get3A_133 = vector.load %arg8[%get3A_128, %get3A_129, %get3A_130, %get3A_131, %get3A_132] : memref<3x2x2x4x128xf32, #tpu.memory_space<vmem>>, vector<1x1x1x4x128xf32>
    %get3A_134 = vector.shape_cast %get3A_133 : vector<1x1x1x4x128xf32> to vector<4x128xf32>
    %convert_element_type3A_135 = arith.extui %eq3A_90 : vector<4x1024x128xi1> to vector<4x1024x128xi32>
    %convert_element_type3A_136 = arith.sitofp %convert_element_type3A_135 : vector<4x1024x128xi32> to vector<4x1024x128xf32>
    %reduce_sum3A_137 = arith.constant dense<0.000000e+00> : vector<4x128xf32>
    %reduce_sum3A_138 = vector.multi_reduction <add>, %convert_element_type3A_136, %reduce_sum3A_137 [1] : vector<4x1024x128xf32> to vector<4x128xf32>
    %add3A_139 = arith.addf %get3A_134, %reduce_sum3A_138 : vector<4x128xf32>
    %swap3A_140 = arith.constant 2 : index
    %swap3A_141 = arith.index_cast %select_n3A : i32 to index
    %swap3A_142 = arith.index_cast %select_n3A_77 : i32 to index
    %swap3A_143 = arith.constant 0 : index
    %swap3A_144 = arith.constant 0 : index
    %swap3A_145 = vector.load %arg8[%swap3A_140, %swap3A_141, %swap3A_142, %swap3A_143, %swap3A_144] : memref<3x2x2x4x128xf32, #tpu.memory_space<vmem>>, vector<1x1x1x4x128xf32>
    %swap3A_146 = vector.shape_cast %swap3A_145 : vector<1x1x1x4x128xf32> to vector<4x128xf32>
    %swap3A_147 = vector.shape_cast %add3A_139 : vector<4x128xf32> to vector<1x1x1x4x128xf32>
    tpu.vector_store %arg8[%swap3A_140, %swap3A_141, %swap3A_142, %swap3A_143, %swap3A_144], %swap3A_147 {strides = array<i32>} : memref<3x2x2x4x128xf32, #tpu.memory_space<vmem>>, vector<1x1x1x4x128xf32>,
    %eq3A_148 = arith.constant 27 : i32
    %eq3A_149 = arith.cmpi eq, %arg0, %eq3A_148 : i32
    %convert_element_type3A_150 = arith.extui %eq3A_149 : i1 to i32
    %cond3A_151 = arith.constant 0 : i32
    %cond3A_152 = arith.cmpi ne, %convert_element_type3A_150, %cond3A_151 : i32
    scf.if %cond3A_152 {
      %get3A_153 = arith.constant 0 : index
      %get3A_154 = arith.constant 0 : index
      %get3A_155 = arith.constant 0 : index
      %get3A_156 = arith.constant 0 : index
      %get3A_157 = arith.constant 0 : index
      %get3A_158 = vector.load %arg8[%get3A_153, %get3A_154, %get3A_155, %get3A_156, %get3A_157] : memref<3x2x2x4x128xf32, #tpu.memory_space<vmem>>, vector<3x2x2x4x128xf32>
      %reduce_sum3A_159 = arith.constant dense<0.000000e+00> : vector<3x2x2x4xf32>
      %reduce_sum3A_160 = vector.multi_reduction <add>, %get3A_158, %reduce_sum3A_159 [4] : vector<3x2x2x4x128xf32> to vector<3x2x2x4xf32>
      %swap3A_161 = arith.constant 0 : index
      %swap3A_162 = arith.constant 0 : index
      %swap3A_163 = arith.constant 0 : index
      %swap3A_164 = arith.constant 0 : index
      %swap3A_165 = vector.load %arg5[%swap3A_161, %swap3A_162, %swap3A_163, %swap3A_164] : memref<3x2x2x4xf32, #tpu.memory_space<vmem>>, vector<3x2x2x4xf32>
      tpu.vector_store %arg5[%swap3A_161, %swap3A_162, %swap3A_163, %swap3A_164], %reduce_sum3A_160 {strides = array<i32>} : memref<3x2x2x4xf32, #tpu.memory_space<vmem>>, vector<3x2x2x4xf32>,
    } else {
    }
    return
  }
  func.func @transform_4(%arg0: i32) -> (i32, i32, i32, i32) {
    %c0_i32 = arith.constant 0 : i32
    %c0_i32_0 = arith.constant 0 : i32
    %c0_i32_1 = arith.constant 0 : i32
    %c0_i32_2 = arith.constant 0 : i32
    %c0_i32_3 = arith.constant 0 : i32
    return %c0_i32, %c0_i32_0, %c0_i32_1, %c0_i32_2 : i32, i32, i32, i32
  }
}

</mosaic_0001>

<sc_bundles>
// kernel: kernel.4.cloned.1.call-start
scs
__scs_entry_jumppad:
0x0: {  	(pc) =	sbr.rel $0x88, $3  }
0x1: {  	(tag) =	ssettag $0x0;
	lr =	simm.s32 $0x1  }
0x2: {  	[smem:$0x3F9C] =	sst lr;
	_ =	strace $0xD0000000  }
0x3: {  	_ = 	snop  }
0x4: {  	_ = 	snop  }
0x5: {  	_ = 	snop  }
0x6: {  	_ = 	snop  }
0x7: {  	_ = 	snop  }
__scs_overlays_trampoline_lowered:
0x8: {  	[smem:$0x3FAB] =	sst s0  }
0x9: {  	[smem:$0x3FAC] =	sst s1  }
0xa: {  	[smem:$0x3FAD] =	sst s2  }
0xb: {  	[smem:$0x3FAE] =	sst s3  }
0xc: {  	[smem:$0x3FAF] =	sst s4  }
0xd: {  	[smem:$0x3FB0] =	sst s5  }
0xe: {  	[smem:$0x3FB1] =	sst s6  }
0xf: {  	[smem:$0x3FB2] =	sst s7  }
0x10: {  	[smem:$0x3FB3] =	sst s8  }
0x11: {  	[smem:$0x3FB4] =	sst s9;
	s0 =	simm.s32 @!p0 $0x0  }
0x12: {  	s1 =	sld [smem:$0x3F9A];
	s0 =	simm.s32 @p0 $0x1  }
0x13: {  	[smem:$0x3FB5] =	sst s0;
	s0 =	simm.s32 @!p1 $0x0  }
0x14: {  	s2 =	sld [smem:$0x3F99];
	s0 =	simm.s32 @p1 $0x1  }
0x15: {  	[smem:$0x3FB6] =	sst s0;
	s0 =	simm.s32 @!p2 $0x0  }
0x16: {  	s3 =	sld [smem:$0x3FDB];
	s0 =	simm.s32 @p2 $0x1  }
0x17: {  	s4 =	simm.s32 $0x1BF5;
	[smem:$0x3FB8] =	sst s0  }
0x18: {  	s0 =	sld [smem:$0x3F9B];
	_ =	swait.ge [sflag:s4], $0x0  }
0x19: {  	s7 =	sld [smem:$0x3F9C]  }
0x1a: {  	s8 =	sadd.s32 $0xFFFFE003, lr  }
0x1b: {  	s9 =	sadd.s32 $0xFFFFFEF7, lr;
	s5 =	simm.s32 $0xFFFFFFFF;
	p2 =	slt.u32 s8, $0xFFFFF086  }
0x1c: {  	p1 =	slt.u32 s9, $0xF7A;
	s5 =	simm.s32 @!p2 $0x0  }
0x1d: {  	s5 =	simm.s32 @p1 $0x1;
	p0 =	seq.s32 s7, s2  }
0x1e: {  	s7 =	smul.u32 @!p0 $0xF7A, s2;
	p2 =	seq.s32 @!p0 s5, $0x0  }
0x1f: {  	s9 =	smul.u32 $0xF7A, s1;
	s8 =	simm.s32 @!p0 $0x1BF5;
	p2 =	por !p2, p0  }
0x20: {  	[sflag:s8] =	ssyncset.s32 @!p0 $0xFFFFF086;
	s6 =	sadd.s32 @!p0 s3, s7;
	s7 =	simm.s32 @!p0 $0x108  }
0x21: {  	s3 =	sadd.s32 s3, s9;
	s6 =	sadd.s32 @!p0 $0x88, s6;
	s7 =	simm.s32 @p2 $0x1082  }
0x22: {  	[simem:s7], [sflag:s8] =	dma.local @!p0 [hbm:s6], $0xF7A  }
0x23: {  	s9 =	sor.u32 $0xD0000000, s2;
	s6 =	simm.s32 $0x108;
	_ =	swait.ge @!p0 [sflag:s8], $0x0  }
0x24: {  	s3 =	sadd.s32 $0x88, s3;
	s6 =	simm.s32 @!p1 $0x1082;
	[sflag:s4] =	ssyncset.s32 $0xFFFFF086  }
0x25: {  	[simem:s6], [sflag:s4] =	dma.local [hbm:s3], $0xF7A  }
0x26: {  	[smem:$0x3F9C] =	sst s1;
	(tag) =	ssettag s2;
	_ =	strace s9  }
0x27: {  	s1 =	sld [smem:$0x3FAC]  }
0x28: {  	s2 =	sld [smem:$0x3FAD]  }
0x29: {  	s4 =	sld [smem:$0x3FAF]  }
0x2a: {  	p0 =	seq.s32 s5, $0x0;
	s5 =	sld [smem:$0x3FB0]  }
0x2b: {  	s6 =	sld [smem:$0x3FB1]  }
0x2c: {  	s7 =	sld [smem:$0x3FB2]  }
0x2d: {  	s3 =	simm.s32 $0x108;
	s8 =	sld [smem:$0x3FB3]  }
0x2e: {  	s3 =	simm.s32 @!p0 $0x1082;
	s9 =	sld [smem:$0x3FB4]  }
0x2f: {  	lr =	sadd.s32 s0, s3;
	s0 =	sld [smem:$0x3FAB]  }
0x30: {  	s3 =	sld [smem:$0x3FAE]  }
0x31: {  	[smem:$0x3FB7] =	sst s10  }
0x32: {  	s10 =	sld [smem:$0x3FB5];
	_ =	sdelay $0x3  }
0x33: {  	p0 =	seq.s32 s10, $0x1;
	s10 =	sld [smem:$0x3FB7];
	_ =	sdelay $0x3  }
0x34: {  	[smem:$0x3FB7] =	sst s10  }
0x35: {  	s10 =	sld [smem:$0x3FB6];
	_ =	sdelay $0x3  }
0x36: {  	p1 =	seq.s32 s10, $0x1;
	s10 =	sld [smem:$0x3FB7];
	_ =	sdelay $0x3  }
0x37: {  	[smem:$0x3FB7] =	sst s10  }
0x38: {  	s10 =	sld [smem:$0x3FB8]  }
0x39: {  	_ = 	snop;
	(pc) =	sbr.ind lr, $3  }
0x3a: {  	_ = 	snop  }
0x3b: {  	_ = 	snop  }
0x3c: {  	p2 =	seq.s32 s10, $0x1;
	s10 =	sld [smem:$0x3FB7]  }
0x3d: {  	_ =	shalt  }
0x3e: {  	_ =	shalt  }
0x3f: {  	_ =	shalt  }
0x40: {  	_ =	shalt  }
0x41: {  	_ =	shalt  }
0x42: {  	_ =	shalt  }
0x43: {  	_ =	shalt  }
0x44: {  	_ =	shalt  }
0x45: {  	_ =	shalt  }
0x46: {  	_ =	shalt  }
0x47: {  	_ =	shalt  }
0x48: {  	_ =	shalt  }
0x49: {  	_ =	shalt  }
0x4a: {  	_ =	shalt  }
0x4b: {  	_ =	shalt  }
0x4c: {  	_ =	shalt  }
0x4d: {  	_ =	shalt  }
0x4e: {  	_ =	shalt  }
0x4f: {  	_ =	shalt  }
0x50: {  	_ =	shalt  }
0x51: {  	_ =	shalt  }
0x52: {  	_ =	shalt  }
0x53: {  	_ =	shalt  }
0x54: {  	_ =	shalt  }
0x55: {  	_ =	shalt  }
0x56: {  	_ =	shalt  }
0x57: {  	_ =	shalt  }
0x58: {  	_ =	shalt  }
0x59: {  	_ =	shalt  }
0x5a: {  	_ =	shalt  }
0x5b: {  	_ =	shalt  }
0x5c: {  	_ =	shalt  }
0x5d: {  	_ =	shalt  }
0x5e: {  	_ =	shalt  }
0x5f: {  	_ =	shalt  }
0x60: {  	_ =	shalt  }
0x61: {  	_ =	shalt  }
0x62: {  	_ =	shalt  }
0x63: {  	_ =	shalt  }
0x64: {  	_ =	shalt  }
0x65: {  	_ =	shalt  }
0x66: {  	_ =	shalt  }
0x67: {  	_ =	shalt  }
0x68: {  	_ =	shalt  }
0x69: {  	_ =	shalt  }
0x6a: {  	_ =	shalt  }
0x6b: {  	_ =	shalt  }
0x6c: {  	_ =	shalt  }
0x6d: {  	_ =	shalt  }
0x6e: {  	_ =	shalt  }
0x6f: {  	_ =	shalt  }
0x70: {  	_ =	shalt  }
0x71: {  	_ =	shalt  }
0x72: {  	_ =	shalt  }
0x73: {  	_ =	shalt  }
0x74: {  	_ =	shalt  }
0x75: {  	_ =	shalt  }
0x76: {  	_ =	shalt  }
0x77: {  	_ =	shalt  }
0x78: {  	_ =	shalt  }
0x79: {  	_ =	shalt  }
0x7a: {  	_ =	shalt  }
0x7b: {  	_ =	shalt  }
0x7c: {  	_ =	shalt  }
0x7d: {  	_ =	shalt  }
0x7e: {  	_ =	shalt  }
0x7f: {  	_ =	shalt  }
0x80: {  	_ =	shalt  }
0x81: {  	_ =	shalt  }
0x82: {  	_ =	shalt  }
0x83: {  	_ =	shalt  }
0x84: {  	_ =	shalt  }
0x85: {  	_ =	shalt  }
0x86: {  	_ =	shalt  }
0x87: {  	_ =	shalt  }
.Lfunc_end0:
.L_simem_size_0:
called_computation_lowered:
.L_overlay_start_0:
0x88: {  	s2 =	sld [smem:$0x3FD9]  }
0x89: {  	s3 =	sld [smem:$0x3FFE];
	_ =	sdelay $0x1  }
0x8a: {  	s1 =	srdreg.scid  }
0x8b: {  	s0 =	sand.u32 $0x1, s1  }
0x8c: {  	s17 =	sshll.u32 s0, $0xA;
	s2 =	sadd.s32 s3, s2  }
0x8d: {  	s2 =	sadd.s32 s2, s17  }
0x8e: {  	[smem:$0x3FC3] =	sst s2  }
0x8f: {  	_ = 	snop  }
0x90: {  	s2 =	sld [smem:$0x3FC9]  }
0x91: {  	s18 =	sld [smem:$0x3FC8]  }
0x92: {  	s4 =	sld [smem:$0x3FC7]  }
0x93: {  	s5 =	sld [smem:$0x3FC6];
	(tm) =	ssettm $0x1  }
0x94: {  	s6 =	sld [smem:$0x3FFB];
	_ =	sdelay $0x3  }
0x95: {  	_ =	strace s6  }
0x96: {  	s6 =	sld [smem:$0x3FFC];
	_ =	sdelay $0x3  }
0x97: {  	_ =	strace s6  }
0x98: {  	s6 =	sld [smem:$0x3FFD];
	_ =	sdelay $0x3  }
0x99: {  	_ =	strace s6  }
0x9a: {  	_ =	strace $0x8FFFFFFF  }
0x9b: {  	s19 =	sld [smem:$0x3FDB];
	_ =	sdelay $0x1  }
0x9c: {  	s7 =	simm.s32 $_scs_section_size  }
0x9d: {  	s8 =	simm.s32 $_size__tile_overlayer_lowered;
	s9 =	simm.s32 $_tile_overlayer_lowered  }
0x9e: {  	s22 =	simm.s32 $0x1BFF;
	s21 =	sshll.u32 s9, $0x1;
	s6 =	sadd.s32 s7, s19  }
0x9f: {  	s10 =	simm.s32 $0x0;
	s20 =	sshll.u32 s8, $0x1;
	s8 =	sadd.s32 s21, s6  }
0xa0: {  	[timem:s10], [sflag:s22] =	dma.local [hbm:s8], s20  }
0xa1: {  	_ =	swait.ge [sflag:s22], s20  }
0xa2: {  	s7 =	ssub.s32 $0x0, s20;
	[sflag:s22] =	ssyncset.done $0x0  }
0xa3: {  	[sflag:s22] =	ssyncadd.s32 s7;
	_ =	sdelay $0x1  }
0xa4: {  	s23 =	simm.s32 $0x1B8B  }
0xa5: {  	_ =	swait.ge [sflag:s23], $0x1  }
0xa6: {  	[sflag:s23] =	ssyncset.done $0x0  }
0xa7: {  	s25 =	simm.s32 $0x1B8E;
	s24 =	sld [smem:$0x3FFE];
	[sflag:s23] =	ssyncadd.s32 $0xFFFFFFFF  }
0xa8: {  	s26 =	simm.s32 $execute0_lowered;
	[smem:$0x3FD2] =	sst s25  }
0xa9: {  	s8 =	sshll.u32 s26, $0x1;
	_ =	strace $0x80000046;
	[dreg:$0x1] =	wrdreg $0xFFFFFFFF  }
0xaa: {  	s28 =	simm.s32 $_size_execute0_lowered;
	s6 =	sadd.s32 s6, s8;
	[dreg:$0x0] =	wrdreg $0x0  }
0xab: {  	s8 =	sshll.u32 s28, $0x1;
	[dreg:$0x2] =	wrdreg s6  }
0xac: {  	[dreg:$0x3] =	wrdreg s8  }
0xad: {  	[dreg:$0x4] =	wrdreg $0xC0  }
0xae: {  	_ =	task [dreg:s10], $0x5FFFF  }
0xaf: {  	[dreg:$0x1] =	wrdreg $0xFFFFFFFF  }
0xb0: {  	[dreg:$0x0] =	wrdreg $0x60  }
0xb1: {  	[dreg:$0x2] =	wrdreg s2  }
0xb2: {  	[dreg:$0x3] =	wrdreg s18  }
0xb3: {  	[dreg:$0x4] =	wrdreg s4  }
0xb4: {  	[dreg:$0x5] =	wrdreg s5  }
0xb5: {  	[dreg:$0x6] =	wrdreg s24  }
0xb6: {  	[dreg:$0x7] =	wrdreg $0x9  }
0xb7: {  	_ =	task.clear_ibuf [dreg:s10], $0x8FFFF;
	_ =	strace $0x90000046  }
0xb8: {  	s29 =	simm.s32 $0x9;
	_ =	strace $0x80000048  }
0xb9: {  	_ =	swait.ge [sflag:s29], $0x1  }
0xba: {  	[sflag:s29] =	ssyncadd.s32 $0xFFFFFFFF  }
0xbb: {  	_ =	strace $0x90000048  }
0xbc: {  	_ =	sfence  }
0xbd: {  	s30 =	sld [smem:$0x0];
	_ =	sdelay $0x2  }
0xbe: {  	s31 =	sshll.u32 s1, $0xD;
	s1 =	sshrl.u32 s1, $0x2  }
0xbf: {  	s3 =	sand.u32 $0x4000, s31;
	s1 =	sadd.s32 s1, s30  }
0xc0: {  	s0 =	sor.u32 s3, s0;
	s1 =	sshll.u32 s1, $0x11  }
0xc1: {  	s0 =	sor.u32 s1, s0  }
0xc2: {  	s0 =	sadd.s32 $0x8F2B, s0  }
0xc3: {  	[sflag:s0] =	ssyncadd.remote.s32 $0x1  }
0xc4: {  	_ =	sfence.sel $0xFFFF  }
0xc5: {  	[dreg:$0x0] =	wrdreg $0xFFFFFFFF;
	(pc) =	sbr.abs _section_cstart, $3  }
0xc6: {  	[dreg:$0x1] =	wrdreg $0xFFFFFFFF  }
0xc7: {  	_ =	task.clear_ibuf [dreg:s10], $0x2FFFF;
	_ =	strace $0x9FFFFFFF  }
0xc8: {  	(tm) =	ssettm $0x7FFFFFFF  }
0xc9: {  	_ =	shalt  }
tec
execute0_lowered:
.L_overlay_start_1:
0x0: {  	(tag) =	ssettag $0x1  }
0x1: {  	s0 =	rddreg [dreg:$0x0]  }
0x2: {  	s2 =	rddreg [dreg:$0x1]  }
0x3: {  	s15 =	rddreg [dreg:$0x2];
	s1 =	srdreg.scid  }
0x4: {  	s11 =	stileid.u32;
	s22 =	rddreg [dreg:$0x3]  }
0x5: {  	s23 =	rddreg [dreg:$0x4];
	s28 =	simm.s32 $0x3000;
	s29 =	simm.s32 $0x4000  }
0x6: {  	s30 =	simm.s32 $0x1;
	s31 =	simm.s32 $0x2;
	s3 =	sand.u32 $0x1, s1  }
0x7: {  	s17 =	sshll.u32 s11, $0x1;
	s1 =	simm.s32 $0x0;
	s11 =	sshrl.u32 s11, $0x2  }
0x8: {  	s9 =	sor.u32 s3, s17;
	s3 =	ssub.s32 $0x2, s3;
	[smem:$0x7FF] =	sst s1  }
0x9: {  	s12 =	smul.u32 $0x1800, s11;
	s10 =	sshll.u32 s9, $0x9;
	s4 =	sshrl.u32 s3, $0x1  }
0xa: {  	s20 =	sshll.u32 s9, $0x7;
	s21 =	sor.u32 $0x1C000, s10;
	s24 =	ssub.s32 s3, s4  }
0xb: {  	s25 =	sor.u32 $0x3C000, s10;
	s13 =	sor.u32 $0x5C000, s10;
	s14 =	sor.u32 $0x7C000, s10  }
0xc: {  	s16 =	sor.u32 $0x9C000, s10;
	s17 =	sor.u32 $0xBC000, s10;
	s26 =	sand.u32 $0x380, s20  }
0xd: {  	s3 =	simm.s32 $0x5000;
	s18 =	sadd.s32 s0, s21;
	s19 =	sadd.s32 s0, s25  }
0xe: {  	s4 =	sadd.s32 s0, s13;
	s5 =	sadd.s32 s0, s14;
	s6 =	sadd.s32 s2, s21  }
0xf: {  	s7 =	sadd.s32 s0, s16;
	s8 =	sadd.s32 s0, s17;
	s11 =	sadd.s32 s2, s25  }
0x10: {  	s13 =	sadd.s32 s15, s13;
	s14 =	sadd.s32 s15, s14;
	s16 =	sadd.s32 s15, s16  }
0x11: {  	s17 =	sadd.s32 s15, s17;
	s20 =	sadd.s32 s15, s25;
	[dreg:$0x6] =	wrdreg s18  }
0x12: {  	[dreg:$0x7] =	wrdreg s19;
	s18 =	sor.u32 $0xDC000, s10;
	s19 =	sor.u32 $0xFC000, s10  }
0x13: {  	s24 =	smax.u32 s24, $0x1;
	s9 =	sadd.s32 s0, s18;
	s10 =	sadd.s32 s0, s19  }
0x14: {  	s0 =	sor.u32 s12, s26;
	s12 =	sadd.s32 s15, s21;
	s18 =	sadd.s32 s15, s18  }
0x15: {  	s19 =	sadd.s32 s15, s19;
	s21 =	sadd.s32 s22, s21;
	s22 =	sadd.s32 s22, s25  }
0x16: {  	_ =	strace $0x80000047;
	s25 =	simm.s32 $0x1000;
	s0 =	sshrl.u32 s0, $0x3  }
0x17: {  	v0 =	vimm.f32 $0.0e+00;
	s26 =	simm.s32 $0x2000;
	s15 =	simm.s32 $0x0;
	s23 =	sadd.s32 s23, s0  }
.LBB2_1:
0x18: {  	s0 =	rddreg [dreg:$0x6]  }
0x19: {  	[tilespmem:s25], [sflag:$0x1] =	stream.linear.gather [hbm4b:s0+s1], $0x1000, $0x38;
	[tilespmem:$0x5300] =	vst v63  }
0x1a: {  	s2 =	rddreg [dreg:$0x7]  }
0x1b: {  	[tilespmem:s26], [sflag:$0x1] =	stream.linear.gather [hbm4b:s2+s1], $0x1000, $0x38;
	[tilespmem:$0x5300] =	vst v63  }
0x1c: {  	_ = 	snop  }
0x1d: {  	[tilespmem:s28], [sflag:$0x1] =	stream.linear.gather [hbm4b:s4+s1], $0x1000, $0x38;
	[tilespmem:$0x5300] =	vst v63  }
0x1e: {  	_ = 	snop  }
0x1f: {  	[tilespmem:s29], [sflag:$0x1] =	stream.linear.gather [hbm4b:s5+s1], $0x1000, $0x38;
	[tilespmem:$0x5300] =	vst v63  }
0x20: {  	_ = 	snop  }
0x21: {  	[tilespmem:s1], [sflag:$0x1] =	stream.linear.gather [hbm4b:s6+s1], $0x1000, $0x38;
	[tilespmem:$0x5300] =	vst v63  }
0x22: {  	_ =	swait.ge [sflag:s30], $0x1000  }
0x23: {  	[sflag:s30] =	ssyncset.done $0x0  }
0x24: {  	[sflag:s30] =	ssyncadd.s32 $0xFFFFF000  }
0x25: {  	_ =	swait.ge [sflag:s30], $0x1000  }
0x26: {  	[sflag:s30] =	ssyncset.done $0x0  }
0x27: {  	[sflag:s30] =	ssyncadd.s32 $0xFFFFF000  }
0x28: {  	_ =	swait.ge [sflag:s30], $0x1000  }
0x29: {  	[sflag:s30] =	ssyncset.done $0x0  }
0x2a: {  	[sflag:s30] =	ssyncadd.s32 $0xFFFFF000  }
0x2b: {  	_ =	swait.ge [sflag:s30], $0x1000  }
0x2c: {  	[sflag:s30] =	ssyncset.done $0x0  }
0x2d: {  	[sflag:s30] =	ssyncadd.s32 $0xFFFFF000  }
0x2e: {  	_ =	swait.ge [sflag:s30], $0x1000  }
0x2f: {  	[sflag:s30] =	ssyncset.done $0x0  }
0x30: {  	s0 =	simm.s32 $0x0;
	[sflag:s30] =	ssyncadd.s32 $0xFFFFF000  }
0x31: {  	v1 =	vld [tilespmem:s0+$0x70]  }
0x32: {  	v5 =	vld [tilespmem:s0+$0x1070]  }
0x33: {  	v2 =	vld [tilespmem:s0+$0x60]  }
0x34: {  	v4 =	vld [tilespmem:s0+$0x50]  }
0x35: {  	v6 =	vld [tilespmem:s0+$0x40]  }
0x36: {  	v8 =	vld [tilespmem:s0+$0x2070]  }
0x37: {  	v7 =	vld [tilespmem:s0+$0x30]  }
0x38: {  	v3 =	vld [tilespmem:s0+$0x3070]  }
0x39: {  	v16 =	vld [tilespmem:s0+$0x1060]  }
0x3a: {  	v15 =	vld [tilespmem:s0+$0x0]  }
0x3b: {  	v17 =	vld [tilespmem:s0+$0x2060];
	vm1 =	veq.s32 v1, $0x0;
	vm2 =	veq.s32 v1, $0x1  }
0x3c: {  	v18 =	vld [tilespmem:s0+$0x1050];
	vm5 =	veq.s32 v1, $0x2;
	vm0 =	veq.s32 v1, $0x3;
	v1 =	vimm.s32 $0x0  }
0x3d: {  	v9 =	vld [tilespmem:s0+$0x3060];
	vm7 =	veq.s32 v2, $0x0;
	vm8 =	veq.s32 v2, $0x1;
	vm6 =	veq.s32 v2, $0x2  }
0x3e: {  	v21 =	vld [tilespmem:s0+$0x1000];
	vm9 =	veq.s32 v4, $0x0;
	vm3 =	veq.s32 v4, $0x1;
	vm4 =	veq.s32 v6, $0x0  }
0x3f: {  	v25 =	vld [tilespmem:s0+$0x10];
	vm10 =	veq.s32 v4, $0x3;
	vm14 =	veq.s32 v6, $0x2;
	vm13 =	veq.s32 v6, $0x3  }
0x40: {  	v28 =	vld [tilespmem:s0+$0x20];
	v1 =	vsel vm0, $0xFFFFFFFF, v1;
	vm0 =	veq.s32 v2, $0x3;
	v19 =	vnsel vm1, $0x0, v5  }
0x41: {  	v37 =	vld [tilespmem:s0+$0x1040];
	v20 =	vsel vm1, $0x3F800000, v0;
	vm1 =	veq.s32 v6, $0x1;
	v11 =	vnsel vm2, $0x0, v8  }
0x42: {  	v23 =	vld [tilespmem:s0+$0x1010];
	v22 =	vnsel vm7, $0x0, v16;
	v26 =	vsel vm7, $0x3F800000, v0;
	v10 =	vnsel vm5, $0x0, v3  }
0x43: {  	v57 =	vld [tilespmem:s0+$0x2040];
	v13 =	vnsel vm8, $0x0, v17;
	v14 =	vsel vm8, $0x3F800000, v0;
	v27 =	vnsel vm9, $0x0, v18  }
0x44: {  	v29 =	vsel vm9, $0x3F800000, v0;
	vm7 =	veq.s32 v15, $0x0;
	v12 =	vnsel vm6, $0x0, v9  }
0x45: {  	v2 =	vsel vm6, $0x3F800000, v0;
	vm8 =	veq.s32 v7, $0x2;
	vm6 =	veq.s32 v25, $0x0  }
0x46: {  	v58 =	vnsel vm4, $0x0, v37;
	v59 =	vsel vm4, $0x3F800000, v0;
	vm4 =	veq.s32 v28, $0x2  }
0x47: {  	[tilespmem:$0x1FFD0] =	vst v1;
	v1 =	vimm.s32 $0x0;
	v30 =	vnsel vm7, $0x0, v21;
	v21 =	vadd.f32 v21, v0  }
0x48: {  	v24 =	vld [tilespmem:s0+$0x1020];
	v32 =	vsel vm7, $0x3F800000, v0;
	v36 =	vnsel vm6, $0x0, v23;
	v62 =	vnsel vm1, $0x0, v57  }
0x49: {  	v6 =	vld [tilespmem:s0+$0x2000];
	v1 =	vsel vm0, $0xFFFFFFFF, v1;
	vm0 =	veq.s32 v4, $0x2;
	v4 =	vsel vm2, $0x3F800000, v0  }
0x4a: {  	v31 =	vld [tilespmem:s0+$0x2010];
	vm2 =	veq.s32 v7, $0x1;
	v30 =	vadd.f32 v30, v0;
	v32 =	vadd.f32 v32, v0  }
0x4b: {  	v33 =	vld [tilespmem:s0+$0x1030];
	[tilespmem:$0x1FFE0] =	vst v1;
	v1 =	vimm.s32 $0x0;
	v21 =	vadd.f32 v23, v21;
	v23 =	vsel vm6, $0x3F800000, v0  }
0x4c: {  	vm6 =	veq.s32 v28, $0x0;
	v1 =	vsel vm10, $0xFFFFFFFF, v1;
	v30 =	vadd.f32 v36, v30  }
0x4d: {  	v35 =	vld [tilespmem:s0+$0x2020];
	v23 =	vadd.f32 v23, v32;
	v55 =	vnsel vm6, $0x0, v24;
	[tilespmem:$0x1FFF0] =	vst v1;
	v1 =	vsel vm5, $0x3F800000, v0  }
0x4e: {  	v54 =	vld [tilespmem:s0+$0x2050];
	vm5 =	veq.s32 v7, $0x0;
	v34 =	vadd.f32 v6, v0;
	v21 =	vadd.f32 v24, v21  }
0x4f: {  	v24 =	vsel vm6, $0x3F800000, v0;
	vm6 =	veq.s32 v7, $0x3;
	v30 =	vadd.f32 v55, v30  }
0x50: {  	v38 =	vld [tilespmem:s0+$0x2030];
	v23 =	vadd.f32 v24, v23;
	v24 =	vnsel vm5, $0x0, v33;
	v7 =	vadd.f32 v31, v34  }
0x51: {  	v56 =	vsel vm5, $0x3F800000, v0;
	v21 =	vadd.f32 v33, v21;
	v24 =	vadd.f32 v24, v30  }
0x52: {  	vm5 =	veq.s32 v28, $0x1;
	v30 =	vadd.f32 v56, v23;
	v7 =	vadd.f32 v35, v7  }
0x53: {  	v23 =	vnsel vm3, $0x0, v54;
	v21 =	vadd.f32 v37, v21;
	v34 =	vadd.f32 v58, v24  }
0x54: {  	v24 =	vsel vm3, $0x3F800000, v0;
	vm3 =	veq.s32 v15, $0x1;
	v30 =	vadd.f32 v59, v30  }
0x55: {  	v7 =	vadd.f32 v38, v7;
	v60 =	vnsel vm3, $0x0, v6;
	v61 =	vsel vm3, $0x3F800000, v0  }
0x56: {  	vm3 =	veq.s32 v25, $0x1;
	v6 =	vadd.f32 v18, v21;
	v18 =	vadd.f32 v27, v34  }
0x57: {  	v21 =	vadd.f32 v29, v30;
	v29 =	vnsel vm3, $0x0, v31;
	v7 =	vadd.f32 v57, v7  }
0x58: {  	v30 =	vsel vm3, $0x3F800000, v0;
	vm3 =	veq.s32 v28, $0x3;
	v28 =	vld [tilespmem:s0+$0x3000];
	v31 =	vsel vm2, $0x3F800000, v0  }
0x59: {  	v6 =	vadd.f32 v16, v6;
	v16 =	vnsel vm5, $0x0, v35;
	v7 =	vadd.f32 v54, v7  }
0x5a: {  	v18 =	vadd.f32 v22, v18;
	v21 =	vadd.f32 v26, v21;
	v22 =	vsel vm5, $0x3F800000, v0  }
0x5b: {  	vm5 =	veq.s32 v15, $0x2;
	v26 =	vld [tilespmem:s0+$0x3010];
	v17 =	vadd.f32 v17, v7;
	v7 =	vadd.f32 v5, v6  }
0x5c: {  	v6 =	vadd.f32 v19, v18;
	v5 =	vadd.f32 v20, v21;
	v18 =	vnsel vm2, $0x0, v38  }
0x5d: {  	v19 =	vld [tilespmem:s0+$0x3020];
	v20 =	vadd.f32 v61, v0;
	v21 =	vnsel vm5, $0x0, v28;
	v28 =	vadd.f32 v28, v0  }
0x5e: {  	v27 =	vld [tilespmem:s0+$0x3050];
	vm2 =	veq.s32 v25, $0x2;
	v8 =	vadd.f32 v8, v17;
	v17 =	vadd.f32 v60, v0  }
0x5f: {  	v63 =	vld [tilespmem:s0+$0x3030];
	v21 =	vadd.f32 v21, v0;
	v20 =	vadd.f32 v30, v20;
	v30 =	vsel vm1, $0x3F800000, v0  }
0x60: {  	vm1 =	veq.s32 v25, $0x3;
	v17 =	vadd.f32 v29, v17;
	v29 =	vnsel vm2, $0x0, v26  }
0x61: {  	v25 =	vsel vm0, $0x3F800000, v0;
	v26 =	vadd.f32 v26, v28;
	v21 =	vadd.f32 v29, v21;
	v29 =	vld [tilespmem:s0+$0x3040]  }
0x62: {  	v16 =	vadd.f32 v16, v17;
	v17 =	vadd.f32 v22, v20;
	v20 =	vnsel vm4, $0x0, v19  }
0x63: {  	v28 =	vnsel vm0, $0x0, v27;
	v19 =	vadd.f32 v19, v26;
	v20 =	vadd.f32 v20, v21  }
0x64: {  	v16 =	vadd.f32 v18, v16;
	v17 =	vadd.f32 v31, v17;
	v18 =	vnsel vm8, $0x0, v63  }
0x65: {  	vm0 =	veq.s32 v15, $0x3;
	v15 =	vadd.f32 v63, v19;
	v18 =	vadd.f32 v18, v20  }
0x66: {  	v20 =	vadd.f32 v62, v16;
	v21 =	vadd.f32 v30, v17;
	v16 =	vnsel vm14, $0x0, v29  }
0x67: {  	v22 =	vadd.f32 v29, v15;
	v15 =	vimm.f32 $0.0e+00;
	v17 =	vimm.f32 $0.0e+00  }
0x68: {  	s2 =	simm.s32 $0x200;
	v19 =	vadd.f32 v16, v18;
	v18 =	vimm.f32 $0.0e+00;
	v16 =	vimm.f32 $0.0e+00  }
.LBB2_2:
0x69: {  	v26 =	vld [tilespmem:s0+$0x4000];
	v20 =	vadd.f32 v23, v20;
	v21 =	vadd.f32 v24, v21  }
0x6a: {  	v22 =	vadd.f32 v27, v22;
	v19 =	vadd.f32 v28, v19  }
0x6b: {  	v30 =	vsel vm5, $0x3F800000, v0;
	v24 =	vld [tilespmem:s0+$0x4010];
	v13 =	vadd.f32 v13, v20;
	v14 =	vadd.f32 v14, v21  }
0x6c: {  	v27 =	vsel vm4, $0x3F800000, v0;
	v9 =	vadd.f32 v9, v22;
	v12 =	vadd.f32 v12, v19  }
0x6d: {  	v31 =	vld [tilespmem:s0+$0x4020];
	v28 =	vsel vm2, $0x3F800000, v0;
	v19 =	vadd.f32 v11, v13;
	v20 =	vadd.f32 v4, v14  }
0x6e: {  	v4 =	vnsel vm0, $0x0, v26;
	v21 =	vadd.f32 v3, v9;
	v9 =	vadd.f32 v26, v18  }
0x6f: {  	v11 =	vld [tilespmem:s0+$0x4030];
	v22 =	vadd.f32 v10, v12;
	v10 =	vsel vm0, $0x3F800000, v0;
	v4 =	vadd.f32 v4, v17  }
0x70: {  	v10 =	vadd.f32 v10, v16;
	v12 =	vnsel vm1, $0x0, v24;
	v9 =	vadd.f32 v24, v9  }
0x71: {  	v13 =	vsel vm1, $0x3F800000, v0;
	v3 =	vadd.f32 v30, v15;
	v14 =	vld [tilespmem:s0+$0x4040];
	v4 =	vadd.f32 v12, v4  }
0x72: {  	v10 =	vadd.f32 v13, v10;
	v12 =	vnsel vm3, $0x0, v31;
	v9 =	vadd.f32 v31, v9  }
0x73: {  	v3 =	vadd.f32 v28, v3;
	v13 =	vsel vm3, $0x3F800000, v0;
	v4 =	vadd.f32 v12, v4  }
0x74: {  	v15 =	vld [tilespmem:s0+$0x4050];
	v10 =	vadd.f32 v13, v10;
	v12 =	vnsel vm6, $0x0, v11;
	v9 =	vadd.f32 v11, v9  }
0x75: {  	v3 =	vadd.f32 v27, v3;
	v13 =	vld [tilespmem:s0+$0x4060];
	v11 =	vsel vm6, $0x3F800000, v0;
	v4 =	vadd.f32 v12, v4  }
0x76: {  	v10 =	vadd.f32 v11, v10;
	v11 =	vnsel vm13, $0x0, v14;
	v9 =	vadd.f32 v14, v9;
	v14 =	vld [tilespmem:s0+$0x4070]  }
0x77: {  	v23 =	vsel vm8, $0x3F800000, v0;
	v12 =	vsel vm13, $0x3F800000, v0;
	s0 =	sshra.s32 s2, $0x2;
	v4 =	vadd.f32 v11, v4;
	v11 =	vld [tilespmem:$0x1FFF0]  }
0x78: {  	v3 =	vadd.f32 v23, v3;
	v10 =	vadd.f32 v12, v10;
	v12 =	vld [tilespmem:s0+$0x70]  }
0x79: {  	v29 =	vsel vm14, $0x3F800000, v0;
	v23 =	vld [tilespmem:s0+$0x60]  }
0x7a: {  	v3 =	vadd.f32 v29, v3;
	v29 =	vld [tilespmem:s0+$0x1060]  }
0x7b: {  	v31 =	vld [tilespmem:s0+$0x1050]  }
0x7c: {  	v27 =	vld [tilespmem:s0+$0x1000]  }
0x7d: {  	v28 =	vld [tilespmem:s0+$0x1010]  }
0x7e: {  	v35 =	vld [tilespmem:s0+$0x2000]  }
0x7f: {  	v38 =	vld [tilespmem:s0+$0x1020]  }
0x80: {  	v39 =	vld [tilespmem:s0+$0x2010];
	v3 =	vadd.f32 v25, v3  }
0x81: {  	v43 =	vld [tilespmem:s0+$0x1030];
	v9 =	vadd.f32 v15, v9  }
0x82: {  	v55 =	vld [tilespmem:s0+$0x2020];
	v2 =	vadd.f32 v2, v3;
	vm0 =	vnez.u8 v11;
	v7 =	vadd.f32 v27, v7  }
0x83: {  	v45 =	vld [tilespmem:s0+$0x2030];
	v3 =	vadd.f32 v13, v9;
	v8 =	vadd.f32 v35, v8;
	v11 =	vnsel vm0, $0x0, v15  }
0x84: {  	v4 =	vadd.f32 v11, v4;
	v11 =	vld [tilespmem:$0x1FFE0];
	v7 =	vadd.f32 v28, v7  }
0x85: {  	v56 =	vld [tilespmem:s0+$0x1040];
	v18 =	vadd.f32 v14, v3;
	v8 =	vadd.f32 v39, v8  }
0x86: {  	v58 =	vld [tilespmem:s0+$0x2040];
	vm15 =	veq.s32 v12, $0x0;
	vm10 =	veq.s32 v12, $0x1;
	v7 =	vadd.f32 v38, v7  }
0x87: {  	v25 =	vld [tilespmem:s0+$0x1070];
	vm8 =	veq.s32 v12, $0x2;
	vm3 =	veq.s32 v23, $0x0;
	v8 =	vadd.f32 v55, v8  }
0x88: {  	v32 =	vld [tilespmem:s0+$0x2050];
	vm14 =	veq.s32 v23, $0x1;
	v15 =	vsel vm0, $0x3F800000, v0;
	v7 =	vadd.f32 v43, v7  }
0x89: {  	v30 =	vld [tilespmem:s0+$0x2060];
	v10 =	vadd.f32 v15, v10;
	v8 =	vadd.f32 v45, v8;
	vm0 =	vnez.u8 v11  }
0x8a: {  	v11 =	vnsel vm0, $0x0, v13;
	v9 =	vsel vm0, $0x3F800000, v0;
	v13 =	vld [tilespmem:s0+$0x50];
	v7 =	vadd.f32 v56, v7  }
0x8b: {  	vm13 =	veq.s32 v23, $0x2;
	v8 =	vadd.f32 v58, v8;
	v9 =	vadd.f32 v9, v10;
	v10 =	vld [tilespmem:$0x1FFD0]  }
0x8c: {  	v3 =	vimm.s32 $0x0;
	v33 =	vnsel vm15, $0x0, v25;
	v34 =	vsel vm15, $0x3F800000, v0  }
0x8d: {  	v36 =	vnsel vm3, $0x0, v29;
	v7 =	vadd.f32 v31, v7;
	v8 =	vadd.f32 v32, v8  }
0x8e: {  	v37 =	vsel vm3, $0x3F800000, v0;
	v15 =	vadd.f32 v1, v2;
	v4 =	vadd.f32 v11, v4  }
0x8f: {  	v26 =	vld [tilespmem:s0+$0x2070];
	v2 =	vimm.s32 $0x0;
	v7 =	vadd.f32 v29, v7;
	v8 =	vadd.f32 v30, v8  }
0x90: {  	v11 =	vld [tilespmem:s0+$0x40];
	vm7 =	veq.s32 v13, $0x0;
	vm6 =	veq.s32 v13, $0x1;
	vm0 =	vnez.u8 v10  }
0x91: {  	v40 =	vnsel vm7, $0x0, v31;
	v41 =	vsel vm7, $0x3F800000, v0;
	v24 =	vsel vm6, $0x3F800000, v0  }
0x92: {  	v31 =	vld [tilespmem:s0+$0x3000];
	v10 =	vnsel vm0, $0x0, v14;
	v1 =	vsel vm0, $0x3F800000, v0;
	vm0 =	veq.s32 v12, $0x3  }
0x93: {  	v16 =	vadd.f32 v1, v9;
	v1 =	vld [tilespmem:s0+$0x30];
	v2 =	vsel vm0, $0xFFFFFFFF, v2;
	vm0 =	veq.s32 v23, $0x3  }
0x94: {  	v7 =	vadd.f32 v25, v7;
	v17 =	vadd.f32 v10, v4;
	v4 =	vld [tilespmem:s0+$0x10];
	v3 =	vsel vm0, $0xFFFFFFFF, v3  }
0x95: {  	v8 =	vadd.f32 v26, v8;
	v10 =	vld [tilespmem:s0+$0x0];
	vm0 =	veq.s32 v11, $0x0;
	[tilespmem:$0x1FFE0] =	vst v3;
	v3 =	vimm.s32 $0x0  }
0x96: {  	v62 =	vld [tilespmem:s0+$0x3010];
	v14 =	vsel vm14, $0x3F800000, v0;
	v9 =	vimm.s32 $0x0;
	[tilespmem:$0x1FFD0] =	vst v2;
	v3 =	vsel vm0, $0xFFFFFFFF, v3  }
0x97: {  	v2 =	vld [tilespmem:s0+$0x20];
	vm0 =	veq.s32 v13, $0x2;
	v21 =	vadd.f32 v31, v21;
	[tilespmem:$0x1FF60] =	vst v3;
	v3 =	vimm.s32 $0x0  }
0x98: {  	v3 =	vsel vm0, $0xFFFFFFFF, v3;
	vm0 =	veq.s32 v13, $0x3;
	vm4 =	veq.s32 v1, $0x2  }
0x99: {  	vm9 =	veq.s32 v4, $0x0;
	vm2 =	veq.s32 v4, $0x2;
	vm1 =	veq.s32 v4, $0x3  }
0x9a: {  	vm11 =	veq.s32 v10, $0x0;
	v13 =	vnsel vm14, $0x0, v30;
	[tilespmem:$0x1FF70] =	vst v3;
	v3 =	vimm.s32 $0x0  }
0x9b: {  	v21 =	vadd.f32 v62, v21;
	v3 =	vsel vm0, $0xFFFFFFFF, v3;
	vm0 =	veq.s32 v11, $0x1  }
0x9c: {  	vm12 =	veq.s32 v2, $0x0;
	vm5 =	veq.s32 v2, $0x3;
	v9 =	vsel vm0, $0xFFFFFFFF, v9  }
0x9d: {  	v42 =	vnsel vm11, $0x0, v27;
	vm0 =	veq.s32 v11, $0x2;
	[tilespmem:$0x1FF80] =	vst v9;
	v9 =	vimm.s32 $0x0  }
0x9e: {  	v27 =	vsel vm11, $0x3F800000, v0;
	vm3 =	vmmov vm5;
	v9 =	vsel vm0, $0xFFFFFFFF, v9  }
0x9f: {  	v6 =	vadd.f32 v42, v6;
	vm0 =	veq.s32 v11, $0x3;
	[tilespmem:$0x1FF00] =	vst v9;
	v9 =	vimm.s32 $0x0  }
0xa0: {  	v5 =	vadd.f32 v27, v5;
	v27 =	vnsel vm9, $0x0, v28;
	v9 =	vsel vm0, $0xFFFFFFFF, v9  }
0xa1: {  	v28 =	vnsel vm12, $0x0, v38;
	vm0 =	veq.s32 v1, $0x0;
	[tilespmem:$0x1FF10] =	vst v9;
	v9 =	vimm.s32 $0x0  }
0xa2: {  	v63 =	vld [tilespmem:s0+$0x3020];
	v6 =	vadd.f32 v27, v6;
	v27 =	vsel vm9, $0x3F800000, v0;
	v9 =	vsel vm0, $0xFFFFFFFF, v9  }
0xa3: {  	v5 =	vadd.f32 v27, v5;
	v59 =	vld [tilespmem:$0x1FF80];
	vm0 =	veq.s32 v1, $0x1;
	[tilespmem:$0x1FF50] =	vst v9;
	v9 =	vimm.s32 $0x0  }
0xa4: {  	v6 =	vadd.f32 v28, v6;
	v28 =	vsel vm12, $0x3F800000, v0;
	v9 =	vsel vm0, $0xFFFFFFFF, v9  }
0xa5: {  	v5 =	vadd.f32 v28, v5;
	vm0 =	veq.s32 v2, $0x1;
	v28 =	vld [tilespmem:$0x1FF50];
	[tilespmem:$0x1FF90] =	vst v9;
	v9 =	vimm.s32 $0x0  }
0xa6: {  	[tilespmem:$0x1FFF0] =	vst v3;
	v3 =	vld [tilespmem:s0+$0x3070];
	v9 =	vsel vm0, $0xFFFFFFFF, v9;
	vm0 =	veq.s32 v1, $0x3;
	v1 =	vimm.s32 $0x0  }
0xa7: {  	v21 =	vadd.f32 v63, v21;
	v11 =	vnsel vm10, $0x0, v26;
	v60 =	vld [tilespmem:$0x1FF90];
	v1 =	vsel vm0, $0xFFFFFFFF, v1  }
0xa8: {  	vm9 =	vnez.u8 v59;
	vm0 =	veq.s32 v2, $0x2;
	v2 =	vld [tilespmem:$0x1FF00];
	[tilespmem:$0x1FF20] =	vst v1;
	v1 =	vimm.s32 $0x0  }
0xa9: {  	v38 =	vnsel vm9, $0x0, v58;
	[tilespmem:$0x1FFA0] =	vst v9;
	v9 =	vld [tilespmem:s0+$0x3060];
	v1 =	vsel vm0, $0xFFFFFFFF, v1;
	vm0 =	veq.s32 v4, $0x1  }
0xaa: {  	v23 =	vld [tilespmem:$0x1FF10];
	v4 =	vsel vm10, $0x3F800000, v0;
	vm7 =	vnez.u8 v28;
	[tilespmem:$0x1FF30] =	vst v1;
	v1 =	vimm.s32 $0x0  }
0xab: {  	v61 =	vld [tilespmem:$0x1FFA0];
	v28 =	vnsel vm7, $0x0, v43;
	v1 =	vsel vm0, $0xFFFFFFFF, v1;
	vm0 =	veq.s32 v10, $0x1  }
0xac: {  	v44 =	vld [tilespmem:$0x1FF20];
	v6 =	vadd.f32 v28, v6;
	v28 =	vsel vm7, $0x3F800000, v0;
	vm12 =	vnez.u8 v60  }
0xad: {  	[tilespmem:$0x1FFB0] =	vst v1;
	v1 =	vimm.s32 $0x0;
	vm14 =	vnez.u8 v2;
	v5 =	vadd.f32 v28, v5;
	v28 =	vld [tilespmem:$0x1FF60]  }
0xae: {  	v54 =	vld [tilespmem:$0x1FF30];
	v12 =	vnsel vm13, $0x0, v9;
	v2 =	vsel vm13, $0x3F800000, v0;
	v1 =	vsel vm0, $0xFFFFFFFF, v1  }
0xaf: {  	vm13 =	vnez.u8 v23;
	vm0 =	veq.s32 v10, $0x2;
	v29 =	vld [tilespmem:$0x1FFB0];
	[tilespmem:$0x1FFC0] =	vst v1;
	v1 =	vimm.s32 $0x0  }
0xb0: {  	v23 =	vnsel vm6, $0x0, v32;
	vm10 =	vnez.u8 v61;
	v1 =	vsel vm0, $0xFFFFFFFF, v1;
	v30 =	vld [tilespmem:$0x1FFC0]  }
0xb1: {  	vm6 =	vnez.u8 v44;
	v32 =	vnsel vm10, $0x0, v55;
	vm0 =	veq.s32 v10, $0x3;
	[tilespmem:$0x1FF40] =	vst v1  }
0xb2: {  	v10 =	vnsel vm8, $0x0, v3;
	v1 =	vsel vm8, $0x3F800000, v0;
	v57 =	vld [tilespmem:$0x1FF40];
	vm7 =	vnez.u8 v28  }
0xb3: {  	vm8 =	vmmov vm4;
	vm4 =	vnez.u8 v54;
	v28 =	vnsel vm7, $0x0, v56  }
0xb4: {  	vm15 =	vnez.u8 v29;
	v6 =	vadd.f32 v28, v6;
	v28 =	vsel vm7, $0x3F800000, v0  }
0xb5: {  	v29 =	vnsel vm15, $0x0, v39;
	v5 =	vadd.f32 v28, v5;
	v28 =	vld [tilespmem:$0x1FF70];
	vm11 =	vnez.u8 v30  }
0xb6: {  	v6 =	vadd.f32 v40, v6;
	v30 =	vnsel vm11, $0x0, v35;
	v25 =	vsel vm11, $0x3F800000, v0  }
0xb7: {  	v27 =	vld [tilespmem:s0+$0x3050];
	vm5 =	vnez.u8 v57;
	v5 =	vadd.f32 v41, v5;
	v19 =	vadd.f32 v30, v19  }
0xb8: {  	v20 =	vadd.f32 v25, v20;
	v6 =	vadd.f32 v36, v6;
	v25 =	vnsel vm5, $0x0, v31  }
0xb9: {  	v40 =	vnsel vm12, $0x0, v45;
	v5 =	vadd.f32 v37, v5;
	v22 =	vadd.f32 v25, v22  }
0xba: {  	v26 =	vld [tilespmem:s0+$0x3030];
	v25 =	vsel vm15, $0x3F800000, v0;
	v19 =	vadd.f32 v29, v19;
	vm7 =	vnez.u8 v28  }
0xbb: {  	v6 =	vadd.f32 v33, v6;
	v20 =	vadd.f32 v25, v20;
	v25 =	vnsel vm2, $0x0, v62  }
0xbc: {  	v29 =	vld [tilespmem:s0+$0x3040];
	v28 =	vnsel vm7, $0x0, v27;
	v22 =	vadd.f32 v25, v22;
	v25 =	vsel vm10, $0x3F800000, v0  }
0xbd: {  	p0 =	sne.s32 s2, $0x3E00;
	v19 =	vadd.f32 v32, v19;
	v20 =	vadd.f32 v25, v20;
	v25 =	vnsel vm4, $0x0, v63  }
.Ltmp0:
0xbe: {  	v5 =	vadd.f32 v34, v5;
	v22 =	vadd.f32 v25, v22;
	v25 =	vsel vm12, $0x3F800000, v0;
	(pc) =	sbr.rel @p0 .LBB2_2-.Ltmp0, $4  }
0xbf: {  	v19 =	vadd.f32 v40, v19;
	v25 =	vadd.f32 v25, v20;
	v20 =	vnsel vm8, $0x0, v26  }
0xc0: {  	v26 =	vadd.f32 v26, v21;
	v21 =	vsel vm9, $0x3F800000, v0;
	v30 =	vadd.f32 v20, v22  }
0xc1: {  	v20 =	vadd.f32 v38, v19;
	v19 =	vnsel vm14, $0x0, v29;
	v21 =	vadd.f32 v21, v25  }
0xc2: {  	s2 =	sadd.s32 $0x200, s2;
	v22 =	vadd.f32 v29, v26;
	v25 =	vsel vm7, $0x3F800000, v0;
	v19 =	vadd.f32 v19, v30  }
0xc3: {  	v26 =	vld [tilespmem:s0+$0x4000];
	_ =	sdelay $0x1  }
0xc4: {  	v29 =	vld [tilespmem:s0+$0x4010]  }
0xc5: {  	v20 =	vadd.f32 v23, v20  }
0xc6: {  	v23 =	vld [tilespmem:s0+$0x4020];
	v22 =	vadd.f32 v27, v22;
	v19 =	vadd.f32 v28, v19  }
0xc7: {  	v13 =	vadd.f32 v13, v20;
	v18 =	vadd.f32 v26, v18  }
0xc8: {  	v20 =	vld [tilespmem:s0+$0x4030];
	v9 =	vadd.f32 v9, v22;
	v12 =	vadd.f32 v12, v19  }
0xc9: {  	v11 =	vadd.f32 v11, v13;
	v13 =	vnsel vm0, $0x0, v26;
	v18 =	vadd.f32 v29, v18  }
0xca: {  	v3 =	vadd.f32 v3, v9;
	v13 =	vadd.f32 v13, v17  }
0xcb: {  	v9 =	vadd.f32 v10, v12;
	v10 =	vnsel vm1, $0x0, v29;
	v17 =	vadd.f32 v23, v18  }
0xcc: {  	v19 =	vld [tilespmem:s0+$0x4040];
	v10 =	vadd.f32 v10, v13  }
0xcd: {  	v13 =	vadd.f32 v20, v17;
	v17 =	vnsel vm3, $0x0, v23  }
0xce: {  	v10 =	vadd.f32 v17, v10  }
0xcf: {  	v17 =	vnsel vm6, $0x0, v20  }
0xd0: {  	v12 =	vld [tilespmem:s0+$0x4050];
	v18 =	vsel vm0, $0x3F800000, v0;
	v10 =	vadd.f32 v17, v10  }
0xd1: {  	v16 =	vadd.f32 v18, v16;
	v18 =	vld [tilespmem:s0+$0x4060];
	v17 =	vnsel vm13, $0x0, v19  }
0xd2: {  	v10 =	vadd.f32 v17, v10;
	v17 =	vld [tilespmem:$0x1FFF0]  }
0xd3: {  	v21 =	vadd.f32 v24, v21;
	v22 =	vsel vm5, $0x3F800000, v0;
	v13 =	vadd.f32 v19, v13  }
0xd4: {  	v15 =	vadd.f32 v22, v15;
	v20 =	vld [tilespmem:s0+$0x4070]  }
0xd5: {  	v14 =	vadd.f32 v14, v21;
	v21 =	vsel vm2, $0x3F800000, v0;
	v13 =	vadd.f32 v12, v13  }
0xd6: {  	v27 =	vsel vm4, $0x3F800000, v0;
	v15 =	vadd.f32 v21, v15  }
0xd7: {  	v22 =	vsel vm1, $0x3F800000, v0;
	v13 =	vadd.f32 v18, v13;
	vm0 =	vnez.u8 v17  }
0xd8: {  	v15 =	vadd.f32 v27, v15;
	v16 =	vadd.f32 v22, v16;
	v12 =	vnsel vm0, $0x0, v12  }
0xd9: {  	v10 =	vadd.f32 v12, v10;
	v12 =	vadd.f32 v20, v13;
	v13 =	vld [tilespmem:$0x1FFE0]  }
0xda: {  	v24 =	vsel vm8, $0x3F800000, v0;
	v21 =	vsel vm3, $0x3F800000, v0  }
0xdb: {  	v15 =	vadd.f32 v24, v15;
	v16 =	vadd.f32 v21, v16  }
0xdc: {  	[tilespmem:$0x5000] =	vst v7;
	v7 =	vsel vm14, $0x3F800000, v0;
	v19 =	vsel vm6, $0x3F800000, v0  }
0xdd: {  	v7 =	vadd.f32 v7, v15;
	v16 =	vadd.f32 v19, v16;
	[tilespmem:$0x5030] =	vst v12;
	v12 =	vld [tilespmem:$0x1FFD0]  }
0xde: {  	[tilespmem:$0x5010] =	vst v8;
	v8 =	vsel vm13, $0x3F800000, v0;
	vm1 =	vnez.u8 v13  }
0xdf: {  	[tilespmem:$0x5020] =	vst v3;
	v7 =	vadd.f32 v25, v7;
	v3 =	vadd.f32 v8, v16;
	v13 =	vnsel vm1, $0x0, v18  }
0xe0: {  	[tilespmem:$0x5040] =	vst v6;
	v8 =	vadd.f32 v13, v10;
	v10 =	vsel vm0, $0x3F800000, v0  }
0xe1: {  	[tilespmem:$0x5050] =	vst v11;
	v2 =	vadd.f32 v2, v7;
	v3 =	vadd.f32 v10, v3  }
0xe2: {  	v4 =	vadd.f32 v4, v14;
	[tilespmem:$0x5060] =	vst v9;
	v7 =	vsel vm1, $0x3F800000, v0;
	vm0 =	vnez.u8 v12  }
0xe3: {  	[tilespmem:$0x5080] =	vst v5;
	v1 =	vadd.f32 v1, v2;
	v12 =	vnsel vm0, $0x0, v20;
	v3 =	vadd.f32 v7, v3  }
0xe4: {  	[tilespmem:$0x5090] =	vst v4;
	v2 =	vsel vm0, $0x3F800000, v0;
	v6 =	vadd.f32 v12, v8  }
0xe5: {  	[tilespmem:$0x50A0] =	vst v1;
	v2 =	vadd.f32 v2, v3  }
0xe6: {  	[tilespmem:$0x5070] =	vst v6  }
0xe7: {  	s2 =	simm.s32 $0x0;
	[tilespmem:$0x50B0] =	vst v2  }
0xe8: {  	[tilespmem:s25], [sflag:$0x1] =	stream.linear.gather [hbm4b:s7+s2], $0x1000, $0x38;
	[tilespmem:$0x5300] =	vst v63  }
0xe9: {  	_ = 	snop  }
0xea: {  	[tilespmem:s26], [sflag:$0x1] =	stream.linear.gather [hbm4b:s8+s2], $0x1000, $0x38;
	[tilespmem:$0x5300] =	vst v63  }
0xeb: {  	_ = 	snop  }
0xec: {  	[tilespmem:s28], [sflag:$0x1] =	stream.linear.gather [hbm4b:s9+s2], $0x1000, $0x38;
	[tilespmem:$0x5300] =	vst v63  }
0xed: {  	_ = 	snop  }
0xee: {  	[tilespmem:s29], [sflag:$0x1] =	stream.linear.gather [hbm4b:s10+s2], $0x1000, $0x38;
	[tilespmem:$0x5300] =	vst v63  }
0xef: {  	_ = 	snop  }
0xf0: {  	[tilespmem:s2], [sflag:$0x1] =	stream.linear.gather [hbm4b:s11+s2], $0x1000, $0x38;
	[tilespmem:$0x5300] =	vst v63  }
0xf1: {  	_ =	swait.ge [sflag:s30], $0x1000  }
0xf2: {  	[sflag:s30] =	ssyncset.done $0x0  }
0xf3: {  	[sflag:s30] =	ssyncadd.s32 $0xFFFFF000  }
0xf4: {  	_ =	swait.ge [sflag:s30], $0x1000  }
0xf5: {  	[sflag:s30] =	ssyncset.done $0x0  }
0xf6: {  	[sflag:s30] =	ssyncadd.s32 $0xFFFFF000  }
0xf7: {  	_ =	swait.ge [sflag:s30], $0x1000  }
0xf8: {  	[sflag:s30] =	ssyncset.done $0x0  }
0xf9: {  	[sflag:s30] =	ssyncadd.s32 $0xFFFFF000  }
0xfa: {  	_ =	swait.ge [sflag:s30], $0x1000  }
0xfb: {  	[sflag:s30] =	ssyncset.done $0x0  }
0xfc: {  	[sflag:s30] =	ssyncadd.s32 $0xFFFFF000  }
0xfd: {  	_ =	swait.ge [sflag:s30], $0x1000  }
0xfe: {  	[sflag:s30] =	ssyncset.done $0x0  }
0xff: {  	s0 =	simm.s32 $0x0;
	[sflag:s30] =	ssyncadd.s32 $0xFFFFF000  }
0x100: {  	v1 =	vld [tilespmem:s0+$0x70]  }
0x101: {  	v6 =	vld [tilespmem:s0+$0x1070]  }
0x102: {  	v3 =	vld [tilespmem:s0+$0x60]  }
0x103: {  	v5 =	vld [tilespmem:s0+$0x50]  }
0x104: {  	v7 =	vld [tilespmem:s0+$0x40]  }
0x105: {  	v9 =	vld [tilespmem:s0+$0x2070]  }
0x106: {  	v8 =	vld [tilespmem:s0+$0x30]  }
0x107: {  	v4 =	vld [tilespmem:s0+$0x3070]  }
0x108: {  	v2 =	vimm.f32 $0.0e+00;
	v28 =	vld [tilespmem:s0+$0x2000];
	vm1 =	veq.s32 v1, $0x0  }
0x109: {  	v19 =	vld [tilespmem:s0+$0x1060];
	vm2 =	veq.s32 v1, $0x1;
	vm5 =	veq.s32 v1, $0x2;
	vm0 =	veq.s32 v1, $0x3  }
0x10a: {  	v17 =	vld [tilespmem:s0+$0x0];
	v1 =	vimm.s32 $0x0;
	vm7 =	veq.s32 v3, $0x0;
	vm8 =	veq.s32 v3, $0x1  }
0x10b: {  	v20 =	vld [tilespmem:s0+$0x2060];
	vm6 =	veq.s32 v3, $0x2;
	vm9 =	veq.s32 v5, $0x0;
	vm3 =	veq.s32 v5, $0x1  }
0x10c: {  	v25 =	vld [tilespmem:s0+$0x1050];
	vm4 =	veq.s32 v7, $0x0;
	vm10 =	veq.s32 v5, $0x3;
	vm14 =	veq.s32 v7, $0x2  }
0x10d: {  	v10 =	vld [tilespmem:s0+$0x3060];
	v36 =	vadd.f32 v28, v2;
	v1 =	vsel vm0, $0xFFFFFFFF, v1;
	vm0 =	veq.s32 v3, $0x3  }
0x10e: {  	v52 =	vld [tilespmem:s0+$0x1040];
	v21 =	vnsel vm1, $0x0, v6;
	v22 =	vsel vm1, $0x3F800000, v0;
	vm1 =	veq.s32 v7, $0x1  }
0x10f: {  	v18 =	vld [tilespmem:s0+$0x20];
	v12 =	vnsel vm2, $0x0, v9;
	v26 =	vnsel vm7, $0x0, v19;
	v27 =	vsel vm7, $0x3F800000, v0  }
0x110: {  	v31 =	vld [tilespmem:s0+$0x2010];
	vm7 =	veq.s32 v7, $0x3;
	v11 =	vnsel vm5, $0x0, v4;
	v14 =	vnsel vm8, $0x0, v20  }
0x111: {  	v15 =	vsel vm8, $0x3F800000, v0;
	v29 =	vnsel vm9, $0x0, v25;
	v30 =	vsel vm9, $0x3F800000, v0  }
0x112: {  	v16 =	vld [tilespmem:s0+$0x10];
	vm8 =	veq.s32 v8, $0x2;
	v13 =	vnsel vm6, $0x0, v10;
	v3 =	vsel vm6, $0x3F800000, v0  }
0x113: {  	v7 =	vld [tilespmem:s0+$0x1000];
	vm6 =	veq.s32 v17, $0x0;
	v58 =	vnsel vm4, $0x0, v52;
	[tilespmem:$0x1FED0] =	vst v1;
	v1 =	vimm.s32 $0x0  }
0x114: {  	v23 =	vld [tilespmem:s0+$0x1010];
	v59 =	vsel vm4, $0x3F800000, v0;
	vm4 =	veq.s32 v18, $0x2;
	v1 =	vsel vm0, $0xFFFFFFFF, v1  }
0x115: {  	v35 =	vld [tilespmem:s0+$0x1030];
	v33 =	vsel vm6, $0x3F800000, v0;
	v36 =	vadd.f32 v31, v36;
	[tilespmem:$0x1FEE0] =	vst v1;
	v1 =	vimm.s32 $0x0  }
0x116: {  	vm0 =	veq.s32 v5, $0x2;
	v5 =	vsel vm2, $0x3F800000, v0;
	v1 =	vsel vm10, $0xFFFFFFFF, v1  }
0x117: {  	v24 =	vld [tilespmem:s0+$0x1020];
	vm2 =	veq.s32 v8, $0x1;
	v33 =	vadd.f32 v33, v2;
	[tilespmem:$0x1FEF0] =	vst v1;
	v1 =	vsel vm5, $0x3F800000, v0  }
0x118: {  	vm5 =	veq.s32 v8, $0x0;
	v32 =	vnsel vm6, $0x0, v7;
	vm6 =	veq.s32 v16, $0x0  }
0x119: {  	v34 =	vld [tilespmem:s0+$0x2020];
	v7 =	vadd.f32 v7, v2;
	v32 =	vadd.f32 v32, v2;
	v37 =	vnsel vm6, $0x0, v23  }
0x11a: {  	v39 =	vld [tilespmem:s0+$0x2050];
	v38 =	vsel vm6, $0x3F800000, v0;
	vm6 =	veq.s32 v18, $0x0;
	v56 =	vnsel vm5, $0x0, v35  }
0x11b: {  	v54 =	vld [tilespmem:s0+$0x2030];
	v57 =	vsel vm5, $0x3F800000, v0;
	v7 =	vadd.f32 v23, v7;
	v23 =	vadd.f32 v37, v32  }
0x11c: {  	vm5 =	veq.s32 v18, $0x1;
	v33 =	vadd.f32 v38, v33;
	v53 =	vnsel vm6, $0x0, v24  }
0x11d: {  	v55 =	vld [tilespmem:s0+$0x2040];
	v7 =	vadd.f32 v24, v7;
	v24 =	vsel vm6, $0x3F800000, v0;
	v23 =	vadd.f32 v53, v23  }
0x11e: {  	vm6 =	veq.s32 v8, $0x3;
	v8 =	vadd.f32 v24, v33;
	v24 =	vadd.f32 v34, v36  }
0x11f: {  	v34 =	vnsel vm5, $0x0, v34;
	v7 =	vadd.f32 v35, v7;
	v36 =	vadd.f32 v56, v23  }
0x120: {  	v8 =	vadd.f32 v57, v8;
	v23 =	vnsel vm3, $0x0, v39;
	v60 =	vadd.f32 v54, v24  }
0x121: {  	v24 =	vsel vm3, $0x3F800000, v0;
	v7 =	vadd.f32 v52, v7;
	v35 =	vadd.f32 v58, v36  }
0x122: {  	vm3 =	veq.s32 v17, $0x1;
	v8 =	vadd.f32 v59, v8;
	v32 =	vadd.f32 v55, v60  }
0x123: {  	v62 =	vld [tilespmem:s0+$0x3010];
	v28 =	vnsel vm3, $0x0, v28;
	v7 =	vadd.f32 v25, v7;
	v25 =	vadd.f32 v29, v35  }
0x124: {  	v29 =	vsel vm3, $0x3F800000, v0;
	vm3 =	veq.s32 v16, $0x1;
	v8 =	vadd.f32 v30, v8  }
0x125: {  	v61 =	vld [tilespmem:s0+$0x3000];
	v30 =	vadd.f32 v39, v32;
	v7 =	vadd.f32 v19, v7;
	v19 =	vnsel vm3, $0x0, v31  }
0x126: {  	v31 =	vsel vm3, $0x3F800000, v0;
	v25 =	vadd.f32 v26, v25;
	v26 =	vadd.f32 v27, v8  }
0x127: {  	vm3 =	veq.s32 v16, $0x2;
	v20 =	vadd.f32 v20, v30;
	v8 =	vadd.f32 v6, v7  }
0x128: {  	v30 =	vnsel vm3, $0x0, v62;
	v7 =	vadd.f32 v21, v25;
	v6 =	vadd.f32 v22, v26  }
0x129: {  	v21 =	vsel vm5, $0x3F800000, v0;
	vm5 =	veq.s32 v17, $0x2;
	v9 =	vadd.f32 v9, v20  }
0x12a: {  	v20 =	vadd.f32 v28, v2;
	v22 =	vld [tilespmem:s0+$0x3020];
	v25 =	vadd.f32 v29, v2;
	v26 =	vnsel vm5, $0x0, v61  }
0x12b: {  	v28 =	vadd.f32 v61, v2;
	v29 =	vnsel vm2, $0x0, v54;
	v26 =	vadd.f32 v26, v2  }
0x12c: {  	v19 =	vadd.f32 v19, v20;
	v20 =	vld [tilespmem:s0+$0x3030];
	v25 =	vadd.f32 v31, v25;
	v31 =	vsel vm2, $0x3F800000, v0  }
0x12d: {  	v27 =	vld [tilespmem:s0+$0x3050];
	vm2 =	veq.s32 v18, $0x3;
	v18 =	vadd.f32 v62, v28;
	v26 =	vadd.f32 v30, v26  }
0x12e: {  	v63 =	vld [tilespmem:s0+$0x3040];
	v30 =	vnsel vm1, $0x0, v55;
	v19 =	vadd.f32 v34, v19;
	v21 =	vadd.f32 v21, v25  }
0x12f: {  	v25 =	vnsel vm4, $0x0, v22;
	v18 =	vadd.f32 v22, v18;
	v22 =	vsel vm1, $0x3F800000, v0  }
0x130: {  	vm1 =	veq.s32 v16, $0x3;
	v16 =	vadd.f32 v25, v26;
	v19 =	vadd.f32 v29, v19  }
0x131: {  	v21 =	vadd.f32 v31, v21;
	v25 =	vnsel vm8, $0x0, v20;
	v18 =	vadd.f32 v20, v18  }
0x132: {  	v28 =	vnsel vm0, $0x0, v27;
	v16 =	vadd.f32 v25, v16;
	v19 =	vadd.f32 v30, v19  }
0x133: {  	v20 =	vadd.f32 v22, v21;
	v21 =	vnsel vm14, $0x0, v63;
	v25 =	vsel vm0, $0x3F800000, v0  }
0x134: {  	vm0 =	veq.s32 v17, $0x3;
	v17 =	vimm.f32 $0.0e+00;
	v22 =	vadd.f32 v63, v18  }
0x135: {  	s2 =	simm.s32 $0x200;
	v18 =	vimm.f32 $0.0e+00;
	v21 =	vadd.f32 v21, v16;
	v16 =	vimm.f32 $0.0e+00  }
.LBB2_4:
0x136: {  	v19 =	vadd.f32 v23, v19  }
0x137: {  	v26 =	vld [tilespmem:s0+$0x4000];
	v30 =	vsel vm5, $0x3F800000, v0;
	v20 =	vadd.f32 v24, v20;
	v22 =	vadd.f32 v27, v22  }
0x138: {  	v29 =	vsel vm14, $0x3F800000, v0;
	v21 =	vadd.f32 v28, v21;
	v2 =	vadd.f32 v30, v2  }
0x139: {  	v23 =	vsel vm8, $0x3F800000, v0;
	v24 =	vld [tilespmem:s0+$0x4010];
	v14 =	vadd.f32 v14, v19;
	v15 =	vadd.f32 v15, v20  }
0x13a: {  	v27 =	vsel vm4, $0x3F800000, v0;
	v10 =	vadd.f32 v10, v22;
	v13 =	vadd.f32 v13, v21  }
0x13b: {  	v31 =	vld [tilespmem:s0+$0x4020];
	v28 =	vsel vm3, $0x3F800000, v0;
	v19 =	vadd.f32 v12, v14;
	v20 =	vadd.f32 v5, v15  }
0x13c: {  	v5 =	vnsel vm0, $0x0, v26;
	v21 =	vadd.f32 v4, v10;
	v4 =	vadd.f32 v26, v18  }
0x13d: {  	v22 =	vadd.f32 v11, v13;
	v10 =	vsel vm0, $0x3F800000, v0;
	v11 =	vld [tilespmem:s0+$0x4030];
	v5 =	vadd.f32 v5, v17  }
0x13e: {  	v10 =	vadd.f32 v10, v16;
	v12 =	vnsel vm1, $0x0, v24;
	v4 =	vadd.f32 v24, v4  }
0x13f: {  	v2 =	vadd.f32 v28, v2;
	v13 =	vsel vm1, $0x3F800000, v0;
	v14 =	vld [tilespmem:s0+$0x4040];
	v5 =	vadd.f32 v12, v5  }
0x140: {  	v10 =	vadd.f32 v13, v10;
	v12 =	vnsel vm2, $0x0, v31;
	v4 =	vadd.f32 v31, v4  }
0x141: {  	v2 =	vadd.f32 v27, v2;
	v13 =	vsel vm2, $0x3F800000, v0;
	v5 =	vadd.f32 v12, v5  }
0x142: {  	v15 =	vld [tilespmem:s0+$0x4050];
	v10 =	vadd.f32 v13, v10;
	v12 =	vnsel vm6, $0x0, v11;
	v4 =	vadd.f32 v11, v4  }
0x143: {  	v2 =	vadd.f32 v23, v2;
	v13 =	vld [tilespmem:s0+$0x4060];
	v11 =	vsel vm6, $0x3F800000, v0;
	v5 =	vadd.f32 v12, v5  }
0x144: {  	v10 =	vadd.f32 v11, v10;
	v11 =	vnsel vm7, $0x0, v14;
	v4 =	vadd.f32 v14, v4;
	v14 =	vld [tilespmem:s0+$0x4070]  }
0x145: {  	v2 =	vadd.f32 v29, v2;
	v12 =	vsel vm7, $0x3F800000, v0;
	s0 =	sshra.s32 s2, $0x2;
	v5 =	vadd.f32 v11, v5;
	v11 =	vld [tilespmem:$0x1FEF0]  }
0x146: {  	v10 =	vadd.f32 v12, v10;
	v12 =	vld [tilespmem:s0+$0x70]  }
0x147: {  	v2 =	vadd.f32 v25, v2;
	v25 =	vld [tilespmem:s0+$0x1070]  }
0x148: {  	v29 =	vld [tilespmem:s0+$0x1060]  }
0x149: {  	v31 =	vld [tilespmem:s0+$0x1050]  }
0x14a: {  	v27 =	vld [tilespmem:s0+$0x1000]  }
0x14b: {  	v28 =	vld [tilespmem:s0+$0x1010]  }
0x14c: {  	v35 =	vld [tilespmem:s0+$0x2000]  }
0x14d: {  	v38 =	vld [tilespmem:s0+$0x1020]  }
0x14e: {  	v39 =	vld [tilespmem:s0+$0x2010]  }
0x14f: {  	v43 =	vld [tilespmem:s0+$0x1030];
	v4 =	vadd.f32 v15, v4  }
0x150: {  	v2 =	vadd.f32 v3, v2;
	v54 =	vld [tilespmem:s0+$0x2020];
	vm0 =	vnez.u8 v11;
	v8 =	vadd.f32 v27, v8  }
0x151: {  	v45 =	vld [tilespmem:s0+$0x2030];
	v3 =	vadd.f32 v13, v4;
	v9 =	vadd.f32 v35, v9;
	v11 =	vnsel vm0, $0x0, v15  }
0x152: {  	v5 =	vadd.f32 v11, v5;
	v11 =	vld [tilespmem:$0x1FEE0];
	v8 =	vadd.f32 v28, v8  }
0x153: {  	v55 =	vld [tilespmem:s0+$0x1040];
	v2 =	vadd.f32 v1, v2;
	v9 =	vadd.f32 v39, v9  }
0x154: {  	v57 =	vld [tilespmem:s0+$0x2040];
	v18 =	vadd.f32 v14, v3;
	v15 =	vsel vm0, $0x3F800000, v0;
	v8 =	vadd.f32 v38, v8  }
0x155: {  	v10 =	vadd.f32 v15, v10;
	v15 =	vld [tilespmem:s0+$0x60];
	v9 =	vadd.f32 v54, v9  }
0x156: {  	v32 =	vld [tilespmem:s0+$0x2050];
	vm15 =	veq.s32 v12, $0x0;
	vm10 =	veq.s32 v12, $0x1;
	v8 =	vadd.f32 v43, v8  }
0x157: {  	v30 =	vld [tilespmem:s0+$0x2060];
	vm14 =	veq.s32 v12, $0x2;
	v9 =	vadd.f32 v45, v9;
	vm0 =	vnez.u8 v11  }
0x158: {  	v11 =	vnsel vm0, $0x0, v13;
	v4 =	vsel vm0, $0x3F800000, v0;
	v13 =	vld [tilespmem:s0+$0x50];
	v8 =	vadd.f32 v55, v8  }
0x159: {  	v3 =	vimm.s32 $0x0;
	v9 =	vadd.f32 v57, v9;
	v4 =	vadd.f32 v4, v10;
	v10 =	vld [tilespmem:$0x1FED0]  }
0x15a: {  	v33 =	vnsel vm15, $0x0, v25;
	v34 =	vsel vm15, $0x3F800000, v0;
	vm2 =	veq.s32 v15, $0x0  }
0x15b: {  	vm8 =	veq.s32 v15, $0x1;
	v8 =	vadd.f32 v31, v8;
	v9 =	vadd.f32 v32, v9  }
0x15c: {  	vm13 =	veq.s32 v15, $0x2;
	v36 =	vnsel vm2, $0x0, v29;
	v5 =	vadd.f32 v11, v5  }
0x15d: {  	v37 =	vsel vm2, $0x3F800000, v0;
	v8 =	vadd.f32 v29, v8;
	v9 =	vadd.f32 v30, v9  }
0x15e: {  	v26 =	vld [tilespmem:s0+$0x2070];
	vm7 =	veq.s32 v13, $0x0;
	vm6 =	veq.s32 v13, $0x1;
	vm0 =	vnez.u8 v10  }
0x15f: {  	v11 =	vld [tilespmem:s0+$0x40];
	v40 =	vnsel vm7, $0x0, v31;
	v41 =	vsel vm7, $0x3F800000, v0;
	v23 =	vnsel vm6, $0x0, v32  }
0x160: {  	v24 =	vsel vm6, $0x3F800000, v0;
	v31 =	vld [tilespmem:s0+$0x3000];
	v8 =	vadd.f32 v25, v8;
	v1 =	vsel vm0, $0x3F800000, v0  }
0x161: {  	v10 =	vnsel vm0, $0x0, v14;
	vm0 =	veq.s32 v12, $0x3;
	v12 =	vld [tilespmem:s0+$0x0];
	v16 =	vadd.f32 v1, v4  }
0x162: {  	v1 =	vld [tilespmem:s0+$0x30];
	v3 =	vsel vm0, $0xFFFFFFFF, v3;
	vm0 =	veq.s32 v15, $0x3;
	v4 =	vimm.s32 $0x0  }
0x163: {  	v9 =	vadd.f32 v26, v9;
	v17 =	vadd.f32 v10, v5;
	v5 =	vld [tilespmem:s0+$0x10];
	v4 =	vsel vm0, $0xFFFFFFFF, v4  }
0x164: {  	v14 =	vnsel vm8, $0x0, v30;
	vm0 =	veq.s32 v11, $0x0;
	[tilespmem:$0x1FEE0] =	vst v4;
	v4 =	vimm.s32 $0x0  }
0x165: {  	v62 =	vld [tilespmem:s0+$0x3010];
	v10 =	vimm.s32 $0x0;
	v15 =	vsel vm8, $0x3F800000, v0;
	[tilespmem:$0x1FED0] =	vst v3;
	v4 =	vsel vm0, $0xFFFFFFFF, v4  }
0x166: {  	v3 =	vld [tilespmem:s0+$0x20];
	vm0 =	veq.s32 v13, $0x2;
	v21 =	vadd.f32 v31, v21;
	[tilespmem:$0x1FE50] =	vst v4;
	v4 =	vimm.s32 $0x0  }
0x167: {  	vm11 =	veq.s32 v12, $0x0;
	v4 =	vsel vm0, $0xFFFFFFFF, v4;
	vm0 =	veq.s32 v13, $0x3  }
0x168: {  	vm12 =	veq.s32 v1, $0x2;
	vm9 =	veq.s32 v5, $0x0;
	vm3 =	veq.s32 v5, $0x2  }
0x169: {  	vm1 =	veq.s32 v5, $0x3;
	v42 =	vnsel vm11, $0x0, v27;
	[tilespmem:$0x1FE70] =	vst v4;
	v4 =	vimm.s32 $0x0  }
0x16a: {  	v27 =	vsel vm11, $0x3F800000, v0;
	v4 =	vsel vm0, $0xFFFFFFFF, v4;
	vm0 =	veq.s32 v11, $0x1  }
0x16b: {  	v21 =	vadd.f32 v62, v21;
	vm5 =	veq.s32 v3, $0x0;
	v10 =	vsel vm0, $0xFFFFFFFF, v10  }
0x16c: {  	vm4 =	veq.s32 v3, $0x2;
	vm0 =	veq.s32 v11, $0x2;
	[tilespmem:$0x1FE80] =	vst v10;
	v10 =	vimm.s32 $0x0  }
0x16d: {  	v7 =	vadd.f32 v42, v7;
	v6 =	vadd.f32 v27, v6;
	v10 =	vsel vm0, $0xFFFFFFFF, v10  }
0x16e: {  	v27 =	vnsel vm9, $0x0, v28;
	vm0 =	veq.s32 v11, $0x3;
	[tilespmem:$0x1FE60] =	vst v10;
	v10 =	vimm.s32 $0x0  }
0x16f: {  	v63 =	vld [tilespmem:s0+$0x3020];
	v28 =	vnsel vm5, $0x0, v38;
	[tilespmem:$0x1FEF0] =	vst v4;
	v7 =	vadd.f32 v27, v7;
	v10 =	vsel vm0, $0xFFFFFFFF, v10  }
0x170: {  	v4 =	vld [tilespmem:s0+$0x3070];
	v27 =	vsel vm9, $0x3F800000, v0;
	vm0 =	veq.s32 v1, $0x0;
	[tilespmem:$0x1FE00] =	vst v10;
	v10 =	vimm.s32 $0x0  }
0x171: {  	v6 =	vadd.f32 v27, v6;
	v7 =	vadd.f32 v28, v7;
	v59 =	vld [tilespmem:$0x1FE80];
	v10 =	vsel vm0, $0xFFFFFFFF, v10  }
0x172: {  	v28 =	vsel vm5, $0x3F800000, v0;
	vm0 =	veq.s32 v1, $0x1;
	[tilespmem:$0x1FE40] =	vst v10;
	v10 =	vimm.s32 $0x0  }
0x173: {  	vm8 =	vmmov vm12;
	v6 =	vadd.f32 v28, v6;
	v10 =	vsel vm0, $0xFFFFFFFF, v10;
	v28 =	vld [tilespmem:$0x1FE40]  }
0x174: {  	v21 =	vadd.f32 v63, v21;
	vm0 =	veq.s32 v3, $0x1;
	[tilespmem:$0x1FE90] =	vst v10;
	v10 =	vimm.s32 $0x0  }
0x175: {  	v10 =	vsel vm0, $0xFFFFFFFF, v10;
	vm0 =	veq.s32 v1, $0x3;
	v1 =	vimm.s32 $0x0;
	v60 =	vld [tilespmem:$0x1FE90]  }
0x176: {  	v11 =	vnsel vm14, $0x0, v4;
	vm12 =	vnez.u8 v59;
	[tilespmem:$0x1FEA0] =	vst v10;
	v1 =	vsel vm0, $0xFFFFFFFF, v1;
	v10 =	vld [tilespmem:s0+$0x3060]  }
0x177: {  	v38 =	vnsel vm12, $0x0, v57;
	vm0 =	veq.s32 v3, $0x3;
	v3 =	vld [tilespmem:$0x1FE00];
	[tilespmem:$0x1FE10] =	vst v1;
	v1 =	vimm.s32 $0x0  }
0x178: {  	v61 =	vld [tilespmem:$0x1FEA0];
	v1 =	vsel vm0, $0xFFFFFFFF, v1;
	vm0 =	veq.s32 v5, $0x1;
	vm9 =	vnez.u8 v28  }
0x179: {  	v5 =	vsel vm10, $0x3F800000, v0;
	v44 =	vld [tilespmem:$0x1FE10];
	[tilespmem:$0x1FE20] =	vst v1;
	v1 =	vimm.s32 $0x0;
	v28 =	vnsel vm9, $0x0, v43  }
0x17a: {  	v1 =	vsel vm0, $0xFFFFFFFF, v1;
	v53 =	vld [tilespmem:$0x1FE20];
	v7 =	vadd.f32 v28, v7;
	v28 =	vsel vm9, $0x3F800000, v0  }
0x17b: {  	vm0 =	veq.s32 v12, $0x1;
	[tilespmem:$0x1FEB0] =	vst v1;
	v1 =	vimm.s32 $0x0;
	v6 =	vadd.f32 v28, v6;
	v28 =	vld [tilespmem:$0x1FE50]  }
0x17c: {  	v58 =	vld [tilespmem:$0x1FE60];
	vm15 =	vnez.u8 v60;
	v13 =	vnsel vm13, $0x0, v10;
	v1 =	vsel vm0, $0xFFFFFFFF, v1  }
0x17d: {  	vm7 =	vnez.u8 v3;
	vm0 =	veq.s32 v12, $0x2;
	v29 =	vld [tilespmem:$0x1FEB0];
	[tilespmem:$0x1FEC0] =	vst v1;
	v1 =	vimm.s32 $0x0  }
0x17e: {  	v3 =	vsel vm13, $0x3F800000, v0;
	vm6 =	vnez.u8 v44;
	v1 =	vsel vm0, $0xFFFFFFFF, v1;
	v30 =	vld [tilespmem:$0x1FEC0]  }
0x17f: {  	vm0 =	veq.s32 v12, $0x3;
	v12 =	vnsel vm10, $0x0, v26;
	vm10 =	vnez.u8 v61;
	v26 =	vld [tilespmem:s0+$0x3030]  }
0x180: {  	[tilespmem:$0x1FE30] =	vst v1;
	v1 =	vsel vm14, $0x3F800000, v0;
	vm2 =	vnez.u8 v53;
	vm9 =	vnez.u8 v28  }
0x181: {  	vm14 =	vnez.u8 v58;
	v32 =	vnsel vm10, $0x0, v54;
	v56 =	vld [tilespmem:$0x1FE30];
	v28 =	vnsel vm9, $0x0, v55  }
0x182: {  	vm11 =	vnez.u8 v29;
	v7 =	vadd.f32 v28, v7;
	v28 =	vsel vm9, $0x3F800000, v0  }
0x183: {  	v29 =	vnsel vm11, $0x0, v39;
	v6 =	vadd.f32 v28, v6;
	vm13 =	vnez.u8 v30  }
0x184: {  	v28 =	vld [tilespmem:$0x1FE70];
	v21 =	vadd.f32 v26, v21;
	v7 =	vadd.f32 v40, v7;
	v40 =	vnsel vm15, $0x0, v45  }
0x185: {  	v30 =	vnsel vm13, $0x0, v35;
	v25 =	vsel vm13, $0x3F800000, v0;
	v6 =	vadd.f32 v41, v6  }
0x186: {  	vm5 =	vnez.u8 v56;
	v19 =	vadd.f32 v30, v19;
	v20 =	vadd.f32 v25, v20  }
0x187: {  	v27 =	vld [tilespmem:s0+$0x3050];
	v7 =	vadd.f32 v36, v7;
	v25 =	vnsel vm5, $0x0, v31;
	v6 =	vadd.f32 v37, v6  }
0x188: {  	v22 =	vadd.f32 v25, v22;
	v25 =	vsel vm11, $0x3F800000, v0;
	v19 =	vadd.f32 v29, v19  }
0x189: {  	vm9 =	vnez.u8 v28;
	v20 =	vadd.f32 v25, v20;
	v25 =	vnsel vm3, $0x0, v62  }
0x18a: {  	v29 =	vld [tilespmem:s0+$0x3040];
	v7 =	vadd.f32 v33, v7;
	v22 =	vadd.f32 v25, v22;
	v25 =	vsel vm10, $0x3F800000, v0  }
0x18b: {  	p0 =	sne.s32 s2, $0x3E00;
	v19 =	vadd.f32 v32, v19;
	v20 =	vadd.f32 v25, v20;
	v25 =	vnsel vm4, $0x0, v63  }
.Ltmp1:
0x18c: {  	v28 =	vnsel vm9, $0x0, v27;
	v22 =	vadd.f32 v25, v22;
	v25 =	vsel vm15, $0x3F800000, v0;
	(pc) =	sbr.rel @p0 .LBB2_4-.Ltmp1, $4  }
0x18d: {  	v19 =	vadd.f32 v40, v19;
	v20 =	vadd.f32 v25, v20;
	v25 =	vnsel vm8, $0x0, v26  }
0x18e: {  	v6 =	vadd.f32 v34, v6;
	v25 =	vadd.f32 v25, v22;
	v22 =	vsel vm12, $0x3F800000, v0  }
0x18f: {  	v26 =	vnsel vm14, $0x0, v29;
	v19 =	vadd.f32 v38, v19;
	v20 =	vadd.f32 v22, v20  }
0x190: {  	s2 =	sadd.s32 $0x200, s2;
	v22 =	vadd.f32 v29, v21;
	v21 =	vadd.f32 v26, v25;
	v25 =	vsel vm9, $0x3F800000, v0  }
0x191: {  	v26 =	vld [tilespmem:s0+$0x4000];
	_ =	sdelay $0x1  }
0x192: {  	v29 =	vld [tilespmem:s0+$0x4010]  }
0x193: {  	v19 =	vadd.f32 v23, v19  }
0x194: {  	v23 =	vld [tilespmem:s0+$0x4020];
	v22 =	vadd.f32 v27, v22;
	v21 =	vadd.f32 v28, v21  }
0x195: {  	v14 =	vadd.f32 v14, v19;
	v18 =	vadd.f32 v26, v18  }
0x196: {  	v19 =	vld [tilespmem:s0+$0x4030];
	v10 =	vadd.f32 v10, v22;
	v13 =	vadd.f32 v13, v21  }
0x197: {  	v12 =	vadd.f32 v12, v14;
	v14 =	vnsel vm0, $0x0, v26;
	v18 =	vadd.f32 v29, v18  }
0x198: {  	v4 =	vadd.f32 v4, v10;
	v14 =	vadd.f32 v14, v17  }
0x199: {  	v10 =	vadd.f32 v11, v13;
	v11 =	vnsel vm1, $0x0, v29;
	v17 =	vadd.f32 v23, v18  }
0x19a: {  	v21 =	vld [tilespmem:s0+$0x4040];
	v11 =	vadd.f32 v11, v14  }
0x19b: {  	v20 =	vadd.f32 v24, v20;
	v14 =	vadd.f32 v19, v17;
	v17 =	vnsel vm2, $0x0, v23  }
0x19c: {  	v11 =	vadd.f32 v17, v11  }
0x19d: {  	v15 =	vadd.f32 v15, v20;
	v22 =	vsel vm5, $0x3F800000, v0;
	v17 =	vnsel vm6, $0x0, v19  }
0x19e: {  	v2 =	vadd.f32 v22, v2;
	v13 =	vld [tilespmem:s0+$0x4050];
	v18 =	vsel vm0, $0x3F800000, v0;
	v11 =	vadd.f32 v17, v11  }
0x19f: {  	v20 =	vsel vm3, $0x3F800000, v0;
	v16 =	vadd.f32 v18, v16;
	v18 =	vld [tilespmem:s0+$0x4060];
	v17 =	vnsel vm7, $0x0, v21  }
0x1a0: {  	v2 =	vadd.f32 v20, v2;
	v11 =	vadd.f32 v17, v11;
	v17 =	vld [tilespmem:$0x1FEF0]  }
0x1a1: {  	v27 =	vsel vm4, $0x3F800000, v0;
	v19 =	vld [tilespmem:s0+$0x4070]  }
0x1a2: {  	v22 =	vsel vm1, $0x3F800000, v0;
	v2 =	vadd.f32 v27, v2;
	[tilespmem:$0x50D0] =	vst v9;
	v9 =	vld [tilespmem:$0x1FEE0]  }
0x1a3: {  	v24 =	vsel vm8, $0x3F800000, v0;
	v16 =	vadd.f32 v22, v16  }
0x1a4: {  	v20 =	vsel vm2, $0x3F800000, v0;
	v2 =	vadd.f32 v24, v2;
	v14 =	vadd.f32 v21, v14  }
0x1a5: {  	[tilespmem:$0x50C0] =	vst v8;
	v8 =	vsel vm14, $0x3F800000, v0;
	v16 =	vadd.f32 v20, v16;
	vm0 =	vnez.u8 v17  }
0x1a6: {  	v20 =	vsel vm6, $0x3F800000, v0;
	v14 =	vadd.f32 v13, v14;
	v13 =	vnsel vm0, $0x0, v13  }
0x1a7: {  	v16 =	vadd.f32 v20, v16;
	vm1 =	vnez.u8 v9;
	v11 =	vadd.f32 v13, v11  }
0x1a8: {  	v2 =	vadd.f32 v8, v2;
	v8 =	vsel vm7, $0x3F800000, v0;
	v9 =	vnsel vm1, $0x0, v18  }
0x1a9: {  	[tilespmem:$0x50E0] =	vst v4;
	v4 =	vadd.f32 v8, v16;
	v8 =	vadd.f32 v9, v11;
	v11 =	vld [tilespmem:$0x1FED0]  }
0x1aa: {  	v2 =	vadd.f32 v25, v2  }
0x1ab: {  	[tilespmem:$0x5100] =	vst v7  }
0x1ac: {  	v5 =	vadd.f32 v5, v15;
	[tilespmem:$0x5110] =	vst v12;
	v2 =	vadd.f32 v3, v2;
	v9 =	vsel vm0, $0x3F800000, v0  }
0x1ad: {  	[tilespmem:$0x5120] =	vst v10;
	v14 =	vadd.f32 v18, v14;
	v4 =	vadd.f32 v9, v4  }
0x1ae: {  	[tilespmem:$0x5140] =	vst v6;
	v3 =	vsel vm1, $0x3F800000, v0;
	v1 =	vadd.f32 v1, v2;
	vm0 =	vnez.u8 v11  }
0x1af: {  	[tilespmem:$0x5150] =	vst v5;
	v13 =	vadd.f32 v19, v14;
	v3 =	vadd.f32 v3, v4;
	v11 =	vnsel vm0, $0x0, v19  }
0x1b0: {  	[tilespmem:$0x5160] =	vst v1;
	v2 =	vsel vm0, $0x3F800000, v0;
	v7 =	vadd.f32 v11, v8  }
0x1b1: {  	[tilespmem:$0x50F0] =	vst v13;
	v2 =	vadd.f32 v2, v3  }
0x1b2: {  	[tilespmem:$0x5130] =	vst v7  }
0x1b3: {  	s2 =	simm.s32 $0x0;
	[tilespmem:$0x5170] =	vst v2  }
0x1b4: {  	[tilespmem:s25], [sflag:$0x1] =	stream.linear.gather [hbm4b:s12+s2], $0x1000, $0x38;
	[tilespmem:$0x5300] =	vst v63  }
0x1b5: {  	_ = 	snop  }
0x1b6: {  	[tilespmem:s26], [sflag:$0x1] =	stream.linear.gather [hbm4b:s20+s2], $0x1000, $0x38;
	[tilespmem:$0x5300] =	vst v63  }
0x1b7: {  	_ = 	snop  }
0x1b8: {  	[tilespmem:s28], [sflag:$0x1] =	stream.linear.gather [hbm4b:s13+s2], $0x1000, $0x38;
	[tilespmem:$0x5300] =	vst v63  }
0x1b9: {  	_ = 	snop  }
0x1ba: {  	[tilespmem:s29], [sflag:$0x1] =	stream.linear.gather [hbm4b:s14+s2], $0x1000, $0x38;
	[tilespmem:$0x5300] =	vst v63  }
0x1bb: {  	_ = 	snop  }
0x1bc: {  	[tilespmem:s2], [sflag:$0x1] =	stream.linear.gather [hbm4b:s21+s2], $0x1000, $0x38;
	[tilespmem:$0x5300] =	vst v63  }
0x1bd: {  	_ =	swait.ge [sflag:s30], $0x1000  }
0x1be: {  	[sflag:s30] =	ssyncset.done $0x0  }
0x1bf: {  	[sflag:s30] =	ssyncadd.s32 $0xFFFFF000  }
0x1c0: {  	_ =	swait.ge [sflag:s30], $0x1000  }
0x1c1: {  	[sflag:s30] =	ssyncset.done $0x0  }
0x1c2: {  	[sflag:s30] =	ssyncadd.s32 $0xFFFFF000  }
0x1c3: {  	_ =	swait.ge [sflag:s30], $0x1000  }
0x1c4: {  	[sflag:s30] =	ssyncset.done $0x0  }
0x1c5: {  	[sflag:s30] =	ssyncadd.s32 $0xFFFFF000  }
0x1c6: {  	_ =	swait.ge [sflag:s30], $0x1000  }
0x1c7: {  	[sflag:s30] =	ssyncset.done $0x0  }
0x1c8: {  	[sflag:s30] =	ssyncadd.s32 $0xFFFFF000  }
0x1c9: {  	_ =	swait.ge [sflag:s30], $0x1000  }
0x1ca: {  	[sflag:s30] =	ssyncset.done $0x0  }
0x1cb: {  	s0 =	simm.s32 $0x0;
	[sflag:s30] =	ssyncadd.s32 $0xFFFFF000  }
0x1cc: {  	v1 =	vld [tilespmem:s0+$0x70]  }
0x1cd: {  	v6 =	vld [tilespmem:s0+$0x1070]  }
0x1ce: {  	v3 =	vld [tilespmem:s0+$0x60]  }
0x1cf: {  	v5 =	vld [tilespmem:s0+$0x50]  }
0x1d0: {  	v7 =	vld [tilespmem:s0+$0x40]  }
0x1d1: {  	v9 =	vld [tilespmem:s0+$0x2070]  }
0x1d2: {  	v8 =	vld [tilespmem:s0+$0x30]  }
0x1d3: {  	v4 =	vld [tilespmem:s0+$0x3070]  }
0x1d4: {  	v2 =	vimm.f32 $0.0e+00;
	v28 =	vld [tilespmem:s0+$0x2000];
	vm1 =	veq.s32 v1, $0x0  }
0x1d5: {  	v19 =	vld [tilespmem:s0+$0x1060];
	vm2 =	veq.s32 v1, $0x1;
	vm5 =	veq.s32 v1, $0x2;
	vm0 =	veq.s32 v1, $0x3  }
0x1d6: {  	v17 =	vld [tilespmem:s0+$0x0];
	v1 =	vimm.s32 $0x0;
	vm7 =	veq.s32 v3, $0x0;
	vm8 =	veq.s32 v3, $0x1  }
0x1d7: {  	v20 =	vld [tilespmem:s0+$0x2060];
	vm6 =	veq.s32 v3, $0x2;
	vm9 =	veq.s32 v5, $0x0;
	vm3 =	veq.s32 v5, $0x1  }
0x1d8: {  	v25 =	vld [tilespmem:s0+$0x1050];
	vm4 =	veq.s32 v7, $0x0;
	vm10 =	veq.s32 v5, $0x3;
	vm14 =	veq.s32 v7, $0x2  }
0x1d9: {  	v10 =	vld [tilespmem:s0+$0x3060];
	v36 =	vadd.f32 v28, v2;
	v1 =	vsel vm0, $0xFFFFFFFF, v1;
	vm0 =	veq.s32 v3, $0x3  }
0x1da: {  	v52 =	vld [tilespmem:s0+$0x1040];
	v21 =	vnsel vm1, $0x0, v6;
	v22 =	vsel vm1, $0x3F800000, v0;
	vm1 =	veq.s32 v7, $0x1  }
0x1db: {  	v18 =	vld [tilespmem:s0+$0x20];
	v12 =	vnsel vm2, $0x0, v9;
	v26 =	vnsel vm7, $0x0, v19;
	v27 =	vsel vm7, $0x3F800000, v0  }
0x1dc: {  	v31 =	vld [tilespmem:s0+$0x2010];
	vm7 =	veq.s32 v7, $0x3;
	v11 =	vnsel vm5, $0x0, v4;
	v14 =	vnsel vm8, $0x0, v20  }
0x1dd: {  	v15 =	vsel vm8, $0x3F800000, v0;
	v29 =	vnsel vm9, $0x0, v25;
	v30 =	vsel vm9, $0x3F800000, v0  }
0x1de: {  	v16 =	vld [tilespmem:s0+$0x10];
	vm8 =	veq.s32 v8, $0x2;
	v13 =	vnsel vm6, $0x0, v10;
	v3 =	vsel vm6, $0x3F800000, v0  }
0x1df: {  	v7 =	vld [tilespmem:s0+$0x1000];
	vm6 =	veq.s32 v17, $0x0;
	v58 =	vnsel vm4, $0x0, v52;
	[tilespmem:$0x1FDD0] =	vst v1;
	v1 =	vimm.s32 $0x0  }
0x1e0: {  	v23 =	vld [tilespmem:s0+$0x1010];
	v59 =	vsel vm4, $0x3F800000, v0;
	vm4 =	veq.s32 v18, $0x2;
	v1 =	vsel vm0, $0xFFFFFFFF, v1  }
0x1e1: {  	v35 =	vld [tilespmem:s0+$0x1030];
	v33 =	vsel vm6, $0x3F800000, v0;
	v36 =	vadd.f32 v31, v36;
	[tilespmem:$0x1FDE0] =	vst v1;
	v1 =	vimm.s32 $0x0  }
0x1e2: {  	vm0 =	veq.s32 v5, $0x2;
	v5 =	vsel vm2, $0x3F800000, v0;
	v1 =	vsel vm10, $0xFFFFFFFF, v1  }
0x1e3: {  	v24 =	vld [tilespmem:s0+$0x1020];
	vm2 =	veq.s32 v8, $0x1;
	v33 =	vadd.f32 v33, v2;
	[tilespmem:$0x1FDF0] =	vst v1;
	v1 =	vsel vm5, $0x3F800000, v0  }
0x1e4: {  	vm5 =	veq.s32 v8, $0x0;
	v32 =	vnsel vm6, $0x0, v7;
	vm6 =	veq.s32 v16, $0x0  }
0x1e5: {  	v34 =	vld [tilespmem:s0+$0x2020];
	v7 =	vadd.f32 v7, v2;
	v32 =	vadd.f32 v32, v2;
	v37 =	vnsel vm6, $0x0, v23  }
0x1e6: {  	v39 =	vld [tilespmem:s0+$0x2050];
	v38 =	vsel vm6, $0x3F800000, v0;
	vm6 =	veq.s32 v18, $0x0;
	v56 =	vnsel vm5, $0x0, v35  }
0x1e7: {  	v54 =	vld [tilespmem:s0+$0x2030];
	v57 =	vsel vm5, $0x3F800000, v0;
	v7 =	vadd.f32 v23, v7;
	v23 =	vadd.f32 v37, v32  }
0x1e8: {  	vm5 =	veq.s32 v18, $0x1;
	v33 =	vadd.f32 v38, v33;
	v53 =	vnsel vm6, $0x0, v24  }
0x1e9: {  	v55 =	vld [tilespmem:s0+$0x2040];
	v7 =	vadd.f32 v24, v7;
	v24 =	vsel vm6, $0x3F800000, v0;
	v23 =	vadd.f32 v53, v23  }
0x1ea: {  	vm6 =	veq.s32 v8, $0x3;
	v8 =	vadd.f32 v24, v33;
	v24 =	vadd.f32 v34, v36  }
0x1eb: {  	v34 =	vnsel vm5, $0x0, v34;
	v7 =	vadd.f32 v35, v7;
	v36 =	vadd.f32 v56, v23  }
0x1ec: {  	v8 =	vadd.f32 v57, v8;
	v23 =	vnsel vm3, $0x0, v39;
	v60 =	vadd.f32 v54, v24  }
0x1ed: {  	v24 =	vsel vm3, $0x3F800000, v0;
	v7 =	vadd.f32 v52, v7;
	v35 =	vadd.f32 v58, v36  }
0x1ee: {  	vm3 =	veq.s32 v17, $0x1;
	v8 =	vadd.f32 v59, v8;
	v32 =	vadd.f32 v55, v60  }
0x1ef: {  	v62 =	vld [tilespmem:s0+$0x3010];
	v28 =	vnsel vm3, $0x0, v28;
	v7 =	vadd.f32 v25, v7;
	v25 =	vadd.f32 v29, v35  }
0x1f0: {  	v29 =	vsel vm3, $0x3F800000, v0;
	vm3 =	veq.s32 v16, $0x1;
	v8 =	vadd.f32 v30, v8  }
0x1f1: {  	v61 =	vld [tilespmem:s0+$0x3000];
	v30 =	vadd.f32 v39, v32;
	v7 =	vadd.f32 v19, v7;
	v19 =	vnsel vm3, $0x0, v31  }
0x1f2: {  	v31 =	vsel vm3, $0x3F800000, v0;
	v25 =	vadd.f32 v26, v25;
	v26 =	vadd.f32 v27, v8  }
0x1f3: {  	vm3 =	veq.s32 v16, $0x2;
	v20 =	vadd.f32 v20, v30;
	v8 =	vadd.f32 v6, v7  }
0x1f4: {  	v30 =	vnsel vm3, $0x0, v62;
	v7 =	vadd.f32 v21, v25;
	v6 =	vadd.f32 v22, v26  }
0x1f5: {  	v21 =	vsel vm5, $0x3F800000, v0;
	vm5 =	veq.s32 v17, $0x2;
	v9 =	vadd.f32 v9, v20  }
0x1f6: {  	v20 =	vadd.f32 v28, v2;
	v22 =	vld [tilespmem:s0+$0x3020];
	v25 =	vadd.f32 v29, v2;
	v26 =	vnsel vm5, $0x0, v61  }
0x1f7: {  	v28 =	vadd.f32 v61, v2;
	v29 =	vnsel vm2, $0x0, v54;
	v26 =	vadd.f32 v26, v2  }
0x1f8: {  	v19 =	vadd.f32 v19, v20;
	v20 =	vld [tilespmem:s0+$0x3030];
	v25 =	vadd.f32 v31, v25;
	v31 =	vsel vm2, $0x3F800000, v0  }
0x1f9: {  	v27 =	vld [tilespmem:s0+$0x3050];
	vm2 =	veq.s32 v18, $0x3;
	v18 =	vadd.f32 v62, v28;
	v26 =	vadd.f32 v30, v26  }
0x1fa: {  	v63 =	vld [tilespmem:s0+$0x3040];
	v30 =	vnsel vm1, $0x0, v55;
	v19 =	vadd.f32 v34, v19;
	v21 =	vadd.f32 v21, v25  }
0x1fb: {  	v25 =	vnsel vm4, $0x0, v22;
	v18 =	vadd.f32 v22, v18;
	v22 =	vsel vm1, $0x3F800000, v0  }
0x1fc: {  	vm1 =	veq.s32 v16, $0x3;
	v16 =	vadd.f32 v25, v26;
	v19 =	vadd.f32 v29, v19  }
0x1fd: {  	v21 =	vadd.f32 v31, v21;
	v25 =	vnsel vm8, $0x0, v20;
	v18 =	vadd.f32 v20, v18  }
0x1fe: {  	v28 =	vnsel vm0, $0x0, v27;
	v16 =	vadd.f32 v25, v16;
	v19 =	vadd.f32 v30, v19  }
0x1ff: {  	v20 =	vadd.f32 v22, v21;
	v21 =	vnsel vm14, $0x0, v63;
	v25 =	vsel vm0, $0x3F800000, v0  }
0x200: {  	vm0 =	veq.s32 v17, $0x3;
	v17 =	vimm.f32 $0.0e+00;
	v22 =	vadd.f32 v63, v18  }
0x201: {  	s2 =	simm.s32 $0x200;
	v18 =	vimm.f32 $0.0e+00;
	v21 =	vadd.f32 v21, v16;
	v16 =	vimm.f32 $0.0e+00  }
.LBB2_6:
0x202: {  	v19 =	vadd.f32 v23, v19  }
0x203: {  	v26 =	vld [tilespmem:s0+$0x4000];
	v30 =	vsel vm5, $0x3F800000, v0;
	v20 =	vadd.f32 v24, v20;
	v22 =	vadd.f32 v27, v22  }
0x204: {  	v29 =	vsel vm14, $0x3F800000, v0;
	v21 =	vadd.f32 v28, v21;
	v2 =	vadd.f32 v30, v2  }
0x205: {  	v23 =	vsel vm8, $0x3F800000, v0;
	v24 =	vld [tilespmem:s0+$0x4010];
	v14 =	vadd.f32 v14, v19;
	v15 =	vadd.f32 v15, v20  }
0x206: {  	v27 =	vsel vm4, $0x3F800000, v0;
	v10 =	vadd.f32 v10, v22;
	v13 =	vadd.f32 v13, v21  }
0x207: {  	v31 =	vld [tilespmem:s0+$0x4020];
	v28 =	vsel vm3, $0x3F800000, v0;
	v19 =	vadd.f32 v12, v14;
	v20 =	vadd.f32 v5, v15  }
0x208: {  	v5 =	vnsel vm0, $0x0, v26;
	v21 =	vadd.f32 v4, v10;
	v4 =	vadd.f32 v26, v18  }
0x209: {  	v22 =	vadd.f32 v11, v13;
	v10 =	vsel vm0, $0x3F800000, v0;
	v11 =	vld [tilespmem:s0+$0x4030];
	v5 =	vadd.f32 v5, v17  }
0x20a: {  	v10 =	vadd.f32 v10, v16;
	v12 =	vnsel vm1, $0x0, v24;
	v4 =	vadd.f32 v24, v4  }
0x20b: {  	v2 =	vadd.f32 v28, v2;
	v13 =	vsel vm1, $0x3F800000, v0;
	v14 =	vld [tilespmem:s0+$0x4040];
	v5 =	vadd.f32 v12, v5  }
0x20c: {  	v10 =	vadd.f32 v13, v10;
	v12 =	vnsel vm2, $0x0, v31;
	v4 =	vadd.f32 v31, v4  }
0x20d: {  	v2 =	vadd.f32 v27, v2;
	v13 =	vsel vm2, $0x3F800000, v0;
	v5 =	vadd.f32 v12, v5  }
0x20e: {  	v15 =	vld [tilespmem:s0+$0x4050];
	v10 =	vadd.f32 v13, v10;
	v12 =	vnsel vm6, $0x0, v11;
	v4 =	vadd.f32 v11, v4  }
0x20f: {  	v2 =	vadd.f32 v23, v2;
	v13 =	vld [tilespmem:s0+$0x4060];
	v11 =	vsel vm6, $0x3F800000, v0;
	v5 =	vadd.f32 v12, v5  }
0x210: {  	v10 =	vadd.f32 v11, v10;
	v11 =	vnsel vm7, $0x0, v14;
	v4 =	vadd.f32 v14, v4;
	v14 =	vld [tilespmem:s0+$0x4070]  }
0x211: {  	v2 =	vadd.f32 v29, v2;
	v12 =	vsel vm7, $0x3F800000, v0;
	s0 =	sshra.s32 s2, $0x2;
	v5 =	vadd.f32 v11, v5;
	v11 =	vld [tilespmem:$0x1FDF0]  }
0x212: {  	v10 =	vadd.f32 v12, v10;
	v12 =	vld [tilespmem:s0+$0x70]  }
0x213: {  	v2 =	vadd.f32 v25, v2;
	v25 =	vld [tilespmem:s0+$0x1070]  }
0x214: {  	v29 =	vld [tilespmem:s0+$0x1060]  }
0x215: {  	v31 =	vld [tilespmem:s0+$0x1050]  }
0x216: {  	v27 =	vld [tilespmem:s0+$0x1000]  }
0x217: {  	v28 =	vld [tilespmem:s0+$0x1010]  }
0x218: {  	v35 =	vld [tilespmem:s0+$0x2000]  }
0x219: {  	v38 =	vld [tilespmem:s0+$0x1020]  }
0x21a: {  	v39 =	vld [tilespmem:s0+$0x2010]  }
0x21b: {  	v43 =	vld [tilespmem:s0+$0x1030];
	v4 =	vadd.f32 v15, v4  }
0x21c: {  	v2 =	vadd.f32 v3, v2;
	v54 =	vld [tilespmem:s0+$0x2020];
	vm0 =	vnez.u8 v11;
	v8 =	vadd.f32 v27, v8  }
0x21d: {  	v45 =	vld [tilespmem:s0+$0x2030];
	v3 =	vadd.f32 v13, v4;
	v9 =	vadd.f32 v35, v9;
	v11 =	vnsel vm0, $0x0, v15  }
0x21e: {  	v5 =	vadd.f32 v11, v5;
	v11 =	vld [tilespmem:$0x1FDE0];
	v8 =	vadd.f32 v28, v8  }
0x21f: {  	v55 =	vld [tilespmem:s0+$0x1040];
	v2 =	vadd.f32 v1, v2;
	v9 =	vadd.f32 v39, v9  }
0x220: {  	v57 =	vld [tilespmem:s0+$0x2040];
	v18 =	vadd.f32 v14, v3;
	v15 =	vsel vm0, $0x3F800000, v0;
	v8 =	vadd.f32 v38, v8  }
0x221: {  	v10 =	vadd.f32 v15, v10;
	v15 =	vld [tilespmem:s0+$0x60];
	v9 =	vadd.f32 v54, v9  }
0x222: {  	v32 =	vld [tilespmem:s0+$0x2050];
	vm15 =	veq.s32 v12, $0x0;
	vm10 =	veq.s32 v12, $0x1;
	v8 =	vadd.f32 v43, v8  }
0x223: {  	v30 =	vld [tilespmem:s0+$0x2060];
	vm14 =	veq.s32 v12, $0x2;
	v9 =	vadd.f32 v45, v9;
	vm0 =	vnez.u8 v11  }
0x224: {  	v11 =	vnsel vm0, $0x0, v13;
	v4 =	vsel vm0, $0x3F800000, v0;
	v13 =	vld [tilespmem:s0+$0x50];
	v8 =	vadd.f32 v55, v8  }
0x225: {  	v3 =	vimm.s32 $0x0;
	v9 =	vadd.f32 v57, v9;
	v4 =	vadd.f32 v4, v10;
	v10 =	vld [tilespmem:$0x1FDD0]  }
0x226: {  	v33 =	vnsel vm15, $0x0, v25;
	v34 =	vsel vm15, $0x3F800000, v0;
	vm2 =	veq.s32 v15, $0x0  }
0x227: {  	vm8 =	veq.s32 v15, $0x1;
	v8 =	vadd.f32 v31, v8;
	v9 =	vadd.f32 v32, v9  }
0x228: {  	vm13 =	veq.s32 v15, $0x2;
	v36 =	vnsel vm2, $0x0, v29;
	v5 =	vadd.f32 v11, v5  }
0x229: {  	v37 =	vsel vm2, $0x3F800000, v0;
	v8 =	vadd.f32 v29, v8;
	v9 =	vadd.f32 v30, v9  }
0x22a: {  	v26 =	vld [tilespmem:s0+$0x2070];
	vm7 =	veq.s32 v13, $0x0;
	vm6 =	veq.s32 v13, $0x1;
	vm0 =	vnez.u8 v10  }
0x22b: {  	v11 =	vld [tilespmem:s0+$0x40];
	v40 =	vnsel vm7, $0x0, v31;
	v41 =	vsel vm7, $0x3F800000, v0;
	v23 =	vnsel vm6, $0x0, v32  }
0x22c: {  	v24 =	vsel vm6, $0x3F800000, v0;
	v31 =	vld [tilespmem:s0+$0x3000];
	v8 =	vadd.f32 v25, v8;
	v1 =	vsel vm0, $0x3F800000, v0  }
0x22d: {  	v10 =	vnsel vm0, $0x0, v14;
	vm0 =	veq.s32 v12, $0x3;
	v12 =	vld [tilespmem:s0+$0x0];
	v16 =	vadd.f32 v1, v4  }
0x22e: {  	v1 =	vld [tilespmem:s0+$0x30];
	v3 =	vsel vm0, $0xFFFFFFFF, v3;
	vm0 =	veq.s32 v15, $0x3;
	v4 =	vimm.s32 $0x0  }
0x22f: {  	v9 =	vadd.f32 v26, v9;
	v17 =	vadd.f32 v10, v5;
	v5 =	vld [tilespmem:s0+$0x10];
	v4 =	vsel vm0, $0xFFFFFFFF, v4  }
0x230: {  	v14 =	vnsel vm8, $0x0, v30;
	vm0 =	veq.s32 v11, $0x0;
	[tilespmem:$0x1FDE0] =	vst v4;
	v4 =	vimm.s32 $0x0  }
0x231: {  	v62 =	vld [tilespmem:s0+$0x3010];
	v10 =	vimm.s32 $0x0;
	v15 =	vsel vm8, $0x3F800000, v0;
	[tilespmem:$0x1FDD0] =	vst v3;
	v4 =	vsel vm0, $0xFFFFFFFF, v4  }
0x232: {  	v3 =	vld [tilespmem:s0+$0x20];
	vm0 =	veq.s32 v13, $0x2;
	v21 =	vadd.f32 v31, v21;
	[tilespmem:$0x1FD50] =	vst v4;
	v4 =	vimm.s32 $0x0  }
0x233: {  	vm11 =	veq.s32 v12, $0x0;
	v4 =	vsel vm0, $0xFFFFFFFF, v4;
	vm0 =	veq.s32 v13, $0x3  }
0x234: {  	vm12 =	veq.s32 v1, $0x2;
	vm9 =	veq.s32 v5, $0x0;
	vm3 =	veq.s32 v5, $0x2  }
0x235: {  	vm1 =	veq.s32 v5, $0x3;
	v42 =	vnsel vm11, $0x0, v27;
	[tilespmem:$0x1FD70] =	vst v4;
	v4 =	vimm.s32 $0x0  }
0x236: {  	v27 =	vsel vm11, $0x3F800000, v0;
	v4 =	vsel vm0, $0xFFFFFFFF, v4;
	vm0 =	veq.s32 v11, $0x1  }
0x237: {  	v21 =	vadd.f32 v62, v21;
	vm5 =	veq.s32 v3, $0x0;
	v10 =	vsel vm0, $0xFFFFFFFF, v10  }
0x238: {  	vm4 =	veq.s32 v3, $0x2;
	vm0 =	veq.s32 v11, $0x2;
	[tilespmem:$0x1FD80] =	vst v10;
	v10 =	vimm.s32 $0x0  }
0x239: {  	v7 =	vadd.f32 v42, v7;
	v6 =	vadd.f32 v27, v6;
	v10 =	vsel vm0, $0xFFFFFFFF, v10  }
0x23a: {  	v27 =	vnsel vm9, $0x0, v28;
	vm0 =	veq.s32 v11, $0x3;
	[tilespmem:$0x1FD60] =	vst v10;
	v10 =	vimm.s32 $0x0  }
0x23b: {  	v63 =	vld [tilespmem:s0+$0x3020];
	v28 =	vnsel vm5, $0x0, v38;
	[tilespmem:$0x1FDF0] =	vst v4;
	v7 =	vadd.f32 v27, v7;
	v10 =	vsel vm0, $0xFFFFFFFF, v10  }
0x23c: {  	v4 =	vld [tilespmem:s0+$0x3070];
	v27 =	vsel vm9, $0x3F800000, v0;
	vm0 =	veq.s32 v1, $0x0;
	[tilespmem:$0x1FD00] =	vst v10;
	v10 =	vimm.s32 $0x0  }
0x23d: {  	v6 =	vadd.f32 v27, v6;
	v7 =	vadd.f32 v28, v7;
	v59 =	vld [tilespmem:$0x1FD80];
	v10 =	vsel vm0, $0xFFFFFFFF, v10  }
0x23e: {  	v28 =	vsel vm5, $0x3F800000, v0;
	vm0 =	veq.s32 v1, $0x1;
	[tilespmem:$0x1FD40] =	vst v10;
	v10 =	vimm.s32 $0x0  }
0x23f: {  	vm8 =	vmmov vm12;
	v6 =	vadd.f32 v28, v6;
	v10 =	vsel vm0, $0xFFFFFFFF, v10;
	v28 =	vld [tilespmem:$0x1FD40]  }
0x240: {  	v21 =	vadd.f32 v63, v21;
	vm0 =	veq.s32 v3, $0x1;
	[tilespmem:$0x1FD90] =	vst v10;
	v10 =	vimm.s32 $0x0  }
0x241: {  	v10 =	vsel vm0, $0xFFFFFFFF, v10;
	vm0 =	veq.s32 v1, $0x3;
	v1 =	vimm.s32 $0x0;
	v60 =	vld [tilespmem:$0x1FD90]  }
0x242: {  	v11 =	vnsel vm14, $0x0, v4;
	vm12 =	vnez.u8 v59;
	[tilespmem:$0x1FDA0] =	vst v10;
	v1 =	vsel vm0, $0xFFFFFFFF, v1;
	v10 =	vld [tilespmem:s0+$0x3060]  }
0x243: {  	v38 =	vnsel vm12, $0x0, v57;
	vm0 =	veq.s32 v3, $0x3;
	v3 =	vld [tilespmem:$0x1FD00];
	[tilespmem:$0x1FD10] =	vst v1;
	v1 =	vimm.s32 $0x0  }
0x244: {  	v61 =	vld [tilespmem:$0x1FDA0];
	v1 =	vsel vm0, $0xFFFFFFFF, v1;
	vm0 =	veq.s32 v5, $0x1;
	vm9 =	vnez.u8 v28  }
0x245: {  	v5 =	vsel vm10, $0x3F800000, v0;
	v44 =	vld [tilespmem:$0x1FD10];
	[tilespmem:$0x1FD20] =	vst v1;
	v1 =	vimm.s32 $0x0;
	v28 =	vnsel vm9, $0x0, v43  }
0x246: {  	v1 =	vsel vm0, $0xFFFFFFFF, v1;
	v53 =	vld [tilespmem:$0x1FD20];
	v7 =	vadd.f32 v28, v7;
	v28 =	vsel vm9, $0x3F800000, v0  }
0x247: {  	vm0 =	veq.s32 v12, $0x1;
	[tilespmem:$0x1FDB0] =	vst v1;
	v1 =	vimm.s32 $0x0;
	v6 =	vadd.f32 v28, v6;
	v28 =	vld [tilespmem:$0x1FD50]  }
0x248: {  	v58 =	vld [tilespmem:$0x1FD60];
	vm15 =	vnez.u8 v60;
	v13 =	vnsel vm13, $0x0, v10;
	v1 =	vsel vm0, $0xFFFFFFFF, v1  }
0x249: {  	vm7 =	vnez.u8 v3;
	vm0 =	veq.s32 v12, $0x2;
	v29 =	vld [tilespmem:$0x1FDB0];
	[tilespmem:$0x1FDC0] =	vst v1;
	v1 =	vimm.s32 $0x0  }
0x24a: {  	v3 =	vsel vm13, $0x3F800000, v0;
	vm6 =	vnez.u8 v44;
	v1 =	vsel vm0, $0xFFFFFFFF, v1;
	v30 =	vld [tilespmem:$0x1FDC0]  }
0x24b: {  	vm0 =	veq.s32 v12, $0x3;
	v12 =	vnsel vm10, $0x0, v26;
	vm10 =	vnez.u8 v61;
	v26 =	vld [tilespmem:s0+$0x3030]  }
0x24c: {  	[tilespmem:$0x1FD30] =	vst v1;
	v1 =	vsel vm14, $0x3F800000, v0;
	vm2 =	vnez.u8 v53;
	vm9 =	vnez.u8 v28  }
0x24d: {  	vm14 =	vnez.u8 v58;
	v32 =	vnsel vm10, $0x0, v54;
	v56 =	vld [tilespmem:$0x1FD30];
	v28 =	vnsel vm9, $0x0, v55  }
0x24e: {  	vm11 =	vnez.u8 v29;
	v7 =	vadd.f32 v28, v7;
	v28 =	vsel vm9, $0x3F800000, v0  }
0x24f: {  	v29 =	vnsel vm11, $0x0, v39;
	v6 =	vadd.f32 v28, v6;
	vm13 =	vnez.u8 v30  }
0x250: {  	v28 =	vld [tilespmem:$0x1FD70];
	v21 =	vadd.f32 v26, v21;
	v7 =	vadd.f32 v40, v7;
	v40 =	vnsel vm15, $0x0, v45  }
0x251: {  	v30 =	vnsel vm13, $0x0, v35;
	v25 =	vsel vm13, $0x3F800000, v0;
	v6 =	vadd.f32 v41, v6  }
0x252: {  	vm5 =	vnez.u8 v56;
	v19 =	vadd.f32 v30, v19;
	v20 =	vadd.f32 v25, v20  }
0x253: {  	v27 =	vld [tilespmem:s0+$0x3050];
	v7 =	vadd.f32 v36, v7;
	v25 =	vnsel vm5, $0x0, v31;
	v6 =	vadd.f32 v37, v6  }
0x254: {  	v22 =	vadd.f32 v25, v22;
	v25 =	vsel vm11, $0x3F800000, v0;
	v19 =	vadd.f32 v29, v19  }
0x255: {  	vm9 =	vnez.u8 v28;
	v20 =	vadd.f32 v25, v20;
	v25 =	vnsel vm3, $0x0, v62  }
0x256: {  	v29 =	vld [tilespmem:s0+$0x3040];
	v7 =	vadd.f32 v33, v7;
	v22 =	vadd.f32 v25, v22;
	v25 =	vsel vm10, $0x3F800000, v0  }
0x257: {  	p0 =	sne.s32 s2, $0x3E00;
	v19 =	vadd.f32 v32, v19;
	v20 =	vadd.f32 v25, v20;
	v25 =	vnsel vm4, $0x0, v63  }
.Ltmp2:
0x258: {  	v28 =	vnsel vm9, $0x0, v27;
	v22 =	vadd.f32 v25, v22;
	v25 =	vsel vm15, $0x3F800000, v0;
	(pc) =	sbr.rel @p0 .LBB2_6-.Ltmp2, $4  }
0x259: {  	v19 =	vadd.f32 v40, v19;
	v20 =	vadd.f32 v25, v20;
	v25 =	vnsel vm8, $0x0, v26  }
0x25a: {  	v6 =	vadd.f32 v34, v6;
	v25 =	vadd.f32 v25, v22;
	v22 =	vsel vm12, $0x3F800000, v0  }
0x25b: {  	v26 =	vnsel vm14, $0x0, v29;
	v19 =	vadd.f32 v38, v19;
	v20 =	vadd.f32 v22, v20  }
0x25c: {  	s2 =	sadd.s32 $0x200, s2;
	v22 =	vadd.f32 v29, v21;
	v21 =	vadd.f32 v26, v25;
	v25 =	vsel vm9, $0x3F800000, v0  }
0x25d: {  	v26 =	vld [tilespmem:s0+$0x4000];
	_ =	sdelay $0x1  }
0x25e: {  	v29 =	vld [tilespmem:s0+$0x4010]  }
0x25f: {  	v19 =	vadd.f32 v23, v19  }
0x260: {  	v23 =	vld [tilespmem:s0+$0x4020];
	v22 =	vadd.f32 v27, v22;
	v21 =	vadd.f32 v28, v21  }
0x261: {  	v14 =	vadd.f32 v14, v19;
	v18 =	vadd.f32 v26, v18  }
0x262: {  	v19 =	vld [tilespmem:s0+$0x4030];
	v10 =	vadd.f32 v10, v22;
	v13 =	vadd.f32 v13, v21  }
0x263: {  	v12 =	vadd.f32 v12, v14;
	v14 =	vnsel vm0, $0x0, v26;
	v18 =	vadd.f32 v29, v18  }
0x264: {  	v4 =	vadd.f32 v4, v10;
	v14 =	vadd.f32 v14, v17  }
0x265: {  	v10 =	vadd.f32 v11, v13;
	v11 =	vnsel vm1, $0x0, v29;
	v17 =	vadd.f32 v23, v18  }
0x266: {  	v21 =	vld [tilespmem:s0+$0x4040];
	v11 =	vadd.f32 v11, v14  }
0x267: {  	v20 =	vadd.f32 v24, v20;
	v14 =	vadd.f32 v19, v17;
	v17 =	vnsel vm2, $0x0, v23  }
0x268: {  	v11 =	vadd.f32 v17, v11  }
0x269: {  	v15 =	vadd.f32 v15, v20;
	v22 =	vsel vm5, $0x3F800000, v0;
	v17 =	vnsel vm6, $0x0, v19  }
0x26a: {  	v2 =	vadd.f32 v22, v2;
	v13 =	vld [tilespmem:s0+$0x4050];
	v18 =	vsel vm0, $0x3F800000, v0;
	v11 =	vadd.f32 v17, v11  }
0x26b: {  	v20 =	vsel vm3, $0x3F800000, v0;
	v16 =	vadd.f32 v18, v16;
	v18 =	vld [tilespmem:s0+$0x4060];
	v17 =	vnsel vm7, $0x0, v21  }
0x26c: {  	v2 =	vadd.f32 v20, v2;
	v11 =	vadd.f32 v17, v11;
	v17 =	vld [tilespmem:$0x1FDF0]  }
0x26d: {  	v27 =	vsel vm4, $0x3F800000, v0;
	v19 =	vld [tilespmem:s0+$0x4070]  }
0x26e: {  	v22 =	vsel vm1, $0x3F800000, v0;
	v2 =	vadd.f32 v27, v2;
	[tilespmem:$0x5190] =	vst v9;
	v9 =	vld [tilespmem:$0x1FDE0]  }
0x26f: {  	v24 =	vsel vm8, $0x3F800000, v0;
	v16 =	vadd.f32 v22, v16  }
0x270: {  	v20 =	vsel vm2, $0x3F800000, v0;
	v2 =	vadd.f32 v24, v2;
	v14 =	vadd.f32 v21, v14  }
0x271: {  	[tilespmem:$0x5180] =	vst v8;
	v8 =	vsel vm14, $0x3F800000, v0;
	v16 =	vadd.f32 v20, v16;
	vm0 =	vnez.u8 v17  }
0x272: {  	v20 =	vsel vm6, $0x3F800000, v0;
	v14 =	vadd.f32 v13, v14;
	v13 =	vnsel vm0, $0x0, v13  }
0x273: {  	v16 =	vadd.f32 v20, v16;
	vm1 =	vnez.u8 v9;
	v11 =	vadd.f32 v13, v11  }
0x274: {  	v2 =	vadd.f32 v8, v2;
	v8 =	vsel vm7, $0x3F800000, v0;
	v9 =	vnsel vm1, $0x0, v18  }
0x275: {  	[tilespmem:$0x51A0] =	vst v4;
	v4 =	vadd.f32 v8, v16;
	v8 =	vadd.f32 v9, v11;
	v11 =	vld [tilespmem:$0x1FDD0]  }
0x276: {  	v2 =	vadd.f32 v25, v2  }
0x277: {  	[tilespmem:$0x51C0] =	vst v7  }
0x278: {  	v5 =	vadd.f32 v5, v15;
	[tilespmem:$0x51D0] =	vst v12;
	v2 =	vadd.f32 v3, v2;
	v9 =	vsel vm0, $0x3F800000, v0  }
0x279: {  	[tilespmem:$0x51E0] =	vst v10;
	v14 =	vadd.f32 v18, v14;
	v4 =	vadd.f32 v9, v4  }
0x27a: {  	[tilespmem:$0x5200] =	vst v6;
	v3 =	vsel vm1, $0x3F800000, v0;
	v1 =	vadd.f32 v1, v2;
	vm0 =	vnez.u8 v11  }
0x27b: {  	[tilespmem:$0x5210] =	vst v5;
	v13 =	vadd.f32 v19, v14;
	v3 =	vadd.f32 v3, v4;
	v11 =	vnsel vm0, $0x0, v19  }
0x27c: {  	[tilespmem:$0x5220] =	vst v1;
	v2 =	vsel vm0, $0x3F800000, v0;
	v7 =	vadd.f32 v11, v8  }
0x27d: {  	[tilespmem:$0x51B0] =	vst v13;
	v2 =	vadd.f32 v2, v3  }
0x27e: {  	[tilespmem:$0x51F0] =	vst v7  }
0x27f: {  	s2 =	simm.s32 $0x0;
	[tilespmem:$0x5230] =	vst v2  }
0x280: {  	[tilespmem:s25], [sflag:$0x1] =	stream.linear.gather [hbm4b:s16+s2], $0x1000, $0x38;
	[tilespmem:$0x5300] =	vst v63  }
0x281: {  	_ = 	snop  }
0x282: {  	[tilespmem:s26], [sflag:$0x1] =	stream.linear.gather [hbm4b:s17+s2], $0x1000, $0x38;
	[tilespmem:$0x5300] =	vst v63  }
0x283: {  	_ = 	snop  }
0x284: {  	[tilespmem:s28], [sflag:$0x1] =	stream.linear.gather [hbm4b:s18+s2], $0x1000, $0x38;
	[tilespmem:$0x5300] =	vst v63  }
0x285: {  	_ = 	snop  }
0x286: {  	[tilespmem:s29], [sflag:$0x1] =	stream.linear.gather [hbm4b:s19+s2], $0x1000, $0x38;
	[tilespmem:$0x5300] =	vst v63  }
0x287: {  	_ = 	snop  }
0x288: {  	[tilespmem:s2], [sflag:$0x1] =	stream.linear.gather [hbm4b:s22+s2], $0x1000, $0x38;
	[tilespmem:$0x5300] =	vst v63  }
0x289: {  	_ =	swait.ge [sflag:s30], $0x1000  }
0x28a: {  	[sflag:s30] =	ssyncset.done $0x0  }
0x28b: {  	[sflag:s30] =	ssyncadd.s32 $0xFFFFF000  }
0x28c: {  	_ =	swait.ge [sflag:s30], $0x1000  }
0x28d: {  	[sflag:s30] =	ssyncset.done $0x0  }
0x28e: {  	[sflag:s30] =	ssyncadd.s32 $0xFFFFF000  }
0x28f: {  	_ =	swait.ge [sflag:s30], $0x1000  }
0x290: {  	[sflag:s30] =	ssyncset.done $0x0  }
0x291: {  	[sflag:s30] =	ssyncadd.s32 $0xFFFFF000  }
0x292: {  	_ =	swait.ge [sflag:s30], $0x1000  }
0x293: {  	[sflag:s30] =	ssyncset.done $0x0  }
0x294: {  	[sflag:s30] =	ssyncadd.s32 $0xFFFFF000  }
0x295: {  	_ =	swait.ge [sflag:s30], $0x1000  }
0x296: {  	[sflag:s30] =	ssyncset.done $0x0  }
0x297: {  	s0 =	simm.s32 $0x0;
	[sflag:s30] =	ssyncadd.s32 $0xFFFFF000  }
0x298: {  	v1 =	vld [tilespmem:s0+$0x70]  }
0x299: {  	v6 =	vld [tilespmem:s0+$0x1070]  }
0x29a: {  	v3 =	vld [tilespmem:s0+$0x60]  }
0x29b: {  	v5 =	vld [tilespmem:s0+$0x50]  }
0x29c: {  	v7 =	vld [tilespmem:s0+$0x40]  }
0x29d: {  	v9 =	vld [tilespmem:s0+$0x2070]  }
0x29e: {  	v8 =	vld [tilespmem:s0+$0x30]  }
0x29f: {  	v4 =	vld [tilespmem:s0+$0x3070]  }
0x2a0: {  	v2 =	vimm.f32 $0.0e+00;
	v28 =	vld [tilespmem:s0+$0x2000];
	vm1 =	veq.s32 v1, $0x0  }
0x2a1: {  	v19 =	vld [tilespmem:s0+$0x1060];
	vm2 =	veq.s32 v1, $0x1;
	vm5 =	veq.s32 v1, $0x2;
	vm0 =	veq.s32 v1, $0x3  }
0x2a2: {  	v17 =	vld [tilespmem:s0+$0x0];
	v1 =	vimm.s32 $0x0;
	vm7 =	veq.s32 v3, $0x0;
	vm8 =	veq.s32 v3, $0x1  }
0x2a3: {  	v20 =	vld [tilespmem:s0+$0x2060];
	vm6 =	veq.s32 v3, $0x2;
	vm9 =	veq.s32 v5, $0x0;
	vm3 =	veq.s32 v5, $0x1  }
0x2a4: {  	v25 =	vld [tilespmem:s0+$0x1050];
	vm4 =	veq.s32 v7, $0x0;
	vm10 =	veq.s32 v5, $0x3;
	vm14 =	veq.s32 v7, $0x2  }
0x2a5: {  	v10 =	vld [tilespmem:s0+$0x3060];
	v36 =	vadd.f32 v28, v2;
	v1 =	vsel vm0, $0xFFFFFFFF, v1;
	vm0 =	veq.s32 v3, $0x3  }
0x2a6: {  	v52 =	vld [tilespmem:s0+$0x1040];
	v21 =	vnsel vm1, $0x0, v6;
	v22 =	vsel vm1, $0x3F800000, v0;
	vm1 =	veq.s32 v7, $0x1  }
0x2a7: {  	v18 =	vld [tilespmem:s0+$0x20];
	v12 =	vnsel vm2, $0x0, v9;
	v26 =	vnsel vm7, $0x0, v19;
	v27 =	vsel vm7, $0x3F800000, v0  }
0x2a8: {  	v31 =	vld [tilespmem:s0+$0x2010];
	vm7 =	veq.s32 v7, $0x3;
	v11 =	vnsel vm5, $0x0, v4;
	v14 =	vnsel vm8, $0x0, v20  }
0x2a9: {  	v15 =	vsel vm8, $0x3F800000, v0;
	v29 =	vnsel vm9, $0x0, v25;
	v30 =	vsel vm9, $0x3F800000, v0  }
0x2aa: {  	v16 =	vld [tilespmem:s0+$0x10];
	vm8 =	veq.s32 v8, $0x2;
	v13 =	vnsel vm6, $0x0, v10;
	v3 =	vsel vm6, $0x3F800000, v0  }
0x2ab: {  	v7 =	vld [tilespmem:s0+$0x1000];
	vm6 =	veq.s32 v17, $0x0;
	v58 =	vnsel vm4, $0x0, v52;
	[tilespmem:$0x1FCD0] =	vst v1;
	v1 =	vimm.s32 $0x0  }
0x2ac: {  	v23 =	vld [tilespmem:s0+$0x1010];
	v59 =	vsel vm4, $0x3F800000, v0;
	vm4 =	veq.s32 v18, $0x2;
	v1 =	vsel vm0, $0xFFFFFFFF, v1  }
0x2ad: {  	v35 =	vld [tilespmem:s0+$0x1030];
	v33 =	vsel vm6, $0x3F800000, v0;
	v36 =	vadd.f32 v31, v36;
	[tilespmem:$0x1FCE0] =	vst v1;
	v1 =	vimm.s32 $0x0  }
0x2ae: {  	vm0 =	veq.s32 v5, $0x2;
	v5 =	vsel vm2, $0x3F800000, v0;
	v1 =	vsel vm10, $0xFFFFFFFF, v1  }
0x2af: {  	v24 =	vld [tilespmem:s0+$0x1020];
	vm2 =	veq.s32 v8, $0x1;
	v33 =	vadd.f32 v33, v2;
	[tilespmem:$0x1FCF0] =	vst v1;
	v1 =	vsel vm5, $0x3F800000, v0  }
0x2b0: {  	vm5 =	veq.s32 v8, $0x0;
	v32 =	vnsel vm6, $0x0, v7;
	vm6 =	veq.s32 v16, $0x0  }
0x2b1: {  	v34 =	vld [tilespmem:s0+$0x2020];
	v7 =	vadd.f32 v7, v2;
	v32 =	vadd.f32 v32, v2;
	v37 =	vnsel vm6, $0x0, v23  }
0x2b2: {  	v39 =	vld [tilespmem:s0+$0x2050];
	v38 =	vsel vm6, $0x3F800000, v0;
	vm6 =	veq.s32 v18, $0x0;
	v56 =	vnsel vm5, $0x0, v35  }
0x2b3: {  	v54 =	vld [tilespmem:s0+$0x2030];
	v57 =	vsel vm5, $0x3F800000, v0;
	v7 =	vadd.f32 v23, v7;
	v23 =	vadd.f32 v37, v32  }
0x2b4: {  	vm5 =	veq.s32 v18, $0x1;
	v33 =	vadd.f32 v38, v33;
	v53 =	vnsel vm6, $0x0, v24  }
0x2b5: {  	v55 =	vld [tilespmem:s0+$0x2040];
	v7 =	vadd.f32 v24, v7;
	v24 =	vsel vm6, $0x3F800000, v0;
	v23 =	vadd.f32 v53, v23  }
0x2b6: {  	vm6 =	veq.s32 v8, $0x3;
	v8 =	vadd.f32 v24, v33;
	v24 =	vadd.f32 v34, v36  }
0x2b7: {  	v34 =	vnsel vm5, $0x0, v34;
	v7 =	vadd.f32 v35, v7;
	v36 =	vadd.f32 v56, v23  }
0x2b8: {  	v8 =	vadd.f32 v57, v8;
	v23 =	vnsel vm3, $0x0, v39;
	v60 =	vadd.f32 v54, v24  }
0x2b9: {  	v24 =	vsel vm3, $0x3F800000, v0;
	v7 =	vadd.f32 v52, v7;
	v35 =	vadd.f32 v58, v36  }
0x2ba: {  	vm3 =	veq.s32 v17, $0x1;
	v8 =	vadd.f32 v59, v8;
	v32 =	vadd.f32 v55, v60  }
0x2bb: {  	v62 =	vld [tilespmem:s0+$0x3010];
	v28 =	vnsel vm3, $0x0, v28;
	v7 =	vadd.f32 v25, v7;
	v25 =	vadd.f32 v29, v35  }
0x2bc: {  	v29 =	vsel vm3, $0x3F800000, v0;
	vm3 =	veq.s32 v16, $0x1;
	v8 =	vadd.f32 v30, v8  }
0x2bd: {  	v61 =	vld [tilespmem:s0+$0x3000];
	v30 =	vadd.f32 v39, v32;
	v7 =	vadd.f32 v19, v7;
	v19 =	vnsel vm3, $0x0, v31  }
0x2be: {  	v31 =	vsel vm3, $0x3F800000, v0;
	v25 =	vadd.f32 v26, v25;
	v26 =	vadd.f32 v27, v8  }
0x2bf: {  	vm3 =	veq.s32 v16, $0x2;
	v20 =	vadd.f32 v20, v30;
	v8 =	vadd.f32 v6, v7  }
0x2c0: {  	v30 =	vnsel vm3, $0x0, v62;
	v7 =	vadd.f32 v21, v25;
	v6 =	vadd.f32 v22, v26  }
0x2c1: {  	v21 =	vsel vm5, $0x3F800000, v0;
	vm5 =	veq.s32 v17, $0x2;
	v9 =	vadd.f32 v9, v20  }
0x2c2: {  	v20 =	vadd.f32 v28, v2;
	v22 =	vld [tilespmem:s0+$0x3020];
	v25 =	vadd.f32 v29, v2;
	v26 =	vnsel vm5, $0x0, v61  }
0x2c3: {  	v28 =	vadd.f32 v61, v2;
	v29 =	vnsel vm2, $0x0, v54;
	v26 =	vadd.f32 v26, v2  }
0x2c4: {  	v19 =	vadd.f32 v19, v20;
	v20 =	vld [tilespmem:s0+$0x3030];
	v25 =	vadd.f32 v31, v25;
	v31 =	vsel vm2, $0x3F800000, v0  }
0x2c5: {  	v27 =	vld [tilespmem:s0+$0x3050];
	vm2 =	veq.s32 v18, $0x3;
	v18 =	vadd.f32 v62, v28;
	v26 =	vadd.f32 v30, v26  }
0x2c6: {  	v63 =	vld [tilespmem:s0+$0x3040];
	v30 =	vnsel vm1, $0x0, v55;
	v19 =	vadd.f32 v34, v19;
	v21 =	vadd.f32 v21, v25  }
0x2c7: {  	v25 =	vnsel vm4, $0x0, v22;
	v18 =	vadd.f32 v22, v18;
	v22 =	vsel vm1, $0x3F800000, v0  }
0x2c8: {  	vm1 =	veq.s32 v16, $0x3;
	v16 =	vadd.f32 v25, v26;
	v19 =	vadd.f32 v29, v19  }
0x2c9: {  	v21 =	vadd.f32 v31, v21;
	v25 =	vnsel vm8, $0x0, v20;
	v18 =	vadd.f32 v20, v18  }
0x2ca: {  	v28 =	vnsel vm0, $0x0, v27;
	v16 =	vadd.f32 v25, v16;
	v19 =	vadd.f32 v30, v19  }
0x2cb: {  	v20 =	vadd.f32 v22, v21;
	v21 =	vnsel vm14, $0x0, v63;
	v25 =	vsel vm0, $0x3F800000, v0  }
0x2cc: {  	vm0 =	veq.s32 v17, $0x3;
	v17 =	vimm.f32 $0.0e+00;
	v22 =	vadd.f32 v63, v18  }
0x2cd: {  	s2 =	simm.s32 $0x200;
	v18 =	vimm.f32 $0.0e+00;
	v21 =	vadd.f32 v21, v16;
	v16 =	vimm.f32 $0.0e+00  }
.LBB2_8:
0x2ce: {  	v19 =	vadd.f32 v23, v19  }
0x2cf: {  	v26 =	vld [tilespmem:s0+$0x4000];
	v30 =	vsel vm5, $0x3F800000, v0;
	v20 =	vadd.f32 v24, v20;
	v22 =	vadd.f32 v27, v22  }
0x2d0: {  	v29 =	vsel vm14, $0x3F800000, v0;
	v21 =	vadd.f32 v28, v21;
	v2 =	vadd.f32 v30, v2  }
0x2d1: {  	v23 =	vsel vm8, $0x3F800000, v0;
	v24 =	vld [tilespmem:s0+$0x4010];
	v14 =	vadd.f32 v14, v19;
	v15 =	vadd.f32 v15, v20  }
0x2d2: {  	v27 =	vsel vm4, $0x3F800000, v0;
	v10 =	vadd.f32 v10, v22;
	v13 =	vadd.f32 v13, v21  }
0x2d3: {  	v31 =	vld [tilespmem:s0+$0x4020];
	v28 =	vsel vm3, $0x3F800000, v0;
	v19 =	vadd.f32 v12, v14;
	v20 =	vadd.f32 v5, v15  }
0x2d4: {  	v5 =	vnsel vm0, $0x0, v26;
	v21 =	vadd.f32 v4, v10;
	v4 =	vadd.f32 v26, v18  }
0x2d5: {  	v22 =	vadd.f32 v11, v13;
	v10 =	vsel vm0, $0x3F800000, v0;
	v11 =	vld [tilespmem:s0+$0x4030];
	v5 =	vadd.f32 v5, v17  }
0x2d6: {  	v10 =	vadd.f32 v10, v16;
	v12 =	vnsel vm1, $0x0, v24;
	v4 =	vadd.f32 v24, v4  }
0x2d7: {  	v2 =	vadd.f32 v28, v2;
	v13 =	vsel vm1, $0x3F800000, v0;
	v14 =	vld [tilespmem:s0+$0x4040];
	v5 =	vadd.f32 v12, v5  }
0x2d8: {  	v10 =	vadd.f32 v13, v10;
	v12 =	vnsel vm2, $0x0, v31;
	v4 =	vadd.f32 v31, v4  }
0x2d9: {  	v2 =	vadd.f32 v27, v2;
	v13 =	vsel vm2, $0x3F800000, v0;
	v5 =	vadd.f32 v12, v5  }
0x2da: {  	v15 =	vld [tilespmem:s0+$0x4050];
	v10 =	vadd.f32 v13, v10;
	v12 =	vnsel vm6, $0x0, v11;
	v4 =	vadd.f32 v11, v4  }
0x2db: {  	v2 =	vadd.f32 v23, v2;
	v13 =	vld [tilespmem:s0+$0x4060];
	v11 =	vsel vm6, $0x3F800000, v0;
	v5 =	vadd.f32 v12, v5  }
0x2dc: {  	v10 =	vadd.f32 v11, v10;
	v11 =	vnsel vm7, $0x0, v14;
	v4 =	vadd.f32 v14, v4;
	v14 =	vld [tilespmem:s0+$0x4070]  }
0x2dd: {  	v2 =	vadd.f32 v29, v2;
	v12 =	vsel vm7, $0x3F800000, v0;
	s0 =	sshra.s32 s2, $0x2;
	v5 =	vadd.f32 v11, v5;
	v11 =	vld [tilespmem:$0x1FCF0]  }
0x2de: {  	v10 =	vadd.f32 v12, v10;
	v12 =	vld [tilespmem:s0+$0x70]  }
0x2df: {  	v2 =	vadd.f32 v25, v2;
	v25 =	vld [tilespmem:s0+$0x1070]  }
0x2e0: {  	v29 =	vld [tilespmem:s0+$0x1060]  }
0x2e1: {  	v31 =	vld [tilespmem:s0+$0x1050]  }
0x2e2: {  	v27 =	vld [tilespmem:s0+$0x1000]  }
0x2e3: {  	v28 =	vld [tilespmem:s0+$0x1010]  }
0x2e4: {  	v35 =	vld [tilespmem:s0+$0x2000]  }
0x2e5: {  	v38 =	vld [tilespmem:s0+$0x1020]  }
0x2e6: {  	v39 =	vld [tilespmem:s0+$0x2010]  }
0x2e7: {  	v43 =	vld [tilespmem:s0+$0x1030];
	v4 =	vadd.f32 v15, v4  }
0x2e8: {  	v2 =	vadd.f32 v3, v2;
	v54 =	vld [tilespmem:s0+$0x2020];
	vm0 =	vnez.u8 v11;
	v8 =	vadd.f32 v27, v8  }
0x2e9: {  	v45 =	vld [tilespmem:s0+$0x2030];
	v3 =	vadd.f32 v13, v4;
	v9 =	vadd.f32 v35, v9;
	v11 =	vnsel vm0, $0x0, v15  }
0x2ea: {  	v5 =	vadd.f32 v11, v5;
	v11 =	vld [tilespmem:$0x1FCE0];
	v8 =	vadd.f32 v28, v8  }
0x2eb: {  	v55 =	vld [tilespmem:s0+$0x1040];
	v2 =	vadd.f32 v1, v2;
	v9 =	vadd.f32 v39, v9  }
0x2ec: {  	v57 =	vld [tilespmem:s0+$0x2040];
	v18 =	vadd.f32 v14, v3;
	v15 =	vsel vm0, $0x3F800000, v0;
	v8 =	vadd.f32 v38, v8  }
0x2ed: {  	v10 =	vadd.f32 v15, v10;
	v15 =	vld [tilespmem:s0+$0x60];
	v9 =	vadd.f32 v54, v9  }
0x2ee: {  	v32 =	vld [tilespmem:s0+$0x2050];
	vm15 =	veq.s32 v12, $0x0;
	vm10 =	veq.s32 v12, $0x1;
	v8 =	vadd.f32 v43, v8  }
0x2ef: {  	v30 =	vld [tilespmem:s0+$0x2060];
	vm14 =	veq.s32 v12, $0x2;
	v9 =	vadd.f32 v45, v9;
	vm0 =	vnez.u8 v11  }
0x2f0: {  	v11 =	vnsel vm0, $0x0, v13;
	v4 =	vsel vm0, $0x3F800000, v0;
	v13 =	vld [tilespmem:s0+$0x50];
	v8 =	vadd.f32 v55, v8  }
0x2f1: {  	v3 =	vimm.s32 $0x0;
	v9 =	vadd.f32 v57, v9;
	v4 =	vadd.f32 v4, v10;
	v10 =	vld [tilespmem:$0x1FCD0]  }
0x2f2: {  	v33 =	vnsel vm15, $0x0, v25;
	v34 =	vsel vm15, $0x3F800000, v0;
	vm2 =	veq.s32 v15, $0x0  }
0x2f3: {  	vm8 =	veq.s32 v15, $0x1;
	v8 =	vadd.f32 v31, v8;
	v9 =	vadd.f32 v32, v9  }
0x2f4: {  	vm13 =	veq.s32 v15, $0x2;
	v36 =	vnsel vm2, $0x0, v29;
	v5 =	vadd.f32 v11, v5  }
0x2f5: {  	v37 =	vsel vm2, $0x3F800000, v0;
	v8 =	vadd.f32 v29, v8;
	v9 =	vadd.f32 v30, v9  }
0x2f6: {  	v26 =	vld [tilespmem:s0+$0x2070];
	vm7 =	veq.s32 v13, $0x0;
	vm6 =	veq.s32 v13, $0x1;
	vm0 =	vnez.u8 v10  }
0x2f7: {  	v11 =	vld [tilespmem:s0+$0x40];
	v40 =	vnsel vm7, $0x0, v31;
	v41 =	vsel vm7, $0x3F800000, v0;
	v23 =	vnsel vm6, $0x0, v32  }
0x2f8: {  	v24 =	vsel vm6, $0x3F800000, v0;
	v31 =	vld [tilespmem:s0+$0x3000];
	v8 =	vadd.f32 v25, v8;
	v1 =	vsel vm0, $0x3F800000, v0  }
0x2f9: {  	v10 =	vnsel vm0, $0x0, v14;
	vm0 =	veq.s32 v12, $0x3;
	v12 =	vld [tilespmem:s0+$0x0];
	v16 =	vadd.f32 v1, v4  }
0x2fa: {  	v1 =	vld [tilespmem:s0+$0x30];
	v3 =	vsel vm0, $0xFFFFFFFF, v3;
	vm0 =	veq.s32 v15, $0x3;
	v4 =	vimm.s32 $0x0  }
0x2fb: {  	v9 =	vadd.f32 v26, v9;
	v17 =	vadd.f32 v10, v5;
	v5 =	vld [tilespmem:s0+$0x10];
	v4 =	vsel vm0, $0xFFFFFFFF, v4  }
0x2fc: {  	v14 =	vnsel vm8, $0x0, v30;
	vm0 =	veq.s32 v11, $0x0;
	[tilespmem:$0x1FCE0] =	vst v4;
	v4 =	vimm.s32 $0x0  }
0x2fd: {  	v62 =	vld [tilespmem:s0+$0x3010];
	v10 =	vimm.s32 $0x0;
	v15 =	vsel vm8, $0x3F800000, v0;
	[tilespmem:$0x1FCD0] =	vst v3;
	v4 =	vsel vm0, $0xFFFFFFFF, v4  }
0x2fe: {  	v3 =	vld [tilespmem:s0+$0x20];
	vm0 =	veq.s32 v13, $0x2;
	v21 =	vadd.f32 v31, v21;
	[tilespmem:$0x1FC50] =	vst v4;
	v4 =	vimm.s32 $0x0  }
0x2ff: {  	vm11 =	veq.s32 v12, $0x0;
	v4 =	vsel vm0, $0xFFFFFFFF, v4;
	vm0 =	veq.s32 v13, $0x3  }
0x300: {  	vm12 =	veq.s32 v1, $0x2;
	vm9 =	veq.s32 v5, $0x0;
	vm3 =	veq.s32 v5, $0x2  }
0x301: {  	vm1 =	veq.s32 v5, $0x3;
	v42 =	vnsel vm11, $0x0, v27;
	[tilespmem:$0x1FC70] =	vst v4;
	v4 =	vimm.s32 $0x0  }
0x302: {  	v27 =	vsel vm11, $0x3F800000, v0;
	v4 =	vsel vm0, $0xFFFFFFFF, v4;
	vm0 =	veq.s32 v11, $0x1  }
0x303: {  	v21 =	vadd.f32 v62, v21;
	vm5 =	veq.s32 v3, $0x0;
	v10 =	vsel vm0, $0xFFFFFFFF, v10  }
0x304: {  	vm4 =	veq.s32 v3, $0x2;
	vm0 =	veq.s32 v11, $0x2;
	[tilespmem:$0x1FC80] =	vst v10;
	v10 =	vimm.s32 $0x0  }
0x305: {  	v7 =	vadd.f32 v42, v7;
	v6 =	vadd.f32 v27, v6;
	v10 =	vsel vm0, $0xFFFFFFFF, v10  }
0x306: {  	v27 =	vnsel vm9, $0x0, v28;
	vm0 =	veq.s32 v11, $0x3;
	[tilespmem:$0x1FC60] =	vst v10;
	v10 =	vimm.s32 $0x0  }
0x307: {  	v63 =	vld [tilespmem:s0+$0x3020];
	v28 =	vnsel vm5, $0x0, v38;
	[tilespmem:$0x1FCF0] =	vst v4;
	v7 =	vadd.f32 v27, v7;
	v10 =	vsel vm0, $0xFFFFFFFF, v10  }
0x308: {  	v4 =	vld [tilespmem:s0+$0x3070];
	v27 =	vsel vm9, $0x3F800000, v0;
	vm0 =	veq.s32 v1, $0x0;
	[tilespmem:$0x1FC00] =	vst v10;
	v10 =	vimm.s32 $0x0  }
0x309: {  	v6 =	vadd.f32 v27, v6;
	v7 =	vadd.f32 v28, v7;
	v59 =	vld [tilespmem:$0x1FC80];
	v10 =	vsel vm0, $0xFFFFFFFF, v10  }
0x30a: {  	v28 =	vsel vm5, $0x3F800000, v0;
	vm0 =	veq.s32 v1, $0x1;
	[tilespmem:$0x1FC40] =	vst v10;
	v10 =	vimm.s32 $0x0  }
0x30b: {  	vm8 =	vmmov vm12;
	v6 =	vadd.f32 v28, v6;
	v10 =	vsel vm0, $0xFFFFFFFF, v10;
	v28 =	vld [tilespmem:$0x1FC40]  }
0x30c: {  	v21 =	vadd.f32 v63, v21;
	vm0 =	veq.s32 v3, $0x1;
	[tilespmem:$0x1FC90] =	vst v10;
	v10 =	vimm.s32 $0x0  }
0x30d: {  	v10 =	vsel vm0, $0xFFFFFFFF, v10;
	vm0 =	veq.s32 v1, $0x3;
	v1 =	vimm.s32 $0x0;
	v60 =	vld [tilespmem:$0x1FC90]  }
0x30e: {  	v11 =	vnsel vm14, $0x0, v4;
	vm12 =	vnez.u8 v59;
	[tilespmem:$0x1FCA0] =	vst v10;
	v1 =	vsel vm0, $0xFFFFFFFF, v1;
	v10 =	vld [tilespmem:s0+$0x3060]  }
0x30f: {  	v38 =	vnsel vm12, $0x0, v57;
	vm0 =	veq.s32 v3, $0x3;
	v3 =	vld [tilespmem:$0x1FC00];
	[tilespmem:$0x1FC10] =	vst v1;
	v1 =	vimm.s32 $0x0  }
0x310: {  	v61 =	vld [tilespmem:$0x1FCA0];
	v1 =	vsel vm0, $0xFFFFFFFF, v1;
	vm0 =	veq.s32 v5, $0x1;
	vm9 =	vnez.u8 v28  }
0x311: {  	v5 =	vsel vm10, $0x3F800000, v0;
	v44 =	vld [tilespmem:$0x1FC10];
	[tilespmem:$0x1FC20] =	vst v1;
	v1 =	vimm.s32 $0x0;
	v28 =	vnsel vm9, $0x0, v43  }
0x312: {  	v1 =	vsel vm0, $0xFFFFFFFF, v1;
	v53 =	vld [tilespmem:$0x1FC20];
	v7 =	vadd.f32 v28, v7;
	v28 =	vsel vm9, $0x3F800000, v0  }
0x313: {  	vm0 =	veq.s32 v12, $0x1;
	[tilespmem:$0x1FCB0] =	vst v1;
	v1 =	vimm.s32 $0x0;
	v6 =	vadd.f32 v28, v6;
	v28 =	vld [tilespmem:$0x1FC50]  }
0x314: {  	v58 =	vld [tilespmem:$0x1FC60];
	vm15 =	vnez.u8 v60;
	v13 =	vnsel vm13, $0x0, v10;
	v1 =	vsel vm0, $0xFFFFFFFF, v1  }
0x315: {  	vm7 =	vnez.u8 v3;
	vm0 =	veq.s32 v12, $0x2;
	v29 =	vld [tilespmem:$0x1FCB0];
	[tilespmem:$0x1FCC0] =	vst v1;
	v1 =	vimm.s32 $0x0  }
0x316: {  	v3 =	vsel vm13, $0x3F800000, v0;
	vm6 =	vnez.u8 v44;
	v1 =	vsel vm0, $0xFFFFFFFF, v1;
	v30 =	vld [tilespmem:$0x1FCC0]  }
0x317: {  	vm0 =	veq.s32 v12, $0x3;
	v12 =	vnsel vm10, $0x0, v26;
	vm10 =	vnez.u8 v61;
	v26 =	vld [tilespmem:s0+$0x3030]  }
0x318: {  	[tilespmem:$0x1FC30] =	vst v1;
	v1 =	vsel vm14, $0x3F800000, v0;
	vm2 =	vnez.u8 v53;
	vm9 =	vnez.u8 v28  }
0x319: {  	vm14 =	vnez.u8 v58;
	v32 =	vnsel vm10, $0x0, v54;
	v56 =	vld [tilespmem:$0x1FC30];
	v28 =	vnsel vm9, $0x0, v55  }
0x31a: {  	vm11 =	vnez.u8 v29;
	v7 =	vadd.f32 v28, v7;
	v28 =	vsel vm9, $0x3F800000, v0  }
0x31b: {  	v29 =	vnsel vm11, $0x0, v39;
	v6 =	vadd.f32 v28, v6;
	vm13 =	vnez.u8 v30  }
0x31c: {  	v28 =	vld [tilespmem:$0x1FC70];
	v21 =	vadd.f32 v26, v21;
	v7 =	vadd.f32 v40, v7;
	v40 =	vnsel vm15, $0x0, v45  }
0x31d: {  	v30 =	vnsel vm13, $0x0, v35;
	v25 =	vsel vm13, $0x3F800000, v0;
	v6 =	vadd.f32 v41, v6  }
0x31e: {  	vm5 =	vnez.u8 v56;
	v19 =	vadd.f32 v30, v19;
	v20 =	vadd.f32 v25, v20  }
0x31f: {  	v27 =	vld [tilespmem:s0+$0x3050];
	v7 =	vadd.f32 v36, v7;
	v25 =	vnsel vm5, $0x0, v31;
	v6 =	vadd.f32 v37, v6  }
0x320: {  	v22 =	vadd.f32 v25, v22;
	v25 =	vsel vm11, $0x3F800000, v0;
	v19 =	vadd.f32 v29, v19  }
0x321: {  	vm9 =	vnez.u8 v28;
	v20 =	vadd.f32 v25, v20;
	v25 =	vnsel vm3, $0x0, v62  }
0x322: {  	v29 =	vld [tilespmem:s0+$0x3040];
	v7 =	vadd.f32 v33, v7;
	v22 =	vadd.f32 v25, v22;
	v25 =	vsel vm10, $0x3F800000, v0  }
0x323: {  	p0 =	sne.s32 s2, $0x3E00;
	v19 =	vadd.f32 v32, v19;
	v20 =	vadd.f32 v25, v20;
	v25 =	vnsel vm4, $0x0, v63  }
.Ltmp3:
0x324: {  	v28 =	vnsel vm9, $0x0, v27;
	v22 =	vadd.f32 v25, v22;
	v25 =	vsel vm15, $0x3F800000, v0;
	(pc) =	sbr.rel @p0 .LBB2_8-.Ltmp3, $4  }
0x325: {  	v19 =	vadd.f32 v40, v19;
	v20 =	vadd.f32 v25, v20;
	v25 =	vnsel vm8, $0x0, v26  }
0x326: {  	v6 =	vadd.f32 v34, v6;
	v25 =	vadd.f32 v25, v22;
	v22 =	vsel vm12, $0x3F800000, v0  }
0x327: {  	v26 =	vnsel vm14, $0x0, v29;
	v19 =	vadd.f32 v38, v19;
	v20 =	vadd.f32 v22, v20  }
0x328: {  	s2 =	sadd.s32 $0x200, s2;
	v22 =	vadd.f32 v29, v21;
	v21 =	vadd.f32 v26, v25;
	v25 =	vsel vm9, $0x3F800000, v0  }
0x329: {  	v19 =	vadd.f32 v23, v19;
	v20 =	vadd.f32 v24, v20;
	v33 =	vsel vm8, $0x3F800000, v0  }
0x32a: {  	v34 =	vsel vm4, $0x3F800000, v0;
	v36 =	vsel vm3, $0x3F800000, v0;
	v39 =	vsel vm5, $0x3F800000, v0  }
0x32b: {  	v44 =	vsel vm0, $0x3F800000, v0;
	v22 =	vadd.f32 v27, v22;
	v21 =	vadd.f32 v28, v21  }
0x32c: {  	v26 =	vld [tilespmem:s0+$0x4000];
	v48 =	vsel vm1, $0x3F800000, v0;
	v2 =	vadd.f32 v39, v2;
	v16 =	vadd.f32 v44, v16  }
0x32d: {  	v29 =	vld [tilespmem:s0+$0x4010];
	v51 =	vsel vm2, $0x3F800000, v0;
	v14 =	vadd.f32 v14, v19;
	v15 =	vadd.f32 v15, v20  }
0x32e: {  	v32 =	vld [tilespmem:s0+$0x4020];
	v53 =	vsel vm6, $0x3F800000, v0;
	v10 =	vadd.f32 v10, v22;
	v13 =	vadd.f32 v13, v21  }
0x32f: {  	v35 =	vld [tilespmem:s0+$0x4030];
	v55 =	vsel vm14, $0x3F800000, v0;
	v2 =	vadd.f32 v36, v2;
	v16 =	vadd.f32 v48, v16  }
0x330: {  	v38 =	vld [tilespmem:s0+$0x4040];
	v57 =	vsel vm7, $0x3F800000, v0;
	v12 =	vadd.f32 v12, v14;
	v5 =	vadd.f32 v5, v15  }
0x331: {  	v54 =	vld [tilespmem:$0x1FCF0];
	v18 =	vadd.f32 v26, v18;
	v37 =	vnsel vm0, $0x0, v26;
	v4 =	vadd.f32 v4, v10  }
0x332: {  	v58 =	vld [tilespmem:$0x1FCE0];
	v41 =	vadd.f32 v11, v13;
	v42 =	vnsel vm1, $0x0, v29;
	v14 =	vadd.f32 v37, v17  }
0x333: {  	v62 =	vld [tilespmem:$0x1FCD0];
	v46 =	vnsel vm2, $0x0, v32;
	v2 =	vadd.f32 v34, v2;
	v18 =	vadd.f32 v29, v18  }
0x334: {  	v49 =	vnsel vm6, $0x0, v35;
	v16 =	vadd.f32 v51, v16;
	v11 =	vadd.f32 v42, v14  }
0x335: {  	v43 =	vld [tilespmem:s0+$0x4050];
	v52 =	vnsel vm7, $0x0, v38;
	v2 =	vadd.f32 v33, v2;
	v40 =	vadd.f32 v32, v18  }
0x336: {  	v47 =	vld [tilespmem:s0+$0x4060];
	vm13 =	vnez.u8 v54;
	v16 =	vadd.f32 v53, v16;
	v11 =	vadd.f32 v46, v11  }
0x337: {  	v50 =	vld [tilespmem:s0+$0x4070];
	[tilespmem:$0x5240] =	vst v8;
	vm14 =	vnez.u8 v58;
	v2 =	vadd.f32 v55, v2;
	v45 =	vadd.f32 v35, v40  }
0x338: {  	[tilespmem:$0x5250] =	vst v9;
	vm15 =	vnez.u8 v62;
	v59 =	vadd.f32 v57, v16;
	v11 =	vadd.f32 v49, v11  }
0x339: {  	[tilespmem:$0x5280] =	vst v7;
	v61 =	vsel vm13, $0x3F800000, v0;
	v2 =	vadd.f32 v25, v2;
	v14 =	vadd.f32 v38, v45  }
0x33a: {  	v13 =	vnsel vm13, $0x0, v43;
	[tilespmem:$0x5260] =	vst v4;
	v4 =	vadd.f32 v61, v59;
	v11 =	vadd.f32 v52, v11  }
0x33b: {  	[tilespmem:$0x52C0] =	vst v6;
	v2 =	vadd.f32 v3, v2;
	v3 =	vsel vm14, $0x3F800000, v0;
	v14 =	vadd.f32 v43, v14  }
0x33c: {  	v9 =	vnsel vm14, $0x0, v47;
	[tilespmem:$0x5290] =	vst v12;
	v3 =	vadd.f32 v3, v4;
	v11 =	vadd.f32 v13, v11  }
0x33d: {  	[tilespmem:$0x52D0] =	vst v5;
	v1 =	vadd.f32 v1, v2;
	v2 =	vsel vm15, $0x3F800000, v0;
	v14 =	vadd.f32 v47, v14  }
0x33e: {  	[tilespmem:$0x52A0] =	vst v41;
	v2 =	vadd.f32 v2, v3;
	v60 =	vadd.f32 v9, v11  }
0x33f: {  	[tilespmem:$0x52E0] =	vst v1;
	v11 =	vnsel vm15, $0x0, v50;
	v56 =	vadd.f32 v50, v14  }
0x340: {  	s15 =	sadd.s32 $0x1, s15;
	[tilespmem:$0x52F0] =	vst v2;
	v63 =	vadd.f32 v11, v60  }
0x341: {  	p0 =	sne.s32 s15, s24;
	[tilespmem:$0x5270] =	vst v56  }
.Ltmp4:
0x342: {  	s0 =	simm.s32 $0x80;
	s2 =	simm.s32 $0x400;
	[tilespmem:$0x52B0] =	vst v63;
	(pc) =	sbr.rel @p0 .LBB2_1-.Ltmp4, $4  }
0x343: {  	[hbm4b:s23+s0] =	stream.strided.scatter [tilespmem:s3], [sflag:$0x2], $0x300, s2, s0, $0x38;
	[tilespmem:$0x5300] =	vst v63  }
0x344: {  	_ =	swait.ge [sflag:s31], $0x300  }
0x345: {  	[sflag:s31] =	ssyncset.done $0x0  }
0x346: {  	[sflag:s31] =	ssyncadd.s32 $0xFFFFFD00  }
0x347: {  	_ =	sfence.sel $0x180000  }
0x348: {  	[bflag:$0x0] =	sbarrier.arrive $0xFFFF  }
0x349: {  	_ =	strace $0x90000047  }
0x34a: {  	s0 =	stileid.u32;
	[bflag:$0x2] =	sbarrier.arrive $0xFFFF  }
0x34b: {  	p0 =	sne.s32 s0, $0x0;
	s0 =	rddreg [dreg:$0x5]  }
0x34c: {  	s0 =	sadd.s32 @!p0 $0x100000, s0  }
0x34d: {  	[sflag:s0] =	ssyncadd.tile.s32 @!p0 $0x1;
	_ =	shalt  }
.Lfunc_end2:
_tile_overlayer_lowered:
.L_overlay_start_2:
0x34e: {  	(tag) =	ssettag $0x2  }
0x34f: {  	s0 =	rddreg [dreg:$0x0];
	s2 =	stileid.u32  }
0x350: {  	s1 =	rddreg [dreg:$0x1];
	p0 =	sne.s32 s2, $0x0  }
0x351: {  	s3 =	rddreg [dreg:$0x2];
	[bflag:$0x3] =	sbarrier.arrive $0xFFFF;
	s2 =	simm.s32 @!p0 $0x1C02  }
0x352: {  	[timem:s3], [sflag:s2] =	dma.local @!p0 [hbm:s0], s1  }
0x353: {  	s0 =	simm.s32 @!p0 $0x2  }
0x354: {  	_ =	swait.ge @!p0 [sflag:s0], s1  }
0x355: {  	s1 =	ssub.s32 @!p0 $0x0, s1;
	[sflag:s0] =	ssyncset.done @!p0 $0x0  }
0x356: {  	[sflag:s0] =	ssyncadd.s32 @!p0 s1  }
0x357: {  	[bflag:$0x3] =	sbarrier.arrive $0xFFFF  }
0x358: {  	_ =	shalt  }

</sc_bundles>
